<compile_context>
chip_gen: v7x
topology: tpu7x:2x2x1
jax: 0.10.2.dev20260603
libtpu: 0.0.44.dev20260713+nightly
codegen_flags: <defaults>
</compile_context>

<pallas_src>
import functools

import jax
import jax.numpy as jnp
from jax import lax
from jax.experimental import pallas as pl
from jax.experimental.pallas import tpu as pltpu
from jax.experimental.pallas import tpu_sc as plsc

NC = 2
NS = 16
NW = NC * NS
LANES = 16
CHUNK = 128
DPAD = 128
G = 64
BLK = 27


def _mesh():
    return plsc.VectorSubcoreMesh(core_axis_name="c", subcore_axis_name="s")



def _sc_degree(n_pad, ep):
    ept = ep // NW
    rpt = n_pad // NS

    @functools.partial(
        pl.kernel,
        out_type=jax.ShapeDtypeStruct((NC, n_pad), jnp.float32),
        mesh=_mesh(),
        scratch_types=[
            pltpu.VMEM((ept,), jnp.int32),
            pltpu.VMEM((n_pad,), jnp.float32),
            pltpu.VMEM((rpt,), jnp.float32),
            pltpu.VMEM((rpt,), jnp.float32),
            pltpu.VMEM_SHARED((NS, n_pad), jnp.float32),
        ],
        compiler_params=pltpu.CompilerParams(needs_layout_passes=False),
    )
    def k(dst_hbm, out_hbm, dstbuf, hist, asum, tmp, stage):
        cid = lax.axis_index("c")
        sid = lax.axis_index("s")
        wid = sid * NC + cid

        def zero(i, carry):
            hist[pl.ds(i * LANES, LANES)] = jnp.zeros((LANES,), jnp.float32)
            return carry

        lax.fori_loop(0, n_pad // LANES, zero, 0)
        pltpu.sync_copy(dst_hbm.at[pl.ds(wid * ept, ept)], dstbuf)

        ones16 = jnp.ones((LANES,), jnp.float32)

        def scat(i, carry):
            idxv = dstbuf[pl.ds(i * LANES, LANES)]
            plsc.addupdate_scatter(hist, [idxv], ones16)
            return carry

        lax.fori_loop(0, ept // LANES, scat, 0)

        pltpu.sync_copy(hist, stage.at[sid])
        plsc.subcore_barrier()

        base = sid * rpt
        pltpu.sync_copy(stage.at[0, pl.ds(base, rpt)], asum)
        for t in range(1, NS):
            pltpu.sync_copy(stage.at[t, pl.ds(base, rpt)], tmp)

            def acc(j, carry):
                sl = pl.ds(j * LANES, LANES)
                asum[sl] = asum[sl] + tmp[sl]
                return carry

            lax.fori_loop(0, rpt // LANES, acc, 0)
        pltpu.sync_copy(asum, out_hbm.at[cid, pl.ds(base, rpt)])

    return k


def _sc_scatter(n_pad, ep, d):
    cpt = ep // (NW * CHUNK)
    rpt = n_pad // NS

    @functools.partial(
        pl.kernel,
        out_type=jax.ShapeDtypeStruct((NC, n_pad, d), jnp.float32),
        mesh=_mesh(),
        scratch_types=[
            pltpu.VMEM((BLK, 2, CHUNK), jnp.int32),
            pltpu.VMEM((2, CHUNK, d), jnp.float32),
            pltpu.VMEM_SHARED((n_pad, d), jnp.float32),
            pltpu.SemaphoreType.DMA,
        ],
        compiler_params=pltpu.CompilerParams(needs_layout_passes=False,
                                             use_tc_tiling_on_sc=False),
    )
    def k(h_hbm, sd_hbm, out_hbm, idx, rows, acc, sem):
        cid = lax.axis_index("c")
        sid = lax.axis_index("s")
        wid = sid * NC + cid

        def zr(r, carry):
            for j in range(d // LANES):
                rows[0, r, pl.ds(j * LANES, LANES)] = jnp.zeros((LANES,),
                                                                jnp.float32)
            return carry

        lax.fori_loop(0, 128, zr, 0)
        for z in range(rpt // 128):
            pltpu.sync_copy(rows.at[0],
                            acc.at[pl.ds(sid * rpt + z * 128, 128)])

        plsc.subcore_barrier()

        def body(c, carry):
            b = lax.rem(c, 2)
            pltpu.make_async_copy(h_hbm.at[idx.at[c, 0]], rows.at[b],
                                  sem).wait()
            pltpu.async_copy(h_hbm.at[idx.at[c + 1, 0]], rows.at[1 - b], sem)
            pltpu.sync_copy(rows.at[b], acc.at[idx.at[c, 1]], add=True)
            return carry

        for blk in range(cpt // BLK):
            pltpu.sync_copy(sd_hbm.at[pl.ds(wid * cpt + blk * BLK, BLK)], idx)
            pltpu.async_copy(h_hbm.at[idx.at[0, 0]], rows.at[0], sem)
            lax.fori_loop(0, BLK - 1, body, 0)
            bl = (BLK - 1) % 2
            pltpu.make_async_copy(h_hbm.at[idx.at[BLK - 1, 0]], rows.at[bl],
                                  sem).wait()
            pltpu.sync_copy(rows.at[bl], acc.at[idx.at[BLK - 1, 1]], add=True)
        plsc.subcore_barrier()
        pltpu.sync_copy(acc.at[pl.ds(sid * rpt, rpt)],
                        out_hbm.at[cid, pl.ds(sid * rpt, rpt)])

    return k



def _tc_first(n):
    def body(d0_ref, dg1_ref, x_ref, w_ref, h_ref, dis_ref):
        dis = 1.0 / jnp.sqrt(d0_ref[...] + dg1_ref[...])
        dis_ref[...] = dis
        h_ref[...] = jnp.dot(x_ref[...], w_ref[...],
                             preferred_element_type=jnp.float32) * dis
    return body


def _tc_mid(n, din):
    def body(s_ref, dis_ref, b_ref, w_ref, out_ref):
        dis = dis_ref[...]
        s = s_ref[0, :n, :] + s_ref[1, :n, :]
        h = jnp.maximum(s * dis + b_ref[...], 0.0)
        out_ref[...] = jnp.dot(h, w_ref[...],
                               preferred_element_type=jnp.float32) * dis
    return body


def _tc_head(n):
    def body(s_ref, dis_ref, b_ref, batch_ref, wf1_ref, bf1_ref,
             wf2_ref, bf2_ref, out_ref):
        s = s_ref[0, :n, :] + s_ref[1, :n, :]
        h3 = jnp.maximum(s * dis_ref[...] + b_ref[...], 0.0)
        gid = lax.broadcasted_iota(jnp.int32, (G, 1), 0)
        oh = (gid == batch_ref[...]).astype(jnp.float32)
        sums = jnp.dot(oh, h3, preferred_element_type=jnp.float32)
        cnt = jnp.sum(oh, axis=1, keepdims=True)
        pooled = sums / jnp.maximum(cnt, 1.0)
        z = jnp.maximum(jnp.dot(pooled, wf1_ref[...],
                                preferred_element_type=jnp.float32)
                        + bf1_ref[...], 0.0)
        out_ref[...] = jnp.dot(z, wf2_ref[...],
                               preferred_element_type=jnp.float32) + bf2_ref[...]
    return body


def kernel(x, edge_index, batch, W1, b1, W2, b2, W3, b3, Wf1, bf1, Wf2, bf2):
    n, feat = x.shape
    e = edge_index.shape[1]
    et = e + n
    gran = NW * CHUNK * BLK
    ep = -(-et // gran) * gran
    cpt = ep // (NW * CHUNK)
    n_pad = -(-(n + 1) // (NS * 128)) * (NS * 128)

    f32 = jnp.float32
    loop = jnp.arange(n, dtype=jnp.int32)
    pad_s = jnp.zeros((ep - et,), jnp.int32)
    pad_d = jnp.full((ep - et,), n, jnp.int32)
    src = jnp.concatenate([edge_index[0], loop, pad_s])
    dst = jnp.concatenate([edge_index[1], loop, pad_d])
    sd = jnp.stack([src.reshape(-1, CHUNK), dst.reshape(-1, CHUNK)], axis=1)

    degp = _sc_degree(n_pad, ep)(dst)
    deg0 = degp[0, :n].reshape(n, 1)
    deg1 = degp[1, :n].reshape(n, 1)

    d1 = W1.shape[1]
    h1, dis = pl.pallas_call(
        _tc_first(n),
        out_shape=(jax.ShapeDtypeStruct((n, d1), f32),
                   jax.ShapeDtypeStruct((n, 1), f32)),
    )(deg0, deg1, x, W1)

    s1 = _sc_scatter(n_pad, ep, d1)(h1, sd)

    d2 = W2.shape[1]
    h2 = pl.pallas_call(
        _tc_mid(n, d1), out_shape=jax.ShapeDtypeStruct((n, d2), f32),
    )(s1, dis, b1.reshape(1, -1), W2)

    s2 = _sc_scatter(n_pad, ep, d2)(h2, sd)

    d3 = W3.shape[1]
    h3 = pl.pallas_call(
        _tc_mid(n, d2), out_shape=jax.ShapeDtypeStruct((n, d3), f32),
    )(s2, dis, b2.reshape(1, -1), W3)

    s3 = _sc_scatter(n_pad, ep, d3)(h3, sd)

    out = pl.pallas_call(
        _tc_head(n), out_shape=jax.ShapeDtypeStruct((G, 1), f32),
    )(s3, dis, b3.reshape(1, -1), batch, Wf1, bf1.reshape(1, -1),
      Wf2, bf2.reshape(1, -1))
    return out

# --- scband reference (transcript-rebuilt; emitter-appended) ---
"""Pipeline reference for scband-gcn-net-64991445123459 (READ-ONLY COPY).

The authoritative reference and input builder live on the scoring server;
editing this copy changes nothing except your own understanding.
"""

import jax, jax.numpy as jnp
import numpy as np

N = 10000
E = 320000
FEAT = 128
G = 64


def _gcn(x, src, dst, W, b, n):
    deg = jnp.zeros((n,), jnp.float32).at[dst].add(1.0)
    dis = jnp.where(deg > 0, 1.0 / jnp.sqrt(deg), 0.0)
    norm = dis[src] * dis[dst]
    h = x @ W
    msg = h[src] * norm[:, None]
    out = jnp.zeros((n, W.shape[1]), jnp.float32).at[dst].add(msg)
    return out + b


def setup_inputs(seed: int = 0):
    key = jax.random.key(seed)
    ks = jax.random.split(key, 8)
    inp = {}
    inp["x"] = jax.random.normal(ks[0], (N, FEAT), dtype=jnp.float32)
    inp["edge_index"] = jax.random.randint(ks[1], (2, E), 0, N, dtype=jnp.int32)
    inp["batch"] = jnp.sort(jax.random.randint(ks[2], (N,), 0, G, dtype=jnp.int32))

    def lin(k, fi, fo):
        s = 1.0 / np.sqrt(fi)
        return jax.random.uniform(k, (fi, fo), jnp.float32, -s, s)

    inp["W1"] = lin(ks[3], FEAT, 64)
    inp["b1"] = jnp.zeros((64,), jnp.float32)
    inp["W2"] = lin(ks[4], 64, 128)
    inp["b2"] = jnp.zeros((128,), jnp.float32)
    inp["W3"] = lin(ks[5], 128, 128)
    inp["b3"] = jnp.zeros((128,), jnp.float32)
    inp["Wf1"] = lin(ks[6], 128, 32)
    inp["bf1"] = jnp.zeros((32,), jnp.float32)
    inp["Wf2"] = lin(ks[7], 32, 1)
    inp["bf2"] = jnp.zeros((1,), jnp.float32)
    return inp


def reference(x, edge_index, batch, W1, b1, W2, b2, W3, b3, Wf1, bf1, Wf2, bf2):
    # eval mode: dropout(p=0.1, training=False) is identity
    loop = jnp.arange(N, dtype=edge_index.dtype)
    src = jnp.concatenate([edge_index[0], loop])
    dst = jnp.concatenate([edge_index[1], loop])
    h = jax.nn.relu(_gcn(x, src, dst, W1, b1, N))
    h = jax.nn.relu(_gcn(h, src, dst, W2, b2, N))
    h = jax.nn.relu(_gcn(h, src, dst, W3, b3, N))
    summed = jax.ops.segment_sum(h, batch, num_segments=G)
    cnt = jax.ops.segment_sum(jnp.ones((N,), jnp.float32), batch, num_segments=G)
    pooled = summed / jnp.maximum(cnt, 1.0)[:, None]
    z = jax.nn.relu(pooled @ Wf1 + bf1)
    return z @ Wf2 + bf2

if __name__ == "__main__":
    import jax
    _d = setup_inputs()
    print(jax.jit(kernel)(*tuple(_d.values())))

</pallas_src>

<mosaic_0001>
#map = affine_map<(d0, d1) -> (0, 0)>
#map1 = affine_map<(d0, d1) -> (0, 0, 0)>
module attributes {stable_mosaic.version = 14 : i64} {
  func.func @k(%arg0: i32, %arg1: i32, %arg2: memref<10000x128xf32, #tpu.memory_space<hbm>>, %arg3: memref<2592x2x128xi32, #tpu.memory_space<hbm>>, %arg4: memref<2x10240x128xf32, #tpu.memory_space<hbm>>, %arg5: memref<27x2x128xi32, #tpu.memory_space<vmem>>, %arg6: memref<2x128x128xf32, #tpu.memory_space<vmem>>, %arg7: memref<10240x128xf32, #tpu.memory_space<vmem_shared>>, %arg8: memref<!tpu.dma_semaphore, #tpu.memory_space<semaphore_mem>>) attributes {dimension_semantics = [#tpu.dimension_semantics<core_parallel>, #tpu.dimension_semantics<subcore_parallel>], iteration_bounds = array<i64: 2, 16>, scalar_prefetch = 0 : i64, scratch_operands = 4 : i64, tpu.core_type = #tpu.core_type<sc_vector_subcore>, window_params = [{transform_indices = #map}, {transform_indices = #map1}, {transform_indices = #map1}]} {
    %mul3A = arith.constant 2 : i32
    %mul3A_0 = arith.muli %arg1, %mul3A : i32
    %add3A = arith.addi %mul3A_0, %arg0 : i32
    %scan3A = arith.constant 0 : i32
    %scan3A_1 = arith.constant 0 : i32
    %scan3A_2 = arith.constant 128 : i32
    %scan3A_3 = arith.addi %scan3A_1, %scan3A_2 : i32
    %scan3A_4 = arith.constant 1 : i32
    scf.for %scan3A_150 = %scan3A_1 to %scan3A_3 step %scan3A_4  : i32 {
      %broadcast_in_dim3A = arith.constant 0.000000e+00 : f32
      %broadcast_in_dim3A_151 = vector.broadcast %broadcast_in_dim3A : f32 to vector<16xf32>
      %swap3A = arith.constant 0 : i32
      %swap3A_152 = arith.index_cast %swap3A : i32 to index
      %swap3A_153 = arith.index_cast %scan3A_150 : i32 to index
      %swap3A_154 = arith.constant 0 : index
      %swap3A_155 = tpu.vector_load %arg6[%swap3A_152, %swap3A_153, %swap3A_154] {strides = array<i32>} : memref<2x128x128xf32, #tpu.memory_space<vmem>>, vector<16xf32>,
      tpu.vector_store %arg6[%swap3A_152, %swap3A_153, %swap3A_154], %broadcast_in_dim3A_151 {strides = array<i32>} : memref<2x128x128xf32, #tpu.memory_space<vmem>>, vector<16xf32>,
      %broadcast_in_dim3A_156 = arith.constant 0.000000e+00 : f32
      %broadcast_in_dim3A_157 = vector.broadcast %broadcast_in_dim3A_156 : f32 to vector<16xf32>
      %swap3A_158 = arith.constant 0 : i32
      %swap3A_159 = arith.index_cast %swap3A_158 : i32 to index
      %swap3A_160 = arith.index_cast %scan3A_150 : i32 to index
      %swap3A_161 = arith.constant 16 : index
      %swap3A_162 = tpu.vector_load %arg6[%swap3A_159, %swap3A_160, %swap3A_161] {strides = array<i32>} : memref<2x128x128xf32, #tpu.memory_space<vmem>>, vector<16xf32>,
      tpu.vector_store %arg6[%swap3A_159, %swap3A_160, %swap3A_161], %broadcast_in_dim3A_157 {strides = array<i32>} : memref<2x128x128xf32, #tpu.memory_space<vmem>>, vector<16xf32>,
      %broadcast_in_dim3A_163 = arith.constant 0.000000e+00 : f32
      %broadcast_in_dim3A_164 = vector.broadcast %broadcast_in_dim3A_163 : f32 to vector<16xf32>
      %swap3A_165 = arith.constant 0 : i32
      %swap3A_166 = arith.index_cast %swap3A_165 : i32 to index
      %swap3A_167 = arith.index_cast %scan3A_150 : i32 to index
      %swap3A_168 = arith.constant 32 : index
      %swap3A_169 = tpu.vector_load %arg6[%swap3A_166, %swap3A_167, %swap3A_168] {strides = array<i32>} : memref<2x128x128xf32, #tpu.memory_space<vmem>>, vector<16xf32>,
      tpu.vector_store %arg6[%swap3A_166, %swap3A_167, %swap3A_168], %broadcast_in_dim3A_164 {strides = array<i32>} : memref<2x128x128xf32, #tpu.memory_space<vmem>>, vector<16xf32>,
      %broadcast_in_dim3A_170 = arith.constant 0.000000e+00 : f32
      %broadcast_in_dim3A_171 = vector.broadcast %broadcast_in_dim3A_170 : f32 to vector<16xf32>
      %swap3A_172 = arith.constant 0 : i32
      %swap3A_173 = arith.index_cast %swap3A_172 : i32 to index
      %swap3A_174 = arith.index_cast %scan3A_150 : i32 to index
      %swap3A_175 = arith.constant 48 : index
      %swap3A_176 = tpu.vector_load %arg6[%swap3A_173, %swap3A_174, %swap3A_175] {strides = array<i32>} : memref<2x128x128xf32, #tpu.memory_space<vmem>>, vector<16xf32>,
      tpu.vector_store %arg6[%swap3A_173, %swap3A_174, %swap3A_175], %broadcast_in_dim3A_171 {strides = array<i32>} : memref<2x128x128xf32, #tpu.memory_space<vmem>>, vector<16xf32>,
      %broadcast_in_dim3A_177 = arith.constant 0.000000e+00 : f32
      %broadcast_in_dim3A_178 = vector.broadcast %broadcast_in_dim3A_177 : f32 to vector<16xf32>
      %swap3A_179 = arith.constant 0 : i32
      %swap3A_180 = arith.index_cast %swap3A_179 : i32 to index
      %swap3A_181 = arith.index_cast %scan3A_150 : i32 to index
      %swap3A_182 = arith.constant 64 : index
      %swap3A_183 = tpu.vector_load %arg6[%swap3A_180, %swap3A_181, %swap3A_182] {strides = array<i32>} : memref<2x128x128xf32, #tpu.memory_space<vmem>>, vector<16xf32>,
      tpu.vector_store %arg6[%swap3A_180, %swap3A_181, %swap3A_182], %broadcast_in_dim3A_178 {strides = array<i32>} : memref<2x128x128xf32, #tpu.memory_space<vmem>>, vector<16xf32>,
      %broadcast_in_dim3A_184 = arith.constant 0.000000e+00 : f32
      %broadcast_in_dim3A_185 = vector.broadcast %broadcast_in_dim3A_184 : f32 to vector<16xf32>
      %swap3A_186 = arith.constant 0 : i32
      %swap3A_187 = arith.index_cast %swap3A_186 : i32 to index
      %swap3A_188 = arith.index_cast %scan3A_150 : i32 to index
      %swap3A_189 = arith.constant 80 : index
      %swap3A_190 = tpu.vector_load %arg6[%swap3A_187, %swap3A_188, %swap3A_189] {strides = array<i32>} : memref<2x128x128xf32, #tpu.memory_space<vmem>>, vector<16xf32>,
      tpu.vector_store %arg6[%swap3A_187, %swap3A_188, %swap3A_189], %broadcast_in_dim3A_185 {strides = array<i32>} : memref<2x128x128xf32, #tpu.memory_space<vmem>>, vector<16xf32>,
      %broadcast_in_dim3A_191 = arith.constant 0.000000e+00 : f32
      %broadcast_in_dim3A_192 = vector.broadcast %broadcast_in_dim3A_191 : f32 to vector<16xf32>
      %swap3A_193 = arith.constant 0 : i32
      %swap3A_194 = arith.index_cast %swap3A_193 : i32 to index
      %swap3A_195 = arith.index_cast %scan3A_150 : i32 to index
      %swap3A_196 = arith.constant 96 : index
      %swap3A_197 = tpu.vector_load %arg6[%swap3A_194, %swap3A_195, %swap3A_196] {strides = array<i32>} : memref<2x128x128xf32, #tpu.memory_space<vmem>>, vector<16xf32>,
      tpu.vector_store %arg6[%swap3A_194, %swap3A_195, %swap3A_196], %broadcast_in_dim3A_192 {strides = array<i32>} : memref<2x128x128xf32, #tpu.memory_space<vmem>>, vector<16xf32>,
      %broadcast_in_dim3A_198 = arith.constant 0.000000e+00 : f32
      %broadcast_in_dim3A_199 = vector.broadcast %broadcast_in_dim3A_198 : f32 to vector<16xf32>
      %swap3A_200 = arith.constant 0 : i32
      %swap3A_201 = arith.index_cast %swap3A_200 : i32 to index
      %swap3A_202 = arith.index_cast %scan3A_150 : i32 to index
      %swap3A_203 = arith.constant 112 : index
      %swap3A_204 = tpu.vector_load %arg6[%swap3A_201, %swap3A_202, %swap3A_203] {strides = array<i32>} : memref<2x128x128xf32, #tpu.memory_space<vmem>>, vector<16xf32>,
      tpu.vector_store %arg6[%swap3A_201, %swap3A_202, %swap3A_203], %broadcast_in_dim3A_199 {strides = array<i32>} : memref<2x128x128xf32, #tpu.memory_space<vmem>>, vector<16xf32>,
    }
    %scan3A_5 = arith.constant 128 : i32
    %mul3A_6 = arith.constant 640 : i32
    %mul3A_7 = arith.muli %arg1, %mul3A_6 : i32
    %add3A_8 = arith.constant 0 : i32
    %add3A_9 = arith.addi %mul3A_7, %add3A_8 : i32
    %run_scoped3A = arith.constant 0 : i32
    "tpu.region"() ({
      %run_scoped3A_150 = tpu.sem_alloc : memref<!tpu.dma_semaphore, #tpu.memory_space<semaphore_mem>>
      %dma_start3A_151 = arith.constant 0 : i32
      %dma_start3A_152 = arith.constant 0 : i32
      %dma_start3A_153 = tpu.memref_slice %arg6[%run_scoped3A, %dma_start3A_151, %dma_start3A_152] : memref<2x128x128xf32, #tpu.memory_space<vmem>> -> memref<1x128x128xf32, #tpu.memory_space<vmem>>
      %dma_start3A_154 = tpu.memref_squeeze %dma_start3A_153 : memref<1x128x128xf32, #tpu.memory_space<vmem>> -> memref<128x128xf32, #tpu.memory_space<vmem>>
      %dma_start3A_155 = arith.constant 0 : i32
      %dma_start3A_156 = tpu.memref_slice %arg7[%add3A_9, %dma_start3A_155] : memref<10240x128xf32, #tpu.memory_space<vmem_shared>> -> memref<128x128xf32, #tpu.memory_space<vmem_shared>>
      %dma_start3A_157 = arith.constant 0 : i32
      %dma_start3A_158 = tpu.memref_slice %arg7[%add3A_9, %dma_start3A_157] : memref<10240x128xf32, #tpu.memory_space<vmem_shared>> -> memref<128x128xf32, #tpu.memory_space<vmem_shared>>
      %dma_start3A_159 = arith.constant 0 : i32
      %dma_start3A_160 = arith.constant 0 : i32
      %dma_start3A_161 = tpu.memref_slice %arg6[%run_scoped3A, %dma_start3A_159, %dma_start3A_160] : memref<2x128x128xf32, #tpu.memory_space<vmem>> -> memref<1x128x128xf32, #tpu.memory_space<vmem>>
      %dma_start3A_162 = tpu.memref_squeeze %dma_start3A_161 : memref<1x128x128xf32, #tpu.memory_space<vmem>> -> memref<128x128xf32, #tpu.memory_space<vmem>>
      tpu.enqueue_dma source(%dma_start3A_162 : memref<128x128xf32, #tpu.memory_space<vmem>>) target(%dma_start3A_158 : memref<128x128xf32, #tpu.memory_space<vmem_shared>>) target_semaphore(%run_scoped3A_150 : memref<!tpu.dma_semaphore, #tpu.memory_space<semaphore_mem>>)
      %dma_wait3A_163 = arith.constant 0 : i32
      %dma_wait3A_164 = arith.constant 0 : i32
      %dma_wait3A_165 = tpu.memref_slice %arg6[%run_scoped3A, %dma_wait3A_163, %dma_wait3A_164] : memref<2x128x128xf32, #tpu.memory_space<vmem>> -> memref<1x128x128xf32, #tpu.memory_space<vmem>>
      %dma_wait3A_166 = tpu.memref_squeeze %dma_wait3A_165 : memref<1x128x128xf32, #tpu.memory_space<vmem>> -> memref<128x128xf32, #tpu.memory_space<vmem>>
      %dma_wait3A_167 = arith.constant 0 : i32
      %dma_wait3A_168 = tpu.memref_slice %arg7[%add3A_9, %dma_wait3A_167] : memref<10240x128xf32, #tpu.memory_space<vmem_shared>> -> memref<128x128xf32, #tpu.memory_space<vmem_shared>>
      %dma_wait3A_169 = arith.constant 0 : i32
      %dma_wait3A_170 = tpu.memref_slice %arg7[%add3A_9, %dma_wait3A_169] : memref<10240x128xf32, #tpu.memory_space<vmem_shared>> -> memref<128x128xf32, #tpu.memory_space<vmem_shared>>
      %dma_wait3A_171 = arith.constant 0 : i32
      %dma_wait3A_172 = arith.constant 0 : i32
      %dma_wait3A_173 = tpu.memref_slice %arg6[%run_scoped3A, %dma_wait3A_171, %dma_wait3A_172] : memref<2x128x128xf32, #tpu.memory_space<vmem>> -> memref<1x128x128xf32, #tpu.memory_space<vmem>>
      %dma_wait3A_174 = tpu.memref_squeeze %dma_wait3A_173 : memref<1x128x128xf32, #tpu.memory_space<vmem>> -> memref<128x128xf32, #tpu.memory_space<vmem>>
      tpu.wait_dma2 semaphore(%run_scoped3A_150 : memref<!tpu.dma_semaphore, #tpu.memory_space<semaphore_mem>>) src(%dma_wait3A_174 : memref<128x128xf32, #tpu.memory_space<vmem>>) dst(%dma_wait3A_170 : memref<128x128xf32, #tpu.memory_space<vmem_shared>>)
      tpu.yield
    }) : () -> ()
    %mul3A_10 = arith.constant 640 : i32
    %mul3A_11 = arith.muli %arg1, %mul3A_10 : i32
    %add3A_12 = arith.constant 128 : i32
    %add3A_13 = arith.addi %mul3A_11, %add3A_12 : i32
    %run_scoped3A_14 = arith.constant 0 : i32
    "tpu.region"() ({
      %run_scoped3A_150 = tpu.sem_alloc : memref<!tpu.dma_semaphore, #tpu.memory_space<semaphore_mem>>
      %dma_start3A_151 = arith.constant 0 : i32
      %dma_start3A_152 = arith.constant 0 : i32
      %dma_start3A_153 = tpu.memref_slice %arg6[%run_scoped3A_14, %dma_start3A_151, %dma_start3A_152] : memref<2x128x128xf32, #tpu.memory_space<vmem>> -> memref<1x128x128xf32, #tpu.memory_space<vmem>>
      %dma_start3A_154 = tpu.memref_squeeze %dma_start3A_153 : memref<1x128x128xf32, #tpu.memory_space<vmem>> -> memref<128x128xf32, #tpu.memory_space<vmem>>
      %dma_start3A_155 = arith.constant 0 : i32
      %dma_start3A_156 = tpu.memref_slice %arg7[%add3A_13, %dma_start3A_155] : memref<10240x128xf32, #tpu.memory_space<vmem_shared>> -> memref<128x128xf32, #tpu.memory_space<vmem_shared>>
      %dma_start3A_157 = arith.constant 0 : i32
      %dma_start3A_158 = tpu.memref_slice %arg7[%add3A_13, %dma_start3A_157] : memref<10240x128xf32, #tpu.memory_space<vmem_shared>> -> memref<128x128xf32, #tpu.memory_space<vmem_shared>>
      %dma_start3A_159 = arith.constant 0 : i32
      %dma_start3A_160 = arith.constant 0 : i32
      %dma_start3A_161 = tpu.memref_slice %arg6[%run_scoped3A_14, %dma_start3A_159, %dma_start3A_160] : memref<2x128x128xf32, #tpu.memory_space<vmem>> -> memref<1x128x128xf32, #tpu.memory_space<vmem>>
      %dma_start3A_162 = tpu.memref_squeeze %dma_start3A_161 : memref<1x128x128xf32, #tpu.memory_space<vmem>> -> memref<128x128xf32, #tpu.memory_space<vmem>>
      tpu.enqueue_dma source(%dma_start3A_162 : memref<128x128xf32, #tpu.memory_space<vmem>>) target(%dma_start3A_158 : memref<128x128xf32, #tpu.memory_space<vmem_shared>>) target_semaphore(%run_scoped3A_150 : memref<!tpu.dma_semaphore, #tpu.memory_space<semaphore_mem>>)
      %dma_wait3A_163 = arith.constant 0 : i32
      %dma_wait3A_164 = arith.constant 0 : i32
      %dma_wait3A_165 = tpu.memref_slice %arg6[%run_scoped3A_14, %dma_wait3A_163, %dma_wait3A_164] : memref<2x128x128xf32, #tpu.memory_space<vmem>> -> memref<1x128x128xf32, #tpu.memory_space<vmem>>
      %dma_wait3A_166 = tpu.memref_squeeze %dma_wait3A_165 : memref<1x128x128xf32, #tpu.memory_space<vmem>> -> memref<128x128xf32, #tpu.memory_space<vmem>>
      %dma_wait3A_167 = arith.constant 0 : i32
      %dma_wait3A_168 = tpu.memref_slice %arg7[%add3A_13, %dma_wait3A_167] : memref<10240x128xf32, #tpu.memory_space<vmem_shared>> -> memref<128x128xf32, #tpu.memory_space<vmem_shared>>
      %dma_wait3A_169 = arith.constant 0 : i32
      %dma_wait3A_170 = tpu.memref_slice %arg7[%add3A_13, %dma_wait3A_169] : memref<10240x128xf32, #tpu.memory_space<vmem_shared>> -> memref<128x128xf32, #tpu.memory_space<vmem_shared>>
      %dma_wait3A_171 = arith.constant 0 : i32
      %dma_wait3A_172 = arith.constant 0 : i32
      %dma_wait3A_173 = tpu.memref_slice %arg6[%run_scoped3A_14, %dma_wait3A_171, %dma_wait3A_172] : memref<2x128x128xf32, #tpu.memory_space<vmem>> -> memref<1x128x128xf32, #tpu.memory_space<vmem>>
      %dma_wait3A_174 = tpu.memref_squeeze %dma_wait3A_173 : memref<1x128x128xf32, #tpu.memory_space<vmem>> -> memref<128x128xf32, #tpu.memory_space<vmem>>
      tpu.wait_dma2 semaphore(%run_scoped3A_150 : memref<!tpu.dma_semaphore, #tpu.memory_space<semaphore_mem>>) src(%dma_wait3A_174 : memref<128x128xf32, #tpu.memory_space<vmem>>) dst(%dma_wait3A_170 : memref<128x128xf32, #tpu.memory_space<vmem_shared>>)
      tpu.yield
    }) : () -> ()
    %mul3A_15 = arith.constant 640 : i32
    %mul3A_16 = arith.muli %arg1, %mul3A_15 : i32
    %add3A_17 = arith.constant 256 : i32
    %add3A_18 = arith.addi %mul3A_16, %add3A_17 : i32
    %run_scoped3A_19 = arith.constant 0 : i32
    "tpu.region"() ({
      %run_scoped3A_150 = tpu.sem_alloc : memref<!tpu.dma_semaphore, #tpu.memory_space<semaphore_mem>>
      %dma_start3A_151 = arith.constant 0 : i32
      %dma_start3A_152 = arith.constant 0 : i32
      %dma_start3A_153 = tpu.memref_slice %arg6[%run_scoped3A_19, %dma_start3A_151, %dma_start3A_152] : memref<2x128x128xf32, #tpu.memory_space<vmem>> -> memref<1x128x128xf32, #tpu.memory_space<vmem>>
      %dma_start3A_154 = tpu.memref_squeeze %dma_start3A_153 : memref<1x128x128xf32, #tpu.memory_space<vmem>> -> memref<128x128xf32, #tpu.memory_space<vmem>>
      %dma_start3A_155 = arith.constant 0 : i32
      %dma_start3A_156 = tpu.memref_slice %arg7[%add3A_18, %dma_start3A_155] : memref<10240x128xf32, #tpu.memory_space<vmem_shared>> -> memref<128x128xf32, #tpu.memory_space<vmem_shared>>
      %dma_start3A_157 = arith.constant 0 : i32
      %dma_start3A_158 = tpu.memref_slice %arg7[%add3A_18, %dma_start3A_157] : memref<10240x128xf32, #tpu.memory_space<vmem_shared>> -> memref<128x128xf32, #tpu.memory_space<vmem_shared>>
      %dma_start3A_159 = arith.constant 0 : i32
      %dma_start3A_160 = arith.constant 0 : i32
      %dma_start3A_161 = tpu.memref_slice %arg6[%run_scoped3A_19, %dma_start3A_159, %dma_start3A_160] : memref<2x128x128xf32, #tpu.memory_space<vmem>> -> memref<1x128x128xf32, #tpu.memory_space<vmem>>
      %dma_start3A_162 = tpu.memref_squeeze %dma_start3A_161 : memref<1x128x128xf32, #tpu.memory_space<vmem>> -> memref<128x128xf32, #tpu.memory_space<vmem>>
      tpu.enqueue_dma source(%dma_start3A_162 : memref<128x128xf32, #tpu.memory_space<vmem>>) target(%dma_start3A_158 : memref<128x128xf32, #tpu.memory_space<vmem_shared>>) target_semaphore(%run_scoped3A_150 : memref<!tpu.dma_semaphore, #tpu.memory_space<semaphore_mem>>)
      %dma_wait3A_163 = arith.constant 0 : i32
      %dma_wait3A_164 = arith.constant 0 : i32
      %dma_wait3A_165 = tpu.memref_slice %arg6[%run_scoped3A_19, %dma_wait3A_163, %dma_wait3A_164] : memref<2x128x128xf32, #tpu.memory_space<vmem>> -> memref<1x128x128xf32, #tpu.memory_space<vmem>>
      %dma_wait3A_166 = tpu.memref_squeeze %dma_wait3A_165 : memref<1x128x128xf32, #tpu.memory_space<vmem>> -> memref<128x128xf32, #tpu.memory_space<vmem>>
      %dma_wait3A_167 = arith.constant 0 : i32
      %dma_wait3A_168 = tpu.memref_slice %arg7[%add3A_18, %dma_wait3A_167] : memref<10240x128xf32, #tpu.memory_space<vmem_shared>> -> memref<128x128xf32, #tpu.memory_space<vmem_shared>>
      %dma_wait3A_169 = arith.constant 0 : i32
      %dma_wait3A_170 = tpu.memref_slice %arg7[%add3A_18, %dma_wait3A_169] : memref<10240x128xf32, #tpu.memory_space<vmem_shared>> -> memref<128x128xf32, #tpu.memory_space<vmem_shared>>
      %dma_wait3A_171 = arith.constant 0 : i32
      %dma_wait3A_172 = arith.constant 0 : i32
      %dma_wait3A_173 = tpu.memref_slice %arg6[%run_scoped3A_19, %dma_wait3A_171, %dma_wait3A_172] : memref<2x128x128xf32, #tpu.memory_space<vmem>> -> memref<1x128x128xf32, #tpu.memory_space<vmem>>
      %dma_wait3A_174 = tpu.memref_squeeze %dma_wait3A_173 : memref<1x128x128xf32, #tpu.memory_space<vmem>> -> memref<128x128xf32, #tpu.memory_space<vmem>>
      tpu.wait_dma2 semaphore(%run_scoped3A_150 : memref<!tpu.dma_semaphore, #tpu.memory_space<semaphore_mem>>) src(%dma_wait3A_174 : memref<128x128xf32, #tpu.memory_space<vmem>>) dst(%dma_wait3A_170 : memref<128x128xf32, #tpu.memory_space<vmem_shared>>)
      tpu.yield
    }) : () -> ()
    %mul3A_20 = arith.constant 640 : i32
    %mul3A_21 = arith.muli %arg1, %mul3A_20 : i32
    %add3A_22 = arith.constant 384 : i32
    %add3A_23 = arith.addi %mul3A_21, %add3A_22 : i32
    %run_scoped3A_24 = arith.constant 0 : i32
    "tpu.region"() ({
      %run_scoped3A_150 = tpu.sem_alloc : memref<!tpu.dma_semaphore, #tpu.memory_space<semaphore_mem>>
      %dma_start3A_151 = arith.constant 0 : i32
      %dma_start3A_152 = arith.constant 0 : i32
      %dma_start3A_153 = tpu.memref_slice %arg6[%run_scoped3A_24, %dma_start3A_151, %dma_start3A_152] : memref<2x128x128xf32, #tpu.memory_space<vmem>> -> memref<1x128x128xf32, #tpu.memory_space<vmem>>
      %dma_start3A_154 = tpu.memref_squeeze %dma_start3A_153 : memref<1x128x128xf32, #tpu.memory_space<vmem>> -> memref<128x128xf32, #tpu.memory_space<vmem>>
      %dma_start3A_155 = arith.constant 0 : i32
      %dma_start3A_156 = tpu.memref_slice %arg7[%add3A_23, %dma_start3A_155] : memref<10240x128xf32, #tpu.memory_space<vmem_shared>> -> memref<128x128xf32, #tpu.memory_space<vmem_shared>>
      %dma_start3A_157 = arith.constant 0 : i32
      %dma_start3A_158 = tpu.memref_slice %arg7[%add3A_23, %dma_start3A_157] : memref<10240x128xf32, #tpu.memory_space<vmem_shared>> -> memref<128x128xf32, #tpu.memory_space<vmem_shared>>
      %dma_start3A_159 = arith.constant 0 : i32
      %dma_start3A_160 = arith.constant 0 : i32
      %dma_start3A_161 = tpu.memref_slice %arg6[%run_scoped3A_24, %dma_start3A_159, %dma_start3A_160] : memref<2x128x128xf32, #tpu.memory_space<vmem>> -> memref<1x128x128xf32, #tpu.memory_space<vmem>>
      %dma_start3A_162 = tpu.memref_squeeze %dma_start3A_161 : memref<1x128x128xf32, #tpu.memory_space<vmem>> -> memref<128x128xf32, #tpu.memory_space<vmem>>
      tpu.enqueue_dma source(%dma_start3A_162 : memref<128x128xf32, #tpu.memory_space<vmem>>) target(%dma_start3A_158 : memref<128x128xf32, #tpu.memory_space<vmem_shared>>) target_semaphore(%run_scoped3A_150 : memref<!tpu.dma_semaphore, #tpu.memory_space<semaphore_mem>>)
      %dma_wait3A_163 = arith.constant 0 : i32
      %dma_wait3A_164 = arith.constant 0 : i32
      %dma_wait3A_165 = tpu.memref_slice %arg6[%run_scoped3A_24, %dma_wait3A_163, %dma_wait3A_164] : memref<2x128x128xf32, #tpu.memory_space<vmem>> -> memref<1x128x128xf32, #tpu.memory_space<vmem>>
      %dma_wait3A_166 = tpu.memref_squeeze %dma_wait3A_165 : memref<1x128x128xf32, #tpu.memory_space<vmem>> -> memref<128x128xf32, #tpu.memory_space<vmem>>
      %dma_wait3A_167 = arith.constant 0 : i32
      %dma_wait3A_168 = tpu.memref_slice %arg7[%add3A_23, %dma_wait3A_167] : memref<10240x128xf32, #tpu.memory_space<vmem_shared>> -> memref<128x128xf32, #tpu.memory_space<vmem_shared>>
      %dma_wait3A_169 = arith.constant 0 : i32
      %dma_wait3A_170 = tpu.memref_slice %arg7[%add3A_23, %dma_wait3A_169] : memref<10240x128xf32, #tpu.memory_space<vmem_shared>> -> memref<128x128xf32, #tpu.memory_space<vmem_shared>>
      %dma_wait3A_171 = arith.constant 0 : i32
      %dma_wait3A_172 = arith.constant 0 : i32
      %dma_wait3A_173 = tpu.memref_slice %arg6[%run_scoped3A_24, %dma_wait3A_171, %dma_wait3A_172] : memref<2x128x128xf32, #tpu.memory_space<vmem>> -> memref<1x128x128xf32, #tpu.memory_space<vmem>>
      %dma_wait3A_174 = tpu.memref_squeeze %dma_wait3A_173 : memref<1x128x128xf32, #tpu.memory_space<vmem>> -> memref<128x128xf32, #tpu.memory_space<vmem>>
      tpu.wait_dma2 semaphore(%run_scoped3A_150 : memref<!tpu.dma_semaphore, #tpu.memory_space<semaphore_mem>>) src(%dma_wait3A_174 : memref<128x128xf32, #tpu.memory_space<vmem>>) dst(%dma_wait3A_170 : memref<128x128xf32, #tpu.memory_space<vmem_shared>>)
      tpu.yield
    }) : () -> ()
    %mul3A_25 = arith.constant 640 : i32
    %mul3A_26 = arith.muli %arg1, %mul3A_25 : i32
    %add3A_27 = arith.constant 512 : i32
    %add3A_28 = arith.addi %mul3A_26, %add3A_27 : i32
    %run_scoped3A_29 = arith.constant 0 : i32
    "tpu.region"() ({
      %run_scoped3A_150 = tpu.sem_alloc : memref<!tpu.dma_semaphore, #tpu.memory_space<semaphore_mem>>
      %dma_start3A_151 = arith.constant 0 : i32
      %dma_start3A_152 = arith.constant 0 : i32
      %dma_start3A_153 = tpu.memref_slice %arg6[%run_scoped3A_29, %dma_start3A_151, %dma_start3A_152] : memref<2x128x128xf32, #tpu.memory_space<vmem>> -> memref<1x128x128xf32, #tpu.memory_space<vmem>>
      %dma_start3A_154 = tpu.memref_squeeze %dma_start3A_153 : memref<1x128x128xf32, #tpu.memory_space<vmem>> -> memref<128x128xf32, #tpu.memory_space<vmem>>
      %dma_start3A_155 = arith.constant 0 : i32
      %dma_start3A_156 = tpu.memref_slice %arg7[%add3A_28, %dma_start3A_155] : memref<10240x128xf32, #tpu.memory_space<vmem_shared>> -> memref<128x128xf32, #tpu.memory_space<vmem_shared>>
      %dma_start3A_157 = arith.constant 0 : i32
      %dma_start3A_158 = tpu.memref_slice %arg7[%add3A_28, %dma_start3A_157] : memref<10240x128xf32, #tpu.memory_space<vmem_shared>> -> memref<128x128xf32, #tpu.memory_space<vmem_shared>>
      %dma_start3A_159 = arith.constant 0 : i32
      %dma_start3A_160 = arith.constant 0 : i32
      %dma_start3A_161 = tpu.memref_slice %arg6[%run_scoped3A_29, %dma_start3A_159, %dma_start3A_160] : memref<2x128x128xf32, #tpu.memory_space<vmem>> -> memref<1x128x128xf32, #tpu.memory_space<vmem>>
      %dma_start3A_162 = tpu.memref_squeeze %dma_start3A_161 : memref<1x128x128xf32, #tpu.memory_space<vmem>> -> memref<128x128xf32, #tpu.memory_space<vmem>>
      tpu.enqueue_dma source(%dma_start3A_162 : memref<128x128xf32, #tpu.memory_space<vmem>>) target(%dma_start3A_158 : memref<128x128xf32, #tpu.memory_space<vmem_shared>>) target_semaphore(%run_scoped3A_150 : memref<!tpu.dma_semaphore, #tpu.memory_space<semaphore_mem>>)
      %dma_wait3A_163 = arith.constant 0 : i32
      %dma_wait3A_164 = arith.constant 0 : i32
      %dma_wait3A_165 = tpu.memref_slice %arg6[%run_scoped3A_29, %dma_wait3A_163, %dma_wait3A_164] : memref<2x128x128xf32, #tpu.memory_space<vmem>> -> memref<1x128x128xf32, #tpu.memory_space<vmem>>
      %dma_wait3A_166 = tpu.memref_squeeze %dma_wait3A_165 : memref<1x128x128xf32, #tpu.memory_space<vmem>> -> memref<128x128xf32, #tpu.memory_space<vmem>>
      %dma_wait3A_167 = arith.constant 0 : i32
      %dma_wait3A_168 = tpu.memref_slice %arg7[%add3A_28, %dma_wait3A_167] : memref<10240x128xf32, #tpu.memory_space<vmem_shared>> -> memref<128x128xf32, #tpu.memory_space<vmem_shared>>
      %dma_wait3A_169 = arith.constant 0 : i32
      %dma_wait3A_170 = tpu.memref_slice %arg7[%add3A_28, %dma_wait3A_169] : memref<10240x128xf32, #tpu.memory_space<vmem_shared>> -> memref<128x128xf32, #tpu.memory_space<vmem_shared>>
      %dma_wait3A_171 = arith.constant 0 : i32
      %dma_wait3A_172 = arith.constant 0 : i32
      %dma_wait3A_173 = tpu.memref_slice %arg6[%run_scoped3A_29, %dma_wait3A_171, %dma_wait3A_172] : memref<2x128x128xf32, #tpu.memory_space<vmem>> -> memref<1x128x128xf32, #tpu.memory_space<vmem>>
      %dma_wait3A_174 = tpu.memref_squeeze %dma_wait3A_173 : memref<1x128x128xf32, #tpu.memory_space<vmem>> -> memref<128x128xf32, #tpu.memory_space<vmem>>
      tpu.wait_dma2 semaphore(%run_scoped3A_150 : memref<!tpu.dma_semaphore, #tpu.memory_space<semaphore_mem>>) src(%dma_wait3A_174 : memref<128x128xf32, #tpu.memory_space<vmem>>) dst(%dma_wait3A_170 : memref<128x128xf32, #tpu.memory_space<vmem_shared>>)
      tpu.yield
    }) : () -> ()
    %barrier3A = arith.constant 0 : index
    tpu.barrier barrier_id(%barrier3A)
    %mul3A_30 = arith.constant 81 : i32
    %mul3A_31 = arith.muli %add3A, %mul3A_30 : i32
    %add3A_32 = arith.constant 0 : i32
    %add3A_33 = arith.addi %mul3A_31, %add3A_32 : i32
    "tpu.region"() ({
      %run_scoped3A_150 = tpu.sem_alloc : memref<!tpu.dma_semaphore, #tpu.memory_space<semaphore_mem>>
      %dma_start3A_151 = arith.constant 0 : i32
      %dma_start3A_152 = arith.constant 0 : i32
      %dma_start3A_153 = tpu.memref_slice %arg3[%add3A_33, %dma_start3A_151, %dma_start3A_152] : memref<2592x2x128xi32, #tpu.memory_space<hbm>> -> memref<27x2x128xi32, #tpu.memory_space<hbm>>
      %dma_start3A_154 = arith.constant 0 : i32
      %dma_start3A_155 = arith.constant 0 : i32
      %dma_start3A_156 = tpu.memref_slice %arg3[%add3A_33, %dma_start3A_154, %dma_start3A_155] : memref<2592x2x128xi32, #tpu.memory_space<hbm>> -> memref<27x2x128xi32, #tpu.memory_space<hbm>>
      tpu.enqueue_dma source(%dma_start3A_156 : memref<27x2x128xi32, #tpu.memory_space<hbm>>) target(%arg5 : memref<27x2x128xi32, #tpu.memory_space<vmem>>) target_semaphore(%run_scoped3A_150 : memref<!tpu.dma_semaphore, #tpu.memory_space<semaphore_mem>>)
      %dma_wait3A_157 = arith.constant 0 : i32
      %dma_wait3A_158 = arith.constant 0 : i32
      %dma_wait3A_159 = tpu.memref_slice %arg3[%add3A_33, %dma_wait3A_157, %dma_wait3A_158] : memref<2592x2x128xi32, #tpu.memory_space<hbm>> -> memref<27x2x128xi32, #tpu.memory_space<hbm>>
      %dma_wait3A_160 = arith.constant 0 : i32
      %dma_wait3A_161 = arith.constant 0 : i32
      %dma_wait3A_162 = tpu.memref_slice %arg3[%add3A_33, %dma_wait3A_160, %dma_wait3A_161] : memref<2592x2x128xi32, #tpu.memory_space<hbm>> -> memref<27x2x128xi32, #tpu.memory_space<hbm>>
      tpu.wait_dma2 semaphore(%run_scoped3A_150 : memref<!tpu.dma_semaphore, #tpu.memory_space<semaphore_mem>>) src(%dma_wait3A_162 : memref<27x2x128xi32, #tpu.memory_space<hbm>>) dst(%arg5 : memref<27x2x128xi32, #tpu.memory_space<vmem>>)
      tpu.yield
    }) : () -> ()
    %dma_start3A = arith.constant 0 : i32
    %dma_start3A_34 = arith.constant 0 : i32
    %dma_start3A_35 = arith.constant 0 : i32
    %dma_start3A_36 = arith.constant 0 : i32
    %dma_start3A_37 = arith.constant 0 : i32
    %dma_start3A_38 = tpu.memref_slice %arg6[%dma_start3A_35, %dma_start3A_36, %dma_start3A_37] : memref<2x128x128xf32, #tpu.memory_space<vmem>> -> memref<1x128x128xf32, #tpu.memory_space<vmem>>
    %dma_start3A_39 = tpu.memref_squeeze %dma_start3A_38 : memref<1x128x128xf32, #tpu.memory_space<vmem>> -> memref<128x128xf32, #tpu.memory_space<vmem>>
    %dma_start3A_40 = arith.constant 0 : i32
    %dma_start3A_41 = tpu.memref_slice %arg5[%dma_start3A, %dma_start3A_34, %dma_start3A_40] : memref<27x2x128xi32, #tpu.memory_space<vmem>> -> memref<1x1x128xi32, #tpu.memory_space<vmem>>
    %dma_start3A_42 = tpu.memref_squeeze %dma_start3A_41 : memref<1x1x128xi32, #tpu.memory_space<vmem>> -> memref<128xi32, #tpu.memory_space<vmem>>
    %dma_start3A_43 = arith.constant 0 : i32
    %dma_start3A_44 = arith.constant 0 : i32
    %dma_start3A_45 = tpu.memref_slice %arg2[%dma_start3A_43, %dma_start3A_44] : memref<10000x128xf32, #tpu.memory_space<hbm>> -> memref<10000x128xf32, #tpu.memory_space<hbm>>
    tpu.enqueue_indirect_dma source(%dma_start3A_45 : memref<10000x128xf32, #tpu.memory_space<hbm>>) target(%dma_start3A_39 : memref<128x128xf32, #tpu.memory_space<vmem>>) offsets(%dma_start3A_42 : memref<128xi32, #tpu.memory_space<vmem>>) semaphore(%arg8 : memref<!tpu.dma_semaphore, #tpu.memory_space<semaphore_mem>>)
    %scan3A_46 = arith.constant 0 : i32
    %scan3A_47 = arith.constant 0 : i32
    %scan3A_48 = arith.constant 26 : i32
    %scan3A_49 = arith.addi %scan3A_47, %scan3A_48 : i32
    %scan3A_50 = arith.constant 1 : i32
    scf.for %scan3A_150 = %scan3A_47 to %scan3A_49 step %scan3A_50  : i32 {
      %rem3A = arith.constant 2 : i32
      %rem3A_151 = arith.remsi %scan3A_150, %rem3A : i32
      %dma_wait3A_152 = arith.constant 0 : i32
      %dma_wait3A_153 = arith.constant 0 : i32
      %dma_wait3A_154 = arith.constant 0 : i32
      %dma_wait3A_155 = tpu.memref_slice %arg6[%rem3A_151, %dma_wait3A_153, %dma_wait3A_154] : memref<2x128x128xf32, #tpu.memory_space<vmem>> -> memref<1x128x128xf32, #tpu.memory_space<vmem>>
      %dma_wait3A_156 = tpu.memref_squeeze %dma_wait3A_155 : memref<1x128x128xf32, #tpu.memory_space<vmem>> -> memref<128x128xf32, #tpu.memory_space<vmem>>
      %dma_wait3A_157 = arith.constant 0 : i32
      %dma_wait3A_158 = tpu.memref_slice %arg5[%scan3A_150, %dma_wait3A_152, %dma_wait3A_157] : memref<27x2x128xi32, #tpu.memory_space<vmem>> -> memref<1x1x128xi32, #tpu.memory_space<vmem>>
      %dma_wait3A_159 = tpu.memref_squeeze %dma_wait3A_158 : memref<1x1x128xi32, #tpu.memory_space<vmem>> -> memref<128xi32, #tpu.memory_space<vmem>>
      %dma_wait3A_160 = arith.constant 0 : i32
      %dma_wait3A_161 = arith.constant 0 : i32
      %dma_wait3A_162 = tpu.memref_slice %arg2[%dma_wait3A_160, %dma_wait3A_161] : memref<10000x128xf32, #tpu.memory_space<hbm>> -> memref<10000x128xf32, #tpu.memory_space<hbm>>
      tpu.wait_indirect_dma semaphore(%arg8 : memref<!tpu.dma_semaphore, #tpu.memory_space<semaphore_mem>>) src(%dma_wait3A_162 : memref<10000x128xf32, #tpu.memory_space<hbm>>) dst(%dma_wait3A_156 : memref<128x128xf32, #tpu.memory_space<vmem>>)
      %add3A_163 = arith.constant 1 : i32
      %add3A_164 = arith.addi %scan3A_150, %add3A_163 : i32
      %sub3A = arith.constant 1 : i32
      %sub3A_165 = arith.subi %sub3A, %rem3A_151 : i32
      %dma_start3A_166 = arith.constant 0 : i32
      %dma_start3A_167 = arith.constant 0 : i32
      %dma_start3A_168 = arith.constant 0 : i32
      %dma_start3A_169 = tpu.memref_slice %arg6[%sub3A_165, %dma_start3A_167, %dma_start3A_168] : memref<2x128x128xf32, #tpu.memory_space<vmem>> -> memref<1x128x128xf32, #tpu.memory_space<vmem>>
      %dma_start3A_170 = tpu.memref_squeeze %dma_start3A_169 : memref<1x128x128xf32, #tpu.memory_space<vmem>> -> memref<128x128xf32, #tpu.memory_space<vmem>>
      %dma_start3A_171 = arith.constant 0 : i32
      %dma_start3A_172 = tpu.memref_slice %arg5[%add3A_164, %dma_start3A_166, %dma_start3A_171] : memref<27x2x128xi32, #tpu.memory_space<vmem>> -> memref<1x1x128xi32, #tpu.memory_space<vmem>>
      %dma_start3A_173 = tpu.memref_squeeze %dma_start3A_172 : memref<1x1x128xi32, #tpu.memory_space<vmem>> -> memref<128xi32, #tpu.memory_space<vmem>>
      %dma_start3A_174 = arith.constant 0 : i32
      %dma_start3A_175 = arith.constant 0 : i32
      %dma_start3A_176 = tpu.memref_slice %arg2[%dma_start3A_174, %dma_start3A_175] : memref<10000x128xf32, #tpu.memory_space<hbm>> -> memref<10000x128xf32, #tpu.memory_space<hbm>>
      tpu.enqueue_indirect_dma source(%dma_start3A_176 : memref<10000x128xf32, #tpu.memory_space<hbm>>) target(%dma_start3A_170 : memref<128x128xf32, #tpu.memory_space<vmem>>) offsets(%dma_start3A_173 : memref<128xi32, #tpu.memory_space<vmem>>) semaphore(%arg8 : memref<!tpu.dma_semaphore, #tpu.memory_space<semaphore_mem>>)
      %run_scoped3A_177 = arith.constant 1 : i32
      "tpu.region"() ({
        %run_scoped3A_178 = tpu.sem_alloc : memref<!tpu.dma_semaphore, #tpu.memory_space<semaphore_mem>>
        %dma_start3A_179 = arith.constant 0 : i32
        %dma_start3A_180 = arith.constant 0 : i32
        %dma_start3A_181 = tpu.memref_slice %arg6[%rem3A_151, %dma_start3A_179, %dma_start3A_180] : memref<2x128x128xf32, #tpu.memory_space<vmem>> -> memref<1x128x128xf32, #tpu.memory_space<vmem>>
        %dma_start3A_182 = tpu.memref_squeeze %dma_start3A_181 : memref<1x128x128xf32, #tpu.memory_space<vmem>> -> memref<128x128xf32, #tpu.memory_space<vmem>>
        %dma_start3A_183 = arith.constant 0 : i32
        %dma_start3A_184 = tpu.memref_slice %arg5[%scan3A_150, %run_scoped3A_177, %dma_start3A_183] : memref<27x2x128xi32, #tpu.memory_space<vmem>> -> memref<1x1x128xi32, #tpu.memory_space<vmem>>
        %dma_start3A_185 = tpu.memref_squeeze %dma_start3A_184 : memref<1x1x128xi32, #tpu.memory_space<vmem>> -> memref<128xi32, #tpu.memory_space<vmem>>
        %dma_start3A_186 = arith.constant 0 : i32
        %dma_start3A_187 = arith.constant 0 : i32
        %dma_start3A_188 = tpu.memref_slice %arg7[%dma_start3A_186, %dma_start3A_187] : memref<10240x128xf32, #tpu.memory_space<vmem_shared>> -> memref<10240x128xf32, #tpu.memory_space<vmem_shared>>
        tpu.enqueue_indirect_dma source(%dma_start3A_182 : memref<128x128xf32, #tpu.memory_space<vmem>>) target(%dma_start3A_188 : memref<10240x128xf32, #tpu.memory_space<vmem_shared>>) offsets(%dma_start3A_185 : memref<128xi32, #tpu.memory_space<vmem>>) semaphore(%run_scoped3A_178 : memref<!tpu.dma_semaphore, #tpu.memory_space<semaphore_mem>>) {add = true}
        %dma_wait3A_189 = arith.constant 0 : i32
        %dma_wait3A_190 = arith.constant 0 : i32
        %dma_wait3A_191 = tpu.memref_slice %arg6[%rem3A_151, %dma_wait3A_189, %dma_wait3A_190] : memref<2x128x128xf32, #tpu.memory_space<vmem>> -> memref<1x128x128xf32, #tpu.memory_space<vmem>>
        %dma_wait3A_192 = tpu.memref_squeeze %dma_wait3A_191 : memref<1x128x128xf32, #tpu.memory_space<vmem>> -> memref<128x128xf32, #tpu.memory_space<vmem>>
        %dma_wait3A_193 = arith.constant 0 : i32
        %dma_wait3A_194 = tpu.memref_slice %arg5[%scan3A_150, %run_scoped3A_177, %dma_wait3A_193] : memref<27x2x128xi32, #tpu.memory_space<vmem>> -> memref<1x1x128xi32, #tpu.memory_space<vmem>>
        %dma_wait3A_195 = tpu.memref_squeeze %dma_wait3A_194 : memref<1x1x128xi32, #tpu.memory_space<vmem>> -> memref<128xi32, #tpu.memory_space<vmem>>
        %dma_wait3A_196 = arith.constant 0 : i32
        %dma_wait3A_197 = arith.constant 0 : i32
        %dma_wait3A_198 = tpu.memref_slice %arg7[%dma_wait3A_196, %dma_wait3A_197] : memref<10240x128xf32, #tpu.memory_space<vmem_shared>> -> memref<10240x128xf32, #tpu.memory_space<vmem_shared>>
        tpu.wait_indirect_dma semaphore(%run_scoped3A_178 : memref<!tpu.dma_semaphore, #tpu.memory_space<semaphore_mem>>) src(%dma_wait3A_192 : memref<128x128xf32, #tpu.memory_space<vmem>>) dst(%dma_wait3A_198 : memref<10240x128xf32, #tpu.memory_space<vmem_shared>>)
        tpu.yield
      }) : () -> ()
    }
    %scan3A_51 = arith.constant 26 : i32
    %dma_wait3A = arith.constant 26 : i32
    %dma_wait3A_52 = arith.constant 0 : i32
    %dma_wait3A_53 = arith.constant 0 : i32
    %dma_wait3A_54 = arith.constant 0 : i32
    %dma_wait3A_55 = arith.constant 0 : i32
    %dma_wait3A_56 = tpu.memref_slice %arg6[%dma_wait3A_53, %dma_wait3A_54, %dma_wait3A_55] : memref<2x128x128xf32, #tpu.memory_space<vmem>> -> memref<1x128x128xf32, #tpu.memory_space<vmem>>
    %dma_wait3A_57 = tpu.memref_squeeze %dma_wait3A_56 : memref<1x128x128xf32, #tpu.memory_space<vmem>> -> memref<128x128xf32, #tpu.memory_space<vmem>>
    %dma_wait3A_58 = arith.constant 0 : i32
    %dma_wait3A_59 = tpu.memref_slice %arg5[%dma_wait3A, %dma_wait3A_52, %dma_wait3A_58] : memref<27x2x128xi32, #tpu.memory_space<vmem>> -> memref<1x1x128xi32, #tpu.memory_space<vmem>>
    %dma_wait3A_60 = tpu.memref_squeeze %dma_wait3A_59 : memref<1x1x128xi32, #tpu.memory_space<vmem>> -> memref<128xi32, #tpu.memory_space<vmem>>
    %dma_wait3A_61 = arith.constant 0 : i32
    %dma_wait3A_62 = arith.constant 0 : i32
    %dma_wait3A_63 = tpu.memref_slice %arg2[%dma_wait3A_61, %dma_wait3A_62] : memref<10000x128xf32, #tpu.memory_space<hbm>> -> memref<10000x128xf32, #tpu.memory_space<hbm>>
    tpu.wait_indirect_dma semaphore(%arg8 : memref<!tpu.dma_semaphore, #tpu.memory_space<semaphore_mem>>) src(%dma_wait3A_63 : memref<10000x128xf32, #tpu.memory_space<hbm>>) dst(%dma_wait3A_57 : memref<128x128xf32, #tpu.memory_space<vmem>>)
    %run_scoped3A_64 = arith.constant 0 : i32
    %run_scoped3A_65 = arith.constant 26 : i32
    %run_scoped3A_66 = arith.constant 1 : i32
    "tpu.region"() ({
      %run_scoped3A_150 = tpu.sem_alloc : memref<!tpu.dma_semaphore, #tpu.memory_space<semaphore_mem>>
      %dma_start3A_151 = arith.constant 0 : i32
      %dma_start3A_152 = arith.constant 0 : i32
      %dma_start3A_153 = tpu.memref_slice %arg6[%run_scoped3A_64, %dma_start3A_151, %dma_start3A_152] : memref<2x128x128xf32, #tpu.memory_space<vmem>> -> memref<1x128x128xf32, #tpu.memory_space<vmem>>
      %dma_start3A_154 = tpu.memref_squeeze %dma_start3A_153 : memref<1x128x128xf32, #tpu.memory_space<vmem>> -> memref<128x128xf32, #tpu.memory_space<vmem>>
      %dma_start3A_155 = arith.constant 0 : i32
      %dma_start3A_156 = tpu.memref_slice %arg5[%run_scoped3A_65, %run_scoped3A_66, %dma_start3A_155] : memref<27x2x128xi32, #tpu.memory_space<vmem>> -> memref<1x1x128xi32, #tpu.memory_space<vmem>>
      %dma_start3A_157 = tpu.memref_squeeze %dma_start3A_156 : memref<1x1x128xi32, #tpu.memory_space<vmem>> -> memref<128xi32, #tpu.memory_space<vmem>>
      %dma_start3A_158 = arith.constant 0 : i32
      %dma_start3A_159 = arith.constant 0 : i32
      %dma_start3A_160 = tpu.memref_slice %arg7[%dma_start3A_158, %dma_start3A_159] : memref<10240x128xf32, #tpu.memory_space<vmem_shared>> -> memref<10240x128xf32, #tpu.memory_space<vmem_shared>>
      tpu.enqueue_indirect_dma source(%dma_start3A_154 : memref<128x128xf32, #tpu.memory_space<vmem>>) target(%dma_start3A_160 : memref<10240x128xf32, #tpu.memory_space<vmem_shared>>) offsets(%dma_start3A_157 : memref<128xi32, #tpu.memory_space<vmem>>) semaphore(%run_scoped3A_150 : memref<!tpu.dma_semaphore, #tpu.memory_space<semaphore_mem>>) {add = true}
      %dma_wait3A_161 = arith.constant 0 : i32
      %dma_wait3A_162 = arith.constant 0 : i32
      %dma_wait3A_163 = tpu.memref_slice %arg6[%run_scoped3A_64, %dma_wait3A_161, %dma_wait3A_162] : memref<2x128x128xf32, #tpu.memory_space<vmem>> -> memref<1x128x128xf32, #tpu.memory_space<vmem>>
      %dma_wait3A_164 = tpu.memref_squeeze %dma_wait3A_163 : memref<1x128x128xf32, #tpu.memory_space<vmem>> -> memref<128x128xf32, #tpu.memory_space<vmem>>
      %dma_wait3A_165 = arith.constant 0 : i32
      %dma_wait3A_166 = tpu.memref_slice %arg5[%run_scoped3A_65, %run_scoped3A_66, %dma_wait3A_165] : memref<27x2x128xi32, #tpu.memory_space<vmem>> -> memref<1x1x128xi32, #tpu.memory_space<vmem>>
      %dma_wait3A_167 = tpu.memref_squeeze %dma_wait3A_166 : memref<1x1x128xi32, #tpu.memory_space<vmem>> -> memref<128xi32, #tpu.memory_space<vmem>>
      %dma_wait3A_168 = arith.constant 0 : i32
      %dma_wait3A_169 = arith.constant 0 : i32
      %dma_wait3A_170 = tpu.memref_slice %arg7[%dma_wait3A_168, %dma_wait3A_169] : memref<10240x128xf32, #tpu.memory_space<vmem_shared>> -> memref<10240x128xf32, #tpu.memory_space<vmem_shared>>
      tpu.wait_indirect_dma semaphore(%run_scoped3A_150 : memref<!tpu.dma_semaphore, #tpu.memory_space<semaphore_mem>>) src(%dma_wait3A_164 : memref<128x128xf32, #tpu.memory_space<vmem>>) dst(%dma_wait3A_170 : memref<10240x128xf32, #tpu.memory_space<vmem_shared>>)
      tpu.yield
    }) : () -> ()
    %mul3A_67 = arith.constant 81 : i32
    %mul3A_68 = arith.muli %add3A, %mul3A_67 : i32
    %add3A_69 = arith.constant 27 : i32
    %add3A_70 = arith.addi %mul3A_68, %add3A_69 : i32
    "tpu.region"() ({
      %run_scoped3A_150 = tpu.sem_alloc : memref<!tpu.dma_semaphore, #tpu.memory_space<semaphore_mem>>
      %dma_start3A_151 = arith.constant 0 : i32
      %dma_start3A_152 = arith.constant 0 : i32
      %dma_start3A_153 = tpu.memref_slice %arg3[%add3A_70, %dma_start3A_151, %dma_start3A_152] : memref<2592x2x128xi32, #tpu.memory_space<hbm>> -> memref<27x2x128xi32, #tpu.memory_space<hbm>>
      %dma_start3A_154 = arith.constant 0 : i32
      %dma_start3A_155 = arith.constant 0 : i32
      %dma_start3A_156 = tpu.memref_slice %arg3[%add3A_70, %dma_start3A_154, %dma_start3A_155] : memref<2592x2x128xi32, #tpu.memory_space<hbm>> -> memref<27x2x128xi32, #tpu.memory_space<hbm>>
      tpu.enqueue_dma source(%dma_start3A_156 : memref<27x2x128xi32, #tpu.memory_space<hbm>>) target(%arg5 : memref<27x2x128xi32, #tpu.memory_space<vmem>>) target_semaphore(%run_scoped3A_150 : memref<!tpu.dma_semaphore, #tpu.memory_space<semaphore_mem>>)
      %dma_wait3A_157 = arith.constant 0 : i32
      %dma_wait3A_158 = arith.constant 0 : i32
      %dma_wait3A_159 = tpu.memref_slice %arg3[%add3A_70, %dma_wait3A_157, %dma_wait3A_158] : memref<2592x2x128xi32, #tpu.memory_space<hbm>> -> memref<27x2x128xi32, #tpu.memory_space<hbm>>
      %dma_wait3A_160 = arith.constant 0 : i32
      %dma_wait3A_161 = arith.constant 0 : i32
      %dma_wait3A_162 = tpu.memref_slice %arg3[%add3A_70, %dma_wait3A_160, %dma_wait3A_161] : memref<2592x2x128xi32, #tpu.memory_space<hbm>> -> memref<27x2x128xi32, #tpu.memory_space<hbm>>
      tpu.wait_dma2 semaphore(%run_scoped3A_150 : memref<!tpu.dma_semaphore, #tpu.memory_space<semaphore_mem>>) src(%dma_wait3A_162 : memref<27x2x128xi32, #tpu.memory_space<hbm>>) dst(%arg5 : memref<27x2x128xi32, #tpu.memory_space<vmem>>)
      tpu.yield
    }) : () -> ()
    %dma_start3A_71 = arith.constant 0 : i32
    %dma_start3A_72 = arith.constant 0 : i32
    %dma_start3A_73 = arith.constant 0 : i32
    %dma_start3A_74 = arith.constant 0 : i32
    %dma_start3A_75 = arith.constant 0 : i32
    %dma_start3A_76 = tpu.memref_slice %arg6[%dma_start3A_73, %dma_start3A_74, %dma_start3A_75] : memref<2x128x128xf32, #tpu.memory_space<vmem>> -> memref<1x128x128xf32, #tpu.memory_space<vmem>>
    %dma_start3A_77 = tpu.memref_squeeze %dma_start3A_76 : memref<1x128x128xf32, #tpu.memory_space<vmem>> -> memref<128x128xf32, #tpu.memory_space<vmem>>
    %dma_start3A_78 = arith.constant 0 : i32
    %dma_start3A_79 = tpu.memref_slice %arg5[%dma_start3A_71, %dma_start3A_72, %dma_start3A_78] : memref<27x2x128xi32, #tpu.memory_space<vmem>> -> memref<1x1x128xi32, #tpu.memory_space<vmem>>
    %dma_start3A_80 = tpu.memref_squeeze %dma_start3A_79 : memref<1x1x128xi32, #tpu.memory_space<vmem>> -> memref<128xi32, #tpu.memory_space<vmem>>
    %dma_start3A_81 = arith.constant 0 : i32
    %dma_start3A_82 = arith.constant 0 : i32
    %dma_start3A_83 = tpu.memref_slice %arg2[%dma_start3A_81, %dma_start3A_82] : memref<10000x128xf32, #tpu.memory_space<hbm>> -> memref<10000x128xf32, #tpu.memory_space<hbm>>
    tpu.enqueue_indirect_dma source(%dma_start3A_83 : memref<10000x128xf32, #tpu.memory_space<hbm>>) target(%dma_start3A_77 : memref<128x128xf32, #tpu.memory_space<vmem>>) offsets(%dma_start3A_80 : memref<128xi32, #tpu.memory_space<vmem>>) semaphore(%arg8 : memref<!tpu.dma_semaphore, #tpu.memory_space<semaphore_mem>>)
    %scan3A_84 = arith.constant 0 : i32
    %scan3A_85 = arith.constant 0 : i32
    %scan3A_86 = arith.constant 26 : i32
    %scan3A_87 = arith.addi %scan3A_85, %scan3A_86 : i32
    %scan3A_88 = arith.constant 1 : i32
    scf.for %scan3A_150 = %scan3A_85 to %scan3A_87 step %scan3A_88  : i32 {
      %rem3A = arith.constant 2 : i32
      %rem3A_151 = arith.remsi %scan3A_150, %rem3A : i32
      %dma_wait3A_152 = arith.constant 0 : i32
      %dma_wait3A_153 = arith.constant 0 : i32
      %dma_wait3A_154 = arith.constant 0 : i32
      %dma_wait3A_155 = tpu.memref_slice %arg6[%rem3A_151, %dma_wait3A_153, %dma_wait3A_154] : memref<2x128x128xf32, #tpu.memory_space<vmem>> -> memref<1x128x128xf32, #tpu.memory_space<vmem>>
      %dma_wait3A_156 = tpu.memref_squeeze %dma_wait3A_155 : memref<1x128x128xf32, #tpu.memory_space<vmem>> -> memref<128x128xf32, #tpu.memory_space<vmem>>
      %dma_wait3A_157 = arith.constant 0 : i32
      %dma_wait3A_158 = tpu.memref_slice %arg5[%scan3A_150, %dma_wait3A_152, %dma_wait3A_157] : memref<27x2x128xi32, #tpu.memory_space<vmem>> -> memref<1x1x128xi32, #tpu.memory_space<vmem>>
      %dma_wait3A_159 = tpu.memref_squeeze %dma_wait3A_158 : memref<1x1x128xi32, #tpu.memory_space<vmem>> -> memref<128xi32, #tpu.memory_space<vmem>>
      %dma_wait3A_160 = arith.constant 0 : i32
      %dma_wait3A_161 = arith.constant 0 : i32
      %dma_wait3A_162 = tpu.memref_slice %arg2[%dma_wait3A_160, %dma_wait3A_161] : memref<10000x128xf32, #tpu.memory_space<hbm>> -> memref<10000x128xf32, #tpu.memory_space<hbm>>
      tpu.wait_indirect_dma semaphore(%arg8 : memref<!tpu.dma_semaphore, #tpu.memory_space<semaphore_mem>>) src(%dma_wait3A_162 : memref<10000x128xf32, #tpu.memory_space<hbm>>) dst(%dma_wait3A_156 : memref<128x128xf32, #tpu.memory_space<vmem>>)
      %add3A_163 = arith.constant 1 : i32
      %add3A_164 = arith.addi %scan3A_150, %add3A_163 : i32
      %sub3A = arith.constant 1 : i32
      %sub3A_165 = arith.subi %sub3A, %rem3A_151 : i32
      %dma_start3A_166 = arith.constant 0 : i32
      %dma_start3A_167 = arith.constant 0 : i32
      %dma_start3A_168 = arith.constant 0 : i32
      %dma_start3A_169 = tpu.memref_slice %arg6[%sub3A_165, %dma_start3A_167, %dma_start3A_168] : memref<2x128x128xf32, #tpu.memory_space<vmem>> -> memref<1x128x128xf32, #tpu.memory_space<vmem>>
      %dma_start3A_170 = tpu.memref_squeeze %dma_start3A_169 : memref<1x128x128xf32, #tpu.memory_space<vmem>> -> memref<128x128xf32, #tpu.memory_space<vmem>>
      %dma_start3A_171 = arith.constant 0 : i32
      %dma_start3A_172 = tpu.memref_slice %arg5[%add3A_164, %dma_start3A_166, %dma_start3A_171] : memref<27x2x128xi32, #tpu.memory_space<vmem>> -> memref<1x1x128xi32, #tpu.memory_space<vmem>>
      %dma_start3A_173 = tpu.memref_squeeze %dma_start3A_172 : memref<1x1x128xi32, #tpu.memory_space<vmem>> -> memref<128xi32, #tpu.memory_space<vmem>>
      %dma_start3A_174 = arith.constant 0 : i32
      %dma_start3A_175 = arith.constant 0 : i32
      %dma_start3A_176 = tpu.memref_slice %arg2[%dma_start3A_174, %dma_start3A_175] : memref<10000x128xf32, #tpu.memory_space<hbm>> -> memref<10000x128xf32, #tpu.memory_space<hbm>>
      tpu.enqueue_indirect_dma source(%dma_start3A_176 : memref<10000x128xf32, #tpu.memory_space<hbm>>) target(%dma_start3A_170 : memref<128x128xf32, #tpu.memory_space<vmem>>) offsets(%dma_start3A_173 : memref<128xi32, #tpu.memory_space<vmem>>) semaphore(%arg8 : memref<!tpu.dma_semaphore, #tpu.memory_space<semaphore_mem>>)
      %run_scoped3A_177 = arith.constant 1 : i32
      "tpu.region"() ({
        %run_scoped3A_178 = tpu.sem_alloc : memref<!tpu.dma_semaphore, #tpu.memory_space<semaphore_mem>>
        %dma_start3A_179 = arith.constant 0 : i32
        %dma_start3A_180 = arith.constant 0 : i32
        %dma_start3A_181 = tpu.memref_slice %arg6[%rem3A_151, %dma_start3A_179, %dma_start3A_180] : memref<2x128x128xf32, #tpu.memory_space<vmem>> -> memref<1x128x128xf32, #tpu.memory_space<vmem>>
        %dma_start3A_182 = tpu.memref_squeeze %dma_start3A_181 : memref<1x128x128xf32, #tpu.memory_space<vmem>> -> memref<128x128xf32, #tpu.memory_space<vmem>>
        %dma_start3A_183 = arith.constant 0 : i32
        %dma_start3A_184 = tpu.memref_slice %arg5[%scan3A_150, %run_scoped3A_177, %dma_start3A_183] : memref<27x2x128xi32, #tpu.memory_space<vmem>> -> memref<1x1x128xi32, #tpu.memory_space<vmem>>
        %dma_start3A_185 = tpu.memref_squeeze %dma_start3A_184 : memref<1x1x128xi32, #tpu.memory_space<vmem>> -> memref<128xi32, #tpu.memory_space<vmem>>
        %dma_start3A_186 = arith.constant 0 : i32
        %dma_start3A_187 = arith.constant 0 : i32
        %dma_start3A_188 = tpu.memref_slice %arg7[%dma_start3A_186, %dma_start3A_187] : memref<10240x128xf32, #tpu.memory_space<vmem_shared>> -> memref<10240x128xf32, #tpu.memory_space<vmem_shared>>
        tpu.enqueue_indirect_dma source(%dma_start3A_182 : memref<128x128xf32, #tpu.memory_space<vmem>>) target(%dma_start3A_188 : memref<10240x128xf32, #tpu.memory_space<vmem_shared>>) offsets(%dma_start3A_185 : memref<128xi32, #tpu.memory_space<vmem>>) semaphore(%run_scoped3A_178 : memref<!tpu.dma_semaphore, #tpu.memory_space<semaphore_mem>>) {add = true}
        %dma_wait3A_189 = arith.constant 0 : i32
        %dma_wait3A_190 = arith.constant 0 : i32
        %dma_wait3A_191 = tpu.memref_slice %arg6[%rem3A_151, %dma_wait3A_189, %dma_wait3A_190] : memref<2x128x128xf32, #tpu.memory_space<vmem>> -> memref<1x128x128xf32, #tpu.memory_space<vmem>>
        %dma_wait3A_192 = tpu.memref_squeeze %dma_wait3A_191 : memref<1x128x128xf32, #tpu.memory_space<vmem>> -> memref<128x128xf32, #tpu.memory_space<vmem>>
        %dma_wait3A_193 = arith.constant 0 : i32
        %dma_wait3A_194 = tpu.memref_slice %arg5[%scan3A_150, %run_scoped3A_177, %dma_wait3A_193] : memref<27x2x128xi32, #tpu.memory_space<vmem>> -> memref<1x1x128xi32, #tpu.memory_space<vmem>>
        %dma_wait3A_195 = tpu.memref_squeeze %dma_wait3A_194 : memref<1x1x128xi32, #tpu.memory_space<vmem>> -> memref<128xi32, #tpu.memory_space<vmem>>
        %dma_wait3A_196 = arith.constant 0 : i32
        %dma_wait3A_197 = arith.constant 0 : i32
        %dma_wait3A_198 = tpu.memref_slice %arg7[%dma_wait3A_196, %dma_wait3A_197] : memref<10240x128xf32, #tpu.memory_space<vmem_shared>> -> memref<10240x128xf32, #tpu.memory_space<vmem_shared>>
        tpu.wait_indirect_dma semaphore(%run_scoped3A_178 : memref<!tpu.dma_semaphore, #tpu.memory_space<semaphore_mem>>) src(%dma_wait3A_192 : memref<128x128xf32, #tpu.memory_space<vmem>>) dst(%dma_wait3A_198 : memref<10240x128xf32, #tpu.memory_space<vmem_shared>>)
        tpu.yield
      }) : () -> ()
    }
    %scan3A_89 = arith.constant 26 : i32
    %dma_wait3A_90 = arith.constant 26 : i32
    %dma_wait3A_91 = arith.constant 0 : i32
    %dma_wait3A_92 = arith.constant 0 : i32
    %dma_wait3A_93 = arith.constant 0 : i32
    %dma_wait3A_94 = arith.constant 0 : i32
    %dma_wait3A_95 = tpu.memref_slice %arg6[%dma_wait3A_92, %dma_wait3A_93, %dma_wait3A_94] : memref<2x128x128xf32, #tpu.memory_space<vmem>> -> memref<1x128x128xf32, #tpu.memory_space<vmem>>
    %dma_wait3A_96 = tpu.memref_squeeze %dma_wait3A_95 : memref<1x128x128xf32, #tpu.memory_space<vmem>> -> memref<128x128xf32, #tpu.memory_space<vmem>>
    %dma_wait3A_97 = arith.constant 0 : i32
    %dma_wait3A_98 = tpu.memref_slice %arg5[%dma_wait3A_90, %dma_wait3A_91, %dma_wait3A_97] : memref<27x2x128xi32, #tpu.memory_space<vmem>> -> memref<1x1x128xi32, #tpu.memory_space<vmem>>
    %dma_wait3A_99 = tpu.memref_squeeze %dma_wait3A_98 : memref<1x1x128xi32, #tpu.memory_space<vmem>> -> memref<128xi32, #tpu.memory_space<vmem>>
    %dma_wait3A_100 = arith.constant 0 : i32
    %dma_wait3A_101 = arith.constant 0 : i32
    %dma_wait3A_102 = tpu.memref_slice %arg2[%dma_wait3A_100, %dma_wait3A_101] : memref<10000x128xf32, #tpu.memory_space<hbm>> -> memref<10000x128xf32, #tpu.memory_space<hbm>>
    tpu.wait_indirect_dma semaphore(%arg8 : memref<!tpu.dma_semaphore, #tpu.memory_space<semaphore_mem>>) src(%dma_wait3A_102 : memref<10000x128xf32, #tpu.memory_space<hbm>>) dst(%dma_wait3A_96 : memref<128x128xf32, #tpu.memory_space<vmem>>)
    %run_scoped3A_103 = arith.constant 0 : i32
    %run_scoped3A_104 = arith.constant 26 : i32
    %run_scoped3A_105 = arith.constant 1 : i32
    "tpu.region"() ({
      %run_scoped3A_150 = tpu.sem_alloc : memref<!tpu.dma_semaphore, #tpu.memory_space<semaphore_mem>>
      %dma_start3A_151 = arith.constant 0 : i32
      %dma_start3A_152 = arith.constant 0 : i32
      %dma_start3A_153 = tpu.memref_slice %arg6[%run_scoped3A_103, %dma_start3A_151, %dma_start3A_152] : memref<2x128x128xf32, #tpu.memory_space<vmem>> -> memref<1x128x128xf32, #tpu.memory_space<vmem>>
      %dma_start3A_154 = tpu.memref_squeeze %dma_start3A_153 : memref<1x128x128xf32, #tpu.memory_space<vmem>> -> memref<128x128xf32, #tpu.memory_space<vmem>>
      %dma_start3A_155 = arith.constant 0 : i32
      %dma_start3A_156 = tpu.memref_slice %arg5[%run_scoped3A_104, %run_scoped3A_105, %dma_start3A_155] : memref<27x2x128xi32, #tpu.memory_space<vmem>> -> memref<1x1x128xi32, #tpu.memory_space<vmem>>
      %dma_start3A_157 = tpu.memref_squeeze %dma_start3A_156 : memref<1x1x128xi32, #tpu.memory_space<vmem>> -> memref<128xi32, #tpu.memory_space<vmem>>
      %dma_start3A_158 = arith.constant 0 : i32
      %dma_start3A_159 = arith.constant 0 : i32
      %dma_start3A_160 = tpu.memref_slice %arg7[%dma_start3A_158, %dma_start3A_159] : memref<10240x128xf32, #tpu.memory_space<vmem_shared>> -> memref<10240x128xf32, #tpu.memory_space<vmem_shared>>
      tpu.enqueue_indirect_dma source(%dma_start3A_154 : memref<128x128xf32, #tpu.memory_space<vmem>>) target(%dma_start3A_160 : memref<10240x128xf32, #tpu.memory_space<vmem_shared>>) offsets(%dma_start3A_157 : memref<128xi32, #tpu.memory_space<vmem>>) semaphore(%run_scoped3A_150 : memref<!tpu.dma_semaphore, #tpu.memory_space<semaphore_mem>>) {add = true}
      %dma_wait3A_161 = arith.constant 0 : i32
      %dma_wait3A_162 = arith.constant 0 : i32
      %dma_wait3A_163 = tpu.memref_slice %arg6[%run_scoped3A_103, %dma_wait3A_161, %dma_wait3A_162] : memref<2x128x128xf32, #tpu.memory_space<vmem>> -> memref<1x128x128xf32, #tpu.memory_space<vmem>>
      %dma_wait3A_164 = tpu.memref_squeeze %dma_wait3A_163 : memref<1x128x128xf32, #tpu.memory_space<vmem>> -> memref<128x128xf32, #tpu.memory_space<vmem>>
      %dma_wait3A_165 = arith.constant 0 : i32
      %dma_wait3A_166 = tpu.memref_slice %arg5[%run_scoped3A_104, %run_scoped3A_105, %dma_wait3A_165] : memref<27x2x128xi32, #tpu.memory_space<vmem>> -> memref<1x1x128xi32, #tpu.memory_space<vmem>>
      %dma_wait3A_167 = tpu.memref_squeeze %dma_wait3A_166 : memref<1x1x128xi32, #tpu.memory_space<vmem>> -> memref<128xi32, #tpu.memory_space<vmem>>
      %dma_wait3A_168 = arith.constant 0 : i32
      %dma_wait3A_169 = arith.constant 0 : i32
      %dma_wait3A_170 = tpu.memref_slice %arg7[%dma_wait3A_168, %dma_wait3A_169] : memref<10240x128xf32, #tpu.memory_space<vmem_shared>> -> memref<10240x128xf32, #tpu.memory_space<vmem_shared>>
      tpu.wait_indirect_dma semaphore(%run_scoped3A_150 : memref<!tpu.dma_semaphore, #tpu.memory_space<semaphore_mem>>) src(%dma_wait3A_164 : memref<128x128xf32, #tpu.memory_space<vmem>>) dst(%dma_wait3A_170 : memref<10240x128xf32, #tpu.memory_space<vmem_shared>>)
      tpu.yield
    }) : () -> ()
    %mul3A_106 = arith.constant 81 : i32
    %mul3A_107 = arith.muli %add3A, %mul3A_106 : i32
    %add3A_108 = arith.constant 54 : i32
    %add3A_109 = arith.addi %mul3A_107, %add3A_108 : i32
    "tpu.region"() ({
      %run_scoped3A_150 = tpu.sem_alloc : memref<!tpu.dma_semaphore, #tpu.memory_space<semaphore_mem>>
      %dma_start3A_151 = arith.constant 0 : i32
      %dma_start3A_152 = arith.constant 0 : i32
      %dma_start3A_153 = tpu.memref_slice %arg3[%add3A_109, %dma_start3A_151, %dma_start3A_152] : memref<2592x2x128xi32, #tpu.memory_space<hbm>> -> memref<27x2x128xi32, #tpu.memory_space<hbm>>
      %dma_start3A_154 = arith.constant 0 : i32
      %dma_start3A_155 = arith.constant 0 : i32
      %dma_start3A_156 = tpu.memref_slice %arg3[%add3A_109, %dma_start3A_154, %dma_start3A_155] : memref<2592x2x128xi32, #tpu.memory_space<hbm>> -> memref<27x2x128xi32, #tpu.memory_space<hbm>>
      tpu.enqueue_dma source(%dma_start3A_156 : memref<27x2x128xi32, #tpu.memory_space<hbm>>) target(%arg5 : memref<27x2x128xi32, #tpu.memory_space<vmem>>) target_semaphore(%run_scoped3A_150 : memref<!tpu.dma_semaphore, #tpu.memory_space<semaphore_mem>>)
      %dma_wait3A_157 = arith.constant 0 : i32
      %dma_wait3A_158 = arith.constant 0 : i32
      %dma_wait3A_159 = tpu.memref_slice %arg3[%add3A_109, %dma_wait3A_157, %dma_wait3A_158] : memref<2592x2x128xi32, #tpu.memory_space<hbm>> -> memref<27x2x128xi32, #tpu.memory_space<hbm>>
      %dma_wait3A_160 = arith.constant 0 : i32
      %dma_wait3A_161 = arith.constant 0 : i32
      %dma_wait3A_162 = tpu.memref_slice %arg3[%add3A_109, %dma_wait3A_160, %dma_wait3A_161] : memref<2592x2x128xi32, #tpu.memory_space<hbm>> -> memref<27x2x128xi32, #tpu.memory_space<hbm>>
      tpu.wait_dma2 semaphore(%run_scoped3A_150 : memref<!tpu.dma_semaphore, #tpu.memory_space<semaphore_mem>>) src(%dma_wait3A_162 : memref<27x2x128xi32, #tpu.memory_space<hbm>>) dst(%arg5 : memref<27x2x128xi32, #tpu.memory_space<vmem>>)
      tpu.yield
    }) : () -> ()
    %dma_start3A_110 = arith.constant 0 : i32
    %dma_start3A_111 = arith.constant 0 : i32
    %dma_start3A_112 = arith.constant 0 : i32
    %dma_start3A_113 = arith.constant 0 : i32
    %dma_start3A_114 = arith.constant 0 : i32
    %dma_start3A_115 = tpu.memref_slice %arg6[%dma_start3A_112, %dma_start3A_113, %dma_start3A_114] : memref<2x128x128xf32, #tpu.memory_space<vmem>> -> memref<1x128x128xf32, #tpu.memory_space<vmem>>
    %dma_start3A_116 = tpu.memref_squeeze %dma_start3A_115 : memref<1x128x128xf32, #tpu.memory_space<vmem>> -> memref<128x128xf32, #tpu.memory_space<vmem>>
    %dma_start3A_117 = arith.constant 0 : i32
    %dma_start3A_118 = tpu.memref_slice %arg5[%dma_start3A_110, %dma_start3A_111, %dma_start3A_117] : memref<27x2x128xi32, #tpu.memory_space<vmem>> -> memref<1x1x128xi32, #tpu.memory_space<vmem>>
    %dma_start3A_119 = tpu.memref_squeeze %dma_start3A_118 : memref<1x1x128xi32, #tpu.memory_space<vmem>> -> memref<128xi32, #tpu.memory_space<vmem>>
    %dma_start3A_120 = arith.constant 0 : i32
    %dma_start3A_121 = arith.constant 0 : i32
    %dma_start3A_122 = tpu.memref_slice %arg2[%dma_start3A_120, %dma_start3A_121] : memref<10000x128xf32, #tpu.memory_space<hbm>> -> memref<10000x128xf32, #tpu.memory_space<hbm>>
    tpu.enqueue_indirect_dma source(%dma_start3A_122 : memref<10000x128xf32, #tpu.memory_space<hbm>>) target(%dma_start3A_116 : memref<128x128xf32, #tpu.memory_space<vmem>>) offsets(%dma_start3A_119 : memref<128xi32, #tpu.memory_space<vmem>>) semaphore(%arg8 : memref<!tpu.dma_semaphore, #tpu.memory_space<semaphore_mem>>)
    %scan3A_123 = arith.constant 0 : i32
    %scan3A_124 = arith.constant 0 : i32
    %scan3A_125 = arith.constant 26 : i32
    %scan3A_126 = arith.addi %scan3A_124, %scan3A_125 : i32
    %scan3A_127 = arith.constant 1 : i32
    scf.for %scan3A_150 = %scan3A_124 to %scan3A_126 step %scan3A_127  : i32 {
      %rem3A = arith.constant 2 : i32
      %rem3A_151 = arith.remsi %scan3A_150, %rem3A : i32
      %dma_wait3A_152 = arith.constant 0 : i32
      %dma_wait3A_153 = arith.constant 0 : i32
      %dma_wait3A_154 = arith.constant 0 : i32
      %dma_wait3A_155 = tpu.memref_slice %arg6[%rem3A_151, %dma_wait3A_153, %dma_wait3A_154] : memref<2x128x128xf32, #tpu.memory_space<vmem>> -> memref<1x128x128xf32, #tpu.memory_space<vmem>>
      %dma_wait3A_156 = tpu.memref_squeeze %dma_wait3A_155 : memref<1x128x128xf32, #tpu.memory_space<vmem>> -> memref<128x128xf32, #tpu.memory_space<vmem>>
      %dma_wait3A_157 = arith.constant 0 : i32
      %dma_wait3A_158 = tpu.memref_slice %arg5[%scan3A_150, %dma_wait3A_152, %dma_wait3A_157] : memref<27x2x128xi32, #tpu.memory_space<vmem>> -> memref<1x1x128xi32, #tpu.memory_space<vmem>>
      %dma_wait3A_159 = tpu.memref_squeeze %dma_wait3A_158 : memref<1x1x128xi32, #tpu.memory_space<vmem>> -> memref<128xi32, #tpu.memory_space<vmem>>
      %dma_wait3A_160 = arith.constant 0 : i32
      %dma_wait3A_161 = arith.constant 0 : i32
      %dma_wait3A_162 = tpu.memref_slice %arg2[%dma_wait3A_160, %dma_wait3A_161] : memref<10000x128xf32, #tpu.memory_space<hbm>> -> memref<10000x128xf32, #tpu.memory_space<hbm>>
      tpu.wait_indirect_dma semaphore(%arg8 : memref<!tpu.dma_semaphore, #tpu.memory_space<semaphore_mem>>) src(%dma_wait3A_162 : memref<10000x128xf32, #tpu.memory_space<hbm>>) dst(%dma_wait3A_156 : memref<128x128xf32, #tpu.memory_space<vmem>>)
      %add3A_163 = arith.constant 1 : i32
      %add3A_164 = arith.addi %scan3A_150, %add3A_163 : i32
      %sub3A = arith.constant 1 : i32
      %sub3A_165 = arith.subi %sub3A, %rem3A_151 : i32
      %dma_start3A_166 = arith.constant 0 : i32
      %dma_start3A_167 = arith.constant 0 : i32
      %dma_start3A_168 = arith.constant 0 : i32
      %dma_start3A_169 = tpu.memref_slice %arg6[%sub3A_165, %dma_start3A_167, %dma_start3A_168] : memref<2x128x128xf32, #tpu.memory_space<vmem>> -> memref<1x128x128xf32, #tpu.memory_space<vmem>>
      %dma_start3A_170 = tpu.memref_squeeze %dma_start3A_169 : memref<1x128x128xf32, #tpu.memory_space<vmem>> -> memref<128x128xf32, #tpu.memory_space<vmem>>
      %dma_start3A_171 = arith.constant 0 : i32
      %dma_start3A_172 = tpu.memref_slice %arg5[%add3A_164, %dma_start3A_166, %dma_start3A_171] : memref<27x2x128xi32, #tpu.memory_space<vmem>> -> memref<1x1x128xi32, #tpu.memory_space<vmem>>
      %dma_start3A_173 = tpu.memref_squeeze %dma_start3A_172 : memref<1x1x128xi32, #tpu.memory_space<vmem>> -> memref<128xi32, #tpu.memory_space<vmem>>
      %dma_start3A_174 = arith.constant 0 : i32
      %dma_start3A_175 = arith.constant 0 : i32
      %dma_start3A_176 = tpu.memref_slice %arg2[%dma_start3A_174, %dma_start3A_175] : memref<10000x128xf32, #tpu.memory_space<hbm>> -> memref<10000x128xf32, #tpu.memory_space<hbm>>
      tpu.enqueue_indirect_dma source(%dma_start3A_176 : memref<10000x128xf32, #tpu.memory_space<hbm>>) target(%dma_start3A_170 : memref<128x128xf32, #tpu.memory_space<vmem>>) offsets(%dma_start3A_173 : memref<128xi32, #tpu.memory_space<vmem>>) semaphore(%arg8 : memref<!tpu.dma_semaphore, #tpu.memory_space<semaphore_mem>>)
      %run_scoped3A_177 = arith.constant 1 : i32
      "tpu.region"() ({
        %run_scoped3A_178 = tpu.sem_alloc : memref<!tpu.dma_semaphore, #tpu.memory_space<semaphore_mem>>
        %dma_start3A_179 = arith.constant 0 : i32
        %dma_start3A_180 = arith.constant 0 : i32
        %dma_start3A_181 = tpu.memref_slice %arg6[%rem3A_151, %dma_start3A_179, %dma_start3A_180] : memref<2x128x128xf32, #tpu.memory_space<vmem>> -> memref<1x128x128xf32, #tpu.memory_space<vmem>>
        %dma_start3A_182 = tpu.memref_squeeze %dma_start3A_181 : memref<1x128x128xf32, #tpu.memory_space<vmem>> -> memref<128x128xf32, #tpu.memory_space<vmem>>
        %dma_start3A_183 = arith.constant 0 : i32
        %dma_start3A_184 = tpu.memref_slice %arg5[%scan3A_150, %run_scoped3A_177, %dma_start3A_183] : memref<27x2x128xi32, #tpu.memory_space<vmem>> -> memref<1x1x128xi32, #tpu.memory_space<vmem>>
        %dma_start3A_185 = tpu.memref_squeeze %dma_start3A_184 : memref<1x1x128xi32, #tpu.memory_space<vmem>> -> memref<128xi32, #tpu.memory_space<vmem>>
        %dma_start3A_186 = arith.constant 0 : i32
        %dma_start3A_187 = arith.constant 0 : i32
        %dma_start3A_188 = tpu.memref_slice %arg7[%dma_start3A_186, %dma_start3A_187] : memref<10240x128xf32, #tpu.memory_space<vmem_shared>> -> memref<10240x128xf32, #tpu.memory_space<vmem_shared>>
        tpu.enqueue_indirect_dma source(%dma_start3A_182 : memref<128x128xf32, #tpu.memory_space<vmem>>) target(%dma_start3A_188 : memref<10240x128xf32, #tpu.memory_space<vmem_shared>>) offsets(%dma_start3A_185 : memref<128xi32, #tpu.memory_space<vmem>>) semaphore(%run_scoped3A_178 : memref<!tpu.dma_semaphore, #tpu.memory_space<semaphore_mem>>) {add = true}
        %dma_wait3A_189 = arith.constant 0 : i32
        %dma_wait3A_190 = arith.constant 0 : i32
        %dma_wait3A_191 = tpu.memref_slice %arg6[%rem3A_151, %dma_wait3A_189, %dma_wait3A_190] : memref<2x128x128xf32, #tpu.memory_space<vmem>> -> memref<1x128x128xf32, #tpu.memory_space<vmem>>
        %dma_wait3A_192 = tpu.memref_squeeze %dma_wait3A_191 : memref<1x128x128xf32, #tpu.memory_space<vmem>> -> memref<128x128xf32, #tpu.memory_space<vmem>>
        %dma_wait3A_193 = arith.constant 0 : i32
        %dma_wait3A_194 = tpu.memref_slice %arg5[%scan3A_150, %run_scoped3A_177, %dma_wait3A_193] : memref<27x2x128xi32, #tpu.memory_space<vmem>> -> memref<1x1x128xi32, #tpu.memory_space<vmem>>
        %dma_wait3A_195 = tpu.memref_squeeze %dma_wait3A_194 : memref<1x1x128xi32, #tpu.memory_space<vmem>> -> memref<128xi32, #tpu.memory_space<vmem>>
        %dma_wait3A_196 = arith.constant 0 : i32
        %dma_wait3A_197 = arith.constant 0 : i32
        %dma_wait3A_198 = tpu.memref_slice %arg7[%dma_wait3A_196, %dma_wait3A_197] : memref<10240x128xf32, #tpu.memory_space<vmem_shared>> -> memref<10240x128xf32, #tpu.memory_space<vmem_shared>>
        tpu.wait_indirect_dma semaphore(%run_scoped3A_178 : memref<!tpu.dma_semaphore, #tpu.memory_space<semaphore_mem>>) src(%dma_wait3A_192 : memref<128x128xf32, #tpu.memory_space<vmem>>) dst(%dma_wait3A_198 : memref<10240x128xf32, #tpu.memory_space<vmem_shared>>)
        tpu.yield
      }) : () -> ()
    }
    %scan3A_128 = arith.constant 26 : i32
    %dma_wait3A_129 = arith.constant 26 : i32
    %dma_wait3A_130 = arith.constant 0 : i32
    %dma_wait3A_131 = arith.constant 0 : i32
    %dma_wait3A_132 = arith.constant 0 : i32
    %dma_wait3A_133 = arith.constant 0 : i32
    %dma_wait3A_134 = tpu.memref_slice %arg6[%dma_wait3A_131, %dma_wait3A_132, %dma_wait3A_133] : memref<2x128x128xf32, #tpu.memory_space<vmem>> -> memref<1x128x128xf32, #tpu.memory_space<vmem>>
    %dma_wait3A_135 = tpu.memref_squeeze %dma_wait3A_134 : memref<1x128x128xf32, #tpu.memory_space<vmem>> -> memref<128x128xf32, #tpu.memory_space<vmem>>
    %dma_wait3A_136 = arith.constant 0 : i32
    %dma_wait3A_137 = tpu.memref_slice %arg5[%dma_wait3A_129, %dma_wait3A_130, %dma_wait3A_136] : memref<27x2x128xi32, #tpu.memory_space<vmem>> -> memref<1x1x128xi32, #tpu.memory_space<vmem>>
    %dma_wait3A_138 = tpu.memref_squeeze %dma_wait3A_137 : memref<1x1x128xi32, #tpu.memory_space<vmem>> -> memref<128xi32, #tpu.memory_space<vmem>>
    %dma_wait3A_139 = arith.constant 0 : i32
    %dma_wait3A_140 = arith.constant 0 : i32
    %dma_wait3A_141 = tpu.memref_slice %arg2[%dma_wait3A_139, %dma_wait3A_140] : memref<10000x128xf32, #tpu.memory_space<hbm>> -> memref<10000x128xf32, #tpu.memory_space<hbm>>
    tpu.wait_indirect_dma semaphore(%arg8 : memref<!tpu.dma_semaphore, #tpu.memory_space<semaphore_mem>>) src(%dma_wait3A_141 : memref<10000x128xf32, #tpu.memory_space<hbm>>) dst(%dma_wait3A_135 : memref<128x128xf32, #tpu.memory_space<vmem>>)
    %run_scoped3A_142 = arith.constant 0 : i32
    %run_scoped3A_143 = arith.constant 26 : i32
    %run_scoped3A_144 = arith.constant 1 : i32
    "tpu.region"() ({
      %run_scoped3A_150 = tpu.sem_alloc : memref<!tpu.dma_semaphore, #tpu.memory_space<semaphore_mem>>
      %dma_start3A_151 = arith.constant 0 : i32
      %dma_start3A_152 = arith.constant 0 : i32
      %dma_start3A_153 = tpu.memref_slice %arg6[%run_scoped3A_142, %dma_start3A_151, %dma_start3A_152] : memref<2x128x128xf32, #tpu.memory_space<vmem>> -> memref<1x128x128xf32, #tpu.memory_space<vmem>>
      %dma_start3A_154 = tpu.memref_squeeze %dma_start3A_153 : memref<1x128x128xf32, #tpu.memory_space<vmem>> -> memref<128x128xf32, #tpu.memory_space<vmem>>
      %dma_start3A_155 = arith.constant 0 : i32
      %dma_start3A_156 = tpu.memref_slice %arg5[%run_scoped3A_143, %run_scoped3A_144, %dma_start3A_155] : memref<27x2x128xi32, #tpu.memory_space<vmem>> -> memref<1x1x128xi32, #tpu.memory_space<vmem>>
      %dma_start3A_157 = tpu.memref_squeeze %dma_start3A_156 : memref<1x1x128xi32, #tpu.memory_space<vmem>> -> memref<128xi32, #tpu.memory_space<vmem>>
      %dma_start3A_158 = arith.constant 0 : i32
      %dma_start3A_159 = arith.constant 0 : i32
      %dma_start3A_160 = tpu.memref_slice %arg7[%dma_start3A_158, %dma_start3A_159] : memref<10240x128xf32, #tpu.memory_space<vmem_shared>> -> memref<10240x128xf32, #tpu.memory_space<vmem_shared>>
      tpu.enqueue_indirect_dma source(%dma_start3A_154 : memref<128x128xf32, #tpu.memory_space<vmem>>) target(%dma_start3A_160 : memref<10240x128xf32, #tpu.memory_space<vmem_shared>>) offsets(%dma_start3A_157 : memref<128xi32, #tpu.memory_space<vmem>>) semaphore(%run_scoped3A_150 : memref<!tpu.dma_semaphore, #tpu.memory_space<semaphore_mem>>) {add = true}
      %dma_wait3A_161 = arith.constant 0 : i32
      %dma_wait3A_162 = arith.constant 0 : i32
      %dma_wait3A_163 = tpu.memref_slice %arg6[%run_scoped3A_142, %dma_wait3A_161, %dma_wait3A_162] : memref<2x128x128xf32, #tpu.memory_space<vmem>> -> memref<1x128x128xf32, #tpu.memory_space<vmem>>
      %dma_wait3A_164 = tpu.memref_squeeze %dma_wait3A_163 : memref<1x128x128xf32, #tpu.memory_space<vmem>> -> memref<128x128xf32, #tpu.memory_space<vmem>>
      %dma_wait3A_165 = arith.constant 0 : i32
      %dma_wait3A_166 = tpu.memref_slice %arg5[%run_scoped3A_143, %run_scoped3A_144, %dma_wait3A_165] : memref<27x2x128xi32, #tpu.memory_space<vmem>> -> memref<1x1x128xi32, #tpu.memory_space<vmem>>
      %dma_wait3A_167 = tpu.memref_squeeze %dma_wait3A_166 : memref<1x1x128xi32, #tpu.memory_space<vmem>> -> memref<128xi32, #tpu.memory_space<vmem>>
      %dma_wait3A_168 = arith.constant 0 : i32
      %dma_wait3A_169 = arith.constant 0 : i32
      %dma_wait3A_170 = tpu.memref_slice %arg7[%dma_wait3A_168, %dma_wait3A_169] : memref<10240x128xf32, #tpu.memory_space<vmem_shared>> -> memref<10240x128xf32, #tpu.memory_space<vmem_shared>>
      tpu.wait_indirect_dma semaphore(%run_scoped3A_150 : memref<!tpu.dma_semaphore, #tpu.memory_space<semaphore_mem>>) src(%dma_wait3A_164 : memref<128x128xf32, #tpu.memory_space<vmem>>) dst(%dma_wait3A_170 : memref<10240x128xf32, #tpu.memory_space<vmem_shared>>)
      tpu.yield
    }) : () -> ()
    %barrier3A_145 = arith.constant 0 : index
    tpu.barrier barrier_id(%barrier3A_145)
    %mul3A_146 = arith.constant 640 : i32
    %mul3A_147 = arith.muli %arg1, %mul3A_146 : i32
    %mul3A_148 = arith.constant 640 : i32
    %mul3A_149 = arith.muli %arg1, %mul3A_148 : i32
    "tpu.region"() ({
      %run_scoped3A_150 = tpu.sem_alloc : memref<!tpu.dma_semaphore, #tpu.memory_space<semaphore_mem>>
      %dma_start3A_151 = arith.constant 0 : i32
      %dma_start3A_152 = tpu.memref_slice %arg4[%arg0, %mul3A_149, %dma_start3A_151] : memref<2x10240x128xf32, #tpu.memory_space<hbm>> -> memref<1x640x128xf32, #tpu.memory_space<hbm>>
      %dma_start3A_153 = tpu.memref_squeeze %dma_start3A_152 : memref<1x640x128xf32, #tpu.memory_space<hbm>> -> memref<640x128xf32, #tpu.memory_space<hbm>>
      %dma_start3A_154 = arith.constant 0 : i32
      %dma_start3A_155 = tpu.memref_slice %arg7[%mul3A_147, %dma_start3A_154] : memref<10240x128xf32, #tpu.memory_space<vmem_shared>> -> memref<640x128xf32, #tpu.memory_space<vmem_shared>>
      tpu.enqueue_dma source(%dma_start3A_155 : memref<640x128xf32, #tpu.memory_space<vmem_shared>>) target(%dma_start3A_153 : memref<640x128xf32, #tpu.memory_space<hbm>>) target_semaphore(%run_scoped3A_150 : memref<!tpu.dma_semaphore, #tpu.memory_space<semaphore_mem>>)
      %dma_wait3A_156 = arith.constant 0 : i32
      %dma_wait3A_157 = tpu.memref_slice %arg4[%arg0, %mul3A_149, %dma_wait3A_156] : memref<2x10240x128xf32, #tpu.memory_space<hbm>> -> memref<1x640x128xf32, #tpu.memory_space<hbm>>
      %dma_wait3A_158 = tpu.memref_squeeze %dma_wait3A_157 : memref<1x640x128xf32, #tpu.memory_space<hbm>> -> memref<640x128xf32, #tpu.memory_space<hbm>>
      %dma_wait3A_159 = arith.constant 0 : i32
      %dma_wait3A_160 = tpu.memref_slice %arg7[%mul3A_147, %dma_wait3A_159] : memref<10240x128xf32, #tpu.memory_space<vmem_shared>> -> memref<640x128xf32, #tpu.memory_space<vmem_shared>>
      tpu.wait_dma2 semaphore(%run_scoped3A_150 : memref<!tpu.dma_semaphore, #tpu.memory_space<semaphore_mem>>) src(%dma_wait3A_160 : memref<640x128xf32, #tpu.memory_space<vmem_shared>>) dst(%dma_wait3A_158 : memref<640x128xf32, #tpu.memory_space<hbm>>)
      tpu.yield
    }) : () -> ()
    return
  }
}

#map = affine_map<(d0, d1) -> (0)>
#map1 = affine_map<(d0, d1) -> (0, 0)>
module attributes {stable_mosaic.version = 14 : i64} {
  func.func @k(%arg0: i32, %arg1: i32, %arg2: memref<331776xi32, #tpu.memory_space<hbm>>, %arg3: memref<2x10240xf32, #tpu.memory_space<hbm>>, %arg4: memref<10368xi32, #tpu.memory_space<vmem>>, %arg5: memref<10240xf32, #tpu.memory_space<vmem>>, %arg6: memref<640xf32, #tpu.memory_space<vmem>>, %arg7: memref<640xf32, #tpu.memory_space<vmem>>, %arg8: memref<16x10240xf32, #tpu.memory_space<vmem_shared>>) attributes {dimension_semantics = [#tpu.dimension_semantics<core_parallel>, #tpu.dimension_semantics<subcore_parallel>], iteration_bounds = array<i64: 2, 16>, scalar_prefetch = 0 : i64, scratch_operands = 5 : i64, tpu.core_type = #tpu.core_type<sc_vector_subcore>, window_params = [{transform_indices = #map}, {transform_indices = #map1}]} {
    %mul3A = arith.constant 2 : i32
    %mul3A_0 = arith.muli %arg1, %mul3A : i32
    %add3A = arith.addi %mul3A_0, %arg0 : i32
    %scan3A = arith.constant 0 : i32
    %scan3A_1 = arith.constant 0 : i32
    %scan3A_2 = arith.constant 640 : i32
    %scan3A_3 = arith.addi %scan3A_1, %scan3A_2 : i32
    %scan3A_4 = arith.constant 1 : i32
    scf.for %scan3A_122 = %scan3A_1 to %scan3A_3 step %scan3A_4  : i32 {
      %broadcast_in_dim3A_123 = arith.constant 0.000000e+00 : f32
      %broadcast_in_dim3A_124 = vector.broadcast %broadcast_in_dim3A_123 : f32 to vector<16xf32>
      %mul3A_125 = arith.constant 16 : i32
      %mul3A_126 = arith.muli %scan3A_122, %mul3A_125 : i32
      %swap3A = arith.index_cast %mul3A_126 : i32 to index
      %swap3A_127 = tpu.vector_load %arg5[%swap3A] {strides = array<i32>} : memref<10240xf32, #tpu.memory_space<vmem>>, vector<16xf32>,
      tpu.vector_store %arg5[%swap3A], %broadcast_in_dim3A_124 {strides = array<i32>} : memref<10240xf32, #tpu.memory_space<vmem>>, vector<16xf32>,
    }
    %scan3A_5 = arith.constant 640 : i32
    %mul3A_6 = arith.constant 10368 : i32
    %mul3A_7 = arith.muli %add3A, %mul3A_6 : i32
    "tpu.region"() ({
      %run_scoped3A_122 = tpu.sem_alloc : memref<!tpu.dma_semaphore, #tpu.memory_space<semaphore_mem>>
      %dma_start3A = tpu.memref_slice %arg2[%mul3A_7] : memref<331776xi32, #tpu.memory_space<hbm>> -> memref<10368xi32, #tpu.memory_space<hbm>>
      %dma_start3A_123 = tpu.memref_slice %arg2[%mul3A_7] : memref<331776xi32, #tpu.memory_space<hbm>> -> memref<10368xi32, #tpu.memory_space<hbm>>
      tpu.enqueue_dma source(%dma_start3A_123 : memref<10368xi32, #tpu.memory_space<hbm>>) target(%arg4 : memref<10368xi32, #tpu.memory_space<vmem>>) target_semaphore(%run_scoped3A_122 : memref<!tpu.dma_semaphore, #tpu.memory_space<semaphore_mem>>)
      %dma_wait3A = tpu.memref_slice %arg2[%mul3A_7] : memref<331776xi32, #tpu.memory_space<hbm>> -> memref<10368xi32, #tpu.memory_space<hbm>>
      %dma_wait3A_124 = tpu.memref_slice %arg2[%mul3A_7] : memref<331776xi32, #tpu.memory_space<hbm>> -> memref<10368xi32, #tpu.memory_space<hbm>>
      tpu.wait_dma2 semaphore(%run_scoped3A_122 : memref<!tpu.dma_semaphore, #tpu.memory_space<semaphore_mem>>) src(%dma_wait3A_124 : memref<10368xi32, #tpu.memory_space<hbm>>) dst(%arg4 : memref<10368xi32, #tpu.memory_space<vmem>>)
      tpu.yield
    }) : () -> ()
    %broadcast_in_dim3A = arith.constant 1.000000e+00 : f32
    %broadcast_in_dim3A_8 = vector.broadcast %broadcast_in_dim3A : f32 to vector<16xf32>
    %scan3A_9 = arith.constant 0 : i32
    %scan3A_10 = arith.constant 0 : i32
    %scan3A_11 = arith.constant 648 : i32
    %scan3A_12 = arith.addi %scan3A_10, %scan3A_11 : i32
    %scan3A_13 = arith.constant 1 : i32
    scf.for %scan3A_122 = %scan3A_10 to %scan3A_12 step %scan3A_13  : i32 {
      %mul3A_123 = arith.constant 16 : i32
      %mul3A_124 = arith.muli %scan3A_122, %mul3A_123 : i32
      %get3A = arith.index_cast %mul3A_124 : i32 to index
      %get3A_125 = tpu.vector_load %arg4[%get3A] {strides = array<i32>} : memref<10368xi32, #tpu.memory_space<vmem>>, vector<16xi32>,
      tpu.vector_store_idx %arg5[%get3A_125], %broadcast_in_dim3A_8 {add = true} : memref<10240xf32, #tpu.memory_space<vmem>>[vector<16xi32>], vector<16xf32>,
    }
    %scan3A_14 = arith.constant 648 : i32
    "tpu.region"() ({
      %run_scoped3A_122 = tpu.sem_alloc : memref<!tpu.dma_semaphore, #tpu.memory_space<semaphore_mem>>
      %dma_start3A = arith.constant 0 : i32
      %dma_start3A_123 = tpu.memref_slice %arg8[%arg1, %dma_start3A] : memref<16x10240xf32, #tpu.memory_space<vmem_shared>> -> memref<1x10240xf32, #tpu.memory_space<vmem_shared>>
      %dma_start3A_124 = tpu.memref_squeeze %dma_start3A_123 : memref<1x10240xf32, #tpu.memory_space<vmem_shared>> -> memref<10240xf32, #tpu.memory_space<vmem_shared>>
      %dma_start3A_125 = arith.constant 0 : i32
      %dma_start3A_126 = tpu.memref_slice %arg8[%arg1, %dma_start3A_125] : memref<16x10240xf32, #tpu.memory_space<vmem_shared>> -> memref<1x10240xf32, #tpu.memory_space<vmem_shared>>
      %dma_start3A_127 = tpu.memref_squeeze %dma_start3A_126 : memref<1x10240xf32, #tpu.memory_space<vmem_shared>> -> memref<10240xf32, #tpu.memory_space<vmem_shared>>
      tpu.enqueue_dma source(%arg5 : memref<10240xf32, #tpu.memory_space<vmem>>) target(%dma_start3A_127 : memref<10240xf32, #tpu.memory_space<vmem_shared>>) target_semaphore(%run_scoped3A_122 : memref<!tpu.dma_semaphore, #tpu.memory_space<semaphore_mem>>)
      %dma_wait3A = arith.constant 0 : i32
      %dma_wait3A_128 = tpu.memref_slice %arg8[%arg1, %dma_wait3A] : memref<16x10240xf32, #tpu.memory_space<vmem_shared>> -> memref<1x10240xf32, #tpu.memory_space<vmem_shared>>
      %dma_wait3A_129 = tpu.memref_squeeze %dma_wait3A_128 : memref<1x10240xf32, #tpu.memory_space<vmem_shared>> -> memref<10240xf32, #tpu.memory_space<vmem_shared>>
      %dma_wait3A_130 = arith.constant 0 : i32
      %dma_wait3A_131 = tpu.memref_slice %arg8[%arg1, %dma_wait3A_130] : memref<16x10240xf32, #tpu.memory_space<vmem_shared>> -> memref<1x10240xf32, #tpu.memory_space<vmem_shared>>
      %dma_wait3A_132 = tpu.memref_squeeze %dma_wait3A_131 : memref<1x10240xf32, #tpu.memory_space<vmem_shared>> -> memref<10240xf32, #tpu.memory_space<vmem_shared>>
      tpu.wait_dma2 semaphore(%run_scoped3A_122 : memref<!tpu.dma_semaphore, #tpu.memory_space<semaphore_mem>>) src(%arg5 : memref<10240xf32, #tpu.memory_space<vmem>>) dst(%dma_wait3A_132 : memref<10240xf32, #tpu.memory_space<vmem_shared>>)
      tpu.yield
    }) : () -> ()
    %barrier3A = arith.constant 0 : index
    tpu.barrier barrier_id(%barrier3A)
    %mul3A_15 = arith.constant 640 : i32
    %mul3A_16 = arith.muli %arg1, %mul3A_15 : i32
    %run_scoped3A = arith.constant 0 : i32
    "tpu.region"() ({
      %run_scoped3A_122 = tpu.sem_alloc : memref<!tpu.dma_semaphore, #tpu.memory_space<semaphore_mem>>
      %dma_start3A = tpu.memref_slice %arg8[%run_scoped3A, %mul3A_16] : memref<16x10240xf32, #tpu.memory_space<vmem_shared>> -> memref<1x640xf32, #tpu.memory_space<vmem_shared>>
      %dma_start3A_123 = tpu.memref_squeeze %dma_start3A : memref<1x640xf32, #tpu.memory_space<vmem_shared>> -> memref<640xf32, #tpu.memory_space<vmem_shared>>
      %dma_start3A_124 = tpu.memref_slice %arg8[%run_scoped3A, %mul3A_16] : memref<16x10240xf32, #tpu.memory_space<vmem_shared>> -> memref<1x640xf32, #tpu.memory_space<vmem_shared>>
      %dma_start3A_125 = tpu.memref_squeeze %dma_start3A_124 : memref<1x640xf32, #tpu.memory_space<vmem_shared>> -> memref<640xf32, #tpu.memory_space<vmem_shared>>
      tpu.enqueue_dma source(%dma_start3A_125 : memref<640xf32, #tpu.memory_space<vmem_shared>>) target(%arg6 : memref<640xf32, #tpu.memory_space<vmem>>) target_semaphore(%run_scoped3A_122 : memref<!tpu.dma_semaphore, #tpu.memory_space<semaphore_mem>>)
      %dma_wait3A = tpu.memref_slice %arg8[%run_scoped3A, %mul3A_16] : memref<16x10240xf32, #tpu.memory_space<vmem_shared>> -> memref<1x640xf32, #tpu.memory_space<vmem_shared>>
      %dma_wait3A_126 = tpu.memref_squeeze %dma_wait3A : memref<1x640xf32, #tpu.memory_space<vmem_shared>> -> memref<640xf32, #tpu.memory_space<vmem_shared>>
      %dma_wait3A_127 = tpu.memref_slice %arg8[%run_scoped3A, %mul3A_16] : memref<16x10240xf32, #tpu.memory_space<vmem_shared>> -> memref<1x640xf32, #tpu.memory_space<vmem_shared>>
      %dma_wait3A_128 = tpu.memref_squeeze %dma_wait3A_127 : memref<1x640xf32, #tpu.memory_space<vmem_shared>> -> memref<640xf32, #tpu.memory_space<vmem_shared>>
      tpu.wait_dma2 semaphore(%run_scoped3A_122 : memref<!tpu.dma_semaphore, #tpu.memory_space<semaphore_mem>>) src(%dma_wait3A_128 : memref<640xf32, #tpu.memory_space<vmem_shared>>) dst(%arg6 : memref<640xf32, #tpu.memory_space<vmem>>)
      tpu.yield
    }) : () -> ()
    %run_scoped3A_17 = arith.constant 1 : i32
    "tpu.region"() ({
      %run_scoped3A_122 = tpu.sem_alloc : memref<!tpu.dma_semaphore, #tpu.memory_space<semaphore_mem>>
      %dma_start3A = tpu.memref_slice %arg8[%run_scoped3A_17, %mul3A_16] : memref<16x10240xf32, #tpu.memory_space<vmem_shared>> -> memref<1x640xf32, #tpu.memory_space<vmem_shared>>
      %dma_start3A_123 = tpu.memref_squeeze %dma_start3A : memref<1x640xf32, #tpu.memory_space<vmem_shared>> -> memref<640xf32, #tpu.memory_space<vmem_shared>>
      %dma_start3A_124 = tpu.memref_slice %arg8[%run_scoped3A_17, %mul3A_16] : memref<16x10240xf32, #tpu.memory_space<vmem_shared>> -> memref<1x640xf32, #tpu.memory_space<vmem_shared>>
      %dma_start3A_125 = tpu.memref_squeeze %dma_start3A_124 : memref<1x640xf32, #tpu.memory_space<vmem_shared>> -> memref<640xf32, #tpu.memory_space<vmem_shared>>
      tpu.enqueue_dma source(%dma_start3A_125 : memref<640xf32, #tpu.memory_space<vmem_shared>>) target(%arg7 : memref<640xf32, #tpu.memory_space<vmem>>) target_semaphore(%run_scoped3A_122 : memref<!tpu.dma_semaphore, #tpu.memory_space<semaphore_mem>>)
      %dma_wait3A = tpu.memref_slice %arg8[%run_scoped3A_17, %mul3A_16] : memref<16x10240xf32, #tpu.memory_space<vmem_shared>> -> memref<1x640xf32, #tpu.memory_space<vmem_shared>>
      %dma_wait3A_126 = tpu.memref_squeeze %dma_wait3A : memref<1x640xf32, #tpu.memory_space<vmem_shared>> -> memref<640xf32, #tpu.memory_space<vmem_shared>>
      %dma_wait3A_127 = tpu.memref_slice %arg8[%run_scoped3A_17, %mul3A_16] : memref<16x10240xf32, #tpu.memory_space<vmem_shared>> -> memref<1x640xf32, #tpu.memory_space<vmem_shared>>
      %dma_wait3A_128 = tpu.memref_squeeze %dma_wait3A_127 : memref<1x640xf32, #tpu.memory_space<vmem_shared>> -> memref<640xf32, #tpu.memory_space<vmem_shared>>
      tpu.wait_dma2 semaphore(%run_scoped3A_122 : memref<!tpu.dma_semaphore, #tpu.memory_space<semaphore_mem>>) src(%dma_wait3A_128 : memref<640xf32, #tpu.memory_space<vmem_shared>>) dst(%arg7 : memref<640xf32, #tpu.memory_space<vmem>>)
      tpu.yield
    }) : () -> ()
    %scan3A_18 = arith.constant 0 : i32
    %scan3A_19 = arith.constant 0 : i32
    %scan3A_20 = arith.constant 40 : i32
    %scan3A_21 = arith.addi %scan3A_19, %scan3A_20 : i32
    %scan3A_22 = arith.constant 1 : i32
    scf.for %scan3A_122 = %scan3A_19 to %scan3A_21 step %scan3A_22  : i32 {
      %mul3A_123 = arith.constant 16 : i32
      %mul3A_124 = arith.muli %scan3A_122, %mul3A_123 : i32
      %get3A = arith.index_cast %mul3A_124 : i32 to index
      %get3A_125 = tpu.vector_load %arg6[%get3A] {strides = array<i32>} : memref<640xf32, #tpu.memory_space<vmem>>, vector<16xf32>,
      %get3A_126 = arith.index_cast %mul3A_124 : i32 to index
      %get3A_127 = tpu.vector_load %arg7[%get3A_126] {strides = array<i32>} : memref<640xf32, #tpu.memory_space<vmem>>, vector<16xf32>,
      %add3A_128 = arith.addf %get3A_125, %get3A_127 : vector<16xf32>
      %swap3A = arith.index_cast %mul3A_124 : i32 to index
      %swap3A_129 = tpu.vector_load %arg6[%swap3A] {strides = array<i32>} : memref<640xf32, #tpu.memory_space<vmem>>, vector<16xf32>,
      tpu.vector_store %arg6[%swap3A], %add3A_128 {strides = array<i32>} : memref<640xf32, #tpu.memory_space<vmem>>, vector<16xf32>,
    }
    %scan3A_23 = arith.constant 40 : i32
    %run_scoped3A_24 = arith.constant 2 : i32
    "tpu.region"() ({
      %run_scoped3A_122 = tpu.sem_alloc : memref<!tpu.dma_semaphore, #tpu.memory_space<semaphore_mem>>
      %dma_start3A = tpu.memref_slice %arg8[%run_scoped3A_24, %mul3A_16] : memref<16x10240xf32, #tpu.memory_space<vmem_shared>> -> memref<1x640xf32, #tpu.memory_space<vmem_shared>>
      %dma_start3A_123 = tpu.memref_squeeze %dma_start3A : memref<1x640xf32, #tpu.memory_space<vmem_shared>> -> memref<640xf32, #tpu.memory_space<vmem_shared>>
      %dma_start3A_124 = tpu.memref_slice %arg8[%run_scoped3A_24, %mul3A_16] : memref<16x10240xf32, #tpu.memory_space<vmem_shared>> -> memref<1x640xf32, #tpu.memory_space<vmem_shared>>
      %dma_start3A_125 = tpu.memref_squeeze %dma_start3A_124 : memref<1x640xf32, #tpu.memory_space<vmem_shared>> -> memref<640xf32, #tpu.memory_space<vmem_shared>>
      tpu.enqueue_dma source(%dma_start3A_125 : memref<640xf32, #tpu.memory_space<vmem_shared>>) target(%arg7 : memref<640xf32, #tpu.memory_space<vmem>>) target_semaphore(%run_scoped3A_122 : memref<!tpu.dma_semaphore, #tpu.memory_space<semaphore_mem>>)
      %dma_wait3A = tpu.memref_slice %arg8[%run_scoped3A_24, %mul3A_16] : memref<16x10240xf32, #tpu.memory_space<vmem_shared>> -> memref<1x640xf32, #tpu.memory_space<vmem_shared>>
      %dma_wait3A_126 = tpu.memref_squeeze %dma_wait3A : memref<1x640xf32, #tpu.memory_space<vmem_shared>> -> memref<640xf32, #tpu.memory_space<vmem_shared>>
      %dma_wait3A_127 = tpu.memref_slice %arg8[%run_scoped3A_24, %mul3A_16] : memref<16x10240xf32, #tpu.memory_space<vmem_shared>> -> memref<1x640xf32, #tpu.memory_space<vmem_shared>>
      %dma_wait3A_128 = tpu.memref_squeeze %dma_wait3A_127 : memref<1x640xf32, #tpu.memory_space<vmem_shared>> -> memref<640xf32, #tpu.memory_space<vmem_shared>>
      tpu.wait_dma2 semaphore(%run_scoped3A_122 : memref<!tpu.dma_semaphore, #tpu.memory_space<semaphore_mem>>) src(%dma_wait3A_128 : memref<640xf32, #tpu.memory_space<vmem_shared>>) dst(%arg7 : memref<640xf32, #tpu.memory_space<vmem>>)
      tpu.yield
    }) : () -> ()
    %scan3A_25 = arith.constant 0 : i32
    %scan3A_26 = arith.constant 0 : i32
    %scan3A_27 = arith.constant 40 : i32
    %scan3A_28 = arith.addi %scan3A_26, %scan3A_27 : i32
    %scan3A_29 = arith.constant 1 : i32
    scf.for %scan3A_122 = %scan3A_26 to %scan3A_28 step %scan3A_29  : i32 {
      %mul3A_123 = arith.constant 16 : i32
      %mul3A_124 = arith.muli %scan3A_122, %mul3A_123 : i32
      %get3A = arith.index_cast %mul3A_124 : i32 to index
      %get3A_125 = tpu.vector_load %arg6[%get3A] {strides = array<i32>} : memref<640xf32, #tpu.memory_space<vmem>>, vector<16xf32>,
      %get3A_126 = arith.index_cast %mul3A_124 : i32 to index
      %get3A_127 = tpu.vector_load %arg7[%get3A_126] {strides = array<i32>} : memref<640xf32, #tpu.memory_space<vmem>>, vector<16xf32>,
      %add3A_128 = arith.addf %get3A_125, %get3A_127 : vector<16xf32>
      %swap3A = arith.index_cast %mul3A_124 : i32 to index
      %swap3A_129 = tpu.vector_load %arg6[%swap3A] {strides = array<i32>} : memref<640xf32, #tpu.memory_space<vmem>>, vector<16xf32>,
      tpu.vector_store %arg6[%swap3A], %add3A_128 {strides = array<i32>} : memref<640xf32, #tpu.memory_space<vmem>>, vector<16xf32>,
    }
    %scan3A_30 = arith.constant 40 : i32
    %run_scoped3A_31 = arith.constant 3 : i32
    "tpu.region"() ({
      %run_scoped3A_122 = tpu.sem_alloc : memref<!tpu.dma_semaphore, #tpu.memory_space<semaphore_mem>>
      %dma_start3A = tpu.memref_slice %arg8[%run_scoped3A_31, %mul3A_16] : memref<16x10240xf32, #tpu.memory_space<vmem_shared>> -> memref<1x640xf32, #tpu.memory_space<vmem_shared>>
      %dma_start3A_123 = tpu.memref_squeeze %dma_start3A : memref<1x640xf32, #tpu.memory_space<vmem_shared>> -> memref<640xf32, #tpu.memory_space<vmem_shared>>
      %dma_start3A_124 = tpu.memref_slice %arg8[%run_scoped3A_31, %mul3A_16] : memref<16x10240xf32, #tpu.memory_space<vmem_shared>> -> memref<1x640xf32, #tpu.memory_space<vmem_shared>>
      %dma_start3A_125 = tpu.memref_squeeze %dma_start3A_124 : memref<1x640xf32, #tpu.memory_space<vmem_shared>> -> memref<640xf32, #tpu.memory_space<vmem_shared>>
      tpu.enqueue_dma source(%dma_start3A_125 : memref<640xf32, #tpu.memory_space<vmem_shared>>) target(%arg7 : memref<640xf32, #tpu.memory_space<vmem>>) target_semaphore(%run_scoped3A_122 : memref<!tpu.dma_semaphore, #tpu.memory_space<semaphore_mem>>)
      %dma_wait3A = tpu.memref_slice %arg8[%run_scoped3A_31, %mul3A_16] : memref<16x10240xf32, #tpu.memory_space<vmem_shared>> -> memref<1x640xf32, #tpu.memory_space<vmem_shared>>
      %dma_wait3A_126 = tpu.memref_squeeze %dma_wait3A : memref<1x640xf32, #tpu.memory_space<vmem_shared>> -> memref<640xf32, #tpu.memory_space<vmem_shared>>
      %dma_wait3A_127 = tpu.memref_slice %arg8[%run_scoped3A_31, %mul3A_16] : memref<16x10240xf32, #tpu.memory_space<vmem_shared>> -> memref<1x640xf32, #tpu.memory_space<vmem_shared>>
      %dma_wait3A_128 = tpu.memref_squeeze %dma_wait3A_127 : memref<1x640xf32, #tpu.memory_space<vmem_shared>> -> memref<640xf32, #tpu.memory_space<vmem_shared>>
      tpu.wait_dma2 semaphore(%run_scoped3A_122 : memref<!tpu.dma_semaphore, #tpu.memory_space<semaphore_mem>>) src(%dma_wait3A_128 : memref<640xf32, #tpu.memory_space<vmem_shared>>) dst(%arg7 : memref<640xf32, #tpu.memory_space<vmem>>)
      tpu.yield
    }) : () -> ()
    %scan3A_32 = arith.constant 0 : i32
    %scan3A_33 = arith.constant 0 : i32
    %scan3A_34 = arith.constant 40 : i32
    %scan3A_35 = arith.addi %scan3A_33, %scan3A_34 : i32
    %scan3A_36 = arith.constant 1 : i32
    scf.for %scan3A_122 = %scan3A_33 to %scan3A_35 step %scan3A_36  : i32 {
      %mul3A_123 = arith.constant 16 : i32
      %mul3A_124 = arith.muli %scan3A_122, %mul3A_123 : i32
      %get3A = arith.index_cast %mul3A_124 : i32 to index
      %get3A_125 = tpu.vector_load %arg6[%get3A] {strides = array<i32>} : memref<640xf32, #tpu.memory_space<vmem>>, vector<16xf32>,
      %get3A_126 = arith.index_cast %mul3A_124 : i32 to index
      %get3A_127 = tpu.vector_load %arg7[%get3A_126] {strides = array<i32>} : memref<640xf32, #tpu.memory_space<vmem>>, vector<16xf32>,
      %add3A_128 = arith.addf %get3A_125, %get3A_127 : vector<16xf32>
      %swap3A = arith.index_cast %mul3A_124 : i32 to index
      %swap3A_129 = tpu.vector_load %arg6[%swap3A] {strides = array<i32>} : memref<640xf32, #tpu.memory_space<vmem>>, vector<16xf32>,
      tpu.vector_store %arg6[%swap3A], %add3A_128 {strides = array<i32>} : memref<640xf32, #tpu.memory_space<vmem>>, vector<16xf32>,
    }
    %scan3A_37 = arith.constant 40 : i32
    %run_scoped3A_38 = arith.constant 4 : i32
    "tpu.region"() ({
      %run_scoped3A_122 = tpu.sem_alloc : memref<!tpu.dma_semaphore, #tpu.memory_space<semaphore_mem>>
      %dma_start3A = tpu.memref_slice %arg8[%run_scoped3A_38, %mul3A_16] : memref<16x10240xf32, #tpu.memory_space<vmem_shared>> -> memref<1x640xf32, #tpu.memory_space<vmem_shared>>
      %dma_start3A_123 = tpu.memref_squeeze %dma_start3A : memref<1x640xf32, #tpu.memory_space<vmem_shared>> -> memref<640xf32, #tpu.memory_space<vmem_shared>>
      %dma_start3A_124 = tpu.memref_slice %arg8[%run_scoped3A_38, %mul3A_16] : memref<16x10240xf32, #tpu.memory_space<vmem_shared>> -> memref<1x640xf32, #tpu.memory_space<vmem_shared>>
      %dma_start3A_125 = tpu.memref_squeeze %dma_start3A_124 : memref<1x640xf32, #tpu.memory_space<vmem_shared>> -> memref<640xf32, #tpu.memory_space<vmem_shared>>
      tpu.enqueue_dma source(%dma_start3A_125 : memref<640xf32, #tpu.memory_space<vmem_shared>>) target(%arg7 : memref<640xf32, #tpu.memory_space<vmem>>) target_semaphore(%run_scoped3A_122 : memref<!tpu.dma_semaphore, #tpu.memory_space<semaphore_mem>>)
      %dma_wait3A = tpu.memref_slice %arg8[%run_scoped3A_38, %mul3A_16] : memref<16x10240xf32, #tpu.memory_space<vmem_shared>> -> memref<1x640xf32, #tpu.memory_space<vmem_shared>>
      %dma_wait3A_126 = tpu.memref_squeeze %dma_wait3A : memref<1x640xf32, #tpu.memory_space<vmem_shared>> -> memref<640xf32, #tpu.memory_space<vmem_shared>>
      %dma_wait3A_127 = tpu.memref_slice %arg8[%run_scoped3A_38, %mul3A_16] : memref<16x10240xf32, #tpu.memory_space<vmem_shared>> -> memref<1x640xf32, #tpu.memory_space<vmem_shared>>
      %dma_wait3A_128 = tpu.memref_squeeze %dma_wait3A_127 : memref<1x640xf32, #tpu.memory_space<vmem_shared>> -> memref<640xf32, #tpu.memory_space<vmem_shared>>
      tpu.wait_dma2 semaphore(%run_scoped3A_122 : memref<!tpu.dma_semaphore, #tpu.memory_space<semaphore_mem>>) src(%dma_wait3A_128 : memref<640xf32, #tpu.memory_space<vmem_shared>>) dst(%arg7 : memref<640xf32, #tpu.memory_space<vmem>>)
      tpu.yield
    }) : () -> ()
    %scan3A_39 = arith.constant 0 : i32
    %scan3A_40 = arith.constant 0 : i32
    %scan3A_41 = arith.constant 40 : i32
    %scan3A_42 = arith.addi %scan3A_40, %scan3A_41 : i32
    %scan3A_43 = arith.constant 1 : i32
    scf.for %scan3A_122 = %scan3A_40 to %scan3A_42 step %scan3A_43  : i32 {
      %mul3A_123 = arith.constant 16 : i32
      %mul3A_124 = arith.muli %scan3A_122, %mul3A_123 : i32
      %get3A = arith.index_cast %mul3A_124 : i32 to index
      %get3A_125 = tpu.vector_load %arg6[%get3A] {strides = array<i32>} : memref<640xf32, #tpu.memory_space<vmem>>, vector<16xf32>,
      %get3A_126 = arith.index_cast %mul3A_124 : i32 to index
      %get3A_127 = tpu.vector_load %arg7[%get3A_126] {strides = array<i32>} : memref<640xf32, #tpu.memory_space<vmem>>, vector<16xf32>,
      %add3A_128 = arith.addf %get3A_125, %get3A_127 : vector<16xf32>
      %swap3A = arith.index_cast %mul3A_124 : i32 to index
      %swap3A_129 = tpu.vector_load %arg6[%swap3A] {strides = array<i32>} : memref<640xf32, #tpu.memory_space<vmem>>, vector<16xf32>,
      tpu.vector_store %arg6[%swap3A], %add3A_128 {strides = array<i32>} : memref<640xf32, #tpu.memory_space<vmem>>, vector<16xf32>,
    }
    %scan3A_44 = arith.constant 40 : i32
    %run_scoped3A_45 = arith.constant 5 : i32
    "tpu.region"() ({
      %run_scoped3A_122 = tpu.sem_alloc : memref<!tpu.dma_semaphore, #tpu.memory_space<semaphore_mem>>
      %dma_start3A = tpu.memref_slice %arg8[%run_scoped3A_45, %mul3A_16] : memref<16x10240xf32, #tpu.memory_space<vmem_shared>> -> memref<1x640xf32, #tpu.memory_space<vmem_shared>>
      %dma_start3A_123 = tpu.memref_squeeze %dma_start3A : memref<1x640xf32, #tpu.memory_space<vmem_shared>> -> memref<640xf32, #tpu.memory_space<vmem_shared>>
      %dma_start3A_124 = tpu.memref_slice %arg8[%run_scoped3A_45, %mul3A_16] : memref<16x10240xf32, #tpu.memory_space<vmem_shared>> -> memref<1x640xf32, #tpu.memory_space<vmem_shared>>
      %dma_start3A_125 = tpu.memref_squeeze %dma_start3A_124 : memref<1x640xf32, #tpu.memory_space<vmem_shared>> -> memref<640xf32, #tpu.memory_space<vmem_shared>>
      tpu.enqueue_dma source(%dma_start3A_125 : memref<640xf32, #tpu.memory_space<vmem_shared>>) target(%arg7 : memref<640xf32, #tpu.memory_space<vmem>>) target_semaphore(%run_scoped3A_122 : memref<!tpu.dma_semaphore, #tpu.memory_space<semaphore_mem>>)
      %dma_wait3A = tpu.memref_slice %arg8[%run_scoped3A_45, %mul3A_16] : memref<16x10240xf32, #tpu.memory_space<vmem_shared>> -> memref<1x640xf32, #tpu.memory_space<vmem_shared>>
      %dma_wait3A_126 = tpu.memref_squeeze %dma_wait3A : memref<1x640xf32, #tpu.memory_space<vmem_shared>> -> memref<640xf32, #tpu.memory_space<vmem_shared>>
      %dma_wait3A_127 = tpu.memref_slice %arg8[%run_scoped3A_45, %mul3A_16] : memref<16x10240xf32, #tpu.memory_space<vmem_shared>> -> memref<1x640xf32, #tpu.memory_space<vmem_shared>>
      %dma_wait3A_128 = tpu.memref_squeeze %dma_wait3A_127 : memref<1x640xf32, #tpu.memory_space<vmem_shared>> -> memref<640xf32, #tpu.memory_space<vmem_shared>>
      tpu.wait_dma2 semaphore(%run_scoped3A_122 : memref<!tpu.dma_semaphore, #tpu.memory_space<semaphore_mem>>) src(%dma_wait3A_128 : memref<640xf32, #tpu.memory_space<vmem_shared>>) dst(%arg7 : memref<640xf32, #tpu.memory_space<vmem>>)
      tpu.yield
    }) : () -> ()
    %scan3A_46 = arith.constant 0 : i32
    %scan3A_47 = arith.constant 0 : i32
    %scan3A_48 = arith.constant 40 : i32
    %scan3A_49 = arith.addi %scan3A_47, %scan3A_48 : i32
    %scan3A_50 = arith.constant 1 : i32
    scf.for %scan3A_122 = %scan3A_47 to %scan3A_49 step %scan3A_50  : i32 {
      %mul3A_123 = arith.constant 16 : i32
      %mul3A_124 = arith.muli %scan3A_122, %mul3A_123 : i32
      %get3A = arith.index_cast %mul3A_124 : i32 to index
      %get3A_125 = tpu.vector_load %arg6[%get3A] {strides = array<i32>} : memref<640xf32, #tpu.memory_space<vmem>>, vector<16xf32>,
      %get3A_126 = arith.index_cast %mul3A_124 : i32 to index
      %get3A_127 = tpu.vector_load %arg7[%get3A_126] {strides = array<i32>} : memref<640xf32, #tpu.memory_space<vmem>>, vector<16xf32>,
      %add3A_128 = arith.addf %get3A_125, %get3A_127 : vector<16xf32>
      %swap3A = arith.index_cast %mul3A_124 : i32 to index
      %swap3A_129 = tpu.vector_load %arg6[%swap3A] {strides = array<i32>} : memref<640xf32, #tpu.memory_space<vmem>>, vector<16xf32>,
      tpu.vector_store %arg6[%swap3A], %add3A_128 {strides = array<i32>} : memref<640xf32, #tpu.memory_space<vmem>>, vector<16xf32>,
    }
    %scan3A_51 = arith.constant 40 : i32
    %run_scoped3A_52 = arith.constant 6 : i32
    "tpu.region"() ({
      %run_scoped3A_122 = tpu.sem_alloc : memref<!tpu.dma_semaphore, #tpu.memory_space<semaphore_mem>>
      %dma_start3A = tpu.memref_slice %arg8[%run_scoped3A_52, %mul3A_16] : memref<16x10240xf32, #tpu.memory_space<vmem_shared>> -> memref<1x640xf32, #tpu.memory_space<vmem_shared>>
      %dma_start3A_123 = tpu.memref_squeeze %dma_start3A : memref<1x640xf32, #tpu.memory_space<vmem_shared>> -> memref<640xf32, #tpu.memory_space<vmem_shared>>
      %dma_start3A_124 = tpu.memref_slice %arg8[%run_scoped3A_52, %mul3A_16] : memref<16x10240xf32, #tpu.memory_space<vmem_shared>> -> memref<1x640xf32, #tpu.memory_space<vmem_shared>>
      %dma_start3A_125 = tpu.memref_squeeze %dma_start3A_124 : memref<1x640xf32, #tpu.memory_space<vmem_shared>> -> memref<640xf32, #tpu.memory_space<vmem_shared>>
      tpu.enqueue_dma source(%dma_start3A_125 : memref<640xf32, #tpu.memory_space<vmem_shared>>) target(%arg7 : memref<640xf32, #tpu.memory_space<vmem>>) target_semaphore(%run_scoped3A_122 : memref<!tpu.dma_semaphore, #tpu.memory_space<semaphore_mem>>)
      %dma_wait3A = tpu.memref_slice %arg8[%run_scoped3A_52, %mul3A_16] : memref<16x10240xf32, #tpu.memory_space<vmem_shared>> -> memref<1x640xf32, #tpu.memory_space<vmem_shared>>
      %dma_wait3A_126 = tpu.memref_squeeze %dma_wait3A : memref<1x640xf32, #tpu.memory_space<vmem_shared>> -> memref<640xf32, #tpu.memory_space<vmem_shared>>
      %dma_wait3A_127 = tpu.memref_slice %arg8[%run_scoped3A_52, %mul3A_16] : memref<16x10240xf32, #tpu.memory_space<vmem_shared>> -> memref<1x640xf32, #tpu.memory_space<vmem_shared>>
      %dma_wait3A_128 = tpu.memref_squeeze %dma_wait3A_127 : memref<1x640xf32, #tpu.memory_space<vmem_shared>> -> memref<640xf32, #tpu.memory_space<vmem_shared>>
      tpu.wait_dma2 semaphore(%run_scoped3A_122 : memref<!tpu.dma_semaphore, #tpu.memory_space<semaphore_mem>>) src(%dma_wait3A_128 : memref<640xf32, #tpu.memory_space<vmem_shared>>) dst(%arg7 : memref<640xf32, #tpu.memory_space<vmem>>)
      tpu.yield
    }) : () -> ()
    %scan3A_53 = arith.constant 0 : i32
    %scan3A_54 = arith.constant 0 : i32
    %scan3A_55 = arith.constant 40 : i32
    %scan3A_56 = arith.addi %scan3A_54, %scan3A_55 : i32
    %scan3A_57 = arith.constant 1 : i32
    scf.for %scan3A_122 = %scan3A_54 to %scan3A_56 step %scan3A_57  : i32 {
      %mul3A_123 = arith.constant 16 : i32
      %mul3A_124 = arith.muli %scan3A_122, %mul3A_123 : i32
      %get3A = arith.index_cast %mul3A_124 : i32 to index
      %get3A_125 = tpu.vector_load %arg6[%get3A] {strides = array<i32>} : memref<640xf32, #tpu.memory_space<vmem>>, vector<16xf32>,
      %get3A_126 = arith.index_cast %mul3A_124 : i32 to index
      %get3A_127 = tpu.vector_load %arg7[%get3A_126] {strides = array<i32>} : memref<640xf32, #tpu.memory_space<vmem>>, vector<16xf32>,
      %add3A_128 = arith.addf %get3A_125, %get3A_127 : vector<16xf32>
      %swap3A = arith.index_cast %mul3A_124 : i32 to index
      %swap3A_129 = tpu.vector_load %arg6[%swap3A] {strides = array<i32>} : memref<640xf32, #tpu.memory_space<vmem>>, vector<16xf32>,
      tpu.vector_store %arg6[%swap3A], %add3A_128 {strides = array<i32>} : memref<640xf32, #tpu.memory_space<vmem>>, vector<16xf32>,
    }
    %scan3A_58 = arith.constant 40 : i32
    %run_scoped3A_59 = arith.constant 7 : i32
    "tpu.region"() ({
      %run_scoped3A_122 = tpu.sem_alloc : memref<!tpu.dma_semaphore, #tpu.memory_space<semaphore_mem>>
      %dma_start3A = tpu.memref_slice %arg8[%run_scoped3A_59, %mul3A_16] : memref<16x10240xf32, #tpu.memory_space<vmem_shared>> -> memref<1x640xf32, #tpu.memory_space<vmem_shared>>
      %dma_start3A_123 = tpu.memref_squeeze %dma_start3A : memref<1x640xf32, #tpu.memory_space<vmem_shared>> -> memref<640xf32, #tpu.memory_space<vmem_shared>>
      %dma_start3A_124 = tpu.memref_slice %arg8[%run_scoped3A_59, %mul3A_16] : memref<16x10240xf32, #tpu.memory_space<vmem_shared>> -> memref<1x640xf32, #tpu.memory_space<vmem_shared>>
      %dma_start3A_125 = tpu.memref_squeeze %dma_start3A_124 : memref<1x640xf32, #tpu.memory_space<vmem_shared>> -> memref<640xf32, #tpu.memory_space<vmem_shared>>
      tpu.enqueue_dma source(%dma_start3A_125 : memref<640xf32, #tpu.memory_space<vmem_shared>>) target(%arg7 : memref<640xf32, #tpu.memory_space<vmem>>) target_semaphore(%run_scoped3A_122 : memref<!tpu.dma_semaphore, #tpu.memory_space<semaphore_mem>>)
      %dma_wait3A = tpu.memref_slice %arg8[%run_scoped3A_59, %mul3A_16] : memref<16x10240xf32, #tpu.memory_space<vmem_shared>> -> memref<1x640xf32, #tpu.memory_space<vmem_shared>>
      %dma_wait3A_126 = tpu.memref_squeeze %dma_wait3A : memref<1x640xf32, #tpu.memory_space<vmem_shared>> -> memref<640xf32, #tpu.memory_space<vmem_shared>>
      %dma_wait3A_127 = tpu.memref_slice %arg8[%run_scoped3A_59, %mul3A_16] : memref<16x10240xf32, #tpu.memory_space<vmem_shared>> -> memref<1x640xf32, #tpu.memory_space<vmem_shared>>
      %dma_wait3A_128 = tpu.memref_squeeze %dma_wait3A_127 : memref<1x640xf32, #tpu.memory_space<vmem_shared>> -> memref<640xf32, #tpu.memory_space<vmem_shared>>
      tpu.wait_dma2 semaphore(%run_scoped3A_122 : memref<!tpu.dma_semaphore, #tpu.memory_space<semaphore_mem>>) src(%dma_wait3A_128 : memref<640xf32, #tpu.memory_space<vmem_shared>>) dst(%arg7 : memref<640xf32, #tpu.memory_space<vmem>>)
      tpu.yield
    }) : () -> ()
    %scan3A_60 = arith.constant 0 : i32
    %scan3A_61 = arith.constant 0 : i32
    %scan3A_62 = arith.constant 40 : i32
    %scan3A_63 = arith.addi %scan3A_61, %scan3A_62 : i32
    %scan3A_64 = arith.constant 1 : i32
    scf.for %scan3A_122 = %scan3A_61 to %scan3A_63 step %scan3A_64  : i32 {
      %mul3A_123 = arith.constant 16 : i32
      %mul3A_124 = arith.muli %scan3A_122, %mul3A_123 : i32
      %get3A = arith.index_cast %mul3A_124 : i32 to index
      %get3A_125 = tpu.vector_load %arg6[%get3A] {strides = array<i32>} : memref<640xf32, #tpu.memory_space<vmem>>, vector<16xf32>,
      %get3A_126 = arith.index_cast %mul3A_124 : i32 to index
      %get3A_127 = tpu.vector_load %arg7[%get3A_126] {strides = array<i32>} : memref<640xf32, #tpu.memory_space<vmem>>, vector<16xf32>,
      %add3A_128 = arith.addf %get3A_125, %get3A_127 : vector<16xf32>
      %swap3A = arith.index_cast %mul3A_124 : i32 to index
      %swap3A_129 = tpu.vector_load %arg6[%swap3A] {strides = array<i32>} : memref<640xf32, #tpu.memory_space<vmem>>, vector<16xf32>,
      tpu.vector_store %arg6[%swap3A], %add3A_128 {strides = array<i32>} : memref<640xf32, #tpu.memory_space<vmem>>, vector<16xf32>,
    }
    %scan3A_65 = arith.constant 40 : i32
    %run_scoped3A_66 = arith.constant 8 : i32
    "tpu.region"() ({
      %run_scoped3A_122 = tpu.sem_alloc : memref<!tpu.dma_semaphore, #tpu.memory_space<semaphore_mem>>
      %dma_start3A = tpu.memref_slice %arg8[%run_scoped3A_66, %mul3A_16] : memref<16x10240xf32, #tpu.memory_space<vmem_shared>> -> memref<1x640xf32, #tpu.memory_space<vmem_shared>>
      %dma_start3A_123 = tpu.memref_squeeze %dma_start3A : memref<1x640xf32, #tpu.memory_space<vmem_shared>> -> memref<640xf32, #tpu.memory_space<vmem_shared>>
      %dma_start3A_124 = tpu.memref_slice %arg8[%run_scoped3A_66, %mul3A_16] : memref<16x10240xf32, #tpu.memory_space<vmem_shared>> -> memref<1x640xf32, #tpu.memory_space<vmem_shared>>
      %dma_start3A_125 = tpu.memref_squeeze %dma_start3A_124 : memref<1x640xf32, #tpu.memory_space<vmem_shared>> -> memref<640xf32, #tpu.memory_space<vmem_shared>>
      tpu.enqueue_dma source(%dma_start3A_125 : memref<640xf32, #tpu.memory_space<vmem_shared>>) target(%arg7 : memref<640xf32, #tpu.memory_space<vmem>>) target_semaphore(%run_scoped3A_122 : memref<!tpu.dma_semaphore, #tpu.memory_space<semaphore_mem>>)
      %dma_wait3A = tpu.memref_slice %arg8[%run_scoped3A_66, %mul3A_16] : memref<16x10240xf32, #tpu.memory_space<vmem_shared>> -> memref<1x640xf32, #tpu.memory_space<vmem_shared>>
      %dma_wait3A_126 = tpu.memref_squeeze %dma_wait3A : memref<1x640xf32, #tpu.memory_space<vmem_shared>> -> memref<640xf32, #tpu.memory_space<vmem_shared>>
      %dma_wait3A_127 = tpu.memref_slice %arg8[%run_scoped3A_66, %mul3A_16] : memref<16x10240xf32, #tpu.memory_space<vmem_shared>> -> memref<1x640xf32, #tpu.memory_space<vmem_shared>>
      %dma_wait3A_128 = tpu.memref_squeeze %dma_wait3A_127 : memref<1x640xf32, #tpu.memory_space<vmem_shared>> -> memref<640xf32, #tpu.memory_space<vmem_shared>>
      tpu.wait_dma2 semaphore(%run_scoped3A_122 : memref<!tpu.dma_semaphore, #tpu.memory_space<semaphore_mem>>) src(%dma_wait3A_128 : memref<640xf32, #tpu.memory_space<vmem_shared>>) dst(%arg7 : memref<640xf32, #tpu.memory_space<vmem>>)
      tpu.yield
    }) : () -> ()
    %scan3A_67 = arith.constant 0 : i32
    %scan3A_68 = arith.constant 0 : i32
    %scan3A_69 = arith.constant 40 : i32
    %scan3A_70 = arith.addi %scan3A_68, %scan3A_69 : i32
    %scan3A_71 = arith.constant 1 : i32
    scf.for %scan3A_122 = %scan3A_68 to %scan3A_70 step %scan3A_71  : i32 {
      %mul3A_123 = arith.constant 16 : i32
      %mul3A_124 = arith.muli %scan3A_122, %mul3A_123 : i32
      %get3A = arith.index_cast %mul3A_124 : i32 to index
      %get3A_125 = tpu.vector_load %arg6[%get3A] {strides = array<i32>} : memref<640xf32, #tpu.memory_space<vmem>>, vector<16xf32>,
      %get3A_126 = arith.index_cast %mul3A_124 : i32 to index
      %get3A_127 = tpu.vector_load %arg7[%get3A_126] {strides = array<i32>} : memref<640xf32, #tpu.memory_space<vmem>>, vector<16xf32>,
      %add3A_128 = arith.addf %get3A_125, %get3A_127 : vector<16xf32>
      %swap3A = arith.index_cast %mul3A_124 : i32 to index
      %swap3A_129 = tpu.vector_load %arg6[%swap3A] {strides = array<i32>} : memref<640xf32, #tpu.memory_space<vmem>>, vector<16xf32>,
      tpu.vector_store %arg6[%swap3A], %add3A_128 {strides = array<i32>} : memref<640xf32, #tpu.memory_space<vmem>>, vector<16xf32>,
    }
    %scan3A_72 = arith.constant 40 : i32
    %run_scoped3A_73 = arith.constant 9 : i32
    "tpu.region"() ({
      %run_scoped3A_122 = tpu.sem_alloc : memref<!tpu.dma_semaphore, #tpu.memory_space<semaphore_mem>>
      %dma_start3A = tpu.memref_slice %arg8[%run_scoped3A_73, %mul3A_16] : memref<16x10240xf32, #tpu.memory_space<vmem_shared>> -> memref<1x640xf32, #tpu.memory_space<vmem_shared>>
      %dma_start3A_123 = tpu.memref_squeeze %dma_start3A : memref<1x640xf32, #tpu.memory_space<vmem_shared>> -> memref<640xf32, #tpu.memory_space<vmem_shared>>
      %dma_start3A_124 = tpu.memref_slice %arg8[%run_scoped3A_73, %mul3A_16] : memref<16x10240xf32, #tpu.memory_space<vmem_shared>> -> memref<1x640xf32, #tpu.memory_space<vmem_shared>>
      %dma_start3A_125 = tpu.memref_squeeze %dma_start3A_124 : memref<1x640xf32, #tpu.memory_space<vmem_shared>> -> memref<640xf32, #tpu.memory_space<vmem_shared>>
      tpu.enqueue_dma source(%dma_start3A_125 : memref<640xf32, #tpu.memory_space<vmem_shared>>) target(%arg7 : memref<640xf32, #tpu.memory_space<vmem>>) target_semaphore(%run_scoped3A_122 : memref<!tpu.dma_semaphore, #tpu.memory_space<semaphore_mem>>)
      %dma_wait3A = tpu.memref_slice %arg8[%run_scoped3A_73, %mul3A_16] : memref<16x10240xf32, #tpu.memory_space<vmem_shared>> -> memref<1x640xf32, #tpu.memory_space<vmem_shared>>
      %dma_wait3A_126 = tpu.memref_squeeze %dma_wait3A : memref<1x640xf32, #tpu.memory_space<vmem_shared>> -> memref<640xf32, #tpu.memory_space<vmem_shared>>
      %dma_wait3A_127 = tpu.memref_slice %arg8[%run_scoped3A_73, %mul3A_16] : memref<16x10240xf32, #tpu.memory_space<vmem_shared>> -> memref<1x640xf32, #tpu.memory_space<vmem_shared>>
      %dma_wait3A_128 = tpu.memref_squeeze %dma_wait3A_127 : memref<1x640xf32, #tpu.memory_space<vmem_shared>> -> memref<640xf32, #tpu.memory_space<vmem_shared>>
      tpu.wait_dma2 semaphore(%run_scoped3A_122 : memref<!tpu.dma_semaphore, #tpu.memory_space<semaphore_mem>>) src(%dma_wait3A_128 : memref<640xf32, #tpu.memory_space<vmem_shared>>) dst(%arg7 : memref<640xf32, #tpu.memory_space<vmem>>)
      tpu.yield
    }) : () -> ()
    %scan3A_74 = arith.constant 0 : i32
    %scan3A_75 = arith.constant 0 : i32
    %scan3A_76 = arith.constant 40 : i32
    %scan3A_77 = arith.addi %scan3A_75, %scan3A_76 : i32
    %scan3A_78 = arith.constant 1 : i32
    scf.for %scan3A_122 = %scan3A_75 to %scan3A_77 step %scan3A_78  : i32 {
      %mul3A_123 = arith.constant 16 : i32
      %mul3A_124 = arith.muli %scan3A_122, %mul3A_123 : i32
      %get3A = arith.index_cast %mul3A_124 : i32 to index
      %get3A_125 = tpu.vector_load %arg6[%get3A] {strides = array<i32>} : memref<640xf32, #tpu.memory_space<vmem>>, vector<16xf32>,
      %get3A_126 = arith.index_cast %mul3A_124 : i32 to index
      %get3A_127 = tpu.vector_load %arg7[%get3A_126] {strides = array<i32>} : memref<640xf32, #tpu.memory_space<vmem>>, vector<16xf32>,
      %add3A_128 = arith.addf %get3A_125, %get3A_127 : vector<16xf32>
      %swap3A = arith.index_cast %mul3A_124 : i32 to index
      %swap3A_129 = tpu.vector_load %arg6[%swap3A] {strides = array<i32>} : memref<640xf32, #tpu.memory_space<vmem>>, vector<16xf32>,
      tpu.vector_store %arg6[%swap3A], %add3A_128 {strides = array<i32>} : memref<640xf32, #tpu.memory_space<vmem>>, vector<16xf32>,
    }
    %scan3A_79 = arith.constant 40 : i32
    %run_scoped3A_80 = arith.constant 10 : i32
    "tpu.region"() ({
      %run_scoped3A_122 = tpu.sem_alloc : memref<!tpu.dma_semaphore, #tpu.memory_space<semaphore_mem>>
      %dma_start3A = tpu.memref_slice %arg8[%run_scoped3A_80, %mul3A_16] : memref<16x10240xf32, #tpu.memory_space<vmem_shared>> -> memref<1x640xf32, #tpu.memory_space<vmem_shared>>
      %dma_start3A_123 = tpu.memref_squeeze %dma_start3A : memref<1x640xf32, #tpu.memory_space<vmem_shared>> -> memref<640xf32, #tpu.memory_space<vmem_shared>>
      %dma_start3A_124 = tpu.memref_slice %arg8[%run_scoped3A_80, %mul3A_16] : memref<16x10240xf32, #tpu.memory_space<vmem_shared>> -> memref<1x640xf32, #tpu.memory_space<vmem_shared>>
      %dma_start3A_125 = tpu.memref_squeeze %dma_start3A_124 : memref<1x640xf32, #tpu.memory_space<vmem_shared>> -> memref<640xf32, #tpu.memory_space<vmem_shared>>
      tpu.enqueue_dma source(%dma_start3A_125 : memref<640xf32, #tpu.memory_space<vmem_shared>>) target(%arg7 : memref<640xf32, #tpu.memory_space<vmem>>) target_semaphore(%run_scoped3A_122 : memref<!tpu.dma_semaphore, #tpu.memory_space<semaphore_mem>>)
      %dma_wait3A = tpu.memref_slice %arg8[%run_scoped3A_80, %mul3A_16] : memref<16x10240xf32, #tpu.memory_space<vmem_shared>> -> memref<1x640xf32, #tpu.memory_space<vmem_shared>>
      %dma_wait3A_126 = tpu.memref_squeeze %dma_wait3A : memref<1x640xf32, #tpu.memory_space<vmem_shared>> -> memref<640xf32, #tpu.memory_space<vmem_shared>>
      %dma_wait3A_127 = tpu.memref_slice %arg8[%run_scoped3A_80, %mul3A_16] : memref<16x10240xf32, #tpu.memory_space<vmem_shared>> -> memref<1x640xf32, #tpu.memory_space<vmem_shared>>
      %dma_wait3A_128 = tpu.memref_squeeze %dma_wait3A_127 : memref<1x640xf32, #tpu.memory_space<vmem_shared>> -> memref<640xf32, #tpu.memory_space<vmem_shared>>
      tpu.wait_dma2 semaphore(%run_scoped3A_122 : memref<!tpu.dma_semaphore, #tpu.memory_space<semaphore_mem>>) src(%dma_wait3A_128 : memref<640xf32, #tpu.memory_space<vmem_shared>>) dst(%arg7 : memref<640xf32, #tpu.memory_space<vmem>>)
      tpu.yield
    }) : () -> ()
    %scan3A_81 = arith.constant 0 : i32
    %scan3A_82 = arith.constant 0 : i32
    %scan3A_83 = arith.constant 40 : i32
    %scan3A_84 = arith.addi %scan3A_82, %scan3A_83 : i32
    %scan3A_85 = arith.constant 1 : i32
    scf.for %scan3A_122 = %scan3A_82 to %scan3A_84 step %scan3A_85  : i32 {
      %mul3A_123 = arith.constant 16 : i32
      %mul3A_124 = arith.muli %scan3A_122, %mul3A_123 : i32
      %get3A = arith.index_cast %mul3A_124 : i32 to index
      %get3A_125 = tpu.vector_load %arg6[%get3A] {strides = array<i32>} : memref<640xf32, #tpu.memory_space<vmem>>, vector<16xf32>,
      %get3A_126 = arith.index_cast %mul3A_124 : i32 to index
      %get3A_127 = tpu.vector_load %arg7[%get3A_126] {strides = array<i32>} : memref<640xf32, #tpu.memory_space<vmem>>, vector<16xf32>,
      %add3A_128 = arith.addf %get3A_125, %get3A_127 : vector<16xf32>
      %swap3A = arith.index_cast %mul3A_124 : i32 to index
      %swap3A_129 = tpu.vector_load %arg6[%swap3A] {strides = array<i32>} : memref<640xf32, #tpu.memory_space<vmem>>, vector<16xf32>,
      tpu.vector_store %arg6[%swap3A], %add3A_128 {strides = array<i32>} : memref<640xf32, #tpu.memory_space<vmem>>, vector<16xf32>,
    }
    %scan3A_86 = arith.constant 40 : i32
    %run_scoped3A_87 = arith.constant 11 : i32
    "tpu.region"() ({
      %run_scoped3A_122 = tpu.sem_alloc : memref<!tpu.dma_semaphore, #tpu.memory_space<semaphore_mem>>
      %dma_start3A = tpu.memref_slice %arg8[%run_scoped3A_87, %mul3A_16] : memref<16x10240xf32, #tpu.memory_space<vmem_shared>> -> memref<1x640xf32, #tpu.memory_space<vmem_shared>>
      %dma_start3A_123 = tpu.memref_squeeze %dma_start3A : memref<1x640xf32, #tpu.memory_space<vmem_shared>> -> memref<640xf32, #tpu.memory_space<vmem_shared>>
      %dma_start3A_124 = tpu.memref_slice %arg8[%run_scoped3A_87, %mul3A_16] : memref<16x10240xf32, #tpu.memory_space<vmem_shared>> -> memref<1x640xf32, #tpu.memory_space<vmem_shared>>
      %dma_start3A_125 = tpu.memref_squeeze %dma_start3A_124 : memref<1x640xf32, #tpu.memory_space<vmem_shared>> -> memref<640xf32, #tpu.memory_space<vmem_shared>>
      tpu.enqueue_dma source(%dma_start3A_125 : memref<640xf32, #tpu.memory_space<vmem_shared>>) target(%arg7 : memref<640xf32, #tpu.memory_space<vmem>>) target_semaphore(%run_scoped3A_122 : memref<!tpu.dma_semaphore, #tpu.memory_space<semaphore_mem>>)
      %dma_wait3A = tpu.memref_slice %arg8[%run_scoped3A_87, %mul3A_16] : memref<16x10240xf32, #tpu.memory_space<vmem_shared>> -> memref<1x640xf32, #tpu.memory_space<vmem_shared>>
      %dma_wait3A_126 = tpu.memref_squeeze %dma_wait3A : memref<1x640xf32, #tpu.memory_space<vmem_shared>> -> memref<640xf32, #tpu.memory_space<vmem_shared>>
      %dma_wait3A_127 = tpu.memref_slice %arg8[%run_scoped3A_87, %mul3A_16] : memref<16x10240xf32, #tpu.memory_space<vmem_shared>> -> memref<1x640xf32, #tpu.memory_space<vmem_shared>>
      %dma_wait3A_128 = tpu.memref_squeeze %dma_wait3A_127 : memref<1x640xf32, #tpu.memory_space<vmem_shared>> -> memref<640xf32, #tpu.memory_space<vmem_shared>>
      tpu.wait_dma2 semaphore(%run_scoped3A_122 : memref<!tpu.dma_semaphore, #tpu.memory_space<semaphore_mem>>) src(%dma_wait3A_128 : memref<640xf32, #tpu.memory_space<vmem_shared>>) dst(%arg7 : memref<640xf32, #tpu.memory_space<vmem>>)
      tpu.yield
    }) : () -> ()
    %scan3A_88 = arith.constant 0 : i32
    %scan3A_89 = arith.constant 0 : i32
    %scan3A_90 = arith.constant 40 : i32
    %scan3A_91 = arith.addi %scan3A_89, %scan3A_90 : i32
    %scan3A_92 = arith.constant 1 : i32
    scf.for %scan3A_122 = %scan3A_89 to %scan3A_91 step %scan3A_92  : i32 {
      %mul3A_123 = arith.constant 16 : i32
      %mul3A_124 = arith.muli %scan3A_122, %mul3A_123 : i32
      %get3A = arith.index_cast %mul3A_124 : i32 to index
      %get3A_125 = tpu.vector_load %arg6[%get3A] {strides = array<i32>} : memref<640xf32, #tpu.memory_space<vmem>>, vector<16xf32>,
      %get3A_126 = arith.index_cast %mul3A_124 : i32 to index
      %get3A_127 = tpu.vector_load %arg7[%get3A_126] {strides = array<i32>} : memref<640xf32, #tpu.memory_space<vmem>>, vector<16xf32>,
      %add3A_128 = arith.addf %get3A_125, %get3A_127 : vector<16xf32>
      %swap3A = arith.index_cast %mul3A_124 : i32 to index
      %swap3A_129 = tpu.vector_load %arg6[%swap3A] {strides = array<i32>} : memref<640xf32, #tpu.memory_space<vmem>>, vector<16xf32>,
      tpu.vector_store %arg6[%swap3A], %add3A_128 {strides = array<i32>} : memref<640xf32, #tpu.memory_space<vmem>>, vector<16xf32>,
    }
    %scan3A_93 = arith.constant 40 : i32
    %run_scoped3A_94 = arith.constant 12 : i32
    "tpu.region"() ({
      %run_scoped3A_122 = tpu.sem_alloc : memref<!tpu.dma_semaphore, #tpu.memory_space<semaphore_mem>>
      %dma_start3A = tpu.memref_slice %arg8[%run_scoped3A_94, %mul3A_16] : memref<16x10240xf32, #tpu.memory_space<vmem_shared>> -> memref<1x640xf32, #tpu.memory_space<vmem_shared>>
      %dma_start3A_123 = tpu.memref_squeeze %dma_start3A : memref<1x640xf32, #tpu.memory_space<vmem_shared>> -> memref<640xf32, #tpu.memory_space<vmem_shared>>
      %dma_start3A_124 = tpu.memref_slice %arg8[%run_scoped3A_94, %mul3A_16] : memref<16x10240xf32, #tpu.memory_space<vmem_shared>> -> memref<1x640xf32, #tpu.memory_space<vmem_shared>>
      %dma_start3A_125 = tpu.memref_squeeze %dma_start3A_124 : memref<1x640xf32, #tpu.memory_space<vmem_shared>> -> memref<640xf32, #tpu.memory_space<vmem_shared>>
      tpu.enqueue_dma source(%dma_start3A_125 : memref<640xf32, #tpu.memory_space<vmem_shared>>) target(%arg7 : memref<640xf32, #tpu.memory_space<vmem>>) target_semaphore(%run_scoped3A_122 : memref<!tpu.dma_semaphore, #tpu.memory_space<semaphore_mem>>)
      %dma_wait3A = tpu.memref_slice %arg8[%run_scoped3A_94, %mul3A_16] : memref<16x10240xf32, #tpu.memory_space<vmem_shared>> -> memref<1x640xf32, #tpu.memory_space<vmem_shared>>
      %dma_wait3A_126 = tpu.memref_squeeze %dma_wait3A : memref<1x640xf32, #tpu.memory_space<vmem_shared>> -> memref<640xf32, #tpu.memory_space<vmem_shared>>
      %dma_wait3A_127 = tpu.memref_slice %arg8[%run_scoped3A_94, %mul3A_16] : memref<16x10240xf32, #tpu.memory_space<vmem_shared>> -> memref<1x640xf32, #tpu.memory_space<vmem_shared>>
      %dma_wait3A_128 = tpu.memref_squeeze %dma_wait3A_127 : memref<1x640xf32, #tpu.memory_space<vmem_shared>> -> memref<640xf32, #tpu.memory_space<vmem_shared>>
      tpu.wait_dma2 semaphore(%run_scoped3A_122 : memref<!tpu.dma_semaphore, #tpu.memory_space<semaphore_mem>>) src(%dma_wait3A_128 : memref<640xf32, #tpu.memory_space<vmem_shared>>) dst(%arg7 : memref<640xf32, #tpu.memory_space<vmem>>)
      tpu.yield
    }) : () -> ()
    %scan3A_95 = arith.constant 0 : i32
    %scan3A_96 = arith.constant 0 : i32
    %scan3A_97 = arith.constant 40 : i32
    %scan3A_98 = arith.addi %scan3A_96, %scan3A_97 : i32
    %scan3A_99 = arith.constant 1 : i32
    scf.for %scan3A_122 = %scan3A_96 to %scan3A_98 step %scan3A_99  : i32 {
      %mul3A_123 = arith.constant 16 : i32
      %mul3A_124 = arith.muli %scan3A_122, %mul3A_123 : i32
      %get3A = arith.index_cast %mul3A_124 : i32 to index
      %get3A_125 = tpu.vector_load %arg6[%get3A] {strides = array<i32>} : memref<640xf32, #tpu.memory_space<vmem>>, vector<16xf32>,
      %get3A_126 = arith.index_cast %mul3A_124 : i32 to index
      %get3A_127 = tpu.vector_load %arg7[%get3A_126] {strides = array<i32>} : memref<640xf32, #tpu.memory_space<vmem>>, vector<16xf32>,
      %add3A_128 = arith.addf %get3A_125, %get3A_127 : vector<16xf32>
      %swap3A = arith.index_cast %mul3A_124 : i32 to index
      %swap3A_129 = tpu.vector_load %arg6[%swap3A] {strides = array<i32>} : memref<640xf32, #tpu.memory_space<vmem>>, vector<16xf32>,
      tpu.vector_store %arg6[%swap3A], %add3A_128 {strides = array<i32>} : memref<640xf32, #tpu.memory_space<vmem>>, vector<16xf32>,
    }
    %scan3A_100 = arith.constant 40 : i32
    %run_scoped3A_101 = arith.constant 13 : i32
    "tpu.region"() ({
      %run_scoped3A_122 = tpu.sem_alloc : memref<!tpu.dma_semaphore, #tpu.memory_space<semaphore_mem>>
      %dma_start3A = tpu.memref_slice %arg8[%run_scoped3A_101, %mul3A_16] : memref<16x10240xf32, #tpu.memory_space<vmem_shared>> -> memref<1x640xf32, #tpu.memory_space<vmem_shared>>
      %dma_start3A_123 = tpu.memref_squeeze %dma_start3A : memref<1x640xf32, #tpu.memory_space<vmem_shared>> -> memref<640xf32, #tpu.memory_space<vmem_shared>>
      %dma_start3A_124 = tpu.memref_slice %arg8[%run_scoped3A_101, %mul3A_16] : memref<16x10240xf32, #tpu.memory_space<vmem_shared>> -> memref<1x640xf32, #tpu.memory_space<vmem_shared>>
      %dma_start3A_125 = tpu.memref_squeeze %dma_start3A_124 : memref<1x640xf32, #tpu.memory_space<vmem_shared>> -> memref<640xf32, #tpu.memory_space<vmem_shared>>
      tpu.enqueue_dma source(%dma_start3A_125 : memref<640xf32, #tpu.memory_space<vmem_shared>>) target(%arg7 : memref<640xf32, #tpu.memory_space<vmem>>) target_semaphore(%run_scoped3A_122 : memref<!tpu.dma_semaphore, #tpu.memory_space<semaphore_mem>>)
      %dma_wait3A = tpu.memref_slice %arg8[%run_scoped3A_101, %mul3A_16] : memref<16x10240xf32, #tpu.memory_space<vmem_shared>> -> memref<1x640xf32, #tpu.memory_space<vmem_shared>>
      %dma_wait3A_126 = tpu.memref_squeeze %dma_wait3A : memref<1x640xf32, #tpu.memory_space<vmem_shared>> -> memref<640xf32, #tpu.memory_space<vmem_shared>>
      %dma_wait3A_127 = tpu.memref_slice %arg8[%run_scoped3A_101, %mul3A_16] : memref<16x10240xf32, #tpu.memory_space<vmem_shared>> -> memref<1x640xf32, #tpu.memory_space<vmem_shared>>
      %dma_wait3A_128 = tpu.memref_squeeze %dma_wait3A_127 : memref<1x640xf32, #tpu.memory_space<vmem_shared>> -> memref<640xf32, #tpu.memory_space<vmem_shared>>
      tpu.wait_dma2 semaphore(%run_scoped3A_122 : memref<!tpu.dma_semaphore, #tpu.memory_space<semaphore_mem>>) src(%dma_wait3A_128 : memref<640xf32, #tpu.memory_space<vmem_shared>>) dst(%arg7 : memref<640xf32, #tpu.memory_space<vmem>>)
      tpu.yield
    }) : () -> ()
    %scan3A_102 = arith.constant 0 : i32
    %scan3A_103 = arith.constant 0 : i32
    %scan3A_104 = arith.constant 40 : i32
    %scan3A_105 = arith.addi %scan3A_103, %scan3A_104 : i32
    %scan3A_106 = arith.constant 1 : i32
    scf.for %scan3A_122 = %scan3A_103 to %scan3A_105 step %scan3A_106  : i32 {
      %mul3A_123 = arith.constant 16 : i32
      %mul3A_124 = arith.muli %scan3A_122, %mul3A_123 : i32
      %get3A = arith.index_cast %mul3A_124 : i32 to index
      %get3A_125 = tpu.vector_load %arg6[%get3A] {strides = array<i32>} : memref<640xf32, #tpu.memory_space<vmem>>, vector<16xf32>,
      %get3A_126 = arith.index_cast %mul3A_124 : i32 to index
      %get3A_127 = tpu.vector_load %arg7[%get3A_126] {strides = array<i32>} : memref<640xf32, #tpu.memory_space<vmem>>, vector<16xf32>,
      %add3A_128 = arith.addf %get3A_125, %get3A_127 : vector<16xf32>
      %swap3A = arith.index_cast %mul3A_124 : i32 to index
      %swap3A_129 = tpu.vector_load %arg6[%swap3A] {strides = array<i32>} : memref<640xf32, #tpu.memory_space<vmem>>, vector<16xf32>,
      tpu.vector_store %arg6[%swap3A], %add3A_128 {strides = array<i32>} : memref<640xf32, #tpu.memory_space<vmem>>, vector<16xf32>,
    }
    %scan3A_107 = arith.constant 40 : i32
    %run_scoped3A_108 = arith.constant 14 : i32
    "tpu.region"() ({
      %run_scoped3A_122 = tpu.sem_alloc : memref<!tpu.dma_semaphore, #tpu.memory_space<semaphore_mem>>
      %dma_start3A = tpu.memref_slice %arg8[%run_scoped3A_108, %mul3A_16] : memref<16x10240xf32, #tpu.memory_space<vmem_shared>> -> memref<1x640xf32, #tpu.memory_space<vmem_shared>>
      %dma_start3A_123 = tpu.memref_squeeze %dma_start3A : memref<1x640xf32, #tpu.memory_space<vmem_shared>> -> memref<640xf32, #tpu.memory_space<vmem_shared>>
      %dma_start3A_124 = tpu.memref_slice %arg8[%run_scoped3A_108, %mul3A_16] : memref<16x10240xf32, #tpu.memory_space<vmem_shared>> -> memref<1x640xf32, #tpu.memory_space<vmem_shared>>
      %dma_start3A_125 = tpu.memref_squeeze %dma_start3A_124 : memref<1x640xf32, #tpu.memory_space<vmem_shared>> -> memref<640xf32, #tpu.memory_space<vmem_shared>>
      tpu.enqueue_dma source(%dma_start3A_125 : memref<640xf32, #tpu.memory_space<vmem_shared>>) target(%arg7 : memref<640xf32, #tpu.memory_space<vmem>>) target_semaphore(%run_scoped3A_122 : memref<!tpu.dma_semaphore, #tpu.memory_space<semaphore_mem>>)
      %dma_wait3A = tpu.memref_slice %arg8[%run_scoped3A_108, %mul3A_16] : memref<16x10240xf32, #tpu.memory_space<vmem_shared>> -> memref<1x640xf32, #tpu.memory_space<vmem_shared>>
      %dma_wait3A_126 = tpu.memref_squeeze %dma_wait3A : memref<1x640xf32, #tpu.memory_space<vmem_shared>> -> memref<640xf32, #tpu.memory_space<vmem_shared>>
      %dma_wait3A_127 = tpu.memref_slice %arg8[%run_scoped3A_108, %mul3A_16] : memref<16x10240xf32, #tpu.memory_space<vmem_shared>> -> memref<1x640xf32, #tpu.memory_space<vmem_shared>>
      %dma_wait3A_128 = tpu.memref_squeeze %dma_wait3A_127 : memref<1x640xf32, #tpu.memory_space<vmem_shared>> -> memref<640xf32, #tpu.memory_space<vmem_shared>>
      tpu.wait_dma2 semaphore(%run_scoped3A_122 : memref<!tpu.dma_semaphore, #tpu.memory_space<semaphore_mem>>) src(%dma_wait3A_128 : memref<640xf32, #tpu.memory_space<vmem_shared>>) dst(%arg7 : memref<640xf32, #tpu.memory_space<vmem>>)
      tpu.yield
    }) : () -> ()
    %scan3A_109 = arith.constant 0 : i32
    %scan3A_110 = arith.constant 0 : i32
    %scan3A_111 = arith.constant 40 : i32
    %scan3A_112 = arith.addi %scan3A_110, %scan3A_111 : i32
    %scan3A_113 = arith.constant 1 : i32
    scf.for %scan3A_122 = %scan3A_110 to %scan3A_112 step %scan3A_113  : i32 {
      %mul3A_123 = arith.constant 16 : i32
      %mul3A_124 = arith.muli %scan3A_122, %mul3A_123 : i32
      %get3A = arith.index_cast %mul3A_124 : i32 to index
      %get3A_125 = tpu.vector_load %arg6[%get3A] {strides = array<i32>} : memref<640xf32, #tpu.memory_space<vmem>>, vector<16xf32>,
      %get3A_126 = arith.index_cast %mul3A_124 : i32 to index
      %get3A_127 = tpu.vector_load %arg7[%get3A_126] {strides = array<i32>} : memref<640xf32, #tpu.memory_space<vmem>>, vector<16xf32>,
      %add3A_128 = arith.addf %get3A_125, %get3A_127 : vector<16xf32>
      %swap3A = arith.index_cast %mul3A_124 : i32 to index
      %swap3A_129 = tpu.vector_load %arg6[%swap3A] {strides = array<i32>} : memref<640xf32, #tpu.memory_space<vmem>>, vector<16xf32>,
      tpu.vector_store %arg6[%swap3A], %add3A_128 {strides = array<i32>} : memref<640xf32, #tpu.memory_space<vmem>>, vector<16xf32>,
    }
    %scan3A_114 = arith.constant 40 : i32
    %run_scoped3A_115 = arith.constant 15 : i32
    "tpu.region"() ({
      %run_scoped3A_122 = tpu.sem_alloc : memref<!tpu.dma_semaphore, #tpu.memory_space<semaphore_mem>>
      %dma_start3A = tpu.memref_slice %arg8[%run_scoped3A_115, %mul3A_16] : memref<16x10240xf32, #tpu.memory_space<vmem_shared>> -> memref<1x640xf32, #tpu.memory_space<vmem_shared>>
      %dma_start3A_123 = tpu.memref_squeeze %dma_start3A : memref<1x640xf32, #tpu.memory_space<vmem_shared>> -> memref<640xf32, #tpu.memory_space<vmem_shared>>
      %dma_start3A_124 = tpu.memref_slice %arg8[%run_scoped3A_115, %mul3A_16] : memref<16x10240xf32, #tpu.memory_space<vmem_shared>> -> memref<1x640xf32, #tpu.memory_space<vmem_shared>>
      %dma_start3A_125 = tpu.memref_squeeze %dma_start3A_124 : memref<1x640xf32, #tpu.memory_space<vmem_shared>> -> memref<640xf32, #tpu.memory_space<vmem_shared>>
      tpu.enqueue_dma source(%dma_start3A_125 : memref<640xf32, #tpu.memory_space<vmem_shared>>) target(%arg7 : memref<640xf32, #tpu.memory_space<vmem>>) target_semaphore(%run_scoped3A_122 : memref<!tpu.dma_semaphore, #tpu.memory_space<semaphore_mem>>)
      %dma_wait3A = tpu.memref_slice %arg8[%run_scoped3A_115, %mul3A_16] : memref<16x10240xf32, #tpu.memory_space<vmem_shared>> -> memref<1x640xf32, #tpu.memory_space<vmem_shared>>
      %dma_wait3A_126 = tpu.memref_squeeze %dma_wait3A : memref<1x640xf32, #tpu.memory_space<vmem_shared>> -> memref<640xf32, #tpu.memory_space<vmem_shared>>
      %dma_wait3A_127 = tpu.memref_slice %arg8[%run_scoped3A_115, %mul3A_16] : memref<16x10240xf32, #tpu.memory_space<vmem_shared>> -> memref<1x640xf32, #tpu.memory_space<vmem_shared>>
      %dma_wait3A_128 = tpu.memref_squeeze %dma_wait3A_127 : memref<1x640xf32, #tpu.memory_space<vmem_shared>> -> memref<640xf32, #tpu.memory_space<vmem_shared>>
      tpu.wait_dma2 semaphore(%run_scoped3A_122 : memref<!tpu.dma_semaphore, #tpu.memory_space<semaphore_mem>>) src(%dma_wait3A_128 : memref<640xf32, #tpu.memory_space<vmem_shared>>) dst(%arg7 : memref<640xf32, #tpu.memory_space<vmem>>)
      tpu.yield
    }) : () -> ()
    %scan3A_116 = arith.constant 0 : i32
    %scan3A_117 = arith.constant 0 : i32
    %scan3A_118 = arith.constant 40 : i32
    %scan3A_119 = arith.addi %scan3A_117, %scan3A_118 : i32
    %scan3A_120 = arith.constant 1 : i32
    scf.for %scan3A_122 = %scan3A_117 to %scan3A_119 step %scan3A_120  : i32 {
      %mul3A_123 = arith.constant 16 : i32
      %mul3A_124 = arith.muli %scan3A_122, %mul3A_123 : i32
      %get3A = arith.index_cast %mul3A_124 : i32 to index
      %get3A_125 = tpu.vector_load %arg6[%get3A] {strides = array<i32>} : memref<640xf32, #tpu.memory_space<vmem>>, vector<16xf32>,
      %get3A_126 = arith.index_cast %mul3A_124 : i32 to index
      %get3A_127 = tpu.vector_load %arg7[%get3A_126] {strides = array<i32>} : memref<640xf32, #tpu.memory_space<vmem>>, vector<16xf32>,
      %add3A_128 = arith.addf %get3A_125, %get3A_127 : vector<16xf32>
      %swap3A = arith.index_cast %mul3A_124 : i32 to index
      %swap3A_129 = tpu.vector_load %arg6[%swap3A] {strides = array<i32>} : memref<640xf32, #tpu.memory_space<vmem>>, vector<16xf32>,
      tpu.vector_store %arg6[%swap3A], %add3A_128 {strides = array<i32>} : memref<640xf32, #tpu.memory_space<vmem>>, vector<16xf32>,
    }
    %scan3A_121 = arith.constant 40 : i32
    "tpu.region"() ({
      %run_scoped3A_122 = tpu.sem_alloc : memref<!tpu.dma_semaphore, #tpu.memory_space<semaphore_mem>>
      %dma_start3A = tpu.memref_slice %arg3[%arg0, %mul3A_16] : memref<2x10240xf32, #tpu.memory_space<hbm>> -> memref<1x640xf32, #tpu.memory_space<hbm>>
      %dma_start3A_123 = tpu.memref_squeeze %dma_start3A : memref<1x640xf32, #tpu.memory_space<hbm>> -> memref<640xf32, #tpu.memory_space<hbm>>
      %dma_start3A_124 = tpu.memref_slice %arg3[%arg0, %mul3A_16] : memref<2x10240xf32, #tpu.memory_space<hbm>> -> memref<1x640xf32, #tpu.memory_space<hbm>>
      %dma_start3A_125 = tpu.memref_squeeze %dma_start3A_124 : memref<1x640xf32, #tpu.memory_space<hbm>> -> memref<640xf32, #tpu.memory_space<hbm>>
      tpu.enqueue_dma source(%arg6 : memref<640xf32, #tpu.memory_space<vmem>>) target(%dma_start3A_125 : memref<640xf32, #tpu.memory_space<hbm>>) target_semaphore(%run_scoped3A_122 : memref<!tpu.dma_semaphore, #tpu.memory_space<semaphore_mem>>)
      %dma_wait3A = tpu.memref_slice %arg3[%arg0, %mul3A_16] : memref<2x10240xf32, #tpu.memory_space<hbm>> -> memref<1x640xf32, #tpu.memory_space<hbm>>
      %dma_wait3A_126 = tpu.memref_squeeze %dma_wait3A : memref<1x640xf32, #tpu.memory_space<hbm>> -> memref<640xf32, #tpu.memory_space<hbm>>
      %dma_wait3A_127 = tpu.memref_slice %arg3[%arg0, %mul3A_16] : memref<2x10240xf32, #tpu.memory_space<hbm>> -> memref<1x640xf32, #tpu.memory_space<hbm>>
      %dma_wait3A_128 = tpu.memref_squeeze %dma_wait3A_127 : memref<1x640xf32, #tpu.memory_space<hbm>> -> memref<640xf32, #tpu.memory_space<hbm>>
      tpu.wait_dma2 semaphore(%run_scoped3A_122 : memref<!tpu.dma_semaphore, #tpu.memory_space<semaphore_mem>>) src(%arg6 : memref<640xf32, #tpu.memory_space<vmem>>) dst(%dma_wait3A_128 : memref<640xf32, #tpu.memory_space<hbm>>)
      tpu.yield
    }) : () -> ()
    return
  }
}

#map = affine_map<(d0, d1) -> (0, 0)>
#map1 = affine_map<(d0, d1) -> (0, 0, 0)>
module attributes {stable_mosaic.version = 14 : i64} {
  func.func @k(%arg0: i32, %arg1: i32, %arg2: memref<10000x128xf32, #tpu.memory_space<hbm>>, %arg3: memref<2592x2x128xi32, #tpu.memory_space<hbm>>, %arg4: memref<2x10240x128xf32, #tpu.memory_space<hbm>>, %arg5: memref<27x2x128xi32, #tpu.memory_space<vmem>>, %arg6: memref<2x128x128xf32, #tpu.memory_space<vmem>>, %arg7: memref<10240x128xf32, #tpu.memory_space<vmem_shared>>, %arg8: memref<!tpu.dma_semaphore, #tpu.memory_space<semaphore_mem>>) attributes {dimension_semantics = [#tpu.dimension_semantics<core_parallel>, #tpu.dimension_semantics<subcore_parallel>], iteration_bounds = array<i64: 2, 16>, scalar_prefetch = 0 : i64, scratch_operands = 4 : i64, tpu.core_type = #tpu.core_type<sc_vector_subcore>, window_params = [{transform_indices = #map}, {transform_indices = #map1}, {transform_indices = #map1}]} {
    %mul3A = arith.constant 2 : i32
    %mul3A_0 = arith.muli %arg1, %mul3A : i32
    %add3A = arith.addi %mul3A_0, %arg0 : i32
    %scan3A = arith.constant 0 : i32
    %scan3A_1 = arith.constant 0 : i32
    %scan3A_2 = arith.constant 128 : i32
    %scan3A_3 = arith.addi %scan3A_1, %scan3A_2 : i32
    %scan3A_4 = arith.constant 1 : i32
    scf.for %scan3A_150 = %scan3A_1 to %scan3A_3 step %scan3A_4  : i32 {
      %broadcast_in_dim3A = arith.constant 0.000000e+00 : f32
      %broadcast_in_dim3A_151 = vector.broadcast %broadcast_in_dim3A : f32 to vector<16xf32>
      %swap3A = arith.constant 0 : i32
      %swap3A_152 = arith.index_cast %swap3A : i32 to index
      %swap3A_153 = arith.index_cast %scan3A_150 : i32 to index
      %swap3A_154 = arith.constant 0 : index
      %swap3A_155 = tpu.vector_load %arg6[%swap3A_152, %swap3A_153, %swap3A_154] {strides = array<i32>} : memref<2x128x128xf32, #tpu.memory_space<vmem>>, vector<16xf32>,
      tpu.vector_store %arg6[%swap3A_152, %swap3A_153, %swap3A_154], %broadcast_in_dim3A_151 {strides = array<i32>} : memref<2x128x128xf32, #tpu.memory_space<vmem>>, vector<16xf32>,
      %broadcast_in_dim3A_156 = arith.constant 0.000000e+00 : f32
      %broadcast_in_dim3A_157 = vector.broadcast %broadcast_in_dim3A_156 : f32 to vector<16xf32>
      %swap3A_158 = arith.constant 0 : i32
      %swap3A_159 = arith.index_cast %swap3A_158 : i32 to index
      %swap3A_160 = arith.index_cast %scan3A_150 : i32 to index
      %swap3A_161 = arith.constant 16 : index
      %swap3A_162 = tpu.vector_load %arg6[%swap3A_159, %swap3A_160, %swap3A_161] {strides = array<i32>} : memref<2x128x128xf32, #tpu.memory_space<vmem>>, vector<16xf32>,
      tpu.vector_store %arg6[%swap3A_159, %swap3A_160, %swap3A_161], %broadcast_in_dim3A_157 {strides = array<i32>} : memref<2x128x128xf32, #tpu.memory_space<vmem>>, vector<16xf32>,
      %broadcast_in_dim3A_163 = arith.constant 0.000000e+00 : f32
      %broadcast_in_dim3A_164 = vector.broadcast %broadcast_in_dim3A_163 : f32 to vector<16xf32>
      %swap3A_165 = arith.constant 0 : i32
      %swap3A_166 = arith.index_cast %swap3A_165 : i32 to index
      %swap3A_167 = arith.index_cast %scan3A_150 : i32 to index
      %swap3A_168 = arith.constant 32 : index
      %swap3A_169 = tpu.vector_load %arg6[%swap3A_166, %swap3A_167, %swap3A_168] {strides = array<i32>} : memref<2x128x128xf32, #tpu.memory_space<vmem>>, vector<16xf32>,
      tpu.vector_store %arg6[%swap3A_166, %swap3A_167, %swap3A_168], %broadcast_in_dim3A_164 {strides = array<i32>} : memref<2x128x128xf32, #tpu.memory_space<vmem>>, vector<16xf32>,
      %broadcast_in_dim3A_170 = arith.constant 0.000000e+00 : f32
      %broadcast_in_dim3A_171 = vector.broadcast %broadcast_in_dim3A_170 : f32 to vector<16xf32>
      %swap3A_172 = arith.constant 0 : i32
      %swap3A_173 = arith.index_cast %swap3A_172 : i32 to index
      %swap3A_174 = arith.index_cast %scan3A_150 : i32 to index
      %swap3A_175 = arith.constant 48 : index
      %swap3A_176 = tpu.vector_load %arg6[%swap3A_173, %swap3A_174, %swap3A_175] {strides = array<i32>} : memref<2x128x128xf32, #tpu.memory_space<vmem>>, vector<16xf32>,
      tpu.vector_store %arg6[%swap3A_173, %swap3A_174, %swap3A_175], %broadcast_in_dim3A_171 {strides = array<i32>} : memref<2x128x128xf32, #tpu.memory_space<vmem>>, vector<16xf32>,
      %broadcast_in_dim3A_177 = arith.constant 0.000000e+00 : f32
      %broadcast_in_dim3A_178 = vector.broadcast %broadcast_in_dim3A_177 : f32 to vector<16xf32>
      %swap3A_179 = arith.constant 0 : i32
      %swap3A_180 = arith.index_cast %swap3A_179 : i32 to index
      %swap3A_181 = arith.index_cast %scan3A_150 : i32 to index
      %swap3A_182 = arith.constant 64 : index
      %swap3A_183 = tpu.vector_load %arg6[%swap3A_180, %swap3A_181, %swap3A_182] {strides = array<i32>} : memref<2x128x128xf32, #tpu.memory_space<vmem>>, vector<16xf32>,
      tpu.vector_store %arg6[%swap3A_180, %swap3A_181, %swap3A_182], %broadcast_in_dim3A_178 {strides = array<i32>} : memref<2x128x128xf32, #tpu.memory_space<vmem>>, vector<16xf32>,
      %broadcast_in_dim3A_184 = arith.constant 0.000000e+00 : f32
      %broadcast_in_dim3A_185 = vector.broadcast %broadcast_in_dim3A_184 : f32 to vector<16xf32>
      %swap3A_186 = arith.constant 0 : i32
      %swap3A_187 = arith.index_cast %swap3A_186 : i32 to index
      %swap3A_188 = arith.index_cast %scan3A_150 : i32 to index
      %swap3A_189 = arith.constant 80 : index
      %swap3A_190 = tpu.vector_load %arg6[%swap3A_187, %swap3A_188, %swap3A_189] {strides = array<i32>} : memref<2x128x128xf32, #tpu.memory_space<vmem>>, vector<16xf32>,
      tpu.vector_store %arg6[%swap3A_187, %swap3A_188, %swap3A_189], %broadcast_in_dim3A_185 {strides = array<i32>} : memref<2x128x128xf32, #tpu.memory_space<vmem>>, vector<16xf32>,
      %broadcast_in_dim3A_191 = arith.constant 0.000000e+00 : f32
      %broadcast_in_dim3A_192 = vector.broadcast %broadcast_in_dim3A_191 : f32 to vector<16xf32>
      %swap3A_193 = arith.constant 0 : i32
      %swap3A_194 = arith.index_cast %swap3A_193 : i32 to index
      %swap3A_195 = arith.index_cast %scan3A_150 : i32 to index
      %swap3A_196 = arith.constant 96 : index
      %swap3A_197 = tpu.vector_load %arg6[%swap3A_194, %swap3A_195, %swap3A_196] {strides = array<i32>} : memref<2x128x128xf32, #tpu.memory_space<vmem>>, vector<16xf32>,
      tpu.vector_store %arg6[%swap3A_194, %swap3A_195, %swap3A_196], %broadcast_in_dim3A_192 {strides = array<i32>} : memref<2x128x128xf32, #tpu.memory_space<vmem>>, vector<16xf32>,
      %broadcast_in_dim3A_198 = arith.constant 0.000000e+00 : f32
      %broadcast_in_dim3A_199 = vector.broadcast %broadcast_in_dim3A_198 : f32 to vector<16xf32>
      %swap3A_200 = arith.constant 0 : i32
      %swap3A_201 = arith.index_cast %swap3A_200 : i32 to index
      %swap3A_202 = arith.index_cast %scan3A_150 : i32 to index
      %swap3A_203 = arith.constant 112 : index
      %swap3A_204 = tpu.vector_load %arg6[%swap3A_201, %swap3A_202, %swap3A_203] {strides = array<i32>} : memref<2x128x128xf32, #tpu.memory_space<vmem>>, vector<16xf32>,
      tpu.vector_store %arg6[%swap3A_201, %swap3A_202, %swap3A_203], %broadcast_in_dim3A_199 {strides = array<i32>} : memref<2x128x128xf32, #tpu.memory_space<vmem>>, vector<16xf32>,
    }
    %scan3A_5 = arith.constant 128 : i32
    %mul3A_6 = arith.constant 640 : i32
    %mul3A_7 = arith.muli %arg1, %mul3A_6 : i32
    %add3A_8 = arith.constant 0 : i32
    %add3A_9 = arith.addi %mul3A_7, %add3A_8 : i32
    %run_scoped3A = arith.constant 0 : i32
    "tpu.region"() ({
      %run_scoped3A_150 = tpu.sem_alloc : memref<!tpu.dma_semaphore, #tpu.memory_space<semaphore_mem>>
      %dma_start3A_151 = arith.constant 0 : i32
      %dma_start3A_152 = arith.constant 0 : i32
      %dma_start3A_153 = tpu.memref_slice %arg6[%run_scoped3A, %dma_start3A_151, %dma_start3A_152] : memref<2x128x128xf32, #tpu.memory_space<vmem>> -> memref<1x128x128xf32, #tpu.memory_space<vmem>>
      %dma_start3A_154 = tpu.memref_squeeze %dma_start3A_153 : memref<1x128x128xf32, #tpu.memory_space<vmem>> -> memref<128x128xf32, #tpu.memory_space<vmem>>
      %dma_start3A_155 = arith.constant 0 : i32
      %dma_start3A_156 = tpu.memref_slice %arg7[%add3A_9, %dma_start3A_155] : memref<10240x128xf32, #tpu.memory_space<vmem_shared>> -> memref<128x128xf32, #tpu.memory_space<vmem_shared>>
      %dma_start3A_157 = arith.constant 0 : i32
      %dma_start3A_158 = tpu.memref_slice %arg7[%add3A_9, %dma_start3A_157] : memref<10240x128xf32, #tpu.memory_space<vmem_shared>> -> memref<128x128xf32, #tpu.memory_space<vmem_shared>>
      %dma_start3A_159 = arith.constant 0 : i32
      %dma_start3A_160 = arith.constant 0 : i32
      %dma_start3A_161 = tpu.memref_slice %arg6[%run_scoped3A, %dma_start3A_159, %dma_start3A_160] : memref<2x128x128xf32, #tpu.memory_space<vmem>> -> memref<1x128x128xf32, #tpu.memory_space<vmem>>
      %dma_start3A_162 = tpu.memref_squeeze %dma_start3A_161 : memref<1x128x128xf32, #tpu.memory_space<vmem>> -> memref<128x128xf32, #tpu.memory_space<vmem>>
      tpu.enqueue_dma source(%dma_start3A_162 : memref<128x128xf32, #tpu.memory_space<vmem>>) target(%dma_start3A_158 : memref<128x128xf32, #tpu.memory_space<vmem_shared>>) target_semaphore(%run_scoped3A_150 : memref<!tpu.dma_semaphore, #tpu.memory_space<semaphore_mem>>)
      %dma_wait3A_163 = arith.constant 0 : i32
      %dma_wait3A_164 = arith.constant 0 : i32
      %dma_wait3A_165 = tpu.memref_slice %arg6[%run_scoped3A, %dma_wait3A_163, %dma_wait3A_164] : memref<2x128x128xf32, #tpu.memory_space<vmem>> -> memref<1x128x128xf32, #tpu.memory_space<vmem>>
      %dma_wait3A_166 = tpu.memref_squeeze %dma_wait3A_165 : memref<1x128x128xf32, #tpu.memory_space<vmem>> -> memref<128x128xf32, #tpu.memory_space<vmem>>
      %dma_wait3A_167 = arith.constant 0 : i32
      %dma_wait3A_168 = tpu.memref_slice %arg7[%add3A_9, %dma_wait3A_167] : memref<10240x128xf32, #tpu.memory_space<vmem_shared>> -> memref<128x128xf32, #tpu.memory_space<vmem_shared>>
      %dma_wait3A_169 = arith.constant 0 : i32
      %dma_wait3A_170 = tpu.memref_slice %arg7[%add3A_9, %dma_wait3A_169] : memref<10240x128xf32, #tpu.memory_space<vmem_shared>> -> memref<128x128xf32, #tpu.memory_space<vmem_shared>>
      %dma_wait3A_171 = arith.constant 0 : i32
      %dma_wait3A_172 = arith.constant 0 : i32
      %dma_wait3A_173 = tpu.memref_slice %arg6[%run_scoped3A, %dma_wait3A_171, %dma_wait3A_172] : memref<2x128x128xf32, #tpu.memory_space<vmem>> -> memref<1x128x128xf32, #tpu.memory_space<vmem>>
      %dma_wait3A_174 = tpu.memref_squeeze %dma_wait3A_173 : memref<1x128x128xf32, #tpu.memory_space<vmem>> -> memref<128x128xf32, #tpu.memory_space<vmem>>
      tpu.wait_dma2 semaphore(%run_scoped3A_150 : memref<!tpu.dma_semaphore, #tpu.memory_space<semaphore_mem>>) src(%dma_wait3A_174 : memref<128x128xf32, #tpu.memory_space<vmem>>) dst(%dma_wait3A_170 : memref<128x128xf32, #tpu.memory_space<vmem_shared>>)
      tpu.yield
    }) : () -> ()
    %mul3A_10 = arith.constant 640 : i32
    %mul3A_11 = arith.muli %arg1, %mul3A_10 : i32
    %add3A_12 = arith.constant 128 : i32
    %add3A_13 = arith.addi %mul3A_11, %add3A_12 : i32
    %run_scoped3A_14 = arith.constant 0 : i32
    "tpu.region"() ({
      %run_scoped3A_150 = tpu.sem_alloc : memref<!tpu.dma_semaphore, #tpu.memory_space<semaphore_mem>>
      %dma_start3A_151 = arith.constant 0 : i32
      %dma_start3A_152 = arith.constant 0 : i32
      %dma_start3A_153 = tpu.memref_slice %arg6[%run_scoped3A_14, %dma_start3A_151, %dma_start3A_152] : memref<2x128x128xf32, #tpu.memory_space<vmem>> -> memref<1x128x128xf32, #tpu.memory_space<vmem>>
      %dma_start3A_154 = tpu.memref_squeeze %dma_start3A_153 : memref<1x128x128xf32, #tpu.memory_space<vmem>> -> memref<128x128xf32, #tpu.memory_space<vmem>>
      %dma_start3A_155 = arith.constant 0 : i32
      %dma_start3A_156 = tpu.memref_slice %arg7[%add3A_13, %dma_start3A_155] : memref<10240x128xf32, #tpu.memory_space<vmem_shared>> -> memref<128x128xf32, #tpu.memory_space<vmem_shared>>
      %dma_start3A_157 = arith.constant 0 : i32
      %dma_start3A_158 = tpu.memref_slice %arg7[%add3A_13, %dma_start3A_157] : memref<10240x128xf32, #tpu.memory_space<vmem_shared>> -> memref<128x128xf32, #tpu.memory_space<vmem_shared>>
      %dma_start3A_159 = arith.constant 0 : i32
      %dma_start3A_160 = arith.constant 0 : i32
      %dma_start3A_161 = tpu.memref_slice %arg6[%run_scoped3A_14, %dma_start3A_159, %dma_start3A_160] : memref<2x128x128xf32, #tpu.memory_space<vmem>> -> memref<1x128x128xf32, #tpu.memory_space<vmem>>
      %dma_start3A_162 = tpu.memref_squeeze %dma_start3A_161 : memref<1x128x128xf32, #tpu.memory_space<vmem>> -> memref<128x128xf32, #tpu.memory_space<vmem>>
      tpu.enqueue_dma source(%dma_start3A_162 : memref<128x128xf32, #tpu.memory_space<vmem>>) target(%dma_start3A_158 : memref<128x128xf32, #tpu.memory_space<vmem_shared>>) target_semaphore(%run_scoped3A_150 : memref<!tpu.dma_semaphore, #tpu.memory_space<semaphore_mem>>)
      %dma_wait3A_163 = arith.constant 0 : i32
      %dma_wait3A_164 = arith.constant 0 : i32
      %dma_wait3A_165 = tpu.memref_slice %arg6[%run_scoped3A_14, %dma_wait3A_163, %dma_wait3A_164] : memref<2x128x128xf32, #tpu.memory_space<vmem>> -> memref<1x128x128xf32, #tpu.memory_space<vmem>>
      %dma_wait3A_166 = tpu.memref_squeeze %dma_wait3A_165 : memref<1x128x128xf32, #tpu.memory_space<vmem>> -> memref<128x128xf32, #tpu.memory_space<vmem>>
      %dma_wait3A_167 = arith.constant 0 : i32
      %dma_wait3A_168 = tpu.memref_slice %arg7[%add3A_13, %dma_wait3A_167] : memref<10240x128xf32, #tpu.memory_space<vmem_shared>> -> memref<128x128xf32, #tpu.memory_space<vmem_shared>>
      %dma_wait3A_169 = arith.constant 0 : i32
      %dma_wait3A_170 = tpu.memref_slice %arg7[%add3A_13, %dma_wait3A_169] : memref<10240x128xf32, #tpu.memory_space<vmem_shared>> -> memref<128x128xf32, #tpu.memory_space<vmem_shared>>
      %dma_wait3A_171 = arith.constant 0 : i32
      %dma_wait3A_172 = arith.constant 0 : i32
      %dma_wait3A_173 = tpu.memref_slice %arg6[%run_scoped3A_14, %dma_wait3A_171, %dma_wait3A_172] : memref<2x128x128xf32, #tpu.memory_space<vmem>> -> memref<1x128x128xf32, #tpu.memory_space<vmem>>
      %dma_wait3A_174 = tpu.memref_squeeze %dma_wait3A_173 : memref<1x128x128xf32, #tpu.memory_space<vmem>> -> memref<128x128xf32, #tpu.memory_space<vmem>>
      tpu.wait_dma2 semaphore(%run_scoped3A_150 : memref<!tpu.dma_semaphore, #tpu.memory_space<semaphore_mem>>) src(%dma_wait3A_174 : memref<128x128xf32, #tpu.memory_space<vmem>>) dst(%dma_wait3A_170 : memref<128x128xf32, #tpu.memory_space<vmem_shared>>)
      tpu.yield
    }) : () -> ()
    %mul3A_15 = arith.constant 640 : i32
    %mul3A_16 = arith.muli %arg1, %mul3A_15 : i32
    %add3A_17 = arith.constant 256 : i32
    %add3A_18 = arith.addi %mul3A_16, %add3A_17 : i32
    %run_scoped3A_19 = arith.constant 0 : i32
    "tpu.region"() ({
      %run_scoped3A_150 = tpu.sem_alloc : memref<!tpu.dma_semaphore, #tpu.memory_space<semaphore_mem>>
      %dma_start3A_151 = arith.constant 0 : i32
      %dma_start3A_152 = arith.constant 0 : i32
      %dma_start3A_153 = tpu.memref_slice %arg6[%run_scoped3A_19, %dma_start3A_151, %dma_start3A_152] : memref<2x128x128xf32, #tpu.memory_space<vmem>> -> memref<1x128x128xf32, #tpu.memory_space<vmem>>
      %dma_start3A_154 = tpu.memref_squeeze %dma_start3A_153 : memref<1x128x128xf32, #tpu.memory_space<vmem>> -> memref<128x128xf32, #tpu.memory_space<vmem>>
      %dma_start3A_155 = arith.constant 0 : i32
      %dma_start3A_156 = tpu.memref_slice %arg7[%add3A_18, %dma_start3A_155] : memref<10240x128xf32, #tpu.memory_space<vmem_shared>> -> memref<128x128xf32, #tpu.memory_space<vmem_shared>>
      %dma_start3A_157 = arith.constant 0 : i32
      %dma_start3A_158 = tpu.memref_slice %arg7[%add3A_18, %dma_start3A_157] : memref<10240x128xf32, #tpu.memory_space<vmem_shared>> -> memref<128x128xf32, #tpu.memory_space<vmem_shared>>
      %dma_start3A_159 = arith.constant 0 : i32
      %dma_start3A_160 = arith.constant 0 : i32
      %dma_start3A_161 = tpu.memref_slice %arg6[%run_scoped3A_19, %dma_start3A_159, %dma_start3A_160] : memref<2x128x128xf32, #tpu.memory_space<vmem>> -> memref<1x128x128xf32, #tpu.memory_space<vmem>>
      %dma_start3A_162 = tpu.memref_squeeze %dma_start3A_161 : memref<1x128x128xf32, #tpu.memory_space<vmem>> -> memref<128x128xf32, #tpu.memory_space<vmem>>
      tpu.enqueue_dma source(%dma_start3A_162 : memref<128x128xf32, #tpu.memory_space<vmem>>) target(%dma_start3A_158 : memref<128x128xf32, #tpu.memory_space<vmem_shared>>) target_semaphore(%run_scoped3A_150 : memref<!tpu.dma_semaphore, #tpu.memory_space<semaphore_mem>>)
      %dma_wait3A_163 = arith.constant 0 : i32
      %dma_wait3A_164 = arith.constant 0 : i32
      %dma_wait3A_165 = tpu.memref_slice %arg6[%run_scoped3A_19, %dma_wait3A_163, %dma_wait3A_164] : memref<2x128x128xf32, #tpu.memory_space<vmem>> -> memref<1x128x128xf32, #tpu.memory_space<vmem>>
      %dma_wait3A_166 = tpu.memref_squeeze %dma_wait3A_165 : memref<1x128x128xf32, #tpu.memory_space<vmem>> -> memref<128x128xf32, #tpu.memory_space<vmem>>
      %dma_wait3A_167 = arith.constant 0 : i32
      %dma_wait3A_168 = tpu.memref_slice %arg7[%add3A_18, %dma_wait3A_167] : memref<10240x128xf32, #tpu.memory_space<vmem_shared>> -> memref<128x128xf32, #tpu.memory_space<vmem_shared>>
      %dma_wait3A_169 = arith.constant 0 : i32
      %dma_wait3A_170 = tpu.memref_slice %arg7[%add3A_18, %dma_wait3A_169] : memref<10240x128xf32, #tpu.memory_space<vmem_shared>> -> memref<128x128xf32, #tpu.memory_space<vmem_shared>>
      %dma_wait3A_171 = arith.constant 0 : i32
      %dma_wait3A_172 = arith.constant 0 : i32
      %dma_wait3A_173 = tpu.memref_slice %arg6[%run_scoped3A_19, %dma_wait3A_171, %dma_wait3A_172] : memref<2x128x128xf32, #tpu.memory_space<vmem>> -> memref<1x128x128xf32, #tpu.memory_space<vmem>>
      %dma_wait3A_174 = tpu.memref_squeeze %dma_wait3A_173 : memref<1x128x128xf32, #tpu.memory_space<vmem>> -> memref<128x128xf32, #tpu.memory_space<vmem>>
      tpu.wait_dma2 semaphore(%run_scoped3A_150 : memref<!tpu.dma_semaphore, #tpu.memory_space<semaphore_mem>>) src(%dma_wait3A_174 : memref<128x128xf32, #tpu.memory_space<vmem>>) dst(%dma_wait3A_170 : memref<128x128xf32, #tpu.memory_space<vmem_shared>>)
      tpu.yield
    }) : () -> ()
    %mul3A_20 = arith.constant 640 : i32
    %mul3A_21 = arith.muli %arg1, %mul3A_20 : i32
    %add3A_22 = arith.constant 384 : i32
    %add3A_23 = arith.addi %mul3A_21, %add3A_22 : i32
    %run_scoped3A_24 = arith.constant 0 : i32
    "tpu.region"() ({
      %run_scoped3A_150 = tpu.sem_alloc : memref<!tpu.dma_semaphore, #tpu.memory_space<semaphore_mem>>
      %dma_start3A_151 = arith.constant 0 : i32
      %dma_start3A_152 = arith.constant 0 : i32
      %dma_start3A_153 = tpu.memref_slice %arg6[%run_scoped3A_24, %dma_start3A_151, %dma_start3A_152] : memref<2x128x128xf32, #tpu.memory_space<vmem>> -> memref<1x128x128xf32, #tpu.memory_space<vmem>>
      %dma_start3A_154 = tpu.memref_squeeze %dma_start3A_153 : memref<1x128x128xf32, #tpu.memory_space<vmem>> -> memref<128x128xf32, #tpu.memory_space<vmem>>
      %dma_start3A_155 = arith.constant 0 : i32
      %dma_start3A_156 = tpu.memref_slice %arg7[%add3A_23, %dma_start3A_155] : memref<10240x128xf32, #tpu.memory_space<vmem_shared>> -> memref<128x128xf32, #tpu.memory_space<vmem_shared>>
      %dma_start3A_157 = arith.constant 0 : i32
      %dma_start3A_158 = tpu.memref_slice %arg7[%add3A_23, %dma_start3A_157] : memref<10240x128xf32, #tpu.memory_space<vmem_shared>> -> memref<128x128xf32, #tpu.memory_space<vmem_shared>>
      %dma_start3A_159 = arith.constant 0 : i32
      %dma_start3A_160 = arith.constant 0 : i32
      %dma_start3A_161 = tpu.memref_slice %arg6[%run_scoped3A_24, %dma_start3A_159, %dma_start3A_160] : memref<2x128x128xf32, #tpu.memory_space<vmem>> -> memref<1x128x128xf32, #tpu.memory_space<vmem>>
      %dma_start3A_162 = tpu.memref_squeeze %dma_start3A_161 : memref<1x128x128xf32, #tpu.memory_space<vmem>> -> memref<128x128xf32, #tpu.memory_space<vmem>>
      tpu.enqueue_dma source(%dma_start3A_162 : memref<128x128xf32, #tpu.memory_space<vmem>>) target(%dma_start3A_158 : memref<128x128xf32, #tpu.memory_space<vmem_shared>>) target_semaphore(%run_scoped3A_150 : memref<!tpu.dma_semaphore, #tpu.memory_space<semaphore_mem>>)
      %dma_wait3A_163 = arith.constant 0 : i32
      %dma_wait3A_164 = arith.constant 0 : i32
      %dma_wait3A_165 = tpu.memref_slice %arg6[%run_scoped3A_24, %dma_wait3A_163, %dma_wait3A_164] : memref<2x128x128xf32, #tpu.memory_space<vmem>> -> memref<1x128x128xf32, #tpu.memory_space<vmem>>
      %dma_wait3A_166 = tpu.memref_squeeze %dma_wait3A_165 : memref<1x128x128xf32, #tpu.memory_space<vmem>> -> memref<128x128xf32, #tpu.memory_space<vmem>>
      %dma_wait3A_167 = arith.constant 0 : i32
      %dma_wait3A_168 = tpu.memref_slice %arg7[%add3A_23, %dma_wait3A_167] : memref<10240x128xf32, #tpu.memory_space<vmem_shared>> -> memref<128x128xf32, #tpu.memory_space<vmem_shared>>
      %dma_wait3A_169 = arith.constant 0 : i32
      %dma_wait3A_170 = tpu.memref_slice %arg7[%add3A_23, %dma_wait3A_169] : memref<10240x128xf32, #tpu.memory_space<vmem_shared>> -> memref<128x128xf32, #tpu.memory_space<vmem_shared>>
      %dma_wait3A_171 = arith.constant 0 : i32
      %dma_wait3A_172 = arith.constant 0 : i32
      %dma_wait3A_173 = tpu.memref_slice %arg6[%run_scoped3A_24, %dma_wait3A_171, %dma_wait3A_172] : memref<2x128x128xf32, #tpu.memory_space<vmem>> -> memref<1x128x128xf32, #tpu.memory_space<vmem>>
      %dma_wait3A_174 = tpu.memref_squeeze %dma_wait3A_173 : memref<1x128x128xf32, #tpu.memory_space<vmem>> -> memref<128x128xf32, #tpu.memory_space<vmem>>
      tpu.wait_dma2 semaphore(%run_scoped3A_150 : memref<!tpu.dma_semaphore, #tpu.memory_space<semaphore_mem>>) src(%dma_wait3A_174 : memref<128x128xf32, #tpu.memory_space<vmem>>) dst(%dma_wait3A_170 : memref<128x128xf32, #tpu.memory_space<vmem_shared>>)
      tpu.yield
    }) : () -> ()
    %mul3A_25 = arith.constant 640 : i32
    %mul3A_26 = arith.muli %arg1, %mul3A_25 : i32
    %add3A_27 = arith.constant 512 : i32
    %add3A_28 = arith.addi %mul3A_26, %add3A_27 : i32
    %run_scoped3A_29 = arith.constant 0 : i32
    "tpu.region"() ({
      %run_scoped3A_150 = tpu.sem_alloc : memref<!tpu.dma_semaphore, #tpu.memory_space<semaphore_mem>>
      %dma_start3A_151 = arith.constant 0 : i32
      %dma_start3A_152 = arith.constant 0 : i32
      %dma_start3A_153 = tpu.memref_slice %arg6[%run_scoped3A_29, %dma_start3A_151, %dma_start3A_152] : memref<2x128x128xf32, #tpu.memory_space<vmem>> -> memref<1x128x128xf32, #tpu.memory_space<vmem>>
      %dma_start3A_154 = tpu.memref_squeeze %dma_start3A_153 : memref<1x128x128xf32, #tpu.memory_space<vmem>> -> memref<128x128xf32, #tpu.memory_space<vmem>>
      %dma_start3A_155 = arith.constant 0 : i32
      %dma_start3A_156 = tpu.memref_slice %arg7[%add3A_28, %dma_start3A_155] : memref<10240x128xf32, #tpu.memory_space<vmem_shared>> -> memref<128x128xf32, #tpu.memory_space<vmem_shared>>
      %dma_start3A_157 = arith.constant 0 : i32
      %dma_start3A_158 = tpu.memref_slice %arg7[%add3A_28, %dma_start3A_157] : memref<10240x128xf32, #tpu.memory_space<vmem_shared>> -> memref<128x128xf32, #tpu.memory_space<vmem_shared>>
      %dma_start3A_159 = arith.constant 0 : i32
      %dma_start3A_160 = arith.constant 0 : i32
      %dma_start3A_161 = tpu.memref_slice %arg6[%run_scoped3A_29, %dma_start3A_159, %dma_start3A_160] : memref<2x128x128xf32, #tpu.memory_space<vmem>> -> memref<1x128x128xf32, #tpu.memory_space<vmem>>
      %dma_start3A_162 = tpu.memref_squeeze %dma_start3A_161 : memref<1x128x128xf32, #tpu.memory_space<vmem>> -> memref<128x128xf32, #tpu.memory_space<vmem>>
      tpu.enqueue_dma source(%dma_start3A_162 : memref<128x128xf32, #tpu.memory_space<vmem>>) target(%dma_start3A_158 : memref<128x128xf32, #tpu.memory_space<vmem_shared>>) target_semaphore(%run_scoped3A_150 : memref<!tpu.dma_semaphore, #tpu.memory_space<semaphore_mem>>)
      %dma_wait3A_163 = arith.constant 0 : i32
      %dma_wait3A_164 = arith.constant 0 : i32
      %dma_wait3A_165 = tpu.memref_slice %arg6[%run_scoped3A_29, %dma_wait3A_163, %dma_wait3A_164] : memref<2x128x128xf32, #tpu.memory_space<vmem>> -> memref<1x128x128xf32, #tpu.memory_space<vmem>>
      %dma_wait3A_166 = tpu.memref_squeeze %dma_wait3A_165 : memref<1x128x128xf32, #tpu.memory_space<vmem>> -> memref<128x128xf32, #tpu.memory_space<vmem>>
      %dma_wait3A_167 = arith.constant 0 : i32
      %dma_wait3A_168 = tpu.memref_slice %arg7[%add3A_28, %dma_wait3A_167] : memref<10240x128xf32, #tpu.memory_space<vmem_shared>> -> memref<128x128xf32, #tpu.memory_space<vmem_shared>>
      %dma_wait3A_169 = arith.constant 0 : i32
      %dma_wait3A_170 = tpu.memref_slice %arg7[%add3A_28, %dma_wait3A_169] : memref<10240x128xf32, #tpu.memory_space<vmem_shared>> -> memref<128x128xf32, #tpu.memory_space<vmem_shared>>
      %dma_wait3A_171 = arith.constant 0 : i32
      %dma_wait3A_172 = arith.constant 0 : i32
      %dma_wait3A_173 = tpu.memref_slice %arg6[%run_scoped3A_29, %dma_wait3A_171, %dma_wait3A_172] : memref<2x128x128xf32, #tpu.memory_space<vmem>> -> memref<1x128x128xf32, #tpu.memory_space<vmem>>
      %dma_wait3A_174 = tpu.memref_squeeze %dma_wait3A_173 : memref<1x128x128xf32, #tpu.memory_space<vmem>> -> memref<128x128xf32, #tpu.memory_space<vmem>>
      tpu.wait_dma2 semaphore(%run_scoped3A_150 : memref<!tpu.dma_semaphore, #tpu.memory_space<semaphore_mem>>) src(%dma_wait3A_174 : memref<128x128xf32, #tpu.memory_space<vmem>>) dst(%dma_wait3A_170 : memref<128x128xf32, #tpu.memory_space<vmem_shared>>)
      tpu.yield
    }) : () -> ()
    %barrier3A = arith.constant 0 : index
    tpu.barrier barrier_id(%barrier3A)
    %mul3A_30 = arith.constant 81 : i32
    %mul3A_31 = arith.muli %add3A, %mul3A_30 : i32
    %add3A_32 = arith.constant 0 : i32
    %add3A_33 = arith.addi %mul3A_31, %add3A_32 : i32
    "tpu.region"() ({
      %run_scoped3A_150 = tpu.sem_alloc : memref<!tpu.dma_semaphore, #tpu.memory_space<semaphore_mem>>
      %dma_start3A_151 = arith.constant 0 : i32
      %dma_start3A_152 = arith.constant 0 : i32
      %dma_start3A_153 = tpu.memref_slice %arg3[%add3A_33, %dma_start3A_151, %dma_start3A_152] : memref<2592x2x128xi32, #tpu.memory_space<hbm>> -> memref<27x2x128xi32, #tpu.memory_space<hbm>>
      %dma_start3A_154 = arith.constant 0 : i32
      %dma_start3A_155 = arith.constant 0 : i32
      %dma_start3A_156 = tpu.memref_slice %arg3[%add3A_33, %dma_start3A_154, %dma_start3A_155] : memref<2592x2x128xi32, #tpu.memory_space<hbm>> -> memref<27x2x128xi32, #tpu.memory_space<hbm>>
      tpu.enqueue_dma source(%dma_start3A_156 : memref<27x2x128xi32, #tpu.memory_space<hbm>>) target(%arg5 : memref<27x2x128xi32, #tpu.memory_space<vmem>>) target_semaphore(%run_scoped3A_150 : memref<!tpu.dma_semaphore, #tpu.memory_space<semaphore_mem>>)
      %dma_wait3A_157 = arith.constant 0 : i32
      %dma_wait3A_158 = arith.constant 0 : i32
      %dma_wait3A_159 = tpu.memref_slice %arg3[%add3A_33, %dma_wait3A_157, %dma_wait3A_158] : memref<2592x2x128xi32, #tpu.memory_space<hbm>> -> memref<27x2x128xi32, #tpu.memory_space<hbm>>
      %dma_wait3A_160 = arith.constant 0 : i32
      %dma_wait3A_161 = arith.constant 0 : i32
      %dma_wait3A_162 = tpu.memref_slice %arg3[%add3A_33, %dma_wait3A_160, %dma_wait3A_161] : memref<2592x2x128xi32, #tpu.memory_space<hbm>> -> memref<27x2x128xi32, #tpu.memory_space<hbm>>
      tpu.wait_dma2 semaphore(%run_scoped3A_150 : memref<!tpu.dma_semaphore, #tpu.memory_space<semaphore_mem>>) src(%dma_wait3A_162 : memref<27x2x128xi32, #tpu.memory_space<hbm>>) dst(%arg5 : memref<27x2x128xi32, #tpu.memory_space<vmem>>)
      tpu.yield
    }) : () -> ()
    %dma_start3A = arith.constant 0 : i32
    %dma_start3A_34 = arith.constant 0 : i32
    %dma_start3A_35 = arith.constant 0 : i32
    %dma_start3A_36 = arith.constant 0 : i32
    %dma_start3A_37 = arith.constant 0 : i32
    %dma_start3A_38 = tpu.memref_slice %arg6[%dma_start3A_35, %dma_start3A_36, %dma_start3A_37] : memref<2x128x128xf32, #tpu.memory_space<vmem>> -> memref<1x128x128xf32, #tpu.memory_space<vmem>>
    %dma_start3A_39 = tpu.memref_squeeze %dma_start3A_38 : memref<1x128x128xf32, #tpu.memory_space<vmem>> -> memref<128x128xf32, #tpu.memory_space<vmem>>
    %dma_start3A_40 = arith.constant 0 : i32
    %dma_start3A_41 = tpu.memref_slice %arg5[%dma_start3A, %dma_start3A_34, %dma_start3A_40] : memref<27x2x128xi32, #tpu.memory_space<vmem>> -> memref<1x1x128xi32, #tpu.memory_space<vmem>>
    %dma_start3A_42 = tpu.memref_squeeze %dma_start3A_41 : memref<1x1x128xi32, #tpu.memory_space<vmem>> -> memref<128xi32, #tpu.memory_space<vmem>>
    %dma_start3A_43 = arith.constant 0 : i32
    %dma_start3A_44 = arith.constant 0 : i32
    %dma_start3A_45 = tpu.memref_slice %arg2[%dma_start3A_43, %dma_start3A_44] : memref<10000x128xf32, #tpu.memory_space<hbm>> -> memref<10000x128xf32, #tpu.memory_space<hbm>>
    tpu.enqueue_indirect_dma source(%dma_start3A_45 : memref<10000x128xf32, #tpu.memory_space<hbm>>) target(%dma_start3A_39 : memref<128x128xf32, #tpu.memory_space<vmem>>) offsets(%dma_start3A_42 : memref<128xi32, #tpu.memory_space<vmem>>) semaphore(%arg8 : memref<!tpu.dma_semaphore, #tpu.memory_space<semaphore_mem>>)
    %scan3A_46 = arith.constant 0 : i32
    %scan3A_47 = arith.constant 0 : i32
    %scan3A_48 = arith.constant 26 : i32
    %scan3A_49 = arith.addi %scan3A_47, %scan3A_48 : i32
    %scan3A_50 = arith.constant 1 : i32
    scf.for %scan3A_150 = %scan3A_47 to %scan3A_49 step %scan3A_50  : i32 {
      %rem3A = arith.constant 2 : i32
      %rem3A_151 = arith.remsi %scan3A_150, %rem3A : i32
      %dma_wait3A_152 = arith.constant 0 : i32
      %dma_wait3A_153 = arith.constant 0 : i32
      %dma_wait3A_154 = arith.constant 0 : i32
      %dma_wait3A_155 = tpu.memref_slice %arg6[%rem3A_151, %dma_wait3A_153, %dma_wait3A_154] : memref<2x128x128xf32, #tpu.memory_space<vmem>> -> memref<1x128x128xf32, #tpu.memory_space<vmem>>
      %dma_wait3A_156 = tpu.memref_squeeze %dma_wait3A_155 : memref<1x128x128xf32, #tpu.memory_space<vmem>> -> memref<128x128xf32, #tpu.memory_space<vmem>>
      %dma_wait3A_157 = arith.constant 0 : i32
      %dma_wait3A_158 = tpu.memref_slice %arg5[%scan3A_150, %dma_wait3A_152, %dma_wait3A_157] : memref<27x2x128xi32, #tpu.memory_space<vmem>> -> memref<1x1x128xi32, #tpu.memory_space<vmem>>
      %dma_wait3A_159 = tpu.memref_squeeze %dma_wait3A_158 : memref<1x1x128xi32, #tpu.memory_space<vmem>> -> memref<128xi32, #tpu.memory_space<vmem>>
      %dma_wait3A_160 = arith.constant 0 : i32
      %dma_wait3A_161 = arith.constant 0 : i32
      %dma_wait3A_162 = tpu.memref_slice %arg2[%dma_wait3A_160, %dma_wait3A_161] : memref<10000x128xf32, #tpu.memory_space<hbm>> -> memref<10000x128xf32, #tpu.memory_space<hbm>>
      tpu.wait_indirect_dma semaphore(%arg8 : memref<!tpu.dma_semaphore, #tpu.memory_space<semaphore_mem>>) src(%dma_wait3A_162 : memref<10000x128xf32, #tpu.memory_space<hbm>>) dst(%dma_wait3A_156 : memref<128x128xf32, #tpu.memory_space<vmem>>)
      %add3A_163 = arith.constant 1 : i32
      %add3A_164 = arith.addi %scan3A_150, %add3A_163 : i32
      %sub3A = arith.constant 1 : i32
      %sub3A_165 = arith.subi %sub3A, %rem3A_151 : i32
      %dma_start3A_166 = arith.constant 0 : i32
      %dma_start3A_167 = arith.constant 0 : i32
      %dma_start3A_168 = arith.constant 0 : i32
      %dma_start3A_169 = tpu.memref_slice %arg6[%sub3A_165, %dma_start3A_167, %dma_start3A_168] : memref<2x128x128xf32, #tpu.memory_space<vmem>> -> memref<1x128x128xf32, #tpu.memory_space<vmem>>
      %dma_start3A_170 = tpu.memref_squeeze %dma_start3A_169 : memref<1x128x128xf32, #tpu.memory_space<vmem>> -> memref<128x128xf32, #tpu.memory_space<vmem>>
      %dma_start3A_171 = arith.constant 0 : i32
      %dma_start3A_172 = tpu.memref_slice %arg5[%add3A_164, %dma_start3A_166, %dma_start3A_171] : memref<27x2x128xi32, #tpu.memory_space<vmem>> -> memref<1x1x128xi32, #tpu.memory_space<vmem>>
      %dma_start3A_173 = tpu.memref_squeeze %dma_start3A_172 : memref<1x1x128xi32, #tpu.memory_space<vmem>> -> memref<128xi32, #tpu.memory_space<vmem>>
      %dma_start3A_174 = arith.constant 0 : i32
      %dma_start3A_175 = arith.constant 0 : i32
      %dma_start3A_176 = tpu.memref_slice %arg2[%dma_start3A_174, %dma_start3A_175] : memref<10000x128xf32, #tpu.memory_space<hbm>> -> memref<10000x128xf32, #tpu.memory_space<hbm>>
      tpu.enqueue_indirect_dma source(%dma_start3A_176 : memref<10000x128xf32, #tpu.memory_space<hbm>>) target(%dma_start3A_170 : memref<128x128xf32, #tpu.memory_space<vmem>>) offsets(%dma_start3A_173 : memref<128xi32, #tpu.memory_space<vmem>>) semaphore(%arg8 : memref<!tpu.dma_semaphore, #tpu.memory_space<semaphore_mem>>)
      %run_scoped3A_177 = arith.constant 1 : i32
      "tpu.region"() ({
        %run_scoped3A_178 = tpu.sem_alloc : memref<!tpu.dma_semaphore, #tpu.memory_space<semaphore_mem>>
        %dma_start3A_179 = arith.constant 0 : i32
        %dma_start3A_180 = arith.constant 0 : i32
        %dma_start3A_181 = tpu.memref_slice %arg6[%rem3A_151, %dma_start3A_179, %dma_start3A_180] : memref<2x128x128xf32, #tpu.memory_space<vmem>> -> memref<1x128x128xf32, #tpu.memory_space<vmem>>
        %dma_start3A_182 = tpu.memref_squeeze %dma_start3A_181 : memref<1x128x128xf32, #tpu.memory_space<vmem>> -> memref<128x128xf32, #tpu.memory_space<vmem>>
        %dma_start3A_183 = arith.constant 0 : i32
        %dma_start3A_184 = tpu.memref_slice %arg5[%scan3A_150, %run_scoped3A_177, %dma_start3A_183] : memref<27x2x128xi32, #tpu.memory_space<vmem>> -> memref<1x1x128xi32, #tpu.memory_space<vmem>>
        %dma_start3A_185 = tpu.memref_squeeze %dma_start3A_184 : memref<1x1x128xi32, #tpu.memory_space<vmem>> -> memref<128xi32, #tpu.memory_space<vmem>>
        %dma_start3A_186 = arith.constant 0 : i32
        %dma_start3A_187 = arith.constant 0 : i32
        %dma_start3A_188 = tpu.memref_slice %arg7[%dma_start3A_186, %dma_start3A_187] : memref<10240x128xf32, #tpu.memory_space<vmem_shared>> -> memref<10240x128xf32, #tpu.memory_space<vmem_shared>>
        tpu.enqueue_indirect_dma source(%dma_start3A_182 : memref<128x128xf32, #tpu.memory_space<vmem>>) target(%dma_start3A_188 : memref<10240x128xf32, #tpu.memory_space<vmem_shared>>) offsets(%dma_start3A_185 : memref<128xi32, #tpu.memory_space<vmem>>) semaphore(%run_scoped3A_178 : memref<!tpu.dma_semaphore, #tpu.memory_space<semaphore_mem>>) {add = true}
        %dma_wait3A_189 = arith.constant 0 : i32
        %dma_wait3A_190 = arith.constant 0 : i32
        %dma_wait3A_191 = tpu.memref_slice %arg6[%rem3A_151, %dma_wait3A_189, %dma_wait3A_190] : memref<2x128x128xf32, #tpu.memory_space<vmem>> -> memref<1x128x128xf32, #tpu.memory_space<vmem>>
        %dma_wait3A_192 = tpu.memref_squeeze %dma_wait3A_191 : memref<1x128x128xf32, #tpu.memory_space<vmem>> -> memref<128x128xf32, #tpu.memory_space<vmem>>
        %dma_wait3A_193 = arith.constant 0 : i32
        %dma_wait3A_194 = tpu.memref_slice %arg5[%scan3A_150, %run_scoped3A_177, %dma_wait3A_193] : memref<27x2x128xi32, #tpu.memory_space<vmem>> -> memref<1x1x128xi32, #tpu.memory_space<vmem>>
        %dma_wait3A_195 = tpu.memref_squeeze %dma_wait3A_194 : memref<1x1x128xi32, #tpu.memory_space<vmem>> -> memref<128xi32, #tpu.memory_space<vmem>>
        %dma_wait3A_196 = arith.constant 0 : i32
        %dma_wait3A_197 = arith.constant 0 : i32
        %dma_wait3A_198 = tpu.memref_slice %arg7[%dma_wait3A_196, %dma_wait3A_197] : memref<10240x128xf32, #tpu.memory_space<vmem_shared>> -> memref<10240x128xf32, #tpu.memory_space<vmem_shared>>
        tpu.wait_indirect_dma semaphore(%run_scoped3A_178 : memref<!tpu.dma_semaphore, #tpu.memory_space<semaphore_mem>>) src(%dma_wait3A_192 : memref<128x128xf32, #tpu.memory_space<vmem>>) dst(%dma_wait3A_198 : memref<10240x128xf32, #tpu.memory_space<vmem_shared>>)
        tpu.yield
      }) : () -> ()
    }
    %scan3A_51 = arith.constant 26 : i32
    %dma_wait3A = arith.constant 26 : i32
    %dma_wait3A_52 = arith.constant 0 : i32
    %dma_wait3A_53 = arith.constant 0 : i32
    %dma_wait3A_54 = arith.constant 0 : i32
    %dma_wait3A_55 = arith.constant 0 : i32
    %dma_wait3A_56 = tpu.memref_slice %arg6[%dma_wait3A_53, %dma_wait3A_54, %dma_wait3A_55] : memref<2x128x128xf32, #tpu.memory_space<vmem>> -> memref<1x128x128xf32, #tpu.memory_space<vmem>>
    %dma_wait3A_57 = tpu.memref_squeeze %dma_wait3A_56 : memref<1x128x128xf32, #tpu.memory_space<vmem>> -> memref<128x128xf32, #tpu.memory_space<vmem>>
    %dma_wait3A_58 = arith.constant 0 : i32
    %dma_wait3A_59 = tpu.memref_slice %arg5[%dma_wait3A, %dma_wait3A_52, %dma_wait3A_58] : memref<27x2x128xi32, #tpu.memory_space<vmem>> -> memref<1x1x128xi32, #tpu.memory_space<vmem>>
    %dma_wait3A_60 = tpu.memref_squeeze %dma_wait3A_59 : memref<1x1x128xi32, #tpu.memory_space<vmem>> -> memref<128xi32, #tpu.memory_space<vmem>>
    %dma_wait3A_61 = arith.constant 0 : i32
    %dma_wait3A_62 = arith.constant 0 : i32
    %dma_wait3A_63 = tpu.memref_slice %arg2[%dma_wait3A_61, %dma_wait3A_62] : memref<10000x128xf32, #tpu.memory_space<hbm>> -> memref<10000x128xf32, #tpu.memory_space<hbm>>
    tpu.wait_indirect_dma semaphore(%arg8 : memref<!tpu.dma_semaphore, #tpu.memory_space<semaphore_mem>>) src(%dma_wait3A_63 : memref<10000x128xf32, #tpu.memory_space<hbm>>) dst(%dma_wait3A_57 : memref<128x128xf32, #tpu.memory_space<vmem>>)
    %run_scoped3A_64 = arith.constant 0 : i32
    %run_scoped3A_65 = arith.constant 26 : i32
    %run_scoped3A_66 = arith.constant 1 : i32
    "tpu.region"() ({
      %run_scoped3A_150 = tpu.sem_alloc : memref<!tpu.dma_semaphore, #tpu.memory_space<semaphore_mem>>
      %dma_start3A_151 = arith.constant 0 : i32
      %dma_start3A_152 = arith.constant 0 : i32
      %dma_start3A_153 = tpu.memref_slice %arg6[%run_scoped3A_64, %dma_start3A_151, %dma_start3A_152] : memref<2x128x128xf32, #tpu.memory_space<vmem>> -> memref<1x128x128xf32, #tpu.memory_space<vmem>>
      %dma_start3A_154 = tpu.memref_squeeze %dma_start3A_153 : memref<1x128x128xf32, #tpu.memory_space<vmem>> -> memref<128x128xf32, #tpu.memory_space<vmem>>
      %dma_start3A_155 = arith.constant 0 : i32
      %dma_start3A_156 = tpu.memref_slice %arg5[%run_scoped3A_65, %run_scoped3A_66, %dma_start3A_155] : memref<27x2x128xi32, #tpu.memory_space<vmem>> -> memref<1x1x128xi32, #tpu.memory_space<vmem>>
      %dma_start3A_157 = tpu.memref_squeeze %dma_start3A_156 : memref<1x1x128xi32, #tpu.memory_space<vmem>> -> memref<128xi32, #tpu.memory_space<vmem>>
      %dma_start3A_158 = arith.constant 0 : i32
      %dma_start3A_159 = arith.constant 0 : i32
      %dma_start3A_160 = tpu.memref_slice %arg7[%dma_start3A_158, %dma_start3A_159] : memref<10240x128xf32, #tpu.memory_space<vmem_shared>> -> memref<10240x128xf32, #tpu.memory_space<vmem_shared>>
      tpu.enqueue_indirect_dma source(%dma_start3A_154 : memref<128x128xf32, #tpu.memory_space<vmem>>) target(%dma_start3A_160 : memref<10240x128xf32, #tpu.memory_space<vmem_shared>>) offsets(%dma_start3A_157 : memref<128xi32, #tpu.memory_space<vmem>>) semaphore(%run_scoped3A_150 : memref<!tpu.dma_semaphore, #tpu.memory_space<semaphore_mem>>) {add = true}
      %dma_wait3A_161 = arith.constant 0 : i32
      %dma_wait3A_162 = arith.constant 0 : i32
      %dma_wait3A_163 = tpu.memref_slice %arg6[%run_scoped3A_64, %dma_wait3A_161, %dma_wait3A_162] : memref<2x128x128xf32, #tpu.memory_space<vmem>> -> memref<1x128x128xf32, #tpu.memory_space<vmem>>
      %dma_wait3A_164 = tpu.memref_squeeze %dma_wait3A_163 : memref<1x128x128xf32, #tpu.memory_space<vmem>> -> memref<128x128xf32, #tpu.memory_space<vmem>>
      %dma_wait3A_165 = arith.constant 0 : i32
      %dma_wait3A_166 = tpu.memref_slice %arg5[%run_scoped3A_65, %run_scoped3A_66, %dma_wait3A_165] : memref<27x2x128xi32, #tpu.memory_space<vmem>> -> memref<1x1x128xi32, #tpu.memory_space<vmem>>
      %dma_wait3A_167 = tpu.memref_squeeze %dma_wait3A_166 : memref<1x1x128xi32, #tpu.memory_space<vmem>> -> memref<128xi32, #tpu.memory_space<vmem>>
      %dma_wait3A_168 = arith.constant 0 : i32
      %dma_wait3A_169 = arith.constant 0 : i32
      %dma_wait3A_170 = tpu.memref_slice %arg7[%dma_wait3A_168, %dma_wait3A_169] : memref<10240x128xf32, #tpu.memory_space<vmem_shared>> -> memref<10240x128xf32, #tpu.memory_space<vmem_shared>>
      tpu.wait_indirect_dma semaphore(%run_scoped3A_150 : memref<!tpu.dma_semaphore, #tpu.memory_space<semaphore_mem>>) src(%dma_wait3A_164 : memref<128x128xf32, #tpu.memory_space<vmem>>) dst(%dma_wait3A_170 : memref<10240x128xf32, #tpu.memory_space<vmem_shared>>)
      tpu.yield
    }) : () -> ()
    %mul3A_67 = arith.constant 81 : i32
    %mul3A_68 = arith.muli %add3A, %mul3A_67 : i32
    %add3A_69 = arith.constant 27 : i32
    %add3A_70 = arith.addi %mul3A_68, %add3A_69 : i32
    "tpu.region"() ({
      %run_scoped3A_150 = tpu.sem_alloc : memref<!tpu.dma_semaphore, #tpu.memory_space<semaphore_mem>>
      %dma_start3A_151 = arith.constant 0 : i32
      %dma_start3A_152 = arith.constant 0 : i32
      %dma_start3A_153 = tpu.memref_slice %arg3[%add3A_70, %dma_start3A_151, %dma_start3A_152] : memref<2592x2x128xi32, #tpu.memory_space<hbm>> -> memref<27x2x128xi32, #tpu.memory_space<hbm>>
      %dma_start3A_154 = arith.constant 0 : i32
      %dma_start3A_155 = arith.constant 0 : i32
      %dma_start3A_156 = tpu.memref_slice %arg3[%add3A_70, %dma_start3A_154, %dma_start3A_155] : memref<2592x2x128xi32, #tpu.memory_space<hbm>> -> memref<27x2x128xi32, #tpu.memory_space<hbm>>
      tpu.enqueue_dma source(%dma_start3A_156 : memref<27x2x128xi32, #tpu.memory_space<hbm>>) target(%arg5 : memref<27x2x128xi32, #tpu.memory_space<vmem>>) target_semaphore(%run_scoped3A_150 : memref<!tpu.dma_semaphore, #tpu.memory_space<semaphore_mem>>)
      %dma_wait3A_157 = arith.constant 0 : i32
      %dma_wait3A_158 = arith.constant 0 : i32
      %dma_wait3A_159 = tpu.memref_slice %arg3[%add3A_70, %dma_wait3A_157, %dma_wait3A_158] : memref<2592x2x128xi32, #tpu.memory_space<hbm>> -> memref<27x2x128xi32, #tpu.memory_space<hbm>>
      %dma_wait3A_160 = arith.constant 0 : i32
      %dma_wait3A_161 = arith.constant 0 : i32
      %dma_wait3A_162 = tpu.memref_slice %arg3[%add3A_70, %dma_wait3A_160, %dma_wait3A_161] : memref<2592x2x128xi32, #tpu.memory_space<hbm>> -> memref<27x2x128xi32, #tpu.memory_space<hbm>>
      tpu.wait_dma2 semaphore(%run_scoped3A_150 : memref<!tpu.dma_semaphore, #tpu.memory_space<semaphore_mem>>) src(%dma_wait3A_162 : memref<27x2x128xi32, #tpu.memory_space<hbm>>) dst(%arg5 : memref<27x2x128xi32, #tpu.memory_space<vmem>>)
      tpu.yield
    }) : () -> ()
    %dma_start3A_71 = arith.constant 0 : i32
    %dma_start3A_72 = arith.constant 0 : i32
    %dma_start3A_73 = arith.constant 0 : i32
    %dma_start3A_74 = arith.constant 0 : i32
    %dma_start3A_75 = arith.constant 0 : i32
    %dma_start3A_76 = tpu.memref_slice %arg6[%dma_start3A_73, %dma_start3A_74, %dma_start3A_75] : memref<2x128x128xf32, #tpu.memory_space<vmem>> -> memref<1x128x128xf32, #tpu.memory_space<vmem>>
    %dma_start3A_77 = tpu.memref_squeeze %dma_start3A_76 : memref<1x128x128xf32, #tpu.memory_space<vmem>> -> memref<128x128xf32, #tpu.memory_space<vmem>>
    %dma_start3A_78 = arith.constant 0 : i32
    %dma_start3A_79 = tpu.memref_slice %arg5[%dma_start3A_71, %dma_start3A_72, %dma_start3A_78] : memref<27x2x128xi32, #tpu.memory_space<vmem>> -> memref<1x1x128xi32, #tpu.memory_space<vmem>>
    %dma_start3A_80 = tpu.memref_squeeze %dma_start3A_79 : memref<1x1x128xi32, #tpu.memory_space<vmem>> -> memref<128xi32, #tpu.memory_space<vmem>>
    %dma_start3A_81 = arith.constant 0 : i32
    %dma_start3A_82 = arith.constant 0 : i32
    %dma_start3A_83 = tpu.memref_slice %arg2[%dma_start3A_81, %dma_start3A_82] : memref<10000x128xf32, #tpu.memory_space<hbm>> -> memref<10000x128xf32, #tpu.memory_space<hbm>>
    tpu.enqueue_indirect_dma source(%dma_start3A_83 : memref<10000x128xf32, #tpu.memory_space<hbm>>) target(%dma_start3A_77 : memref<128x128xf32, #tpu.memory_space<vmem>>) offsets(%dma_start3A_80 : memref<128xi32, #tpu.memory_space<vmem>>) semaphore(%arg8 : memref<!tpu.dma_semaphore, #tpu.memory_space<semaphore_mem>>)
    %scan3A_84 = arith.constant 0 : i32
    %scan3A_85 = arith.constant 0 : i32
    %scan3A_86 = arith.constant 26 : i32
    %scan3A_87 = arith.addi %scan3A_85, %scan3A_86 : i32
    %scan3A_88 = arith.constant 1 : i32
    scf.for %scan3A_150 = %scan3A_85 to %scan3A_87 step %scan3A_88  : i32 {
      %rem3A = arith.constant 2 : i32
      %rem3A_151 = arith.remsi %scan3A_150, %rem3A : i32
      %dma_wait3A_152 = arith.constant 0 : i32
      %dma_wait3A_153 = arith.constant 0 : i32
      %dma_wait3A_154 = arith.constant 0 : i32
      %dma_wait3A_155 = tpu.memref_slice %arg6[%rem3A_151, %dma_wait3A_153, %dma_wait3A_154] : memref<2x128x128xf32, #tpu.memory_space<vmem>> -> memref<1x128x128xf32, #tpu.memory_space<vmem>>
      %dma_wait3A_156 = tpu.memref_squeeze %dma_wait3A_155 : memref<1x128x128xf32, #tpu.memory_space<vmem>> -> memref<128x128xf32, #tpu.memory_space<vmem>>
      %dma_wait3A_157 = arith.constant 0 : i32
      %dma_wait3A_158 = tpu.memref_slice %arg5[%scan3A_150, %dma_wait3A_152, %dma_wait3A_157] : memref<27x2x128xi32, #tpu.memory_space<vmem>> -> memref<1x1x128xi32, #tpu.memory_space<vmem>>
      %dma_wait3A_159 = tpu.memref_squeeze %dma_wait3A_158 : memref<1x1x128xi32, #tpu.memory_space<vmem>> -> memref<128xi32, #tpu.memory_space<vmem>>
      %dma_wait3A_160 = arith.constant 0 : i32
      %dma_wait3A_161 = arith.constant 0 : i32
      %dma_wait3A_162 = tpu.memref_slice %arg2[%dma_wait3A_160, %dma_wait3A_161] : memref<10000x128xf32, #tpu.memory_space<hbm>> -> memref<10000x128xf32, #tpu.memory_space<hbm>>
      tpu.wait_indirect_dma semaphore(%arg8 : memref<!tpu.dma_semaphore, #tpu.memory_space<semaphore_mem>>) src(%dma_wait3A_162 : memref<10000x128xf32, #tpu.memory_space<hbm>>) dst(%dma_wait3A_156 : memref<128x128xf32, #tpu.memory_space<vmem>>)
      %add3A_163 = arith.constant 1 : i32
      %add3A_164 = arith.addi %scan3A_150, %add3A_163 : i32
      %sub3A = arith.constant 1 : i32
      %sub3A_165 = arith.subi %sub3A, %rem3A_151 : i32
      %dma_start3A_166 = arith.constant 0 : i32
      %dma_start3A_167 = arith.constant 0 : i32
      %dma_start3A_168 = arith.constant 0 : i32
      %dma_start3A_169 = tpu.memref_slice %arg6[%sub3A_165, %dma_start3A_167, %dma_start3A_168] : memref<2x128x128xf32, #tpu.memory_space<vmem>> -> memref<1x128x128xf32, #tpu.memory_space<vmem>>
      %dma_start3A_170 = tpu.memref_squeeze %dma_start3A_169 : memref<1x128x128xf32, #tpu.memory_space<vmem>> -> memref<128x128xf32, #tpu.memory_space<vmem>>
      %dma_start3A_171 = arith.constant 0 : i32
      %dma_start3A_172 = tpu.memref_slice %arg5[%add3A_164, %dma_start3A_166, %dma_start3A_171] : memref<27x2x128xi32, #tpu.memory_space<vmem>> -> memref<1x1x128xi32, #tpu.memory_space<vmem>>
      %dma_start3A_173 = tpu.memref_squeeze %dma_start3A_172 : memref<1x1x128xi32, #tpu.memory_space<vmem>> -> memref<128xi32, #tpu.memory_space<vmem>>
      %dma_start3A_174 = arith.constant 0 : i32
      %dma_start3A_175 = arith.constant 0 : i32
      %dma_start3A_176 = tpu.memref_slice %arg2[%dma_start3A_174, %dma_start3A_175] : memref<10000x128xf32, #tpu.memory_space<hbm>> -> memref<10000x128xf32, #tpu.memory_space<hbm>>
      tpu.enqueue_indirect_dma source(%dma_start3A_176 : memref<10000x128xf32, #tpu.memory_space<hbm>>) target(%dma_start3A_170 : memref<128x128xf32, #tpu.memory_space<vmem>>) offsets(%dma_start3A_173 : memref<128xi32, #tpu.memory_space<vmem>>) semaphore(%arg8 : memref<!tpu.dma_semaphore, #tpu.memory_space<semaphore_mem>>)
      %run_scoped3A_177 = arith.constant 1 : i32
      "tpu.region"() ({
        %run_scoped3A_178 = tpu.sem_alloc : memref<!tpu.dma_semaphore, #tpu.memory_space<semaphore_mem>>
        %dma_start3A_179 = arith.constant 0 : i32
        %dma_start3A_180 = arith.constant 0 : i32
        %dma_start3A_181 = tpu.memref_slice %arg6[%rem3A_151, %dma_start3A_179, %dma_start3A_180] : memref<2x128x128xf32, #tpu.memory_space<vmem>> -> memref<1x128x128xf32, #tpu.memory_space<vmem>>
        %dma_start3A_182 = tpu.memref_squeeze %dma_start3A_181 : memref<1x128x128xf32, #tpu.memory_space<vmem>> -> memref<128x128xf32, #tpu.memory_space<vmem>>
        %dma_start3A_183 = arith.constant 0 : i32
        %dma_start3A_184 = tpu.memref_slice %arg5[%scan3A_150, %run_scoped3A_177, %dma_start3A_183] : memref<27x2x128xi32, #tpu.memory_space<vmem>> -> memref<1x1x128xi32, #tpu.memory_space<vmem>>
        %dma_start3A_185 = tpu.memref_squeeze %dma_start3A_184 : memref<1x1x128xi32, #tpu.memory_space<vmem>> -> memref<128xi32, #tpu.memory_space<vmem>>
        %dma_start3A_186 = arith.constant 0 : i32
        %dma_start3A_187 = arith.constant 0 : i32
        %dma_start3A_188 = tpu.memref_slice %arg7[%dma_start3A_186, %dma_start3A_187] : memref<10240x128xf32, #tpu.memory_space<vmem_shared>> -> memref<10240x128xf32, #tpu.memory_space<vmem_shared>>
        tpu.enqueue_indirect_dma source(%dma_start3A_182 : memref<128x128xf32, #tpu.memory_space<vmem>>) target(%dma_start3A_188 : memref<10240x128xf32, #tpu.memory_space<vmem_shared>>) offsets(%dma_start3A_185 : memref<128xi32, #tpu.memory_space<vmem>>) semaphore(%run_scoped3A_178 : memref<!tpu.dma_semaphore, #tpu.memory_space<semaphore_mem>>) {add = true}
        %dma_wait3A_189 = arith.constant 0 : i32
        %dma_wait3A_190 = arith.constant 0 : i32
        %dma_wait3A_191 = tpu.memref_slice %arg6[%rem3A_151, %dma_wait3A_189, %dma_wait3A_190] : memref<2x128x128xf32, #tpu.memory_space<vmem>> -> memref<1x128x128xf32, #tpu.memory_space<vmem>>
        %dma_wait3A_192 = tpu.memref_squeeze %dma_wait3A_191 : memref<1x128x128xf32, #tpu.memory_space<vmem>> -> memref<128x128xf32, #tpu.memory_space<vmem>>
        %dma_wait3A_193 = arith.constant 0 : i32
        %dma_wait3A_194 = tpu.memref_slice %arg5[%scan3A_150, %run_scoped3A_177, %dma_wait3A_193] : memref<27x2x128xi32, #tpu.memory_space<vmem>> -> memref<1x1x128xi32, #tpu.memory_space<vmem>>
        %dma_wait3A_195 = tpu.memref_squeeze %dma_wait3A_194 : memref<1x1x128xi32, #tpu.memory_space<vmem>> -> memref<128xi32, #tpu.memory_space<vmem>>
        %dma_wait3A_196 = arith.constant 0 : i32
        %dma_wait3A_197 = arith.constant 0 : i32
        %dma_wait3A_198 = tpu.memref_slice %arg7[%dma_wait3A_196, %dma_wait3A_197] : memref<10240x128xf32, #tpu.memory_space<vmem_shared>> -> memref<10240x128xf32, #tpu.memory_space<vmem_shared>>
        tpu.wait_indirect_dma semaphore(%run_scoped3A_178 : memref<!tpu.dma_semaphore, #tpu.memory_space<semaphore_mem>>) src(%dma_wait3A_192 : memref<128x128xf32, #tpu.memory_space<vmem>>) dst(%dma_wait3A_198 : memref<10240x128xf32, #tpu.memory_space<vmem_shared>>)
        tpu.yield
      }) : () -> ()
    }
    %scan3A_89 = arith.constant 26 : i32
    %dma_wait3A_90 = arith.constant 26 : i32
    %dma_wait3A_91 = arith.constant 0 : i32
    %dma_wait3A_92 = arith.constant 0 : i32
    %dma_wait3A_93 = arith.constant 0 : i32
    %dma_wait3A_94 = arith.constant 0 : i32
    %dma_wait3A_95 = tpu.memref_slice %arg6[%dma_wait3A_92, %dma_wait3A_93, %dma_wait3A_94] : memref<2x128x128xf32, #tpu.memory_space<vmem>> -> memref<1x128x128xf32, #tpu.memory_space<vmem>>
    %dma_wait3A_96 = tpu.memref_squeeze %dma_wait3A_95 : memref<1x128x128xf32, #tpu.memory_space<vmem>> -> memref<128x128xf32, #tpu.memory_space<vmem>>
    %dma_wait3A_97 = arith.constant 0 : i32
    %dma_wait3A_98 = tpu.memref_slice %arg5[%dma_wait3A_90, %dma_wait3A_91, %dma_wait3A_97] : memref<27x2x128xi32, #tpu.memory_space<vmem>> -> memref<1x1x128xi32, #tpu.memory_space<vmem>>
    %dma_wait3A_99 = tpu.memref_squeeze %dma_wait3A_98 : memref<1x1x128xi32, #tpu.memory_space<vmem>> -> memref<128xi32, #tpu.memory_space<vmem>>
    %dma_wait3A_100 = arith.constant 0 : i32
    %dma_wait3A_101 = arith.constant 0 : i32
    %dma_wait3A_102 = tpu.memref_slice %arg2[%dma_wait3A_100, %dma_wait3A_101] : memref<10000x128xf32, #tpu.memory_space<hbm>> -> memref<10000x128xf32, #tpu.memory_space<hbm>>
    tpu.wait_indirect_dma semaphore(%arg8 : memref<!tpu.dma_semaphore, #tpu.memory_space<semaphore_mem>>) src(%dma_wait3A_102 : memref<10000x128xf32, #tpu.memory_space<hbm>>) dst(%dma_wait3A_96 : memref<128x128xf32, #tpu.memory_space<vmem>>)
    %run_scoped3A_103 = arith.constant 0 : i32
    %run_scoped3A_104 = arith.constant 26 : i32
    %run_scoped3A_105 = arith.constant 1 : i32
    "tpu.region"() ({
      %run_scoped3A_150 = tpu.sem_alloc : memref<!tpu.dma_semaphore, #tpu.memory_space<semaphore_mem>>
      %dma_start3A_151 = arith.constant 0 : i32
      %dma_start3A_152 = arith.constant 0 : i32
      %dma_start3A_153 = tpu.memref_slice %arg6[%run_scoped3A_103, %dma_start3A_151, %dma_start3A_152] : memref<2x128x128xf32, #tpu.memory_space<vmem>> -> memref<1x128x128xf32, #tpu.memory_space<vmem>>
      %dma_start3A_154 = tpu.memref_squeeze %dma_start3A_153 : memref<1x128x128xf32, #tpu.memory_space<vmem>> -> memref<128x128xf32, #tpu.memory_space<vmem>>
      %dma_start3A_155 = arith.constant 0 : i32
      %dma_start3A_156 = tpu.memref_slice %arg5[%run_scoped3A_104, %run_scoped3A_105, %dma_start3A_155] : memref<27x2x128xi32, #tpu.memory_space<vmem>> -> memref<1x1x128xi32, #tpu.memory_space<vmem>>
      %dma_start3A_157 = tpu.memref_squeeze %dma_start3A_156 : memref<1x1x128xi32, #tpu.memory_space<vmem>> -> memref<128xi32, #tpu.memory_space<vmem>>
      %dma_start3A_158 = arith.constant 0 : i32
      %dma_start3A_159 = arith.constant 0 : i32
      %dma_start3A_160 = tpu.memref_slice %arg7[%dma_start3A_158, %dma_start3A_159] : memref<10240x128xf32, #tpu.memory_space<vmem_shared>> -> memref<10240x128xf32, #tpu.memory_space<vmem_shared>>
      tpu.enqueue_indirect_dma source(%dma_start3A_154 : memref<128x128xf32, #tpu.memory_space<vmem>>) target(%dma_start3A_160 : memref<10240x128xf32, #tpu.memory_space<vmem_shared>>) offsets(%dma_start3A_157 : memref<128xi32, #tpu.memory_space<vmem>>) semaphore(%run_scoped3A_150 : memref<!tpu.dma_semaphore, #tpu.memory_space<semaphore_mem>>) {add = true}
      %dma_wait3A_161 = arith.constant 0 : i32
      %dma_wait3A_162 = arith.constant 0 : i32
      %dma_wait3A_163 = tpu.memref_slice %arg6[%run_scoped3A_103, %dma_wait3A_161, %dma_wait3A_162] : memref<2x128x128xf32, #tpu.memory_space<vmem>> -> memref<1x128x128xf32, #tpu.memory_space<vmem>>
      %dma_wait3A_164 = tpu.memref_squeeze %dma_wait3A_163 : memref<1x128x128xf32, #tpu.memory_space<vmem>> -> memref<128x128xf32, #tpu.memory_space<vmem>>
      %dma_wait3A_165 = arith.constant 0 : i32
      %dma_wait3A_166 = tpu.memref_slice %arg5[%run_scoped3A_104, %run_scoped3A_105, %dma_wait3A_165] : memref<27x2x128xi32, #tpu.memory_space<vmem>> -> memref<1x1x128xi32, #tpu.memory_space<vmem>>
      %dma_wait3A_167 = tpu.memref_squeeze %dma_wait3A_166 : memref<1x1x128xi32, #tpu.memory_space<vmem>> -> memref<128xi32, #tpu.memory_space<vmem>>
      %dma_wait3A_168 = arith.constant 0 : i32
      %dma_wait3A_169 = arith.constant 0 : i32
      %dma_wait3A_170 = tpu.memref_slice %arg7[%dma_wait3A_168, %dma_wait3A_169] : memref<10240x128xf32, #tpu.memory_space<vmem_shared>> -> memref<10240x128xf32, #tpu.memory_space<vmem_shared>>
      tpu.wait_indirect_dma semaphore(%run_scoped3A_150 : memref<!tpu.dma_semaphore, #tpu.memory_space<semaphore_mem>>) src(%dma_wait3A_164 : memref<128x128xf32, #tpu.memory_space<vmem>>) dst(%dma_wait3A_170 : memref<10240x128xf32, #tpu.memory_space<vmem_shared>>)
      tpu.yield
    }) : () -> ()
    %mul3A_106 = arith.constant 81 : i32
    %mul3A_107 = arith.muli %add3A, %mul3A_106 : i32
    %add3A_108 = arith.constant 54 : i32
    %add3A_109 = arith.addi %mul3A_107, %add3A_108 : i32
    "tpu.region"() ({
      %run_scoped3A_150 = tpu.sem_alloc : memref<!tpu.dma_semaphore, #tpu.memory_space<semaphore_mem>>
      %dma_start3A_151 = arith.constant 0 : i32
      %dma_start3A_152 = arith.constant 0 : i32
      %dma_start3A_153 = tpu.memref_slice %arg3[%add3A_109, %dma_start3A_151, %dma_start3A_152] : memref<2592x2x128xi32, #tpu.memory_space<hbm>> -> memref<27x2x128xi32, #tpu.memory_space<hbm>>
      %dma_start3A_154 = arith.constant 0 : i32
      %dma_start3A_155 = arith.constant 0 : i32
      %dma_start3A_156 = tpu.memref_slice %arg3[%add3A_109, %dma_start3A_154, %dma_start3A_155] : memref<2592x2x128xi32, #tpu.memory_space<hbm>> -> memref<27x2x128xi32, #tpu.memory_space<hbm>>
      tpu.enqueue_dma source(%dma_start3A_156 : memref<27x2x128xi32, #tpu.memory_space<hbm>>) target(%arg5 : memref<27x2x128xi32, #tpu.memory_space<vmem>>) target_semaphore(%run_scoped3A_150 : memref<!tpu.dma_semaphore, #tpu.memory_space<semaphore_mem>>)
      %dma_wait3A_157 = arith.constant 0 : i32
      %dma_wait3A_158 = arith.constant 0 : i32
      %dma_wait3A_159 = tpu.memref_slice %arg3[%add3A_109, %dma_wait3A_157, %dma_wait3A_158] : memref<2592x2x128xi32, #tpu.memory_space<hbm>> -> memref<27x2x128xi32, #tpu.memory_space<hbm>>
      %dma_wait3A_160 = arith.constant 0 : i32
      %dma_wait3A_161 = arith.constant 0 : i32
      %dma_wait3A_162 = tpu.memref_slice %arg3[%add3A_109, %dma_wait3A_160, %dma_wait3A_161] : memref<2592x2x128xi32, #tpu.memory_space<hbm>> -> memref<27x2x128xi32, #tpu.memory_space<hbm>>
      tpu.wait_dma2 semaphore(%run_scoped3A_150 : memref<!tpu.dma_semaphore, #tpu.memory_space<semaphore_mem>>) src(%dma_wait3A_162 : memref<27x2x128xi32, #tpu.memory_space<hbm>>) dst(%arg5 : memref<27x2x128xi32, #tpu.memory_space<vmem>>)
      tpu.yield
    }) : () -> ()
    %dma_start3A_110 = arith.constant 0 : i32
    %dma_start3A_111 = arith.constant 0 : i32
    %dma_start3A_112 = arith.constant 0 : i32
    %dma_start3A_113 = arith.constant 0 : i32
    %dma_start3A_114 = arith.constant 0 : i32
    %dma_start3A_115 = tpu.memref_slice %arg6[%dma_start3A_112, %dma_start3A_113, %dma_start3A_114] : memref<2x128x128xf32, #tpu.memory_space<vmem>> -> memref<1x128x128xf32, #tpu.memory_space<vmem>>
    %dma_start3A_116 = tpu.memref_squeeze %dma_start3A_115 : memref<1x128x128xf32, #tpu.memory_space<vmem>> -> memref<128x128xf32, #tpu.memory_space<vmem>>
    %dma_start3A_117 = arith.constant 0 : i32
    %dma_start3A_118 = tpu.memref_slice %arg5[%dma_start3A_110, %dma_start3A_111, %dma_start3A_117] : memref<27x2x128xi32, #tpu.memory_space<vmem>> -> memref<1x1x128xi32, #tpu.memory_space<vmem>>
    %dma_start3A_119 = tpu.memref_squeeze %dma_start3A_118 : memref<1x1x128xi32, #tpu.memory_space<vmem>> -> memref<128xi32, #tpu.memory_space<vmem>>
    %dma_start3A_120 = arith.constant 0 : i32
    %dma_start3A_121 = arith.constant 0 : i32
    %dma_start3A_122 = tpu.memref_slice %arg2[%dma_start3A_120, %dma_start3A_121] : memref<10000x128xf32, #tpu.memory_space<hbm>> -> memref<10000x128xf32, #tpu.memory_space<hbm>>
    tpu.enqueue_indirect_dma source(%dma_start3A_122 : memref<10000x128xf32, #tpu.memory_space<hbm>>) target(%dma_start3A_116 : memref<128x128xf32, #tpu.memory_space<vmem>>) offsets(%dma_start3A_119 : memref<128xi32, #tpu.memory_space<vmem>>) semaphore(%arg8 : memref<!tpu.dma_semaphore, #tpu.memory_space<semaphore_mem>>)
    %scan3A_123 = arith.constant 0 : i32
    %scan3A_124 = arith.constant 0 : i32
    %scan3A_125 = arith.constant 26 : i32
    %scan3A_126 = arith.addi %scan3A_124, %scan3A_125 : i32
    %scan3A_127 = arith.constant 1 : i32
    scf.for %scan3A_150 = %scan3A_124 to %scan3A_126 step %scan3A_127  : i32 {
      %rem3A = arith.constant 2 : i32
      %rem3A_151 = arith.remsi %scan3A_150, %rem3A : i32
      %dma_wait3A_152 = arith.constant 0 : i32
      %dma_wait3A_153 = arith.constant 0 : i32
      %dma_wait3A_154 = arith.constant 0 : i32
      %dma_wait3A_155 = tpu.memref_slice %arg6[%rem3A_151, %dma_wait3A_153, %dma_wait3A_154] : memref<2x128x128xf32, #tpu.memory_space<vmem>> -> memref<1x128x128xf32, #tpu.memory_space<vmem>>
      %dma_wait3A_156 = tpu.memref_squeeze %dma_wait3A_155 : memref<1x128x128xf32, #tpu.memory_space<vmem>> -> memref<128x128xf32, #tpu.memory_space<vmem>>
      %dma_wait3A_157 = arith.constant 0 : i32
      %dma_wait3A_158 = tpu.memref_slice %arg5[%scan3A_150, %dma_wait3A_152, %dma_wait3A_157] : memref<27x2x128xi32, #tpu.memory_space<vmem>> -> memref<1x1x128xi32, #tpu.memory_space<vmem>>
      %dma_wait3A_159 = tpu.memref_squeeze %dma_wait3A_158 : memref<1x1x128xi32, #tpu.memory_space<vmem>> -> memref<128xi32, #tpu.memory_space<vmem>>
      %dma_wait3A_160 = arith.constant 0 : i32
      %dma_wait3A_161 = arith.constant 0 : i32
      %dma_wait3A_162 = tpu.memref_slice %arg2[%dma_wait3A_160, %dma_wait3A_161] : memref<10000x128xf32, #tpu.memory_space<hbm>> -> memref<10000x128xf32, #tpu.memory_space<hbm>>
      tpu.wait_indirect_dma semaphore(%arg8 : memref<!tpu.dma_semaphore, #tpu.memory_space<semaphore_mem>>) src(%dma_wait3A_162 : memref<10000x128xf32, #tpu.memory_space<hbm>>) dst(%dma_wait3A_156 : memref<128x128xf32, #tpu.memory_space<vmem>>)
      %add3A_163 = arith.constant 1 : i32
      %add3A_164 = arith.addi %scan3A_150, %add3A_163 : i32
      %sub3A = arith.constant 1 : i32
      %sub3A_165 = arith.subi %sub3A, %rem3A_151 : i32
      %dma_start3A_166 = arith.constant 0 : i32
      %dma_start3A_167 = arith.constant 0 : i32
      %dma_start3A_168 = arith.constant 0 : i32
      %dma_start3A_169 = tpu.memref_slice %arg6[%sub3A_165, %dma_start3A_167, %dma_start3A_168] : memref<2x128x128xf32, #tpu.memory_space<vmem>> -> memref<1x128x128xf32, #tpu.memory_space<vmem>>
      %dma_start3A_170 = tpu.memref_squeeze %dma_start3A_169 : memref<1x128x128xf32, #tpu.memory_space<vmem>> -> memref<128x128xf32, #tpu.memory_space<vmem>>
      %dma_start3A_171 = arith.constant 0 : i32
      %dma_start3A_172 = tpu.memref_slice %arg5[%add3A_164, %dma_start3A_166, %dma_start3A_171] : memref<27x2x128xi32, #tpu.memory_space<vmem>> -> memref<1x1x128xi32, #tpu.memory_space<vmem>>
      %dma_start3A_173 = tpu.memref_squeeze %dma_start3A_172 : memref<1x1x128xi32, #tpu.memory_space<vmem>> -> memref<128xi32, #tpu.memory_space<vmem>>
      %dma_start3A_174 = arith.constant 0 : i32
      %dma_start3A_175 = arith.constant 0 : i32
      %dma_start3A_176 = tpu.memref_slice %arg2[%dma_start3A_174, %dma_start3A_175] : memref<10000x128xf32, #tpu.memory_space<hbm>> -> memref<10000x128xf32, #tpu.memory_space<hbm>>
      tpu.enqueue_indirect_dma source(%dma_start3A_176 : memref<10000x128xf32, #tpu.memory_space<hbm>>) target(%dma_start3A_170 : memref<128x128xf32, #tpu.memory_space<vmem>>) offsets(%dma_start3A_173 : memref<128xi32, #tpu.memory_space<vmem>>) semaphore(%arg8 : memref<!tpu.dma_semaphore, #tpu.memory_space<semaphore_mem>>)
      %run_scoped3A_177 = arith.constant 1 : i32
      "tpu.region"() ({
        %run_scoped3A_178 = tpu.sem_alloc : memref<!tpu.dma_semaphore, #tpu.memory_space<semaphore_mem>>
        %dma_start3A_179 = arith.constant 0 : i32
        %dma_start3A_180 = arith.constant 0 : i32
        %dma_start3A_181 = tpu.memref_slice %arg6[%rem3A_151, %dma_start3A_179, %dma_start3A_180] : memref<2x128x128xf32, #tpu.memory_space<vmem>> -> memref<1x128x128xf32, #tpu.memory_space<vmem>>
        %dma_start3A_182 = tpu.memref_squeeze %dma_start3A_181 : memref<1x128x128xf32, #tpu.memory_space<vmem>> -> memref<128x128xf32, #tpu.memory_space<vmem>>
        %dma_start3A_183 = arith.constant 0 : i32
        %dma_start3A_184 = tpu.memref_slice %arg5[%scan3A_150, %run_scoped3A_177, %dma_start3A_183] : memref<27x2x128xi32, #tpu.memory_space<vmem>> -> memref<1x1x128xi32, #tpu.memory_space<vmem>>
        %dma_start3A_185 = tpu.memref_squeeze %dma_start3A_184 : memref<1x1x128xi32, #tpu.memory_space<vmem>> -> memref<128xi32, #tpu.memory_space<vmem>>
        %dma_start3A_186 = arith.constant 0 : i32
        %dma_start3A_187 = arith.constant 0 : i32
        %dma_start3A_188 = tpu.memref_slice %arg7[%dma_start3A_186, %dma_start3A_187] : memref<10240x128xf32, #tpu.memory_space<vmem_shared>> -> memref<10240x128xf32, #tpu.memory_space<vmem_shared>>
        tpu.enqueue_indirect_dma source(%dma_start3A_182 : memref<128x128xf32, #tpu.memory_space<vmem>>) target(%dma_start3A_188 : memref<10240x128xf32, #tpu.memory_space<vmem_shared>>) offsets(%dma_start3A_185 : memref<128xi32, #tpu.memory_space<vmem>>) semaphore(%run_scoped3A_178 : memref<!tpu.dma_semaphore, #tpu.memory_space<semaphore_mem>>) {add = true}
        %dma_wait3A_189 = arith.constant 0 : i32
        %dma_wait3A_190 = arith.constant 0 : i32
        %dma_wait3A_191 = tpu.memref_slice %arg6[%rem3A_151, %dma_wait3A_189, %dma_wait3A_190] : memref<2x128x128xf32, #tpu.memory_space<vmem>> -> memref<1x128x128xf32, #tpu.memory_space<vmem>>
        %dma_wait3A_192 = tpu.memref_squeeze %dma_wait3A_191 : memref<1x128x128xf32, #tpu.memory_space<vmem>> -> memref<128x128xf32, #tpu.memory_space<vmem>>
        %dma_wait3A_193 = arith.constant 0 : i32
        %dma_wait3A_194 = tpu.memref_slice %arg5[%scan3A_150, %run_scoped3A_177, %dma_wait3A_193] : memref<27x2x128xi32, #tpu.memory_space<vmem>> -> memref<1x1x128xi32, #tpu.memory_space<vmem>>
        %dma_wait3A_195 = tpu.memref_squeeze %dma_wait3A_194 : memref<1x1x128xi32, #tpu.memory_space<vmem>> -> memref<128xi32, #tpu.memory_space<vmem>>
        %dma_wait3A_196 = arith.constant 0 : i32
        %dma_wait3A_197 = arith.constant 0 : i32
        %dma_wait3A_198 = tpu.memref_slice %arg7[%dma_wait3A_196, %dma_wait3A_197] : memref<10240x128xf32, #tpu.memory_space<vmem_shared>> -> memref<10240x128xf32, #tpu.memory_space<vmem_shared>>
        tpu.wait_indirect_dma semaphore(%run_scoped3A_178 : memref<!tpu.dma_semaphore, #tpu.memory_space<semaphore_mem>>) src(%dma_wait3A_192 : memref<128x128xf32, #tpu.memory_space<vmem>>) dst(%dma_wait3A_198 : memref<10240x128xf32, #tpu.memory_space<vmem_shared>>)
        tpu.yield
      }) : () -> ()
    }
    %scan3A_128 = arith.constant 26 : i32
    %dma_wait3A_129 = arith.constant 26 : i32
    %dma_wait3A_130 = arith.constant 0 : i32
    %dma_wait3A_131 = arith.constant 0 : i32
    %dma_wait3A_132 = arith.constant 0 : i32
    %dma_wait3A_133 = arith.constant 0 : i32
    %dma_wait3A_134 = tpu.memref_slice %arg6[%dma_wait3A_131, %dma_wait3A_132, %dma_wait3A_133] : memref<2x128x128xf32, #tpu.memory_space<vmem>> -> memref<1x128x128xf32, #tpu.memory_space<vmem>>
    %dma_wait3A_135 = tpu.memref_squeeze %dma_wait3A_134 : memref<1x128x128xf32, #tpu.memory_space<vmem>> -> memref<128x128xf32, #tpu.memory_space<vmem>>
    %dma_wait3A_136 = arith.constant 0 : i32
    %dma_wait3A_137 = tpu.memref_slice %arg5[%dma_wait3A_129, %dma_wait3A_130, %dma_wait3A_136] : memref<27x2x128xi32, #tpu.memory_space<vmem>> -> memref<1x1x128xi32, #tpu.memory_space<vmem>>
    %dma_wait3A_138 = tpu.memref_squeeze %dma_wait3A_137 : memref<1x1x128xi32, #tpu.memory_space<vmem>> -> memref<128xi32, #tpu.memory_space<vmem>>
    %dma_wait3A_139 = arith.constant 0 : i32
    %dma_wait3A_140 = arith.constant 0 : i32
    %dma_wait3A_141 = tpu.memref_slice %arg2[%dma_wait3A_139, %dma_wait3A_140] : memref<10000x128xf32, #tpu.memory_space<hbm>> -> memref<10000x128xf32, #tpu.memory_space<hbm>>
    tpu.wait_indirect_dma semaphore(%arg8 : memref<!tpu.dma_semaphore, #tpu.memory_space<semaphore_mem>>) src(%dma_wait3A_141 : memref<10000x128xf32, #tpu.memory_space<hbm>>) dst(%dma_wait3A_135 : memref<128x128xf32, #tpu.memory_space<vmem>>)
    %run_scoped3A_142 = arith.constant 0 : i32
    %run_scoped3A_143 = arith.constant 26 : i32
    %run_scoped3A_144 = arith.constant 1 : i32
    "tpu.region"() ({
      %run_scoped3A_150 = tpu.sem_alloc : memref<!tpu.dma_semaphore, #tpu.memory_space<semaphore_mem>>
      %dma_start3A_151 = arith.constant 0 : i32
      %dma_start3A_152 = arith.constant 0 : i32
      %dma_start3A_153 = tpu.memref_slice %arg6[%run_scoped3A_142, %dma_start3A_151, %dma_start3A_152] : memref<2x128x128xf32, #tpu.memory_space<vmem>> -> memref<1x128x128xf32, #tpu.memory_space<vmem>>
      %dma_start3A_154 = tpu.memref_squeeze %dma_start3A_153 : memref<1x128x128xf32, #tpu.memory_space<vmem>> -> memref<128x128xf32, #tpu.memory_space<vmem>>
      %dma_start3A_155 = arith.constant 0 : i32
      %dma_start3A_156 = tpu.memref_slice %arg5[%run_scoped3A_143, %run_scoped3A_144, %dma_start3A_155] : memref<27x2x128xi32, #tpu.memory_space<vmem>> -> memref<1x1x128xi32, #tpu.memory_space<vmem>>
      %dma_start3A_157 = tpu.memref_squeeze %dma_start3A_156 : memref<1x1x128xi32, #tpu.memory_space<vmem>> -> memref<128xi32, #tpu.memory_space<vmem>>
      %dma_start3A_158 = arith.constant 0 : i32
      %dma_start3A_159 = arith.constant 0 : i32
      %dma_start3A_160 = tpu.memref_slice %arg7[%dma_start3A_158, %dma_start3A_159] : memref<10240x128xf32, #tpu.memory_space<vmem_shared>> -> memref<10240x128xf32, #tpu.memory_space<vmem_shared>>
      tpu.enqueue_indirect_dma source(%dma_start3A_154 : memref<128x128xf32, #tpu.memory_space<vmem>>) target(%dma_start3A_160 : memref<10240x128xf32, #tpu.memory_space<vmem_shared>>) offsets(%dma_start3A_157 : memref<128xi32, #tpu.memory_space<vmem>>) semaphore(%run_scoped3A_150 : memref<!tpu.dma_semaphore, #tpu.memory_space<semaphore_mem>>) {add = true}
      %dma_wait3A_161 = arith.constant 0 : i32
      %dma_wait3A_162 = arith.constant 0 : i32
      %dma_wait3A_163 = tpu.memref_slice %arg6[%run_scoped3A_142, %dma_wait3A_161, %dma_wait3A_162] : memref<2x128x128xf32, #tpu.memory_space<vmem>> -> memref<1x128x128xf32, #tpu.memory_space<vmem>>
      %dma_wait3A_164 = tpu.memref_squeeze %dma_wait3A_163 : memref<1x128x128xf32, #tpu.memory_space<vmem>> -> memref<128x128xf32, #tpu.memory_space<vmem>>
      %dma_wait3A_165 = arith.constant 0 : i32
      %dma_wait3A_166 = tpu.memref_slice %arg5[%run_scoped3A_143, %run_scoped3A_144, %dma_wait3A_165] : memref<27x2x128xi32, #tpu.memory_space<vmem>> -> memref<1x1x128xi32, #tpu.memory_space<vmem>>
      %dma_wait3A_167 = tpu.memref_squeeze %dma_wait3A_166 : memref<1x1x128xi32, #tpu.memory_space<vmem>> -> memref<128xi32, #tpu.memory_space<vmem>>
      %dma_wait3A_168 = arith.constant 0 : i32
      %dma_wait3A_169 = arith.constant 0 : i32
      %dma_wait3A_170 = tpu.memref_slice %arg7[%dma_wait3A_168, %dma_wait3A_169] : memref<10240x128xf32, #tpu.memory_space<vmem_shared>> -> memref<10240x128xf32, #tpu.memory_space<vmem_shared>>
      tpu.wait_indirect_dma semaphore(%run_scoped3A_150 : memref<!tpu.dma_semaphore, #tpu.memory_space<semaphore_mem>>) src(%dma_wait3A_164 : memref<128x128xf32, #tpu.memory_space<vmem>>) dst(%dma_wait3A_170 : memref<10240x128xf32, #tpu.memory_space<vmem_shared>>)
      tpu.yield
    }) : () -> ()
    %barrier3A_145 = arith.constant 0 : index
    tpu.barrier barrier_id(%barrier3A_145)
    %mul3A_146 = arith.constant 640 : i32
    %mul3A_147 = arith.muli %arg1, %mul3A_146 : i32
    %mul3A_148 = arith.constant 640 : i32
    %mul3A_149 = arith.muli %arg1, %mul3A_148 : i32
    "tpu.region"() ({
      %run_scoped3A_150 = tpu.sem_alloc : memref<!tpu.dma_semaphore, #tpu.memory_space<semaphore_mem>>
      %dma_start3A_151 = arith.constant 0 : i32
      %dma_start3A_152 = tpu.memref_slice %arg4[%arg0, %mul3A_149, %dma_start3A_151] : memref<2x10240x128xf32, #tpu.memory_space<hbm>> -> memref<1x640x128xf32, #tpu.memory_space<hbm>>
      %dma_start3A_153 = tpu.memref_squeeze %dma_start3A_152 : memref<1x640x128xf32, #tpu.memory_space<hbm>> -> memref<640x128xf32, #tpu.memory_space<hbm>>
      %dma_start3A_154 = arith.constant 0 : i32
      %dma_start3A_155 = tpu.memref_slice %arg7[%mul3A_147, %dma_start3A_154] : memref<10240x128xf32, #tpu.memory_space<vmem_shared>> -> memref<640x128xf32, #tpu.memory_space<vmem_shared>>
      tpu.enqueue_dma source(%dma_start3A_155 : memref<640x128xf32, #tpu.memory_space<vmem_shared>>) target(%dma_start3A_153 : memref<640x128xf32, #tpu.memory_space<hbm>>) target_semaphore(%run_scoped3A_150 : memref<!tpu.dma_semaphore, #tpu.memory_space<semaphore_mem>>)
      %dma_wait3A_156 = arith.constant 0 : i32
      %dma_wait3A_157 = tpu.memref_slice %arg4[%arg0, %mul3A_149, %dma_wait3A_156] : memref<2x10240x128xf32, #tpu.memory_space<hbm>> -> memref<1x640x128xf32, #tpu.memory_space<hbm>>
      %dma_wait3A_158 = tpu.memref_squeeze %dma_wait3A_157 : memref<1x640x128xf32, #tpu.memory_space<hbm>> -> memref<640x128xf32, #tpu.memory_space<hbm>>
      %dma_wait3A_159 = arith.constant 0 : i32
      %dma_wait3A_160 = tpu.memref_slice %arg7[%mul3A_147, %dma_wait3A_159] : memref<10240x128xf32, #tpu.memory_space<vmem_shared>> -> memref<640x128xf32, #tpu.memory_space<vmem_shared>>
      tpu.wait_dma2 semaphore(%run_scoped3A_150 : memref<!tpu.dma_semaphore, #tpu.memory_space<semaphore_mem>>) src(%dma_wait3A_160 : memref<640x128xf32, #tpu.memory_space<vmem_shared>>) dst(%dma_wait3A_158 : memref<640x128xf32, #tpu.memory_space<hbm>>)
      tpu.yield
    }) : () -> ()
    return
  }
}

#map = affine_map<(d0, d1) -> (0, 0)>
#map1 = affine_map<(d0, d1) -> (0, 0, 0)>
module attributes {stable_mosaic.version = 14 : i64} {
  func.func @k(%arg0: i32, %arg1: i32, %arg2: memref<10000x64xf32, #tpu.memory_space<hbm>>, %arg3: memref<2592x2x128xi32, #tpu.memory_space<hbm>>, %arg4: memref<2x10240x64xf32, #tpu.memory_space<hbm>>, %arg5: memref<27x2x128xi32, #tpu.memory_space<vmem>>, %arg6: memref<2x128x64xf32, #tpu.memory_space<vmem>>, %arg7: memref<10240x64xf32, #tpu.memory_space<vmem_shared>>, %arg8: memref<!tpu.dma_semaphore, #tpu.memory_space<semaphore_mem>>) attributes {dimension_semantics = [#tpu.dimension_semantics<core_parallel>, #tpu.dimension_semantics<subcore_parallel>], iteration_bounds = array<i64: 2, 16>, scalar_prefetch = 0 : i64, scratch_operands = 4 : i64, tpu.core_type = #tpu.core_type<sc_vector_subcore>, window_params = [{transform_indices = #map}, {transform_indices = #map1}, {transform_indices = #map1}]} {
    %mul3A = arith.constant 2 : i32
    %mul3A_0 = arith.muli %arg1, %mul3A : i32
    %add3A = arith.addi %mul3A_0, %arg0 : i32
    %scan3A = arith.constant 0 : i32
    %scan3A_1 = arith.constant 0 : i32
    %scan3A_2 = arith.constant 128 : i32
    %scan3A_3 = arith.addi %scan3A_1, %scan3A_2 : i32
    %scan3A_4 = arith.constant 1 : i32
    scf.for %scan3A_150 = %scan3A_1 to %scan3A_3 step %scan3A_4  : i32 {
      %broadcast_in_dim3A = arith.constant 0.000000e+00 : f32
      %broadcast_in_dim3A_151 = vector.broadcast %broadcast_in_dim3A : f32 to vector<16xf32>
      %swap3A = arith.constant 0 : i32
      %swap3A_152 = arith.index_cast %swap3A : i32 to index
      %swap3A_153 = arith.index_cast %scan3A_150 : i32 to index
      %swap3A_154 = arith.constant 0 : index
      %swap3A_155 = tpu.vector_load %arg6[%swap3A_152, %swap3A_153, %swap3A_154] {strides = array<i32>} : memref<2x128x64xf32, #tpu.memory_space<vmem>>, vector<16xf32>,
      tpu.vector_store %arg6[%swap3A_152, %swap3A_153, %swap3A_154], %broadcast_in_dim3A_151 {strides = array<i32>} : memref<2x128x64xf32, #tpu.memory_space<vmem>>, vector<16xf32>,
      %broadcast_in_dim3A_156 = arith.constant 0.000000e+00 : f32
      %broadcast_in_dim3A_157 = vector.broadcast %broadcast_in_dim3A_156 : f32 to vector<16xf32>
      %swap3A_158 = arith.constant 0 : i32
      %swap3A_159 = arith.index_cast %swap3A_158 : i32 to index
      %swap3A_160 = arith.index_cast %scan3A_150 : i32 to index
      %swap3A_161 = arith.constant 16 : index
      %swap3A_162 = tpu.vector_load %arg6[%swap3A_159, %swap3A_160, %swap3A_161] {strides = array<i32>} : memref<2x128x64xf32, #tpu.memory_space<vmem>>, vector<16xf32>,
      tpu.vector_store %arg6[%swap3A_159, %swap3A_160, %swap3A_161], %broadcast_in_dim3A_157 {strides = array<i32>} : memref<2x128x64xf32, #tpu.memory_space<vmem>>, vector<16xf32>,
      %broadcast_in_dim3A_163 = arith.constant 0.000000e+00 : f32
      %broadcast_in_dim3A_164 = vector.broadcast %broadcast_in_dim3A_163 : f32 to vector<16xf32>
      %swap3A_165 = arith.constant 0 : i32
      %swap3A_166 = arith.index_cast %swap3A_165 : i32 to index
      %swap3A_167 = arith.index_cast %scan3A_150 : i32 to index
      %swap3A_168 = arith.constant 32 : index
      %swap3A_169 = tpu.vector_load %arg6[%swap3A_166, %swap3A_167, %swap3A_168] {strides = array<i32>} : memref<2x128x64xf32, #tpu.memory_space<vmem>>, vector<16xf32>,
      tpu.vector_store %arg6[%swap3A_166, %swap3A_167, %swap3A_168], %broadcast_in_dim3A_164 {strides = array<i32>} : memref<2x128x64xf32, #tpu.memory_space<vmem>>, vector<16xf32>,
      %broadcast_in_dim3A_170 = arith.constant 0.000000e+00 : f32
      %broadcast_in_dim3A_171 = vector.broadcast %broadcast_in_dim3A_170 : f32 to vector<16xf32>
      %swap3A_172 = arith.constant 0 : i32
      %swap3A_173 = arith.index_cast %swap3A_172 : i32 to index
      %swap3A_174 = arith.index_cast %scan3A_150 : i32 to index
      %swap3A_175 = arith.constant 48 : index
      %swap3A_176 = tpu.vector_load %arg6[%swap3A_173, %swap3A_174, %swap3A_175] {strides = array<i32>} : memref<2x128x64xf32, #tpu.memory_space<vmem>>, vector<16xf32>,
      tpu.vector_store %arg6[%swap3A_173, %swap3A_174, %swap3A_175], %broadcast_in_dim3A_171 {strides = array<i32>} : memref<2x128x64xf32, #tpu.memory_space<vmem>>, vector<16xf32>,
    }
    %scan3A_5 = arith.constant 128 : i32
    %mul3A_6 = arith.constant 640 : i32
    %mul3A_7 = arith.muli %arg1, %mul3A_6 : i32
    %add3A_8 = arith.constant 0 : i32
    %add3A_9 = arith.addi %mul3A_7, %add3A_8 : i32
    %run_scoped3A = arith.constant 0 : i32
    "tpu.region"() ({
      %run_scoped3A_150 = tpu.sem_alloc : memref<!tpu.dma_semaphore, #tpu.memory_space<semaphore_mem>>
      %dma_start3A_151 = arith.constant 0 : i32
      %dma_start3A_152 = arith.constant 0 : i32
      %dma_start3A_153 = tpu.memref_slice %arg6[%run_scoped3A, %dma_start3A_151, %dma_start3A_152] : memref<2x128x64xf32, #tpu.memory_space<vmem>> -> memref<1x128x64xf32, #tpu.memory_space<vmem>>
      %dma_start3A_154 = tpu.memref_squeeze %dma_start3A_153 : memref<1x128x64xf32, #tpu.memory_space<vmem>> -> memref<128x64xf32, #tpu.memory_space<vmem>>
      %dma_start3A_155 = arith.constant 0 : i32
      %dma_start3A_156 = tpu.memref_slice %arg7[%add3A_9, %dma_start3A_155] : memref<10240x64xf32, #tpu.memory_space<vmem_shared>> -> memref<128x64xf32, #tpu.memory_space<vmem_shared>>
      %dma_start3A_157 = arith.constant 0 : i32
      %dma_start3A_158 = tpu.memref_slice %arg7[%add3A_9, %dma_start3A_157] : memref<10240x64xf32, #tpu.memory_space<vmem_shared>> -> memref<128x64xf32, #tpu.memory_space<vmem_shared>>
      %dma_start3A_159 = arith.constant 0 : i32
      %dma_start3A_160 = arith.constant 0 : i32
      %dma_start3A_161 = tpu.memref_slice %arg6[%run_scoped3A, %dma_start3A_159, %dma_start3A_160] : memref<2x128x64xf32, #tpu.memory_space<vmem>> -> memref<1x128x64xf32, #tpu.memory_space<vmem>>
      %dma_start3A_162 = tpu.memref_squeeze %dma_start3A_161 : memref<1x128x64xf32, #tpu.memory_space<vmem>> -> memref<128x64xf32, #tpu.memory_space<vmem>>
      tpu.enqueue_dma source(%dma_start3A_162 : memref<128x64xf32, #tpu.memory_space<vmem>>) target(%dma_start3A_158 : memref<128x64xf32, #tpu.memory_space<vmem_shared>>) target_semaphore(%run_scoped3A_150 : memref<!tpu.dma_semaphore, #tpu.memory_space<semaphore_mem>>)
      %dma_wait3A_163 = arith.constant 0 : i32
      %dma_wait3A_164 = arith.constant 0 : i32
      %dma_wait3A_165 = tpu.memref_slice %arg6[%run_scoped3A, %dma_wait3A_163, %dma_wait3A_164] : memref<2x128x64xf32, #tpu.memory_space<vmem>> -> memref<1x128x64xf32, #tpu.memory_space<vmem>>
      %dma_wait3A_166 = tpu.memref_squeeze %dma_wait3A_165 : memref<1x128x64xf32, #tpu.memory_space<vmem>> -> memref<128x64xf32, #tpu.memory_space<vmem>>
      %dma_wait3A_167 = arith.constant 0 : i32
      %dma_wait3A_168 = tpu.memref_slice %arg7[%add3A_9, %dma_wait3A_167] : memref<10240x64xf32, #tpu.memory_space<vmem_shared>> -> memref<128x64xf32, #tpu.memory_space<vmem_shared>>
      %dma_wait3A_169 = arith.constant 0 : i32
      %dma_wait3A_170 = tpu.memref_slice %arg7[%add3A_9, %dma_wait3A_169] : memref<10240x64xf32, #tpu.memory_space<vmem_shared>> -> memref<128x64xf32, #tpu.memory_space<vmem_shared>>
      %dma_wait3A_171 = arith.constant 0 : i32
      %dma_wait3A_172 = arith.constant 0 : i32
      %dma_wait3A_173 = tpu.memref_slice %arg6[%run_scoped3A, %dma_wait3A_171, %dma_wait3A_172] : memref<2x128x64xf32, #tpu.memory_space<vmem>> -> memref<1x128x64xf32, #tpu.memory_space<vmem>>
      %dma_wait3A_174 = tpu.memref_squeeze %dma_wait3A_173 : memref<1x128x64xf32, #tpu.memory_space<vmem>> -> memref<128x64xf32, #tpu.memory_space<vmem>>
      tpu.wait_dma2 semaphore(%run_scoped3A_150 : memref<!tpu.dma_semaphore, #tpu.memory_space<semaphore_mem>>) src(%dma_wait3A_174 : memref<128x64xf32, #tpu.memory_space<vmem>>) dst(%dma_wait3A_170 : memref<128x64xf32, #tpu.memory_space<vmem_shared>>)
      tpu.yield
    }) : () -> ()
    %mul3A_10 = arith.constant 640 : i32
    %mul3A_11 = arith.muli %arg1, %mul3A_10 : i32
    %add3A_12 = arith.constant 128 : i32
    %add3A_13 = arith.addi %mul3A_11, %add3A_12 : i32
    %run_scoped3A_14 = arith.constant 0 : i32
    "tpu.region"() ({
      %run_scoped3A_150 = tpu.sem_alloc : memref<!tpu.dma_semaphore, #tpu.memory_space<semaphore_mem>>
      %dma_start3A_151 = arith.constant 0 : i32
      %dma_start3A_152 = arith.constant 0 : i32
      %dma_start3A_153 = tpu.memref_slice %arg6[%run_scoped3A_14, %dma_start3A_151, %dma_start3A_152] : memref<2x128x64xf32, #tpu.memory_space<vmem>> -> memref<1x128x64xf32, #tpu.memory_space<vmem>>
      %dma_start3A_154 = tpu.memref_squeeze %dma_start3A_153 : memref<1x128x64xf32, #tpu.memory_space<vmem>> -> memref<128x64xf32, #tpu.memory_space<vmem>>
      %dma_start3A_155 = arith.constant 0 : i32
      %dma_start3A_156 = tpu.memref_slice %arg7[%add3A_13, %dma_start3A_155] : memref<10240x64xf32, #tpu.memory_space<vmem_shared>> -> memref<128x64xf32, #tpu.memory_space<vmem_shared>>
      %dma_start3A_157 = arith.constant 0 : i32
      %dma_start3A_158 = tpu.memref_slice %arg7[%add3A_13, %dma_start3A_157] : memref<10240x64xf32, #tpu.memory_space<vmem_shared>> -> memref<128x64xf32, #tpu.memory_space<vmem_shared>>
      %dma_start3A_159 = arith.constant 0 : i32
      %dma_start3A_160 = arith.constant 0 : i32
      %dma_start3A_161 = tpu.memref_slice %arg6[%run_scoped3A_14, %dma_start3A_159, %dma_start3A_160] : memref<2x128x64xf32, #tpu.memory_space<vmem>> -> memref<1x128x64xf32, #tpu.memory_space<vmem>>
      %dma_start3A_162 = tpu.memref_squeeze %dma_start3A_161 : memref<1x128x64xf32, #tpu.memory_space<vmem>> -> memref<128x64xf32, #tpu.memory_space<vmem>>
      tpu.enqueue_dma source(%dma_start3A_162 : memref<128x64xf32, #tpu.memory_space<vmem>>) target(%dma_start3A_158 : memref<128x64xf32, #tpu.memory_space<vmem_shared>>) target_semaphore(%run_scoped3A_150 : memref<!tpu.dma_semaphore, #tpu.memory_space<semaphore_mem>>)
      %dma_wait3A_163 = arith.constant 0 : i32
      %dma_wait3A_164 = arith.constant 0 : i32
      %dma_wait3A_165 = tpu.memref_slice %arg6[%run_scoped3A_14, %dma_wait3A_163, %dma_wait3A_164] : memref<2x128x64xf32, #tpu.memory_space<vmem>> -> memref<1x128x64xf32, #tpu.memory_space<vmem>>
      %dma_wait3A_166 = tpu.memref_squeeze %dma_wait3A_165 : memref<1x128x64xf32, #tpu.memory_space<vmem>> -> memref<128x64xf32, #tpu.memory_space<vmem>>
      %dma_wait3A_167 = arith.constant 0 : i32
      %dma_wait3A_168 = tpu.memref_slice %arg7[%add3A_13, %dma_wait3A_167] : memref<10240x64xf32, #tpu.memory_space<vmem_shared>> -> memref<128x64xf32, #tpu.memory_space<vmem_shared>>
      %dma_wait3A_169 = arith.constant 0 : i32
      %dma_wait3A_170 = tpu.memref_slice %arg7[%add3A_13, %dma_wait3A_169] : memref<10240x64xf32, #tpu.memory_space<vmem_shared>> -> memref<128x64xf32, #tpu.memory_space<vmem_shared>>
      %dma_wait3A_171 = arith.constant 0 : i32
      %dma_wait3A_172 = arith.constant 0 : i32
      %dma_wait3A_173 = tpu.memref_slice %arg6[%run_scoped3A_14, %dma_wait3A_171, %dma_wait3A_172] : memref<2x128x64xf32, #tpu.memory_space<vmem>> -> memref<1x128x64xf32, #tpu.memory_space<vmem>>
      %dma_wait3A_174 = tpu.memref_squeeze %dma_wait3A_173 : memref<1x128x64xf32, #tpu.memory_space<vmem>> -> memref<128x64xf32, #tpu.memory_space<vmem>>
      tpu.wait_dma2 semaphore(%run_scoped3A_150 : memref<!tpu.dma_semaphore, #tpu.memory_space<semaphore_mem>>) src(%dma_wait3A_174 : memref<128x64xf32, #tpu.memory_space<vmem>>) dst(%dma_wait3A_170 : memref<128x64xf32, #tpu.memory_space<vmem_shared>>)
      tpu.yield
    }) : () -> ()
    %mul3A_15 = arith.constant 640 : i32
    %mul3A_16 = arith.muli %arg1, %mul3A_15 : i32
    %add3A_17 = arith.constant 256 : i32
    %add3A_18 = arith.addi %mul3A_16, %add3A_17 : i32
    %run_scoped3A_19 = arith.constant 0 : i32
    "tpu.region"() ({
      %run_scoped3A_150 = tpu.sem_alloc : memref<!tpu.dma_semaphore, #tpu.memory_space<semaphore_mem>>
      %dma_start3A_151 = arith.constant 0 : i32
      %dma_start3A_152 = arith.constant 0 : i32
      %dma_start3A_153 = tpu.memref_slice %arg6[%run_scoped3A_19, %dma_start3A_151, %dma_start3A_152] : memref<2x128x64xf32, #tpu.memory_space<vmem>> -> memref<1x128x64xf32, #tpu.memory_space<vmem>>
      %dma_start3A_154 = tpu.memref_squeeze %dma_start3A_153 : memref<1x128x64xf32, #tpu.memory_space<vmem>> -> memref<128x64xf32, #tpu.memory_space<vmem>>
      %dma_start3A_155 = arith.constant 0 : i32
      %dma_start3A_156 = tpu.memref_slice %arg7[%add3A_18, %dma_start3A_155] : memref<10240x64xf32, #tpu.memory_space<vmem_shared>> -> memref<128x64xf32, #tpu.memory_space<vmem_shared>>
      %dma_start3A_157 = arith.constant 0 : i32
      %dma_start3A_158 = tpu.memref_slice %arg7[%add3A_18, %dma_start3A_157] : memref<10240x64xf32, #tpu.memory_space<vmem_shared>> -> memref<128x64xf32, #tpu.memory_space<vmem_shared>>
      %dma_start3A_159 = arith.constant 0 : i32
      %dma_start3A_160 = arith.constant 0 : i32
      %dma_start3A_161 = tpu.memref_slice %arg6[%run_scoped3A_19, %dma_start3A_159, %dma_start3A_160] : memref<2x128x64xf32, #tpu.memory_space<vmem>> -> memref<1x128x64xf32, #tpu.memory_space<vmem>>
      %dma_start3A_162 = tpu.memref_squeeze %dma_start3A_161 : memref<1x128x64xf32, #tpu.memory_space<vmem>> -> memref<128x64xf32, #tpu.memory_space<vmem>>
      tpu.enqueue_dma source(%dma_start3A_162 : memref<128x64xf32, #tpu.memory_space<vmem>>) target(%dma_start3A_158 : memref<128x64xf32, #tpu.memory_space<vmem_shared>>) target_semaphore(%run_scoped3A_150 : memref<!tpu.dma_semaphore, #tpu.memory_space<semaphore_mem>>)
      %dma_wait3A_163 = arith.constant 0 : i32
      %dma_wait3A_164 = arith.constant 0 : i32
      %dma_wait3A_165 = tpu.memref_slice %arg6[%run_scoped3A_19, %dma_wait3A_163, %dma_wait3A_164] : memref<2x128x64xf32, #tpu.memory_space<vmem>> -> memref<1x128x64xf32, #tpu.memory_space<vmem>>
      %dma_wait3A_166 = tpu.memref_squeeze %dma_wait3A_165 : memref<1x128x64xf32, #tpu.memory_space<vmem>> -> memref<128x64xf32, #tpu.memory_space<vmem>>
      %dma_wait3A_167 = arith.constant 0 : i32
      %dma_wait3A_168 = tpu.memref_slice %arg7[%add3A_18, %dma_wait3A_167] : memref<10240x64xf32, #tpu.memory_space<vmem_shared>> -> memref<128x64xf32, #tpu.memory_space<vmem_shared>>
      %dma_wait3A_169 = arith.constant 0 : i32
      %dma_wait3A_170 = tpu.memref_slice %arg7[%add3A_18, %dma_wait3A_169] : memref<10240x64xf32, #tpu.memory_space<vmem_shared>> -> memref<128x64xf32, #tpu.memory_space<vmem_shared>>
      %dma_wait3A_171 = arith.constant 0 : i32
      %dma_wait3A_172 = arith.constant 0 : i32
      %dma_wait3A_173 = tpu.memref_slice %arg6[%run_scoped3A_19, %dma_wait3A_171, %dma_wait3A_172] : memref<2x128x64xf32, #tpu.memory_space<vmem>> -> memref<1x128x64xf32, #tpu.memory_space<vmem>>
      %dma_wait3A_174 = tpu.memref_squeeze %dma_wait3A_173 : memref<1x128x64xf32, #tpu.memory_space<vmem>> -> memref<128x64xf32, #tpu.memory_space<vmem>>
      tpu.wait_dma2 semaphore(%run_scoped3A_150 : memref<!tpu.dma_semaphore, #tpu.memory_space<semaphore_mem>>) src(%dma_wait3A_174 : memref<128x64xf32, #tpu.memory_space<vmem>>) dst(%dma_wait3A_170 : memref<128x64xf32, #tpu.memory_space<vmem_shared>>)
      tpu.yield
    }) : () -> ()
    %mul3A_20 = arith.constant 640 : i32
    %mul3A_21 = arith.muli %arg1, %mul3A_20 : i32
    %add3A_22 = arith.constant 384 : i32
    %add3A_23 = arith.addi %mul3A_21, %add3A_22 : i32
    %run_scoped3A_24 = arith.constant 0 : i32
    "tpu.region"() ({
      %run_scoped3A_150 = tpu.sem_alloc : memref<!tpu.dma_semaphore, #tpu.memory_space<semaphore_mem>>
      %dma_start3A_151 = arith.constant 0 : i32
      %dma_start3A_152 = arith.constant 0 : i32
      %dma_start3A_153 = tpu.memref_slice %arg6[%run_scoped3A_24, %dma_start3A_151, %dma_start3A_152] : memref<2x128x64xf32, #tpu.memory_space<vmem>> -> memref<1x128x64xf32, #tpu.memory_space<vmem>>
      %dma_start3A_154 = tpu.memref_squeeze %dma_start3A_153 : memref<1x128x64xf32, #tpu.memory_space<vmem>> -> memref<128x64xf32, #tpu.memory_space<vmem>>
      %dma_start3A_155 = arith.constant 0 : i32
      %dma_start3A_156 = tpu.memref_slice %arg7[%add3A_23, %dma_start3A_155] : memref<10240x64xf32, #tpu.memory_space<vmem_shared>> -> memref<128x64xf32, #tpu.memory_space<vmem_shared>>
      %dma_start3A_157 = arith.constant 0 : i32
      %dma_start3A_158 = tpu.memref_slice %arg7[%add3A_23, %dma_start3A_157] : memref<10240x64xf32, #tpu.memory_space<vmem_shared>> -> memref<128x64xf32, #tpu.memory_space<vmem_shared>>
      %dma_start3A_159 = arith.constant 0 : i32
      %dma_start3A_160 = arith.constant 0 : i32
      %dma_start3A_161 = tpu.memref_slice %arg6[%run_scoped3A_24, %dma_start3A_159, %dma_start3A_160] : memref<2x128x64xf32, #tpu.memory_space<vmem>> -> memref<1x128x64xf32, #tpu.memory_space<vmem>>
      %dma_start3A_162 = tpu.memref_squeeze %dma_start3A_161 : memref<1x128x64xf32, #tpu.memory_space<vmem>> -> memref<128x64xf32, #tpu.memory_space<vmem>>
      tpu.enqueue_dma source(%dma_start3A_162 : memref<128x64xf32, #tpu.memory_space<vmem>>) target(%dma_start3A_158 : memref<128x64xf32, #tpu.memory_space<vmem_shared>>) target_semaphore(%run_scoped3A_150 : memref<!tpu.dma_semaphore, #tpu.memory_space<semaphore_mem>>)
      %dma_wait3A_163 = arith.constant 0 : i32
      %dma_wait3A_164 = arith.constant 0 : i32
      %dma_wait3A_165 = tpu.memref_slice %arg6[%run_scoped3A_24, %dma_wait3A_163, %dma_wait3A_164] : memref<2x128x64xf32, #tpu.memory_space<vmem>> -> memref<1x128x64xf32, #tpu.memory_space<vmem>>
      %dma_wait3A_166 = tpu.memref_squeeze %dma_wait3A_165 : memref<1x128x64xf32, #tpu.memory_space<vmem>> -> memref<128x64xf32, #tpu.memory_space<vmem>>
      %dma_wait3A_167 = arith.constant 0 : i32
      %dma_wait3A_168 = tpu.memref_slice %arg7[%add3A_23, %dma_wait3A_167] : memref<10240x64xf32, #tpu.memory_space<vmem_shared>> -> memref<128x64xf32, #tpu.memory_space<vmem_shared>>
      %dma_wait3A_169 = arith.constant 0 : i32
      %dma_wait3A_170 = tpu.memref_slice %arg7[%add3A_23, %dma_wait3A_169] : memref<10240x64xf32, #tpu.memory_space<vmem_shared>> -> memref<128x64xf32, #tpu.memory_space<vmem_shared>>
      %dma_wait3A_171 = arith.constant 0 : i32
      %dma_wait3A_172 = arith.constant 0 : i32
      %dma_wait3A_173 = tpu.memref_slice %arg6[%run_scoped3A_24, %dma_wait3A_171, %dma_wait3A_172] : memref<2x128x64xf32, #tpu.memory_space<vmem>> -> memref<1x128x64xf32, #tpu.memory_space<vmem>>
      %dma_wait3A_174 = tpu.memref_squeeze %dma_wait3A_173 : memref<1x128x64xf32, #tpu.memory_space<vmem>> -> memref<128x64xf32, #tpu.memory_space<vmem>>
      tpu.wait_dma2 semaphore(%run_scoped3A_150 : memref<!tpu.dma_semaphore, #tpu.memory_space<semaphore_mem>>) src(%dma_wait3A_174 : memref<128x64xf32, #tpu.memory_space<vmem>>) dst(%dma_wait3A_170 : memref<128x64xf32, #tpu.memory_space<vmem_shared>>)
      tpu.yield
    }) : () -> ()
    %mul3A_25 = arith.constant 640 : i32
    %mul3A_26 = arith.muli %arg1, %mul3A_25 : i32
    %add3A_27 = arith.constant 512 : i32
    %add3A_28 = arith.addi %mul3A_26, %add3A_27 : i32
    %run_scoped3A_29 = arith.constant 0 : i32
    "tpu.region"() ({
      %run_scoped3A_150 = tpu.sem_alloc : memref<!tpu.dma_semaphore, #tpu.memory_space<semaphore_mem>>
      %dma_start3A_151 = arith.constant 0 : i32
      %dma_start3A_152 = arith.constant 0 : i32
      %dma_start3A_153 = tpu.memref_slice %arg6[%run_scoped3A_29, %dma_start3A_151, %dma_start3A_152] : memref<2x128x64xf32, #tpu.memory_space<vmem>> -> memref<1x128x64xf32, #tpu.memory_space<vmem>>
      %dma_start3A_154 = tpu.memref_squeeze %dma_start3A_153 : memref<1x128x64xf32, #tpu.memory_space<vmem>> -> memref<128x64xf32, #tpu.memory_space<vmem>>
      %dma_start3A_155 = arith.constant 0 : i32
      %dma_start3A_156 = tpu.memref_slice %arg7[%add3A_28, %dma_start3A_155] : memref<10240x64xf32, #tpu.memory_space<vmem_shared>> -> memref<128x64xf32, #tpu.memory_space<vmem_shared>>
      %dma_start3A_157 = arith.constant 0 : i32
      %dma_start3A_158 = tpu.memref_slice %arg7[%add3A_28, %dma_start3A_157] : memref<10240x64xf32, #tpu.memory_space<vmem_shared>> -> memref<128x64xf32, #tpu.memory_space<vmem_shared>>
      %dma_start3A_159 = arith.constant 0 : i32
      %dma_start3A_160 = arith.constant 0 : i32
      %dma_start3A_161 = tpu.memref_slice %arg6[%run_scoped3A_29, %dma_start3A_159, %dma_start3A_160] : memref<2x128x64xf32, #tpu.memory_space<vmem>> -> memref<1x128x64xf32, #tpu.memory_space<vmem>>
      %dma_start3A_162 = tpu.memref_squeeze %dma_start3A_161 : memref<1x128x64xf32, #tpu.memory_space<vmem>> -> memref<128x64xf32, #tpu.memory_space<vmem>>
      tpu.enqueue_dma source(%dma_start3A_162 : memref<128x64xf32, #tpu.memory_space<vmem>>) target(%dma_start3A_158 : memref<128x64xf32, #tpu.memory_space<vmem_shared>>) target_semaphore(%run_scoped3A_150 : memref<!tpu.dma_semaphore, #tpu.memory_space<semaphore_mem>>)
      %dma_wait3A_163 = arith.constant 0 : i32
      %dma_wait3A_164 = arith.constant 0 : i32
      %dma_wait3A_165 = tpu.memref_slice %arg6[%run_scoped3A_29, %dma_wait3A_163, %dma_wait3A_164] : memref<2x128x64xf32, #tpu.memory_space<vmem>> -> memref<1x128x64xf32, #tpu.memory_space<vmem>>
      %dma_wait3A_166 = tpu.memref_squeeze %dma_wait3A_165 : memref<1x128x64xf32, #tpu.memory_space<vmem>> -> memref<128x64xf32, #tpu.memory_space<vmem>>
      %dma_wait3A_167 = arith.constant 0 : i32
      %dma_wait3A_168 = tpu.memref_slice %arg7[%add3A_28, %dma_wait3A_167] : memref<10240x64xf32, #tpu.memory_space<vmem_shared>> -> memref<128x64xf32, #tpu.memory_space<vmem_shared>>
      %dma_wait3A_169 = arith.constant 0 : i32
      %dma_wait3A_170 = tpu.memref_slice %arg7[%add3A_28, %dma_wait3A_169] : memref<10240x64xf32, #tpu.memory_space<vmem_shared>> -> memref<128x64xf32, #tpu.memory_space<vmem_shared>>
      %dma_wait3A_171 = arith.constant 0 : i32
      %dma_wait3A_172 = arith.constant 0 : i32
      %dma_wait3A_173 = tpu.memref_slice %arg6[%run_scoped3A_29, %dma_wait3A_171, %dma_wait3A_172] : memref<2x128x64xf32, #tpu.memory_space<vmem>> -> memref<1x128x64xf32, #tpu.memory_space<vmem>>
      %dma_wait3A_174 = tpu.memref_squeeze %dma_wait3A_173 : memref<1x128x64xf32, #tpu.memory_space<vmem>> -> memref<128x64xf32, #tpu.memory_space<vmem>>
      tpu.wait_dma2 semaphore(%run_scoped3A_150 : memref<!tpu.dma_semaphore, #tpu.memory_space<semaphore_mem>>) src(%dma_wait3A_174 : memref<128x64xf32, #tpu.memory_space<vmem>>) dst(%dma_wait3A_170 : memref<128x64xf32, #tpu.memory_space<vmem_shared>>)
      tpu.yield
    }) : () -> ()
    %barrier3A = arith.constant 0 : index
    tpu.barrier barrier_id(%barrier3A)
    %mul3A_30 = arith.constant 81 : i32
    %mul3A_31 = arith.muli %add3A, %mul3A_30 : i32
    %add3A_32 = arith.constant 0 : i32
    %add3A_33 = arith.addi %mul3A_31, %add3A_32 : i32
    "tpu.region"() ({
      %run_scoped3A_150 = tpu.sem_alloc : memref<!tpu.dma_semaphore, #tpu.memory_space<semaphore_mem>>
      %dma_start3A_151 = arith.constant 0 : i32
      %dma_start3A_152 = arith.constant 0 : i32
      %dma_start3A_153 = tpu.memref_slice %arg3[%add3A_33, %dma_start3A_151, %dma_start3A_152] : memref<2592x2x128xi32, #tpu.memory_space<hbm>> -> memref<27x2x128xi32, #tpu.memory_space<hbm>>
      %dma_start3A_154 = arith.constant 0 : i32
      %dma_start3A_155 = arith.constant 0 : i32
      %dma_start3A_156 = tpu.memref_slice %arg3[%add3A_33, %dma_start3A_154, %dma_start3A_155] : memref<2592x2x128xi32, #tpu.memory_space<hbm>> -> memref<27x2x128xi32, #tpu.memory_space<hbm>>
      tpu.enqueue_dma source(%dma_start3A_156 : memref<27x2x128xi32, #tpu.memory_space<hbm>>) target(%arg5 : memref<27x2x128xi32, #tpu.memory_space<vmem>>) target_semaphore(%run_scoped3A_150 : memref<!tpu.dma_semaphore, #tpu.memory_space<semaphore_mem>>)
      %dma_wait3A_157 = arith.constant 0 : i32
      %dma_wait3A_158 = arith.constant 0 : i32
      %dma_wait3A_159 = tpu.memref_slice %arg3[%add3A_33, %dma_wait3A_157, %dma_wait3A_158] : memref<2592x2x128xi32, #tpu.memory_space<hbm>> -> memref<27x2x128xi32, #tpu.memory_space<hbm>>
      %dma_wait3A_160 = arith.constant 0 : i32
      %dma_wait3A_161 = arith.constant 0 : i32
      %dma_wait3A_162 = tpu.memref_slice %arg3[%add3A_33, %dma_wait3A_160, %dma_wait3A_161] : memref<2592x2x128xi32, #tpu.memory_space<hbm>> -> memref<27x2x128xi32, #tpu.memory_space<hbm>>
      tpu.wait_dma2 semaphore(%run_scoped3A_150 : memref<!tpu.dma_semaphore, #tpu.memory_space<semaphore_mem>>) src(%dma_wait3A_162 : memref<27x2x128xi32, #tpu.memory_space<hbm>>) dst(%arg5 : memref<27x2x128xi32, #tpu.memory_space<vmem>>)
      tpu.yield
    }) : () -> ()
    %dma_start3A = arith.constant 0 : i32
    %dma_start3A_34 = arith.constant 0 : i32
    %dma_start3A_35 = arith.constant 0 : i32
    %dma_start3A_36 = arith.constant 0 : i32
    %dma_start3A_37 = arith.constant 0 : i32
    %dma_start3A_38 = tpu.memref_slice %arg6[%dma_start3A_35, %dma_start3A_36, %dma_start3A_37] : memref<2x128x64xf32, #tpu.memory_space<vmem>> -> memref<1x128x64xf32, #tpu.memory_space<vmem>>
    %dma_start3A_39 = tpu.memref_squeeze %dma_start3A_38 : memref<1x128x64xf32, #tpu.memory_space<vmem>> -> memref<128x64xf32, #tpu.memory_space<vmem>>
    %dma_start3A_40 = arith.constant 0 : i32
    %dma_start3A_41 = tpu.memref_slice %arg5[%dma_start3A, %dma_start3A_34, %dma_start3A_40] : memref<27x2x128xi32, #tpu.memory_space<vmem>> -> memref<1x1x128xi32, #tpu.memory_space<vmem>>
    %dma_start3A_42 = tpu.memref_squeeze %dma_start3A_41 : memref<1x1x128xi32, #tpu.memory_space<vmem>> -> memref<128xi32, #tpu.memory_space<vmem>>
    %dma_start3A_43 = arith.constant 0 : i32
    %dma_start3A_44 = arith.constant 0 : i32
    %dma_start3A_45 = tpu.memref_slice %arg2[%dma_start3A_43, %dma_start3A_44] : memref<10000x64xf32, #tpu.memory_space<hbm>> -> memref<10000x64xf32, #tpu.memory_space<hbm>>
    tpu.enqueue_indirect_dma source(%dma_start3A_45 : memref<10000x64xf32, #tpu.memory_space<hbm>>) target(%dma_start3A_39 : memref<128x64xf32, #tpu.memory_space<vmem>>) offsets(%dma_start3A_42 : memref<128xi32, #tpu.memory_space<vmem>>) semaphore(%arg8 : memref<!tpu.dma_semaphore, #tpu.memory_space<semaphore_mem>>)
    %scan3A_46 = arith.constant 0 : i32
    %scan3A_47 = arith.constant 0 : i32
    %scan3A_48 = arith.constant 26 : i32
    %scan3A_49 = arith.addi %scan3A_47, %scan3A_48 : i32
    %scan3A_50 = arith.constant 1 : i32
    scf.for %scan3A_150 = %scan3A_47 to %scan3A_49 step %scan3A_50  : i32 {
      %rem3A = arith.constant 2 : i32
      %rem3A_151 = arith.remsi %scan3A_150, %rem3A : i32
      %dma_wait3A_152 = arith.constant 0 : i32
      %dma_wait3A_153 = arith.constant 0 : i32
      %dma_wait3A_154 = arith.constant 0 : i32
      %dma_wait3A_155 = tpu.memref_slice %arg6[%rem3A_151, %dma_wait3A_153, %dma_wait3A_154] : memref<2x128x64xf32, #tpu.memory_space<vmem>> -> memref<1x128x64xf32, #tpu.memory_space<vmem>>
      %dma_wait3A_156 = tpu.memref_squeeze %dma_wait3A_155 : memref<1x128x64xf32, #tpu.memory_space<vmem>> -> memref<128x64xf32, #tpu.memory_space<vmem>>
      %dma_wait3A_157 = arith.constant 0 : i32
      %dma_wait3A_158 = tpu.memref_slice %arg5[%scan3A_150, %dma_wait3A_152, %dma_wait3A_157] : memref<27x2x128xi32, #tpu.memory_space<vmem>> -> memref<1x1x128xi32, #tpu.memory_space<vmem>>
      %dma_wait3A_159 = tpu.memref_squeeze %dma_wait3A_158 : memref<1x1x128xi32, #tpu.memory_space<vmem>> -> memref<128xi32, #tpu.memory_space<vmem>>
      %dma_wait3A_160 = arith.constant 0 : i32
      %dma_wait3A_161 = arith.constant 0 : i32
      %dma_wait3A_162 = tpu.memref_slice %arg2[%dma_wait3A_160, %dma_wait3A_161] : memref<10000x64xf32, #tpu.memory_space<hbm>> -> memref<10000x64xf32, #tpu.memory_space<hbm>>
      tpu.wait_indirect_dma semaphore(%arg8 : memref<!tpu.dma_semaphore, #tpu.memory_space<semaphore_mem>>) src(%dma_wait3A_162 : memref<10000x64xf32, #tpu.memory_space<hbm>>) dst(%dma_wait3A_156 : memref<128x64xf32, #tpu.memory_space<vmem>>)
      %add3A_163 = arith.constant 1 : i32
      %add3A_164 = arith.addi %scan3A_150, %add3A_163 : i32
      %sub3A = arith.constant 1 : i32
      %sub3A_165 = arith.subi %sub3A, %rem3A_151 : i32
      %dma_start3A_166 = arith.constant 0 : i32
      %dma_start3A_167 = arith.constant 0 : i32
      %dma_start3A_168 = arith.constant 0 : i32
      %dma_start3A_169 = tpu.memref_slice %arg6[%sub3A_165, %dma_start3A_167, %dma_start3A_168] : memref<2x128x64xf32, #tpu.memory_space<vmem>> -> memref<1x128x64xf32, #tpu.memory_space<vmem>>
      %dma_start3A_170 = tpu.memref_squeeze %dma_start3A_169 : memref<1x128x64xf32, #tpu.memory_space<vmem>> -> memref<128x64xf32, #tpu.memory_space<vmem>>
      %dma_start3A_171 = arith.constant 0 : i32
      %dma_start3A_172 = tpu.memref_slice %arg5[%add3A_164, %dma_start3A_166, %dma_start3A_171] : memref<27x2x128xi32, #tpu.memory_space<vmem>> -> memref<1x1x128xi32, #tpu.memory_space<vmem>>
      %dma_start3A_173 = tpu.memref_squeeze %dma_start3A_172 : memref<1x1x128xi32, #tpu.memory_space<vmem>> -> memref<128xi32, #tpu.memory_space<vmem>>
      %dma_start3A_174 = arith.constant 0 : i32
      %dma_start3A_175 = arith.constant 0 : i32
      %dma_start3A_176 = tpu.memref_slice %arg2[%dma_start3A_174, %dma_start3A_175] : memref<10000x64xf32, #tpu.memory_space<hbm>> -> memref<10000x64xf32, #tpu.memory_space<hbm>>
      tpu.enqueue_indirect_dma source(%dma_start3A_176 : memref<10000x64xf32, #tpu.memory_space<hbm>>) target(%dma_start3A_170 : memref<128x64xf32, #tpu.memory_space<vmem>>) offsets(%dma_start3A_173 : memref<128xi32, #tpu.memory_space<vmem>>) semaphore(%arg8 : memref<!tpu.dma_semaphore, #tpu.memory_space<semaphore_mem>>)
      %run_scoped3A_177 = arith.constant 1 : i32
      "tpu.region"() ({
        %run_scoped3A_178 = tpu.sem_alloc : memref<!tpu.dma_semaphore, #tpu.memory_space<semaphore_mem>>
        %dma_start3A_179 = arith.constant 0 : i32
        %dma_start3A_180 = arith.constant 0 : i32
        %dma_start3A_181 = tpu.memref_slice %arg6[%rem3A_151, %dma_start3A_179, %dma_start3A_180] : memref<2x128x64xf32, #tpu.memory_space<vmem>> -> memref<1x128x64xf32, #tpu.memory_space<vmem>>
        %dma_start3A_182 = tpu.memref_squeeze %dma_start3A_181 : memref<1x128x64xf32, #tpu.memory_space<vmem>> -> memref<128x64xf32, #tpu.memory_space<vmem>>
        %dma_start3A_183 = arith.constant 0 : i32
        %dma_start3A_184 = tpu.memref_slice %arg5[%scan3A_150, %run_scoped3A_177, %dma_start3A_183] : memref<27x2x128xi32, #tpu.memory_space<vmem>> -> memref<1x1x128xi32, #tpu.memory_space<vmem>>
        %dma_start3A_185 = tpu.memref_squeeze %dma_start3A_184 : memref<1x1x128xi32, #tpu.memory_space<vmem>> -> memref<128xi32, #tpu.memory_space<vmem>>
        %dma_start3A_186 = arith.constant 0 : i32
        %dma_start3A_187 = arith.constant 0 : i32
        %dma_start3A_188 = tpu.memref_slice %arg7[%dma_start3A_186, %dma_start3A_187] : memref<10240x64xf32, #tpu.memory_space<vmem_shared>> -> memref<10240x64xf32, #tpu.memory_space<vmem_shared>>
        tpu.enqueue_indirect_dma source(%dma_start3A_182 : memref<128x64xf32, #tpu.memory_space<vmem>>) target(%dma_start3A_188 : memref<10240x64xf32, #tpu.memory_space<vmem_shared>>) offsets(%dma_start3A_185 : memref<128xi32, #tpu.memory_space<vmem>>) semaphore(%run_scoped3A_178 : memref<!tpu.dma_semaphore, #tpu.memory_space<semaphore_mem>>) {add = true}
        %dma_wait3A_189 = arith.constant 0 : i32
        %dma_wait3A_190 = arith.constant 0 : i32
        %dma_wait3A_191 = tpu.memref_slice %arg6[%rem3A_151, %dma_wait3A_189, %dma_wait3A_190] : memref<2x128x64xf32, #tpu.memory_space<vmem>> -> memref<1x128x64xf32, #tpu.memory_space<vmem>>
        %dma_wait3A_192 = tpu.memref_squeeze %dma_wait3A_191 : memref<1x128x64xf32, #tpu.memory_space<vmem>> -> memref<128x64xf32, #tpu.memory_space<vmem>>
        %dma_wait3A_193 = arith.constant 0 : i32
        %dma_wait3A_194 = tpu.memref_slice %arg5[%scan3A_150, %run_scoped3A_177, %dma_wait3A_193] : memref<27x2x128xi32, #tpu.memory_space<vmem>> -> memref<1x1x128xi32, #tpu.memory_space<vmem>>
        %dma_wait3A_195 = tpu.memref_squeeze %dma_wait3A_194 : memref<1x1x128xi32, #tpu.memory_space<vmem>> -> memref<128xi32, #tpu.memory_space<vmem>>
        %dma_wait3A_196 = arith.constant 0 : i32
        %dma_wait3A_197 = arith.constant 0 : i32
        %dma_wait3A_198 = tpu.memref_slice %arg7[%dma_wait3A_196, %dma_wait3A_197] : memref<10240x64xf32, #tpu.memory_space<vmem_shared>> -> memref<10240x64xf32, #tpu.memory_space<vmem_shared>>
        tpu.wait_indirect_dma semaphore(%run_scoped3A_178 : memref<!tpu.dma_semaphore, #tpu.memory_space<semaphore_mem>>) src(%dma_wait3A_192 : memref<128x64xf32, #tpu.memory_space<vmem>>) dst(%dma_wait3A_198 : memref<10240x64xf32, #tpu.memory_space<vmem_shared>>)
        tpu.yield
      }) : () -> ()
    }
    %scan3A_51 = arith.constant 26 : i32
    %dma_wait3A = arith.constant 26 : i32
    %dma_wait3A_52 = arith.constant 0 : i32
    %dma_wait3A_53 = arith.constant 0 : i32
    %dma_wait3A_54 = arith.constant 0 : i32
    %dma_wait3A_55 = arith.constant 0 : i32
    %dma_wait3A_56 = tpu.memref_slice %arg6[%dma_wait3A_53, %dma_wait3A_54, %dma_wait3A_55] : memref<2x128x64xf32, #tpu.memory_space<vmem>> -> memref<1x128x64xf32, #tpu.memory_space<vmem>>
    %dma_wait3A_57 = tpu.memref_squeeze %dma_wait3A_56 : memref<1x128x64xf32, #tpu.memory_space<vmem>> -> memref<128x64xf32, #tpu.memory_space<vmem>>
    %dma_wait3A_58 = arith.constant 0 : i32
    %dma_wait3A_59 = tpu.memref_slice %arg5[%dma_wait3A, %dma_wait3A_52, %dma_wait3A_58] : memref<27x2x128xi32, #tpu.memory_space<vmem>> -> memref<1x1x128xi32, #tpu.memory_space<vmem>>
    %dma_wait3A_60 = tpu.memref_squeeze %dma_wait3A_59 : memref<1x1x128xi32, #tpu.memory_space<vmem>> -> memref<128xi32, #tpu.memory_space<vmem>>
    %dma_wait3A_61 = arith.constant 0 : i32
    %dma_wait3A_62 = arith.constant 0 : i32
    %dma_wait3A_63 = tpu.memref_slice %arg2[%dma_wait3A_61, %dma_wait3A_62] : memref<10000x64xf32, #tpu.memory_space<hbm>> -> memref<10000x64xf32, #tpu.memory_space<hbm>>
    tpu.wait_indirect_dma semaphore(%arg8 : memref<!tpu.dma_semaphore, #tpu.memory_space<semaphore_mem>>) src(%dma_wait3A_63 : memref<10000x64xf32, #tpu.memory_space<hbm>>) dst(%dma_wait3A_57 : memref<128x64xf32, #tpu.memory_space<vmem>>)
    %run_scoped3A_64 = arith.constant 0 : i32
    %run_scoped3A_65 = arith.constant 26 : i32
    %run_scoped3A_66 = arith.constant 1 : i32
    "tpu.region"() ({
      %run_scoped3A_150 = tpu.sem_alloc : memref<!tpu.dma_semaphore, #tpu.memory_space<semaphore_mem>>
      %dma_start3A_151 = arith.constant 0 : i32
      %dma_start3A_152 = arith.constant 0 : i32
      %dma_start3A_153 = tpu.memref_slice %arg6[%run_scoped3A_64, %dma_start3A_151, %dma_start3A_152] : memref<2x128x64xf32, #tpu.memory_space<vmem>> -> memref<1x128x64xf32, #tpu.memory_space<vmem>>
      %dma_start3A_154 = tpu.memref_squeeze %dma_start3A_153 : memref<1x128x64xf32, #tpu.memory_space<vmem>> -> memref<128x64xf32, #tpu.memory_space<vmem>>
      %dma_start3A_155 = arith.constant 0 : i32
      %dma_start3A_156 = tpu.memref_slice %arg5[%run_scoped3A_65, %run_scoped3A_66, %dma_start3A_155] : memref<27x2x128xi32, #tpu.memory_space<vmem>> -> memref<1x1x128xi32, #tpu.memory_space<vmem>>
      %dma_start3A_157 = tpu.memref_squeeze %dma_start3A_156 : memref<1x1x128xi32, #tpu.memory_space<vmem>> -> memref<128xi32, #tpu.memory_space<vmem>>
      %dma_start3A_158 = arith.constant 0 : i32
      %dma_start3A_159 = arith.constant 0 : i32
      %dma_start3A_160 = tpu.memref_slice %arg7[%dma_start3A_158, %dma_start3A_159] : memref<10240x64xf32, #tpu.memory_space<vmem_shared>> -> memref<10240x64xf32, #tpu.memory_space<vmem_shared>>
      tpu.enqueue_indirect_dma source(%dma_start3A_154 : memref<128x64xf32, #tpu.memory_space<vmem>>) target(%dma_start3A_160 : memref<10240x64xf32, #tpu.memory_space<vmem_shared>>) offsets(%dma_start3A_157 : memref<128xi32, #tpu.memory_space<vmem>>) semaphore(%run_scoped3A_150 : memref<!tpu.dma_semaphore, #tpu.memory_space<semaphore_mem>>) {add = true}
      %dma_wait3A_161 = arith.constant 0 : i32
      %dma_wait3A_162 = arith.constant 0 : i32
      %dma_wait3A_163 = tpu.memref_slice %arg6[%run_scoped3A_64, %dma_wait3A_161, %dma_wait3A_162] : memref<2x128x64xf32, #tpu.memory_space<vmem>> -> memref<1x128x64xf32, #tpu.memory_space<vmem>>
      %dma_wait3A_164 = tpu.memref_squeeze %dma_wait3A_163 : memref<1x128x64xf32, #tpu.memory_space<vmem>> -> memref<128x64xf32, #tpu.memory_space<vmem>>
      %dma_wait3A_165 = arith.constant 0 : i32
      %dma_wait3A_166 = tpu.memref_slice %arg5[%run_scoped3A_65, %run_scoped3A_66, %dma_wait3A_165] : memref<27x2x128xi32, #tpu.memory_space<vmem>> -> memref<1x1x128xi32, #tpu.memory_space<vmem>>
      %dma_wait3A_167 = tpu.memref_squeeze %dma_wait3A_166 : memref<1x1x128xi32, #tpu.memory_space<vmem>> -> memref<128xi32, #tpu.memory_space<vmem>>
      %dma_wait3A_168 = arith.constant 0 : i32
      %dma_wait3A_169 = arith.constant 0 : i32
      %dma_wait3A_170 = tpu.memref_slice %arg7[%dma_wait3A_168, %dma_wait3A_169] : memref<10240x64xf32, #tpu.memory_space<vmem_shared>> -> memref<10240x64xf32, #tpu.memory_space<vmem_shared>>
      tpu.wait_indirect_dma semaphore(%run_scoped3A_150 : memref<!tpu.dma_semaphore, #tpu.memory_space<semaphore_mem>>) src(%dma_wait3A_164 : memref<128x64xf32, #tpu.memory_space<vmem>>) dst(%dma_wait3A_170 : memref<10240x64xf32, #tpu.memory_space<vmem_shared>>)
      tpu.yield
    }) : () -> ()
    %mul3A_67 = arith.constant 81 : i32
    %mul3A_68 = arith.muli %add3A, %mul3A_67 : i32
    %add3A_69 = arith.constant 27 : i32
    %add3A_70 = arith.addi %mul3A_68, %add3A_69 : i32
    "tpu.region"() ({
      %run_scoped3A_150 = tpu.sem_alloc : memref<!tpu.dma_semaphore, #tpu.memory_space<semaphore_mem>>
      %dma_start3A_151 = arith.constant 0 : i32
      %dma_start3A_152 = arith.constant 0 : i32
      %dma_start3A_153 = tpu.memref_slice %arg3[%add3A_70, %dma_start3A_151, %dma_start3A_152] : memref<2592x2x128xi32, #tpu.memory_space<hbm>> -> memref<27x2x128xi32, #tpu.memory_space<hbm>>
      %dma_start3A_154 = arith.constant 0 : i32
      %dma_start3A_155 = arith.constant 0 : i32
      %dma_start3A_156 = tpu.memref_slice %arg3[%add3A_70, %dma_start3A_154, %dma_start3A_155] : memref<2592x2x128xi32, #tpu.memory_space<hbm>> -> memref<27x2x128xi32, #tpu.memory_space<hbm>>
      tpu.enqueue_dma source(%dma_start3A_156 : memref<27x2x128xi32, #tpu.memory_space<hbm>>) target(%arg5 : memref<27x2x128xi32, #tpu.memory_space<vmem>>) target_semaphore(%run_scoped3A_150 : memref<!tpu.dma_semaphore, #tpu.memory_space<semaphore_mem>>)
      %dma_wait3A_157 = arith.constant 0 : i32
      %dma_wait3A_158 = arith.constant 0 : i32
      %dma_wait3A_159 = tpu.memref_slice %arg3[%add3A_70, %dma_wait3A_157, %dma_wait3A_158] : memref<2592x2x128xi32, #tpu.memory_space<hbm>> -> memref<27x2x128xi32, #tpu.memory_space<hbm>>
      %dma_wait3A_160 = arith.constant 0 : i32
      %dma_wait3A_161 = arith.constant 0 : i32
      %dma_wait3A_162 = tpu.memref_slice %arg3[%add3A_70, %dma_wait3A_160, %dma_wait3A_161] : memref<2592x2x128xi32, #tpu.memory_space<hbm>> -> memref<27x2x128xi32, #tpu.memory_space<hbm>>
      tpu.wait_dma2 semaphore(%run_scoped3A_150 : memref<!tpu.dma_semaphore, #tpu.memory_space<semaphore_mem>>) src(%dma_wait3A_162 : memref<27x2x128xi32, #tpu.memory_space<hbm>>) dst(%arg5 : memref<27x2x128xi32, #tpu.memory_space<vmem>>)
      tpu.yield
    }) : () -> ()
    %dma_start3A_71 = arith.constant 0 : i32
    %dma_start3A_72 = arith.constant 0 : i32
    %dma_start3A_73 = arith.constant 0 : i32
    %dma_start3A_74 = arith.constant 0 : i32
    %dma_start3A_75 = arith.constant 0 : i32
    %dma_start3A_76 = tpu.memref_slice %arg6[%dma_start3A_73, %dma_start3A_74, %dma_start3A_75] : memref<2x128x64xf32, #tpu.memory_space<vmem>> -> memref<1x128x64xf32, #tpu.memory_space<vmem>>
    %dma_start3A_77 = tpu.memref_squeeze %dma_start3A_76 : memref<1x128x64xf32, #tpu.memory_space<vmem>> -> memref<128x64xf32, #tpu.memory_space<vmem>>
    %dma_start3A_78 = arith.constant 0 : i32
    %dma_start3A_79 = tpu.memref_slice %arg5[%dma_start3A_71, %dma_start3A_72, %dma_start3A_78] : memref<27x2x128xi32, #tpu.memory_space<vmem>> -> memref<1x1x128xi32, #tpu.memory_space<vmem>>
    %dma_start3A_80 = tpu.memref_squeeze %dma_start3A_79 : memref<1x1x128xi32, #tpu.memory_space<vmem>> -> memref<128xi32, #tpu.memory_space<vmem>>
    %dma_start3A_81 = arith.constant 0 : i32
    %dma_start3A_82 = arith.constant 0 : i32
    %dma_start3A_83 = tpu.memref_slice %arg2[%dma_start3A_81, %dma_start3A_82] : memref<10000x64xf32, #tpu.memory_space<hbm>> -> memref<10000x64xf32, #tpu.memory_space<hbm>>
    tpu.enqueue_indirect_dma source(%dma_start3A_83 : memref<10000x64xf32, #tpu.memory_space<hbm>>) target(%dma_start3A_77 : memref<128x64xf32, #tpu.memory_space<vmem>>) offsets(%dma_start3A_80 : memref<128xi32, #tpu.memory_space<vmem>>) semaphore(%arg8 : memref<!tpu.dma_semaphore, #tpu.memory_space<semaphore_mem>>)
    %scan3A_84 = arith.constant 0 : i32
    %scan3A_85 = arith.constant 0 : i32
    %scan3A_86 = arith.constant 26 : i32
    %scan3A_87 = arith.addi %scan3A_85, %scan3A_86 : i32
    %scan3A_88 = arith.constant 1 : i32
    scf.for %scan3A_150 = %scan3A_85 to %scan3A_87 step %scan3A_88  : i32 {
      %rem3A = arith.constant 2 : i32
      %rem3A_151 = arith.remsi %scan3A_150, %rem3A : i32
      %dma_wait3A_152 = arith.constant 0 : i32
      %dma_wait3A_153 = arith.constant 0 : i32
      %dma_wait3A_154 = arith.constant 0 : i32
      %dma_wait3A_155 = tpu.memref_slice %arg6[%rem3A_151, %dma_wait3A_153, %dma_wait3A_154] : memref<2x128x64xf32, #tpu.memory_space<vmem>> -> memref<1x128x64xf32, #tpu.memory_space<vmem>>
      %dma_wait3A_156 = tpu.memref_squeeze %dma_wait3A_155 : memref<1x128x64xf32, #tpu.memory_space<vmem>> -> memref<128x64xf32, #tpu.memory_space<vmem>>
      %dma_wait3A_157 = arith.constant 0 : i32
      %dma_wait3A_158 = tpu.memref_slice %arg5[%scan3A_150, %dma_wait3A_152, %dma_wait3A_157] : memref<27x2x128xi32, #tpu.memory_space<vmem>> -> memref<1x1x128xi32, #tpu.memory_space<vmem>>
      %dma_wait3A_159 = tpu.memref_squeeze %dma_wait3A_158 : memref<1x1x128xi32, #tpu.memory_space<vmem>> -> memref<128xi32, #tpu.memory_space<vmem>>
      %dma_wait3A_160 = arith.constant 0 : i32
      %dma_wait3A_161 = arith.constant 0 : i32
      %dma_wait3A_162 = tpu.memref_slice %arg2[%dma_wait3A_160, %dma_wait3A_161] : memref<10000x64xf32, #tpu.memory_space<hbm>> -> memref<10000x64xf32, #tpu.memory_space<hbm>>
      tpu.wait_indirect_dma semaphore(%arg8 : memref<!tpu.dma_semaphore, #tpu.memory_space<semaphore_mem>>) src(%dma_wait3A_162 : memref<10000x64xf32, #tpu.memory_space<hbm>>) dst(%dma_wait3A_156 : memref<128x64xf32, #tpu.memory_space<vmem>>)
      %add3A_163 = arith.constant 1 : i32
      %add3A_164 = arith.addi %scan3A_150, %add3A_163 : i32
      %sub3A = arith.constant 1 : i32
      %sub3A_165 = arith.subi %sub3A, %rem3A_151 : i32
      %dma_start3A_166 = arith.constant 0 : i32
      %dma_start3A_167 = arith.constant 0 : i32
      %dma_start3A_168 = arith.constant 0 : i32
      %dma_start3A_169 = tpu.memref_slice %arg6[%sub3A_165, %dma_start3A_167, %dma_start3A_168] : memref<2x128x64xf32, #tpu.memory_space<vmem>> -> memref<1x128x64xf32, #tpu.memory_space<vmem>>
      %dma_start3A_170 = tpu.memref_squeeze %dma_start3A_169 : memref<1x128x64xf32, #tpu.memory_space<vmem>> -> memref<128x64xf32, #tpu.memory_space<vmem>>
      %dma_start3A_171 = arith.constant 0 : i32
      %dma_start3A_172 = tpu.memref_slice %arg5[%add3A_164, %dma_start3A_166, %dma_start3A_171] : memref<27x2x128xi32, #tpu.memory_space<vmem>> -> memref<1x1x128xi32, #tpu.memory_space<vmem>>
      %dma_start3A_173 = tpu.memref_squeeze %dma_start3A_172 : memref<1x1x128xi32, #tpu.memory_space<vmem>> -> memref<128xi32, #tpu.memory_space<vmem>>
      %dma_start3A_174 = arith.constant 0 : i32
      %dma_start3A_175 = arith.constant 0 : i32
      %dma_start3A_176 = tpu.memref_slice %arg2[%dma_start3A_174, %dma_start3A_175] : memref<10000x64xf32, #tpu.memory_space<hbm>> -> memref<10000x64xf32, #tpu.memory_space<hbm>>
      tpu.enqueue_indirect_dma source(%dma_start3A_176 : memref<10000x64xf32, #tpu.memory_space<hbm>>) target(%dma_start3A_170 : memref<128x64xf32, #tpu.memory_space<vmem>>) offsets(%dma_start3A_173 : memref<128xi32, #tpu.memory_space<vmem>>) semaphore(%arg8 : memref<!tpu.dma_semaphore, #tpu.memory_space<semaphore_mem>>)
      %run_scoped3A_177 = arith.constant 1 : i32
      "tpu.region"() ({
        %run_scoped3A_178 = tpu.sem_alloc : memref<!tpu.dma_semaphore, #tpu.memory_space<semaphore_mem>>
        %dma_start3A_179 = arith.constant 0 : i32
        %dma_start3A_180 = arith.constant 0 : i32
        %dma_start3A_181 = tpu.memref_slice %arg6[%rem3A_151, %dma_start3A_179, %dma_start3A_180] : memref<2x128x64xf32, #tpu.memory_space<vmem>> -> memref<1x128x64xf32, #tpu.memory_space<vmem>>
        %dma_start3A_182 = tpu.memref_squeeze %dma_start3A_181 : memref<1x128x64xf32, #tpu.memory_space<vmem>> -> memref<128x64xf32, #tpu.memory_space<vmem>>
        %dma_start3A_183 = arith.constant 0 : i32
        %dma_start3A_184 = tpu.memref_slice %arg5[%scan3A_150, %run_scoped3A_177, %dma_start3A_183] : memref<27x2x128xi32, #tpu.memory_space<vmem>> -> memref<1x1x128xi32, #tpu.memory_space<vmem>>
        %dma_start3A_185 = tpu.memref_squeeze %dma_start3A_184 : memref<1x1x128xi32, #tpu.memory_space<vmem>> -> memref<128xi32, #tpu.memory_space<vmem>>
        %dma_start3A_186 = arith.constant 0 : i32
        %dma_start3A_187 = arith.constant 0 : i32
        %dma_start3A_188 = tpu.memref_slice %arg7[%dma_start3A_186, %dma_start3A_187] : memref<10240x64xf32, #tpu.memory_space<vmem_shared>> -> memref<10240x64xf32, #tpu.memory_space<vmem_shared>>
        tpu.enqueue_indirect_dma source(%dma_start3A_182 : memref<128x64xf32, #tpu.memory_space<vmem>>) target(%dma_start3A_188 : memref<10240x64xf32, #tpu.memory_space<vmem_shared>>) offsets(%dma_start3A_185 : memref<128xi32, #tpu.memory_space<vmem>>) semaphore(%run_scoped3A_178 : memref<!tpu.dma_semaphore, #tpu.memory_space<semaphore_mem>>) {add = true}
        %dma_wait3A_189 = arith.constant 0 : i32
        %dma_wait3A_190 = arith.constant 0 : i32
        %dma_wait3A_191 = tpu.memref_slice %arg6[%rem3A_151, %dma_wait3A_189, %dma_wait3A_190] : memref<2x128x64xf32, #tpu.memory_space<vmem>> -> memref<1x128x64xf32, #tpu.memory_space<vmem>>
        %dma_wait3A_192 = tpu.memref_squeeze %dma_wait3A_191 : memref<1x128x64xf32, #tpu.memory_space<vmem>> -> memref<128x64xf32, #tpu.memory_space<vmem>>
        %dma_wait3A_193 = arith.constant 0 : i32
        %dma_wait3A_194 = tpu.memref_slice %arg5[%scan3A_150, %run_scoped3A_177, %dma_wait3A_193] : memref<27x2x128xi32, #tpu.memory_space<vmem>> -> memref<1x1x128xi32, #tpu.memory_space<vmem>>
        %dma_wait3A_195 = tpu.memref_squeeze %dma_wait3A_194 : memref<1x1x128xi32, #tpu.memory_space<vmem>> -> memref<128xi32, #tpu.memory_space<vmem>>
        %dma_wait3A_196 = arith.constant 0 : i32
        %dma_wait3A_197 = arith.constant 0 : i32
        %dma_wait3A_198 = tpu.memref_slice %arg7[%dma_wait3A_196, %dma_wait3A_197] : memref<10240x64xf32, #tpu.memory_space<vmem_shared>> -> memref<10240x64xf32, #tpu.memory_space<vmem_shared>>
        tpu.wait_indirect_dma semaphore(%run_scoped3A_178 : memref<!tpu.dma_semaphore, #tpu.memory_space<semaphore_mem>>) src(%dma_wait3A_192 : memref<128x64xf32, #tpu.memory_space<vmem>>) dst(%dma_wait3A_198 : memref<10240x64xf32, #tpu.memory_space<vmem_shared>>)
        tpu.yield
      }) : () -> ()
    }
    %scan3A_89 = arith.constant 26 : i32
    %dma_wait3A_90 = arith.constant 26 : i32
    %dma_wait3A_91 = arith.constant 0 : i32
    %dma_wait3A_92 = arith.constant 0 : i32
    %dma_wait3A_93 = arith.constant 0 : i32
    %dma_wait3A_94 = arith.constant 0 : i32
    %dma_wait3A_95 = tpu.memref_slice %arg6[%dma_wait3A_92, %dma_wait3A_93, %dma_wait3A_94] : memref<2x128x64xf32, #tpu.memory_space<vmem>> -> memref<1x128x64xf32, #tpu.memory_space<vmem>>
    %dma_wait3A_96 = tpu.memref_squeeze %dma_wait3A_95 : memref<1x128x64xf32, #tpu.memory_space<vmem>> -> memref<128x64xf32, #tpu.memory_space<vmem>>
    %dma_wait3A_97 = arith.constant 0 : i32
    %dma_wait3A_98 = tpu.memref_slice %arg5[%dma_wait3A_90, %dma_wait3A_91, %dma_wait3A_97] : memref<27x2x128xi32, #tpu.memory_space<vmem>> -> memref<1x1x128xi32, #tpu.memory_space<vmem>>
    %dma_wait3A_99 = tpu.memref_squeeze %dma_wait3A_98 : memref<1x1x128xi32, #tpu.memory_space<vmem>> -> memref<128xi32, #tpu.memory_space<vmem>>
    %dma_wait3A_100 = arith.constant 0 : i32
    %dma_wait3A_101 = arith.constant 0 : i32
    %dma_wait3A_102 = tpu.memref_slice %arg2[%dma_wait3A_100, %dma_wait3A_101] : memref<10000x64xf32, #tpu.memory_space<hbm>> -> memref<10000x64xf32, #tpu.memory_space<hbm>>
    tpu.wait_indirect_dma semaphore(%arg8 : memref<!tpu.dma_semaphore, #tpu.memory_space<semaphore_mem>>) src(%dma_wait3A_102 : memref<10000x64xf32, #tpu.memory_space<hbm>>) dst(%dma_wait3A_96 : memref<128x64xf32, #tpu.memory_space<vmem>>)
    %run_scoped3A_103 = arith.constant 0 : i32
    %run_scoped3A_104 = arith.constant 26 : i32
    %run_scoped3A_105 = arith.constant 1 : i32
    "tpu.region"() ({
      %run_scoped3A_150 = tpu.sem_alloc : memref<!tpu.dma_semaphore, #tpu.memory_space<semaphore_mem>>
      %dma_start3A_151 = arith.constant 0 : i32
      %dma_start3A_152 = arith.constant 0 : i32
      %dma_start3A_153 = tpu.memref_slice %arg6[%run_scoped3A_103, %dma_start3A_151, %dma_start3A_152] : memref<2x128x64xf32, #tpu.memory_space<vmem>> -> memref<1x128x64xf32, #tpu.memory_space<vmem>>
      %dma_start3A_154 = tpu.memref_squeeze %dma_start3A_153 : memref<1x128x64xf32, #tpu.memory_space<vmem>> -> memref<128x64xf32, #tpu.memory_space<vmem>>
      %dma_start3A_155 = arith.constant 0 : i32
      %dma_start3A_156 = tpu.memref_slice %arg5[%run_scoped3A_104, %run_scoped3A_105, %dma_start3A_155] : memref<27x2x128xi32, #tpu.memory_space<vmem>> -> memref<1x1x128xi32, #tpu.memory_space<vmem>>
      %dma_start3A_157 = tpu.memref_squeeze %dma_start3A_156 : memref<1x1x128xi32, #tpu.memory_space<vmem>> -> memref<128xi32, #tpu.memory_space<vmem>>
      %dma_start3A_158 = arith.constant 0 : i32
      %dma_start3A_159 = arith.constant 0 : i32
      %dma_start3A_160 = tpu.memref_slice %arg7[%dma_start3A_158, %dma_start3A_159] : memref<10240x64xf32, #tpu.memory_space<vmem_shared>> -> memref<10240x64xf32, #tpu.memory_space<vmem_shared>>
      tpu.enqueue_indirect_dma source(%dma_start3A_154 : memref<128x64xf32, #tpu.memory_space<vmem>>) target(%dma_start3A_160 : memref<10240x64xf32, #tpu.memory_space<vmem_shared>>) offsets(%dma_start3A_157 : memref<128xi32, #tpu.memory_space<vmem>>) semaphore(%run_scoped3A_150 : memref<!tpu.dma_semaphore, #tpu.memory_space<semaphore_mem>>) {add = true}
      %dma_wait3A_161 = arith.constant 0 : i32
      %dma_wait3A_162 = arith.constant 0 : i32
      %dma_wait3A_163 = tpu.memref_slice %arg6[%run_scoped3A_103, %dma_wait3A_161, %dma_wait3A_162] : memref<2x128x64xf32, #tpu.memory_space<vmem>> -> memref<1x128x64xf32, #tpu.memory_space<vmem>>
      %dma_wait3A_164 = tpu.memref_squeeze %dma_wait3A_163 : memref<1x128x64xf32, #tpu.memory_space<vmem>> -> memref<128x64xf32, #tpu.memory_space<vmem>>
      %dma_wait3A_165 = arith.constant 0 : i32
      %dma_wait3A_166 = tpu.memref_slice %arg5[%run_scoped3A_104, %run_scoped3A_105, %dma_wait3A_165] : memref<27x2x128xi32, #tpu.memory_space<vmem>> -> memref<1x1x128xi32, #tpu.memory_space<vmem>>
      %dma_wait3A_167 = tpu.memref_squeeze %dma_wait3A_166 : memref<1x1x128xi32, #tpu.memory_space<vmem>> -> memref<128xi32, #tpu.memory_space<vmem>>
      %dma_wait3A_168 = arith.constant 0 : i32
      %dma_wait3A_169 = arith.constant 0 : i32
      %dma_wait3A_170 = tpu.memref_slice %arg7[%dma_wait3A_168, %dma_wait3A_169] : memref<10240x64xf32, #tpu.memory_space<vmem_shared>> -> memref<10240x64xf32, #tpu.memory_space<vmem_shared>>
      tpu.wait_indirect_dma semaphore(%run_scoped3A_150 : memref<!tpu.dma_semaphore, #tpu.memory_space<semaphore_mem>>) src(%dma_wait3A_164 : memref<128x64xf32, #tpu.memory_space<vmem>>) dst(%dma_wait3A_170 : memref<10240x64xf32, #tpu.memory_space<vmem_shared>>)
      tpu.yield
    }) : () -> ()
    %mul3A_106 = arith.constant 81 : i32
    %mul3A_107 = arith.muli %add3A, %mul3A_106 : i32
    %add3A_108 = arith.constant 54 : i32
    %add3A_109 = arith.addi %mul3A_107, %add3A_108 : i32
    "tpu.region"() ({
      %run_scoped3A_150 = tpu.sem_alloc : memref<!tpu.dma_semaphore, #tpu.memory_space<semaphore_mem>>
      %dma_start3A_151 = arith.constant 0 : i32
      %dma_start3A_152 = arith.constant 0 : i32
      %dma_start3A_153 = tpu.memref_slice %arg3[%add3A_109, %dma_start3A_151, %dma_start3A_152] : memref<2592x2x128xi32, #tpu.memory_space<hbm>> -> memref<27x2x128xi32, #tpu.memory_space<hbm>>
      %dma_start3A_154 = arith.constant 0 : i32
      %dma_start3A_155 = arith.constant 0 : i32
      %dma_start3A_156 = tpu.memref_slice %arg3[%add3A_109, %dma_start3A_154, %dma_start3A_155] : memref<2592x2x128xi32, #tpu.memory_space<hbm>> -> memref<27x2x128xi32, #tpu.memory_space<hbm>>
      tpu.enqueue_dma source(%dma_start3A_156 : memref<27x2x128xi32, #tpu.memory_space<hbm>>) target(%arg5 : memref<27x2x128xi32, #tpu.memory_space<vmem>>) target_semaphore(%run_scoped3A_150 : memref<!tpu.dma_semaphore, #tpu.memory_space<semaphore_mem>>)
      %dma_wait3A_157 = arith.constant 0 : i32
      %dma_wait3A_158 = arith.constant 0 : i32
      %dma_wait3A_159 = tpu.memref_slice %arg3[%add3A_109, %dma_wait3A_157, %dma_wait3A_158] : memref<2592x2x128xi32, #tpu.memory_space<hbm>> -> memref<27x2x128xi32, #tpu.memory_space<hbm>>
      %dma_wait3A_160 = arith.constant 0 : i32
      %dma_wait3A_161 = arith.constant 0 : i32
      %dma_wait3A_162 = tpu.memref_slice %arg3[%add3A_109, %dma_wait3A_160, %dma_wait3A_161] : memref<2592x2x128xi32, #tpu.memory_space<hbm>> -> memref<27x2x128xi32, #tpu.memory_space<hbm>>
      tpu.wait_dma2 semaphore(%run_scoped3A_150 : memref<!tpu.dma_semaphore, #tpu.memory_space<semaphore_mem>>) src(%dma_wait3A_162 : memref<27x2x128xi32, #tpu.memory_space<hbm>>) dst(%arg5 : memref<27x2x128xi32, #tpu.memory_space<vmem>>)
      tpu.yield
    }) : () -> ()
    %dma_start3A_110 = arith.constant 0 : i32
    %dma_start3A_111 = arith.constant 0 : i32
    %dma_start3A_112 = arith.constant 0 : i32
    %dma_start3A_113 = arith.constant 0 : i32
    %dma_start3A_114 = arith.constant 0 : i32
    %dma_start3A_115 = tpu.memref_slice %arg6[%dma_start3A_112, %dma_start3A_113, %dma_start3A_114] : memref<2x128x64xf32, #tpu.memory_space<vmem>> -> memref<1x128x64xf32, #tpu.memory_space<vmem>>
    %dma_start3A_116 = tpu.memref_squeeze %dma_start3A_115 : memref<1x128x64xf32, #tpu.memory_space<vmem>> -> memref<128x64xf32, #tpu.memory_space<vmem>>
    %dma_start3A_117 = arith.constant 0 : i32
    %dma_start3A_118 = tpu.memref_slice %arg5[%dma_start3A_110, %dma_start3A_111, %dma_start3A_117] : memref<27x2x128xi32, #tpu.memory_space<vmem>> -> memref<1x1x128xi32, #tpu.memory_space<vmem>>
    %dma_start3A_119 = tpu.memref_squeeze %dma_start3A_118 : memref<1x1x128xi32, #tpu.memory_space<vmem>> -> memref<128xi32, #tpu.memory_space<vmem>>
    %dma_start3A_120 = arith.constant 0 : i32
    %dma_start3A_121 = arith.constant 0 : i32
    %dma_start3A_122 = tpu.memref_slice %arg2[%dma_start3A_120, %dma_start3A_121] : memref<10000x64xf32, #tpu.memory_space<hbm>> -> memref<10000x64xf32, #tpu.memory_space<hbm>>
    tpu.enqueue_indirect_dma source(%dma_start3A_122 : memref<10000x64xf32, #tpu.memory_space<hbm>>) target(%dma_start3A_116 : memref<128x64xf32, #tpu.memory_space<vmem>>) offsets(%dma_start3A_119 : memref<128xi32, #tpu.memory_space<vmem>>) semaphore(%arg8 : memref<!tpu.dma_semaphore, #tpu.memory_space<semaphore_mem>>)
    %scan3A_123 = arith.constant 0 : i32
    %scan3A_124 = arith.constant 0 : i32
    %scan3A_125 = arith.constant 26 : i32
    %scan3A_126 = arith.addi %scan3A_124, %scan3A_125 : i32
    %scan3A_127 = arith.constant 1 : i32
    scf.for %scan3A_150 = %scan3A_124 to %scan3A_126 step %scan3A_127  : i32 {
      %rem3A = arith.constant 2 : i32
      %rem3A_151 = arith.remsi %scan3A_150, %rem3A : i32
      %dma_wait3A_152 = arith.constant 0 : i32
      %dma_wait3A_153 = arith.constant 0 : i32
      %dma_wait3A_154 = arith.constant 0 : i32
      %dma_wait3A_155 = tpu.memref_slice %arg6[%rem3A_151, %dma_wait3A_153, %dma_wait3A_154] : memref<2x128x64xf32, #tpu.memory_space<vmem>> -> memref<1x128x64xf32, #tpu.memory_space<vmem>>
      %dma_wait3A_156 = tpu.memref_squeeze %dma_wait3A_155 : memref<1x128x64xf32, #tpu.memory_space<vmem>> -> memref<128x64xf32, #tpu.memory_space<vmem>>
      %dma_wait3A_157 = arith.constant 0 : i32
      %dma_wait3A_158 = tpu.memref_slice %arg5[%scan3A_150, %dma_wait3A_152, %dma_wait3A_157] : memref<27x2x128xi32, #tpu.memory_space<vmem>> -> memref<1x1x128xi32, #tpu.memory_space<vmem>>
      %dma_wait3A_159 = tpu.memref_squeeze %dma_wait3A_158 : memref<1x1x128xi32, #tpu.memory_space<vmem>> -> memref<128xi32, #tpu.memory_space<vmem>>
      %dma_wait3A_160 = arith.constant 0 : i32
      %dma_wait3A_161 = arith.constant 0 : i32
      %dma_wait3A_162 = tpu.memref_slice %arg2[%dma_wait3A_160, %dma_wait3A_161] : memref<10000x64xf32, #tpu.memory_space<hbm>> -> memref<10000x64xf32, #tpu.memory_space<hbm>>
      tpu.wait_indirect_dma semaphore(%arg8 : memref<!tpu.dma_semaphore, #tpu.memory_space<semaphore_mem>>) src(%dma_wait3A_162 : memref<10000x64xf32, #tpu.memory_space<hbm>>) dst(%dma_wait3A_156 : memref<128x64xf32, #tpu.memory_space<vmem>>)
      %add3A_163 = arith.constant 1 : i32
      %add3A_164 = arith.addi %scan3A_150, %add3A_163 : i32
      %sub3A = arith.constant 1 : i32
      %sub3A_165 = arith.subi %sub3A, %rem3A_151 : i32
      %dma_start3A_166 = arith.constant 0 : i32
      %dma_start3A_167 = arith.constant 0 : i32
      %dma_start3A_168 = arith.constant 0 : i32
      %dma_start3A_169 = tpu.memref_slice %arg6[%sub3A_165, %dma_start3A_167, %dma_start3A_168] : memref<2x128x64xf32, #tpu.memory_space<vmem>> -> memref<1x128x64xf32, #tpu.memory_space<vmem>>
      %dma_start3A_170 = tpu.memref_squeeze %dma_start3A_169 : memref<1x128x64xf32, #tpu.memory_space<vmem>> -> memref<128x64xf32, #tpu.memory_space<vmem>>
      %dma_start3A_171 = arith.constant 0 : i32
      %dma_start3A_172 = tpu.memref_slice %arg5[%add3A_164, %dma_start3A_166, %dma_start3A_171] : memref<27x2x128xi32, #tpu.memory_space<vmem>> -> memref<1x1x128xi32, #tpu.memory_space<vmem>>
      %dma_start3A_173 = tpu.memref_squeeze %dma_start3A_172 : memref<1x1x128xi32, #tpu.memory_space<vmem>> -> memref<128xi32, #tpu.memory_space<vmem>>
      %dma_start3A_174 = arith.constant 0 : i32
      %dma_start3A_175 = arith.constant 0 : i32
      %dma_start3A_176 = tpu.memref_slice %arg2[%dma_start3A_174, %dma_start3A_175] : memref<10000x64xf32, #tpu.memory_space<hbm>> -> memref<10000x64xf32, #tpu.memory_space<hbm>>
      tpu.enqueue_indirect_dma source(%dma_start3A_176 : memref<10000x64xf32, #tpu.memory_space<hbm>>) target(%dma_start3A_170 : memref<128x64xf32, #tpu.memory_space<vmem>>) offsets(%dma_start3A_173 : memref<128xi32, #tpu.memory_space<vmem>>) semaphore(%arg8 : memref<!tpu.dma_semaphore, #tpu.memory_space<semaphore_mem>>)
      %run_scoped3A_177 = arith.constant 1 : i32
      "tpu.region"() ({
        %run_scoped3A_178 = tpu.sem_alloc : memref<!tpu.dma_semaphore, #tpu.memory_space<semaphore_mem>>
        %dma_start3A_179 = arith.constant 0 : i32
        %dma_start3A_180 = arith.constant 0 : i32
        %dma_start3A_181 = tpu.memref_slice %arg6[%rem3A_151, %dma_start3A_179, %dma_start3A_180] : memref<2x128x64xf32, #tpu.memory_space<vmem>> -> memref<1x128x64xf32, #tpu.memory_space<vmem>>
        %dma_start3A_182 = tpu.memref_squeeze %dma_start3A_181 : memref<1x128x64xf32, #tpu.memory_space<vmem>> -> memref<128x64xf32, #tpu.memory_space<vmem>>
        %dma_start3A_183 = arith.constant 0 : i32
        %dma_start3A_184 = tpu.memref_slice %arg5[%scan3A_150, %run_scoped3A_177, %dma_start3A_183] : memref<27x2x128xi32, #tpu.memory_space<vmem>> -> memref<1x1x128xi32, #tpu.memory_space<vmem>>
        %dma_start3A_185 = tpu.memref_squeeze %dma_start3A_184 : memref<1x1x128xi32, #tpu.memory_space<vmem>> -> memref<128xi32, #tpu.memory_space<vmem>>
        %dma_start3A_186 = arith.constant 0 : i32
        %dma_start3A_187 = arith.constant 0 : i32
        %dma_start3A_188 = tpu.memref_slice %arg7[%dma_start3A_186, %dma_start3A_187] : memref<10240x64xf32, #tpu.memory_space<vmem_shared>> -> memref<10240x64xf32, #tpu.memory_space<vmem_shared>>
        tpu.enqueue_indirect_dma source(%dma_start3A_182 : memref<128x64xf32, #tpu.memory_space<vmem>>) target(%dma_start3A_188 : memref<10240x64xf32, #tpu.memory_space<vmem_shared>>) offsets(%dma_start3A_185 : memref<128xi32, #tpu.memory_space<vmem>>) semaphore(%run_scoped3A_178 : memref<!tpu.dma_semaphore, #tpu.memory_space<semaphore_mem>>) {add = true}
        %dma_wait3A_189 = arith.constant 0 : i32
        %dma_wait3A_190 = arith.constant 0 : i32
        %dma_wait3A_191 = tpu.memref_slice %arg6[%rem3A_151, %dma_wait3A_189, %dma_wait3A_190] : memref<2x128x64xf32, #tpu.memory_space<vmem>> -> memref<1x128x64xf32, #tpu.memory_space<vmem>>
        %dma_wait3A_192 = tpu.memref_squeeze %dma_wait3A_191 : memref<1x128x64xf32, #tpu.memory_space<vmem>> -> memref<128x64xf32, #tpu.memory_space<vmem>>
        %dma_wait3A_193 = arith.constant 0 : i32
        %dma_wait3A_194 = tpu.memref_slice %arg5[%scan3A_150, %run_scoped3A_177, %dma_wait3A_193] : memref<27x2x128xi32, #tpu.memory_space<vmem>> -> memref<1x1x128xi32, #tpu.memory_space<vmem>>
        %dma_wait3A_195 = tpu.memref_squeeze %dma_wait3A_194 : memref<1x1x128xi32, #tpu.memory_space<vmem>> -> memref<128xi32, #tpu.memory_space<vmem>>
        %dma_wait3A_196 = arith.constant 0 : i32
        %dma_wait3A_197 = arith.constant 0 : i32
        %dma_wait3A_198 = tpu.memref_slice %arg7[%dma_wait3A_196, %dma_wait3A_197] : memref<10240x64xf32, #tpu.memory_space<vmem_shared>> -> memref<10240x64xf32, #tpu.memory_space<vmem_shared>>
        tpu.wait_indirect_dma semaphore(%run_scoped3A_178 : memref<!tpu.dma_semaphore, #tpu.memory_space<semaphore_mem>>) src(%dma_wait3A_192 : memref<128x64xf32, #tpu.memory_space<vmem>>) dst(%dma_wait3A_198 : memref<10240x64xf32, #tpu.memory_space<vmem_shared>>)
        tpu.yield
      }) : () -> ()
    }
    %scan3A_128 = arith.constant 26 : i32
    %dma_wait3A_129 = arith.constant 26 : i32
    %dma_wait3A_130 = arith.constant 0 : i32
    %dma_wait3A_131 = arith.constant 0 : i32
    %dma_wait3A_132 = arith.constant 0 : i32
    %dma_wait3A_133 = arith.constant 0 : i32
    %dma_wait3A_134 = tpu.memref_slice %arg6[%dma_wait3A_131, %dma_wait3A_132, %dma_wait3A_133] : memref<2x128x64xf32, #tpu.memory_space<vmem>> -> memref<1x128x64xf32, #tpu.memory_space<vmem>>
    %dma_wait3A_135 = tpu.memref_squeeze %dma_wait3A_134 : memref<1x128x64xf32, #tpu.memory_space<vmem>> -> memref<128x64xf32, #tpu.memory_space<vmem>>
    %dma_wait3A_136 = arith.constant 0 : i32
    %dma_wait3A_137 = tpu.memref_slice %arg5[%dma_wait3A_129, %dma_wait3A_130, %dma_wait3A_136] : memref<27x2x128xi32, #tpu.memory_space<vmem>> -> memref<1x1x128xi32, #tpu.memory_space<vmem>>
    %dma_wait3A_138 = tpu.memref_squeeze %dma_wait3A_137 : memref<1x1x128xi32, #tpu.memory_space<vmem>> -> memref<128xi32, #tpu.memory_space<vmem>>
    %dma_wait3A_139 = arith.constant 0 : i32
    %dma_wait3A_140 = arith.constant 0 : i32
    %dma_wait3A_141 = tpu.memref_slice %arg2[%dma_wait3A_139, %dma_wait3A_140] : memref<10000x64xf32, #tpu.memory_space<hbm>> -> memref<10000x64xf32, #tpu.memory_space<hbm>>
    tpu.wait_indirect_dma semaphore(%arg8 : memref<!tpu.dma_semaphore, #tpu.memory_space<semaphore_mem>>) src(%dma_wait3A_141 : memref<10000x64xf32, #tpu.memory_space<hbm>>) dst(%dma_wait3A_135 : memref<128x64xf32, #tpu.memory_space<vmem>>)
    %run_scoped3A_142 = arith.constant 0 : i32
    %run_scoped3A_143 = arith.constant 26 : i32
    %run_scoped3A_144 = arith.constant 1 : i32
    "tpu.region"() ({
      %run_scoped3A_150 = tpu.sem_alloc : memref<!tpu.dma_semaphore, #tpu.memory_space<semaphore_mem>>
      %dma_start3A_151 = arith.constant 0 : i32
      %dma_start3A_152 = arith.constant 0 : i32
      %dma_start3A_153 = tpu.memref_slice %arg6[%run_scoped3A_142, %dma_start3A_151, %dma_start3A_152] : memref<2x128x64xf32, #tpu.memory_space<vmem>> -> memref<1x128x64xf32, #tpu.memory_space<vmem>>
      %dma_start3A_154 = tpu.memref_squeeze %dma_start3A_153 : memref<1x128x64xf32, #tpu.memory_space<vmem>> -> memref<128x64xf32, #tpu.memory_space<vmem>>
      %dma_start3A_155 = arith.constant 0 : i32
      %dma_start3A_156 = tpu.memref_slice %arg5[%run_scoped3A_143, %run_scoped3A_144, %dma_start3A_155] : memref<27x2x128xi32, #tpu.memory_space<vmem>> -> memref<1x1x128xi32, #tpu.memory_space<vmem>>
      %dma_start3A_157 = tpu.memref_squeeze %dma_start3A_156 : memref<1x1x128xi32, #tpu.memory_space<vmem>> -> memref<128xi32, #tpu.memory_space<vmem>>
      %dma_start3A_158 = arith.constant 0 : i32
      %dma_start3A_159 = arith.constant 0 : i32
      %dma_start3A_160 = tpu.memref_slice %arg7[%dma_start3A_158, %dma_start3A_159] : memref<10240x64xf32, #tpu.memory_space<vmem_shared>> -> memref<10240x64xf32, #tpu.memory_space<vmem_shared>>
      tpu.enqueue_indirect_dma source(%dma_start3A_154 : memref<128x64xf32, #tpu.memory_space<vmem>>) target(%dma_start3A_160 : memref<10240x64xf32, #tpu.memory_space<vmem_shared>>) offsets(%dma_start3A_157 : memref<128xi32, #tpu.memory_space<vmem>>) semaphore(%run_scoped3A_150 : memref<!tpu.dma_semaphore, #tpu.memory_space<semaphore_mem>>) {add = true}
      %dma_wait3A_161 = arith.constant 0 : i32
      %dma_wait3A_162 = arith.constant 0 : i32
      %dma_wait3A_163 = tpu.memref_slice %arg6[%run_scoped3A_142, %dma_wait3A_161, %dma_wait3A_162] : memref<2x128x64xf32, #tpu.memory_space<vmem>> -> memref<1x128x64xf32, #tpu.memory_space<vmem>>
      %dma_wait3A_164 = tpu.memref_squeeze %dma_wait3A_163 : memref<1x128x64xf32, #tpu.memory_space<vmem>> -> memref<128x64xf32, #tpu.memory_space<vmem>>
      %dma_wait3A_165 = arith.constant 0 : i32
      %dma_wait3A_166 = tpu.memref_slice %arg5[%run_scoped3A_143, %run_scoped3A_144, %dma_wait3A_165] : memref<27x2x128xi32, #tpu.memory_space<vmem>> -> memref<1x1x128xi32, #tpu.memory_space<vmem>>
      %dma_wait3A_167 = tpu.memref_squeeze %dma_wait3A_166 : memref<1x1x128xi32, #tpu.memory_space<vmem>> -> memref<128xi32, #tpu.memory_space<vmem>>
      %dma_wait3A_168 = arith.constant 0 : i32
      %dma_wait3A_169 = arith.constant 0 : i32
      %dma_wait3A_170 = tpu.memref_slice %arg7[%dma_wait3A_168, %dma_wait3A_169] : memref<10240x64xf32, #tpu.memory_space<vmem_shared>> -> memref<10240x64xf32, #tpu.memory_space<vmem_shared>>
      tpu.wait_indirect_dma semaphore(%run_scoped3A_150 : memref<!tpu.dma_semaphore, #tpu.memory_space<semaphore_mem>>) src(%dma_wait3A_164 : memref<128x64xf32, #tpu.memory_space<vmem>>) dst(%dma_wait3A_170 : memref<10240x64xf32, #tpu.memory_space<vmem_shared>>)
      tpu.yield
    }) : () -> ()
    %barrier3A_145 = arith.constant 0 : index
    tpu.barrier barrier_id(%barrier3A_145)
    %mul3A_146 = arith.constant 640 : i32
    %mul3A_147 = arith.muli %arg1, %mul3A_146 : i32
    %mul3A_148 = arith.constant 640 : i32
    %mul3A_149 = arith.muli %arg1, %mul3A_148 : i32
    "tpu.region"() ({
      %run_scoped3A_150 = tpu.sem_alloc : memref<!tpu.dma_semaphore, #tpu.memory_space<semaphore_mem>>
      %dma_start3A_151 = arith.constant 0 : i32
      %dma_start3A_152 = tpu.memref_slice %arg4[%arg0, %mul3A_149, %dma_start3A_151] : memref<2x10240x64xf32, #tpu.memory_space<hbm>> -> memref<1x640x64xf32, #tpu.memory_space<hbm>>
      %dma_start3A_153 = tpu.memref_squeeze %dma_start3A_152 : memref<1x640x64xf32, #tpu.memory_space<hbm>> -> memref<640x64xf32, #tpu.memory_space<hbm>>
      %dma_start3A_154 = arith.constant 0 : i32
      %dma_start3A_155 = tpu.memref_slice %arg7[%mul3A_147, %dma_start3A_154] : memref<10240x64xf32, #tpu.memory_space<vmem_shared>> -> memref<640x64xf32, #tpu.memory_space<vmem_shared>>
      tpu.enqueue_dma source(%dma_start3A_155 : memref<640x64xf32, #tpu.memory_space<vmem_shared>>) target(%dma_start3A_153 : memref<640x64xf32, #tpu.memory_space<hbm>>) target_semaphore(%run_scoped3A_150 : memref<!tpu.dma_semaphore, #tpu.memory_space<semaphore_mem>>)
      %dma_wait3A_156 = arith.constant 0 : i32
      %dma_wait3A_157 = tpu.memref_slice %arg4[%arg0, %mul3A_149, %dma_wait3A_156] : memref<2x10240x64xf32, #tpu.memory_space<hbm>> -> memref<1x640x64xf32, #tpu.memory_space<hbm>>
      %dma_wait3A_158 = tpu.memref_squeeze %dma_wait3A_157 : memref<1x640x64xf32, #tpu.memory_space<hbm>> -> memref<640x64xf32, #tpu.memory_space<hbm>>
      %dma_wait3A_159 = arith.constant 0 : i32
      %dma_wait3A_160 = tpu.memref_slice %arg7[%mul3A_147, %dma_wait3A_159] : memref<10240x64xf32, #tpu.memory_space<vmem_shared>> -> memref<640x64xf32, #tpu.memory_space<vmem_shared>>
      tpu.wait_dma2 semaphore(%run_scoped3A_150 : memref<!tpu.dma_semaphore, #tpu.memory_space<semaphore_mem>>) src(%dma_wait3A_160 : memref<640x64xf32, #tpu.memory_space<vmem_shared>>) dst(%dma_wait3A_158 : memref<640x64xf32, #tpu.memory_space<hbm>>)
      tpu.yield
    }) : () -> ()
    return
  }
}

module attributes {stable_mosaic.version = 14 : i64} {
  func.func @body(%arg0: memref<10000x1xf32, #tpu.memory_space<vmem>>, %arg1: memref<10000x1xf32, #tpu.memory_space<vmem>>, %arg2: memref<10000x128xf32, #tpu.memory_space<vmem>>, %arg3: memref<128x64xf32, #tpu.memory_space<vmem>>, %arg4: memref<10000x64xf32, #tpu.memory_space<vmem>>, %arg5: memref<10000x1xf32, #tpu.memory_space<vmem>>) attributes {dimension_semantics = [], scalar_prefetch = 0 : i64, scratch_operands = 0 : i64, tpu.core_type = #tpu.core_type<tc>} {
    %get3A = arith.constant 0 : index
    %get3A_0 = arith.constant 0 : index
    %get3A_1 = vector.load %arg0[%get3A, %get3A_0] : memref<10000x1xf32, #tpu.memory_space<vmem>>, vector<10000x1xf32>
    %get3A_2 = arith.constant 0 : index
    %get3A_3 = arith.constant 0 : index
    %get3A_4 = vector.load %arg1[%get3A_2, %get3A_3] : memref<10000x1xf32, #tpu.memory_space<vmem>>, vector<10000x1xf32>
    %add3A = arith.addf %get3A_1, %get3A_4 : vector<10000x1xf32>
    %sqrt3A = math.sqrt %add3A : vector<10000x1xf32>
    %div3A = arith.constant 1.000000e+00 : f32
    %div3A_5 = vector.broadcast %div3A : f32 to vector<10000x1xf32>
    %div3A_6 = arith.divf %div3A_5, %sqrt3A : vector<10000x1xf32>
    %swap3A = arith.constant 0 : index
    %swap3A_7 = arith.constant 0 : index
    %swap3A_8 = vector.load %arg5[%swap3A, %swap3A_7] : memref<10000x1xf32, #tpu.memory_space<vmem>>, vector<10000x1xf32>
    tpu.vector_store %arg5[%swap3A, %swap3A_7], %div3A_6 {strides = array<i32>} : memref<10000x1xf32, #tpu.memory_space<vmem>>, vector<10000x1xf32>,
    %get3A_9 = arith.constant 0 : index
    %get3A_10 = arith.constant 0 : index
    %get3A_11 = vector.load %arg2[%get3A_9, %get3A_10] : memref<10000x128xf32, #tpu.memory_space<vmem>>, vector<10000x128xf32>
    %get3A_12 = arith.constant 0 : index
    %get3A_13 = arith.constant 0 : index
    %get3A_14 = vector.load %arg3[%get3A_12, %get3A_13] : memref<128x64xf32, #tpu.memory_space<vmem>>, vector<128x64xf32>
    %dot_general3A = arith.constant dense<0.000000e+00> : vector<10000x64xf32>
    %dot_general3A_15 = tpu.matmul %get3A_11, %get3A_14, %dot_general3A {dimension_numbers = #tpu.dot_dimension_numbers<[1], [0], [0], [1], [0, 0, 1, 1], [], []>, transpose_lhs_hint = false} : vector<10000x128xf32>, vector<128x64xf32>, vector<10000x64xf32> -> vector<10000x64xf32>
    %mul3A = vector.broadcast %div3A_6 : vector<10000x1xf32> to vector<10000x64xf32>
    %mul3A_16 = arith.mulf %dot_general3A_15, %mul3A : vector<10000x64xf32>
    %swap3A_17 = arith.constant 0 : index
    %swap3A_18 = arith.constant 0 : index
    %swap3A_19 = vector.load %arg4[%swap3A_17, %swap3A_18] : memref<10000x64xf32, #tpu.memory_space<vmem>>, vector<10000x64xf32>
    tpu.vector_store %arg4[%swap3A_17, %swap3A_18], %mul3A_16 {strides = array<i32>} : memref<10000x64xf32, #tpu.memory_space<vmem>>, vector<10000x64xf32>,
    return
  }
}

module attributes {stable_mosaic.version = 14 : i64} {
  func.func @body(%arg0: memref<2x10240x64xf32, #tpu.memory_space<vmem>>, %arg1: memref<10000x1xf32, #tpu.memory_space<vmem>>, %arg2: memref<1x64xf32, #tpu.memory_space<vmem>>, %arg3: memref<64x128xf32, #tpu.memory_space<vmem>>, %arg4: memref<10000x128xf32, #tpu.memory_space<vmem>>) attributes {dimension_semantics = [], scalar_prefetch = 0 : i64, scratch_operands = 0 : i64, tpu.core_type = #tpu.core_type<tc>} {
    %get3A = arith.constant 0 : index
    %get3A_0 = arith.constant 0 : index
    %get3A_1 = vector.load %arg1[%get3A, %get3A_0] : memref<10000x1xf32, #tpu.memory_space<vmem>>, vector<10000x1xf32>
    %get3A_2 = arith.constant 0 : index
    %get3A_3 = arith.constant 0 : index
    %get3A_4 = arith.constant 0 : index
    %get3A_5 = vector.load %arg0[%get3A_2, %get3A_3, %get3A_4] : memref<2x10240x64xf32, #tpu.memory_space<vmem>>, vector<1x10000x64xf32>
    %get3A_6 = vector.shape_cast %get3A_5 : vector<1x10000x64xf32> to vector<10000x64xf32>
    %get3A_7 = arith.constant 1 : index
    %get3A_8 = arith.constant 0 : index
    %get3A_9 = arith.constant 0 : index
    %get3A_10 = vector.load %arg0[%get3A_7, %get3A_8, %get3A_9] : memref<2x10240x64xf32, #tpu.memory_space<vmem>>, vector<1x10000x64xf32>
    %get3A_11 = vector.shape_cast %get3A_10 : vector<1x10000x64xf32> to vector<10000x64xf32>
    %add3A = arith.addf %get3A_6, %get3A_11 : vector<10000x64xf32>
    %mul3A = vector.broadcast %get3A_1 : vector<10000x1xf32> to vector<10000x64xf32>
    %mul3A_12 = arith.mulf %add3A, %mul3A : vector<10000x64xf32>
    %get3A_13 = arith.constant 0 : index
    %get3A_14 = arith.constant 0 : index
    %get3A_15 = vector.load %arg2[%get3A_13, %get3A_14] : memref<1x64xf32, #tpu.memory_space<vmem>>, vector<1x64xf32>
    %add3A_16 = vector.broadcast %get3A_15 : vector<1x64xf32> to vector<10000x64xf32>
    %add3A_17 = arith.addf %mul3A_12, %add3A_16 : vector<10000x64xf32>
    %max3A = arith.constant 0.000000e+00 : f32
    %max3A_18 = vector.broadcast %max3A : f32 to vector<10000x64xf32>
    %max3A_19 = arith.maximumf %add3A_17, %max3A_18 : vector<10000x64xf32>
    %get3A_20 = arith.constant 0 : index
    %get3A_21 = arith.constant 0 : index
    %get3A_22 = vector.load %arg3[%get3A_20, %get3A_21] : memref<64x128xf32, #tpu.memory_space<vmem>>, vector<64x128xf32>
    %dot_general3A = arith.constant dense<0.000000e+00> : vector<10000x128xf32>
    %dot_general3A_23 = tpu.matmul %max3A_19, %get3A_22, %dot_general3A {dimension_numbers = #tpu.dot_dimension_numbers<[1], [0], [0], [1], [0, 0, 1, 1], [], []>, transpose_lhs_hint = false} : vector<10000x64xf32>, vector<64x128xf32>, vector<10000x128xf32> -> vector<10000x128xf32>
    %mul3A_24 = vector.broadcast %get3A_1 : vector<10000x1xf32> to vector<10000x128xf32>
    %mul3A_25 = arith.mulf %dot_general3A_23, %mul3A_24 : vector<10000x128xf32>
    %swap3A = arith.constant 0 : index
    %swap3A_26 = arith.constant 0 : index
    %swap3A_27 = vector.load %arg4[%swap3A, %swap3A_26] : memref<10000x128xf32, #tpu.memory_space<vmem>>, vector<10000x128xf32>
    tpu.vector_store %arg4[%swap3A, %swap3A_26], %mul3A_25 {strides = array<i32>} : memref<10000x128xf32, #tpu.memory_space<vmem>>, vector<10000x128xf32>,
    return
  }
}

module attributes {stable_mosaic.version = 14 : i64} {
  func.func @body(%arg0: memref<2x10240x128xf32, #tpu.memory_space<vmem>>, %arg1: memref<10000x1xf32, #tpu.memory_space<vmem>>, %arg2: memref<1x128xf32, #tpu.memory_space<vmem>>, %arg3: memref<128x128xf32, #tpu.memory_space<vmem>>, %arg4: memref<10000x128xf32, #tpu.memory_space<vmem>>) attributes {dimension_semantics = [], scalar_prefetch = 0 : i64, scratch_operands = 0 : i64, tpu.core_type = #tpu.core_type<tc>} {
    %get3A = arith.constant 0 : index
    %get3A_0 = arith.constant 0 : index
    %get3A_1 = vector.load %arg1[%get3A, %get3A_0] : memref<10000x1xf32, #tpu.memory_space<vmem>>, vector<10000x1xf32>
    %get3A_2 = arith.constant 0 : index
    %get3A_3 = arith.constant 0 : index
    %get3A_4 = arith.constant 0 : index
    %get3A_5 = vector.load %arg0[%get3A_2, %get3A_3, %get3A_4] : memref<2x10240x128xf32, #tpu.memory_space<vmem>>, vector<1x10000x128xf32>
    %get3A_6 = vector.shape_cast %get3A_5 : vector<1x10000x128xf32> to vector<10000x128xf32>
    %get3A_7 = arith.constant 1 : index
    %get3A_8 = arith.constant 0 : index
    %get3A_9 = arith.constant 0 : index
    %get3A_10 = vector.load %arg0[%get3A_7, %get3A_8, %get3A_9] : memref<2x10240x128xf32, #tpu.memory_space<vmem>>, vector<1x10000x128xf32>
    %get3A_11 = vector.shape_cast %get3A_10 : vector<1x10000x128xf32> to vector<10000x128xf32>
    %add3A = arith.addf %get3A_6, %get3A_11 : vector<10000x128xf32>
    %mul3A = vector.broadcast %get3A_1 : vector<10000x1xf32> to vector<10000x128xf32>
    %mul3A_12 = arith.mulf %add3A, %mul3A : vector<10000x128xf32>
    %get3A_13 = arith.constant 0 : index
    %get3A_14 = arith.constant 0 : index
    %get3A_15 = vector.load %arg2[%get3A_13, %get3A_14] : memref<1x128xf32, #tpu.memory_space<vmem>>, vector<1x128xf32>
    %add3A_16 = vector.broadcast %get3A_15 : vector<1x128xf32> to vector<10000x128xf32>
    %add3A_17 = arith.addf %mul3A_12, %add3A_16 : vector<10000x128xf32>
    %max3A = arith.constant 0.000000e+00 : f32
    %max3A_18 = vector.broadcast %max3A : f32 to vector<10000x128xf32>
    %max3A_19 = arith.maximumf %add3A_17, %max3A_18 : vector<10000x128xf32>
    %get3A_20 = arith.constant 0 : index
    %get3A_21 = arith.constant 0 : index
    %get3A_22 = vector.load %arg3[%get3A_20, %get3A_21] : memref<128x128xf32, #tpu.memory_space<vmem>>, vector<128x128xf32>
    %dot_general3A = arith.constant dense<0.000000e+00> : vector<10000x128xf32>
    %dot_general3A_23 = tpu.matmul %max3A_19, %get3A_22, %dot_general3A {dimension_numbers = #tpu.dot_dimension_numbers<[1], [0], [0], [1], [0, 0, 1, 1], [], []>, transpose_lhs_hint = false} : vector<10000x128xf32>, vector<128x128xf32>, vector<10000x128xf32> -> vector<10000x128xf32>
    %mul3A_24 = vector.broadcast %get3A_1 : vector<10000x1xf32> to vector<10000x128xf32>
    %mul3A_25 = arith.mulf %dot_general3A_23, %mul3A_24 : vector<10000x128xf32>
    %swap3A = arith.constant 0 : index
    %swap3A_26 = arith.constant 0 : index
    %swap3A_27 = vector.load %arg4[%swap3A, %swap3A_26] : memref<10000x128xf32, #tpu.memory_space<vmem>>, vector<10000x128xf32>
    tpu.vector_store %arg4[%swap3A, %swap3A_26], %mul3A_25 {strides = array<i32>} : memref<10000x128xf32, #tpu.memory_space<vmem>>, vector<10000x128xf32>,
    return
  }
}

module attributes {stable_mosaic.version = 14 : i64} {
  func.func @body(%arg0: memref<2x10240x128xf32, #tpu.memory_space<vmem>>, %arg1: memref<10000x1xf32, #tpu.memory_space<vmem>>, %arg2: memref<1x128xf32, #tpu.memory_space<vmem>>, %arg3: memref<10000xi32, #tpu.memory_space<vmem>>, %arg4: memref<128x32xf32, #tpu.memory_space<vmem>>, %arg5: memref<1x32xf32, #tpu.memory_space<vmem>>, %arg6: memref<32x1xf32, #tpu.memory_space<vmem>>, %arg7: memref<1x1xf32, #tpu.memory_space<vmem>>, %arg8: memref<64x1xf32, #tpu.memory_space<vmem>>) attributes {dimension_semantics = [], scalar_prefetch = 0 : i64, scratch_operands = 0 : i64, tpu.core_type = #tpu.core_type<tc>} {
    %get3A = arith.constant 0 : index
    %get3A_0 = arith.constant 0 : index
    %get3A_1 = arith.constant 0 : index
    %get3A_2 = vector.load %arg0[%get3A, %get3A_0, %get3A_1] : memref<2x10240x128xf32, #tpu.memory_space<vmem>>, vector<1x10000x128xf32>
    %get3A_3 = vector.shape_cast %get3A_2 : vector<1x10000x128xf32> to vector<10000x128xf32>
    %get3A_4 = arith.constant 1 : index
    %get3A_5 = arith.constant 0 : index
    %get3A_6 = arith.constant 0 : index
    %get3A_7 = vector.load %arg0[%get3A_4, %get3A_5, %get3A_6] : memref<2x10240x128xf32, #tpu.memory_space<vmem>>, vector<1x10000x128xf32>
    %get3A_8 = vector.shape_cast %get3A_7 : vector<1x10000x128xf32> to vector<10000x128xf32>
    %add3A = arith.addf %get3A_3, %get3A_8 : vector<10000x128xf32>
    %get3A_9 = arith.constant 0 : index
    %get3A_10 = arith.constant 0 : index
    %get3A_11 = vector.load %arg1[%get3A_9, %get3A_10] : memref<10000x1xf32, #tpu.memory_space<vmem>>, vector<10000x1xf32>
    %mul3A = vector.broadcast %get3A_11 : vector<10000x1xf32> to vector<10000x128xf32>
    %mul3A_12 = arith.mulf %add3A, %mul3A : vector<10000x128xf32>
    %get3A_13 = arith.constant 0 : index
    %get3A_14 = arith.constant 0 : index
    %get3A_15 = vector.load %arg2[%get3A_13, %get3A_14] : memref<1x128xf32, #tpu.memory_space<vmem>>, vector<1x128xf32>
    %add3A_16 = vector.broadcast %get3A_15 : vector<1x128xf32> to vector<10000x128xf32>
    %add3A_17 = arith.addf %mul3A_12, %add3A_16 : vector<10000x128xf32>
    %max3A = arith.constant 0.000000e+00 : f32
    %max3A_18 = vector.broadcast %max3A : f32 to vector<10000x128xf32>
    %max3A_19 = arith.maximumf %add3A_17, %max3A_18 : vector<10000x128xf32>
    %iota3A = tpu.iota {dimensions = array<i32: 0>} : vector<64x1xi32>
    %get3A_20 = arith.constant 0 : index
    %get3A_21 = vector.load %arg3[%get3A_20] : memref<10000xi32, #tpu.memory_space<vmem>>, vector<10000xi32>
    %broadcast_in_dim3A = vector.shape_cast %get3A_21 : vector<10000xi32> to vector<1x10000xi32>
    %eq3A = vector.broadcast %iota3A : vector<64x1xi32> to vector<64x10000xi32>
    %eq3A_22 = vector.broadcast %broadcast_in_dim3A : vector<1x10000xi32> to vector<64x10000xi32>
    %eq3A_23 = arith.cmpi eq, %eq3A, %eq3A_22 : vector<64x10000xi32>
    %convert_element_type3A = arith.extui %eq3A_23 : vector<64x10000xi1> to vector<64x10000xi32>
    %convert_element_type3A_24 = arith.sitofp %convert_element_type3A : vector<64x10000xi32> to vector<64x10000xf32>
    %dot_general3A = arith.constant dense<0.000000e+00> : vector<64x128xf32>
    %dot_general3A_25 = tpu.matmul %convert_element_type3A_24, %max3A_19, %dot_general3A {dimension_numbers = #tpu.dot_dimension_numbers<[1], [0], [0], [1], [0, 0, 1, 1], [], []>, transpose_lhs_hint = false} : vector<64x10000xf32>, vector<10000x128xf32>, vector<64x128xf32> -> vector<64x128xf32>
    %reduce_sum3A = arith.constant dense<0.000000e+00> : vector<64xf32>
    %reduce_sum3A_26 = vector.multi_reduction <add>, %convert_element_type3A_24, %reduce_sum3A [1] : vector<64x10000xf32> to vector<64xf32>
    %broadcast_in_dim3A_27 = vector.shape_cast %reduce_sum3A_26 : vector<64xf32> to vector<64x1xf32>
    %max3A_28 = arith.constant 1.000000e+00 : f32
    %max3A_29 = vector.broadcast %max3A_28 : f32 to vector<64x1xf32>
    %max3A_30 = arith.maximumf %broadcast_in_dim3A_27, %max3A_29 : vector<64x1xf32>
    %div3A = vector.broadcast %max3A_30 : vector<64x1xf32> to vector<64x128xf32>
    %div3A_31 = arith.divf %dot_general3A_25, %div3A : vector<64x128xf32>
    %get3A_32 = arith.constant 0 : index
    %get3A_33 = arith.constant 0 : index
    %get3A_34 = vector.load %arg4[%get3A_32, %get3A_33] : memref<128x32xf32, #tpu.memory_space<vmem>>, vector<128x32xf32>
    %dot_general3A_35 = arith.constant dense<0.000000e+00> : vector<64x32xf32>
    %dot_general3A_36 = tpu.matmul %div3A_31, %get3A_34, %dot_general3A_35 {dimension_numbers = #tpu.dot_dimension_numbers<[1], [0], [0], [1], [0, 0, 1, 1], [], []>, transpose_lhs_hint = false} : vector<64x128xf32>, vector<128x32xf32>, vector<64x32xf32> -> vector<64x32xf32>
    %get3A_37 = arith.constant 0 : index
    %get3A_38 = arith.constant 0 : index
    %get3A_39 = vector.load %arg5[%get3A_37, %get3A_38] : memref<1x32xf32, #tpu.memory_space<vmem>>, vector<1x32xf32>
    %add3A_40 = vector.broadcast %get3A_39 : vector<1x32xf32> to vector<64x32xf32>
    %add3A_41 = arith.addf %dot_general3A_36, %add3A_40 : vector<64x32xf32>
    %max3A_42 = arith.constant 0.000000e+00 : f32
    %max3A_43 = vector.broadcast %max3A_42 : f32 to vector<64x32xf32>
    %max3A_44 = arith.maximumf %add3A_41, %max3A_43 : vector<64x32xf32>
    %get3A_45 = arith.constant 0 : index
    %get3A_46 = arith.constant 0 : index
    %get3A_47 = vector.load %arg6[%get3A_45, %get3A_46] : memref<32x1xf32, #tpu.memory_space<vmem>>, vector<32x1xf32>
    %dot_general3A_48 = arith.constant dense<0.000000e+00> : vector<64x1xf32>
    %dot_general3A_49 = tpu.matmul %max3A_44, %get3A_47, %dot_general3A_48 {dimension_numbers = #tpu.dot_dimension_numbers<[1], [0], [0], [1], [0, 0, 1, 1], [], []>, transpose_lhs_hint = false} : vector<64x32xf32>, vector<32x1xf32>, vector<64x1xf32> -> vector<64x1xf32>
    %get3A_50 = arith.constant 0 : index
    %get3A_51 = arith.constant 0 : index
    %get3A_52 = vector.load %arg7[%get3A_50, %get3A_51] : memref<1x1xf32, #tpu.memory_space<vmem>>, vector<1x1xf32>
    %add3A_53 = vector.broadcast %get3A_52 : vector<1x1xf32> to vector<64x1xf32>
    %add3A_54 = arith.addf %dot_general3A_49, %add3A_53 : vector<64x1xf32>
    %swap3A = arith.constant 0 : index
    %swap3A_55 = arith.constant 0 : index
    %swap3A_56 = vector.load %arg8[%swap3A, %swap3A_55] : memref<64x1xf32, #tpu.memory_space<vmem>>, vector<64x1xf32>
    tpu.vector_store %arg8[%swap3A, %swap3A_55], %add3A_54 {strides = array<i32>} : memref<64x1xf32, #tpu.memory_space<vmem>>, vector<64x1xf32>,
    return
  }
}

</mosaic_0001>

<sc_bundles>
// kernel: kernel.10.cloned.1.call-start
scs
__scs_entry_jumppad:
0x0: {  	(pc) =	sbr.rel $0x88, $3  }
0x1: {  	(tag) =	ssettag $0x0;
	lr =	simm.s32 $0x1  }
0x2: {  	[smem:$0x3F94] =	sst lr;
	_ =	strace $0xD0000000  }
0x3: {  	_ = 	snop  }
0x4: {  	_ = 	snop  }
0x5: {  	_ = 	snop  }
0x6: {  	_ = 	snop  }
0x7: {  	_ = 	snop  }
__scs_overlays_trampoline_lowered:
0x8: {  	[smem:$0x3FA3] =	sst s0  }
0x9: {  	[smem:$0x3FA4] =	sst s1  }
0xa: {  	[smem:$0x3FA5] =	sst s2  }
0xb: {  	[smem:$0x3FA6] =	sst s3  }
0xc: {  	[smem:$0x3FA7] =	sst s4  }
0xd: {  	[smem:$0x3FA8] =	sst s5  }
0xe: {  	[smem:$0x3FA9] =	sst s6  }
0xf: {  	[smem:$0x3FAA] =	sst s7  }
0x10: {  	[smem:$0x3FAB] =	sst s8  }
0x11: {  	[smem:$0x3FAC] =	sst s9;
	s0 =	simm.s32 @!p0 $0x0  }
0x12: {  	s1 =	sld [smem:$0x3F92];
	s0 =	simm.s32 @p0 $0x1  }
0x13: {  	[smem:$0x3FAD] =	sst s0;
	s0 =	simm.s32 @!p1 $0x0  }
0x14: {  	s2 =	sld [smem:$0x3F91];
	s0 =	simm.s32 @p1 $0x1  }
0x15: {  	[smem:$0x3FAE] =	sst s0;
	s0 =	simm.s32 @!p2 $0x0  }
0x16: {  	s3 =	sld [smem:$0x3FDB];
	s0 =	simm.s32 @p2 $0x1  }
0x17: {  	s4 =	simm.s32 $0x1BF5;
	[smem:$0x3FB0] =	sst s0  }
0x18: {  	s0 =	sld [smem:$0x3F93];
	_ =	swait.ge [sflag:s4], $0x0  }
0x19: {  	s7 =	sld [smem:$0x3F94]  }
0x1a: {  	s8 =	sadd.s32 $0xFFFFE003, lr  }
0x1b: {  	s9 =	sadd.s32 $0xFFFFFEF7, lr;
	s5 =	simm.s32 $0xFFFFFFFF;
	p2 =	slt.u32 s8, $0xFFFFF086  }
0x1c: {  	p1 =	slt.u32 s9, $0xF7A;
	s5 =	simm.s32 @!p2 $0x0  }
0x1d: {  	s5 =	simm.s32 @p1 $0x1;
	p0 =	seq.s32 s7, s2  }
0x1e: {  	s7 =	smul.u32 @!p0 $0xF7A, s2;
	p2 =	seq.s32 @!p0 s5, $0x0  }
0x1f: {  	s9 =	smul.u32 $0xF7A, s1;
	s8 =	simm.s32 @!p0 $0x1BF5;
	p2 =	por !p2, p0  }
0x20: {  	[sflag:s8] =	ssyncset.s32 @!p0 $0xFFFFF086;
	s6 =	sadd.s32 @!p0 s3, s7;
	s7 =	simm.s32 @!p0 $0x108  }
0x21: {  	s3 =	sadd.s32 s3, s9;
	s6 =	sadd.s32 @!p0 $0x88, s6;
	s7 =	simm.s32 @p2 $0x1082  }
0x22: {  	[simem:s7], [sflag:s8] =	dma.local @!p0 [hbm:s6], $0xF7A  }
0x23: {  	s9 =	sor.u32 $0xD0000000, s2;
	s6 =	simm.s32 $0x108;
	_ =	swait.ge @!p0 [sflag:s8], $0x0  }
0x24: {  	s3 =	sadd.s32 $0x88, s3;
	s6 =	simm.s32 @!p1 $0x1082;
	[sflag:s4] =	ssyncset.s32 $0xFFFFF086  }
0x25: {  	[simem:s6], [sflag:s4] =	dma.local [hbm:s3], $0xF7A  }
0x26: {  	[smem:$0x3F94] =	sst s1;
	(tag) =	ssettag s2;
	_ =	strace s9  }
0x27: {  	s1 =	sld [smem:$0x3FA4]  }
0x28: {  	s2 =	sld [smem:$0x3FA5]  }
0x29: {  	s4 =	sld [smem:$0x3FA7]  }
0x2a: {  	p0 =	seq.s32 s5, $0x0;
	s5 =	sld [smem:$0x3FA8]  }
0x2b: {  	s6 =	sld [smem:$0x3FA9]  }
0x2c: {  	s7 =	sld [smem:$0x3FAA]  }
0x2d: {  	s3 =	simm.s32 $0x108;
	s8 =	sld [smem:$0x3FAB]  }
0x2e: {  	s3 =	simm.s32 @!p0 $0x1082;
	s9 =	sld [smem:$0x3FAC]  }
0x2f: {  	lr =	sadd.s32 s0, s3;
	s0 =	sld [smem:$0x3FA3]  }
0x30: {  	s3 =	sld [smem:$0x3FA6]  }
0x31: {  	[smem:$0x3FAF] =	sst s10  }
0x32: {  	s10 =	sld [smem:$0x3FAD];
	_ =	sdelay $0x3  }
0x33: {  	p0 =	seq.s32 s10, $0x1;
	s10 =	sld [smem:$0x3FAF];
	_ =	sdelay $0x3  }
0x34: {  	[smem:$0x3FAF] =	sst s10  }
0x35: {  	s10 =	sld [smem:$0x3FAE];
	_ =	sdelay $0x3  }
0x36: {  	p1 =	seq.s32 s10, $0x1;
	s10 =	sld [smem:$0x3FAF];
	_ =	sdelay $0x3  }
0x37: {  	[smem:$0x3FAF] =	sst s10  }
0x38: {  	s10 =	sld [smem:$0x3FB0]  }
0x39: {  	_ = 	snop;
	(pc) =	sbr.ind lr, $3  }
0x3a: {  	_ = 	snop  }
0x3b: {  	_ = 	snop  }
0x3c: {  	p2 =	seq.s32 s10, $0x1;
	s10 =	sld [smem:$0x3FAF]  }
0x3d: {  	_ =	shalt  }
0x3e: {  	_ =	shalt  }
0x3f: {  	_ =	shalt  }
0x40: {  	_ =	shalt  }
0x41: {  	_ =	shalt  }
0x42: {  	_ =	shalt  }
0x43: {  	_ =	shalt  }
0x44: {  	_ =	shalt  }
0x45: {  	_ =	shalt  }
0x46: {  	_ =	shalt  }
0x47: {  	_ =	shalt  }
0x48: {  	_ =	shalt  }
0x49: {  	_ =	shalt  }
0x4a: {  	_ =	shalt  }
0x4b: {  	_ =	shalt  }
0x4c: {  	_ =	shalt  }
0x4d: {  	_ =	shalt  }
0x4e: {  	_ =	shalt  }
0x4f: {  	_ =	shalt  }
0x50: {  	_ =	shalt  }
0x51: {  	_ =	shalt  }
0x52: {  	_ =	shalt  }
0x53: {  	_ =	shalt  }
0x54: {  	_ =	shalt  }
0x55: {  	_ =	shalt  }
0x56: {  	_ =	shalt  }
0x57: {  	_ =	shalt  }
0x58: {  	_ =	shalt  }
0x59: {  	_ =	shalt  }
0x5a: {  	_ =	shalt  }
0x5b: {  	_ =	shalt  }
0x5c: {  	_ =	shalt  }
0x5d: {  	_ =	shalt  }
0x5e: {  	_ =	shalt  }
0x5f: {  	_ =	shalt  }
0x60: {  	_ =	shalt  }
0x61: {  	_ =	shalt  }
0x62: {  	_ =	shalt  }
0x63: {  	_ =	shalt  }
0x64: {  	_ =	shalt  }
0x65: {  	_ =	shalt  }
0x66: {  	_ =	shalt  }
0x67: {  	_ =	shalt  }
0x68: {  	_ =	shalt  }
0x69: {  	_ =	shalt  }
0x6a: {  	_ =	shalt  }
0x6b: {  	_ =	shalt  }
0x6c: {  	_ =	shalt  }
0x6d: {  	_ =	shalt  }
0x6e: {  	_ =	shalt  }
0x6f: {  	_ =	shalt  }
0x70: {  	_ =	shalt  }
0x71: {  	_ =	shalt  }
0x72: {  	_ =	shalt  }
0x73: {  	_ =	shalt  }
0x74: {  	_ =	shalt  }
0x75: {  	_ =	shalt  }
0x76: {  	_ =	shalt  }
0x77: {  	_ =	shalt  }
0x78: {  	_ =	shalt  }
0x79: {  	_ =	shalt  }
0x7a: {  	_ =	shalt  }
0x7b: {  	_ =	shalt  }
0x7c: {  	_ =	shalt  }
0x7d: {  	_ =	shalt  }
0x7e: {  	_ =	shalt  }
0x7f: {  	_ =	shalt  }
0x80: {  	_ =	shalt  }
0x81: {  	_ =	shalt  }
0x82: {  	_ =	shalt  }
0x83: {  	_ =	shalt  }
0x84: {  	_ =	shalt  }
0x85: {  	_ =	shalt  }
0x86: {  	_ =	shalt  }
0x87: {  	_ =	shalt  }
.Lfunc_end0:
.L_simem_size_0:
called_computation_lowered:
.L_overlay_start_0:
0x88: {  	s2 =	sld [smem:$0x3FD9]  }
0x89: {  	s3 =	sld [smem:$0x3FFE];
	_ =	sdelay $0x1  }
0x8a: {  	s1 =	srdreg.scid  }
0x8b: {  	s0 =	sand.u32 $0x1, s1  }
0x8c: {  	s16 =	sshll.u32 s0, $0xA;
	s2 =	sadd.s32 s3, s2  }
0x8d: {  	s2 =	sadd.s32 s2, s16  }
0x8e: {  	[smem:$0x3FBB] =	sst s2  }
0x8f: {  	_ = 	snop  }
0x90: {  	(tm) =	ssettm $0x1  }
0x91: {  	s17 =	sld [smem:$0x3FFB];
	_ =	sdelay $0x3  }
0x92: {  	_ =	strace s17  }
0x93: {  	s2 =	sld [smem:$0x3FFC];
	_ =	sdelay $0x3  }
0x94: {  	_ =	strace s2  }
0x95: {  	s2 =	sld [smem:$0x3FFD];
	_ =	sdelay $0x3  }
0x96: {  	_ =	strace s2  }
0x97: {  	_ =	strace $0x8FFFFFFF  }
0x98: {  	s18 =	sld [smem:$0x3FDB];
	_ =	sdelay $0x1  }
0x99: {  	s19 =	simm.s32 $_scs_section_size  }
0x9a: {  	s4 =	simm.s32 $_size__tile_overlayer_lowered;
	s5 =	simm.s32 $_tile_overlayer_lowered  }
0x9b: {  	s22 =	simm.s32 $0x1BFF;
	s21 =	sshll.u32 s5, $0x1;
	s2 =	sadd.s32 s19, s18  }
0x9c: {  	s6 =	simm.s32 $0x0;
	s20 =	sshll.u32 s4, $0x1;
	s4 =	sadd.s32 s21, s2  }
0x9d: {  	[timem:s6], [sflag:s22] =	dma.local [hbm:s4], s20  }
0x9e: {  	_ =	swait.ge [sflag:s22], s20  }
0x9f: {  	s3 =	ssub.s32 $0x0, s20;
	[sflag:s22] =	ssyncset.done $0x0  }
0xa0: {  	[sflag:s22] =	ssyncadd.s32 s3;
	_ =	sdelay $0x1  }
0xa1: {  	s23 =	simm.s32 $0x1B8B  }
0xa2: {  	_ =	swait.ge [sflag:s23], $0x1  }
0xa3: {  	[sflag:s23] =	ssyncset.done $0x0  }
0xa4: {  	s25 =	simm.s32 $0x1B8E;
	s24 =	sld [smem:$0x3FFE];
	[sflag:s23] =	ssyncadd.s32 $0xFFFFFFFF  }
0xa5: {  	s26 =	simm.s32 $execute0_lowered;
	[smem:$0x3FD2] =	sst s25  }
0xa6: {  	s4 =	sshll.u32 s26, $0x1;
	_ =	strace $0x80000046;
	[dreg:$0x1] =	wrdreg $0xFFFFFFFF  }
0xa7: {  	s28 =	simm.s32 $_size_execute0_lowered;
	s2 =	sadd.s32 s2, s4;
	[dreg:$0x0] =	wrdreg $0x0  }
0xa8: {  	s4 =	sshll.u32 s28, $0x1;
	[dreg:$0x2] =	wrdreg s2  }
0xa9: {  	[dreg:$0x3] =	wrdreg s4  }
0xaa: {  	[dreg:$0x4] =	wrdreg $0xC0  }
0xab: {  	_ =	task [dreg:s6], $0x5FFFF  }
0xac: {  	[dreg:$0x1] =	wrdreg $0xFFFFFFFF  }
0xad: {  	[dreg:$0x0] =	wrdreg $0x60  }
0xae: {  	[dreg:$0x2] =	wrdreg s24  }
0xaf: {  	[dreg:$0x3] =	wrdreg $0x55800  }
0xb0: {  	[dreg:$0x4] =	wrdreg $0x9  }
0xb1: {  	_ =	task.clear_ibuf [dreg:s6], $0x5FFFF;
	_ =	strace $0x90000046  }
0xb2: {  	s29 =	simm.s32 $0x9;
	_ =	strace $0x80000048  }
0xb3: {  	_ =	swait.ge [sflag:s29], $0x1  }
0xb4: {  	[sflag:s29] =	ssyncadd.s32 $0xFFFFFFFF  }
0xb5: {  	_ =	strace $0x90000048  }
0xb6: {  	_ =	sfence  }
0xb7: {  	s30 =	sld [smem:$0x0];
	_ =	sdelay $0x2  }
0xb8: {  	s31 =	sshll.u32 s1, $0xD;
	s1 =	sshrl.u32 s1, $0x2  }
0xb9: {  	s3 =	sand.u32 $0x4000, s31;
	s1 =	sadd.s32 s1, s30  }
0xba: {  	s0 =	sor.u32 s3, s0;
	s1 =	sshll.u32 s1, $0x11  }
0xbb: {  	s0 =	sor.u32 s1, s0  }
0xbc: {  	s0 =	sadd.s32 $0x8F2B, s0  }
0xbd: {  	[sflag:s0] =	ssyncadd.remote.s32 $0x1  }
0xbe: {  	_ =	sfence.sel $0xFFFF  }
0xbf: {  	[dreg:$0x0] =	wrdreg $0xFFFFFFFF;
	(pc) =	sbr.abs _section_cstart, $3  }
0xc0: {  	[dreg:$0x1] =	wrdreg $0xFFFFFFFF  }
0xc1: {  	_ =	task.clear_ibuf [dreg:s6], $0x2FFFF;
	_ =	strace $0x9FFFFFFF  }
0xc2: {  	(tm) =	ssettm $0x7FFFFFFF  }
0xc3: {  	_ =	shalt  }
tec
execute0_lowered:
.L_overlay_start_1:
0x0: {  	(tag) =	ssettag $0x1  }
0x1: {  	s1 =	srdreg.scid;
	s3 =	rddreg [dreg:$0x0]  }
0x2: {  	s0 =	stileid.u32;
	s5 =	rddreg [dreg:$0x1]  }
0x3: {  	s23 =	simm.s32 $0x1;
	s28 =	simm.s32 $0x5080;
	s29 =	simm.s32 $0x5300  }
0x4: {  	s30 =	simm.s32 $0x100;
	s1 =	sand.u32 $0x1, s1;
	s6 =	smul.u32 $0x500, s0  }
0x5: {  	s2 =	sshll.u32 s0, $0x1;
	s24 =	sshrl.u32 s0, $0x3;
	s26 =	smul.u32 $0x5000, s0  }
0x6: {  	s31 =	sshll.u32 s0, $0x7;
	s4 =	sor.u32 s1, s2;
	s2 =	simm.s32 $0x0  }
0x7: {  	s7 =	sshll.u32 s1, $0x7;
	s1 =	ssub.s32 $0x2, s1;
	s8 =	sand.u32 $0x380, s31  }
0x8: {  	s4 =	smul.u32 $0x510, s4;
	[smem:$0x7FF] =	sst s2;
	s6 =	sor.u32 s7, s6  }
0x9: {  	s7 =	smul.u32 $0x50000, s24;
	s25 =	sshrl.u32 s1, $0x1;
	s24 =	simm.s32 $0x2880  }
0xa: {  	_ =	strace $0x80000047;
	s6 =	sshrl.u32 s6, $0x3;
	s1 =	ssub.s32 s1, s25  }
0xb: {  	s25 =	simm.s32 $0x80;
	s4 =	sadd.s32 s4, s3;
	s21 =	sadd.s32 s6, s3  }
0xc: {  	s7 =	sshrl.u32 s7, $0x2;
	s6 =	sshrl.u32 s26, $0x2;
	s22 =	smax.u32 s1, $0x1  }
0xd: {  	s26 =	simm.s32 $0x400;
	s7 =	sadd.s32 s7, s5;
	s3 =	sadd.s32 $0x2A00, s4  }
0xe: {  	s5 =	sadd.s32 s6, s5;
	s21 =	sadd.s32 $0xCC00, s21;
	s4 =	sadd.s32 s8, s7  }
0xf: {  	s6 =	sadd.s32 $0x80, s5;
	s7 =	sadd.s32 $0x100, s5;
	s8 =	sadd.s32 $0x180, s5  }
0x10: {  	s9 =	sadd.s32 $0x200, s5;
	s10 =	sadd.s32 $0x280, s5;
	s11 =	sadd.s32 $0x300, s5  }
0x11: {  	s12 =	sadd.s32 $0x380, s5;
	s13 =	sadd.s32 $0x14000, s5;
	s14 =	sadd.s32 $0x14080, s5  }
0x12: {  	s15 =	sadd.s32 $0x14100, s5;
	s16 =	sadd.s32 $0x14180, s5;
	s17 =	sadd.s32 $0x14200, s5  }
0x13: {  	v0 =	vimm.f32 $0.0e+00;
	v1 =	vimm.f32 $1.000000000e+00;
	s18 =	sadd.s32 $0x14280, s5;
	s19 =	sadd.s32 $0x14300, s5;
	s20 =	sadd.s32 $0x14380, s5  }
.LBB2_1:
0x14: {  	s1 =	simm.s32 $0x40;
	s31 =	simm.s32 $0x0  }
.LBB2_2:
0x15: {  	p0 =	sne.s32 s1, $0x9FC0;
	[tilespmem:s31+$0x2880] =	vst v0;
	s31 =	smov.u32 s1;
	s1 =	sadd.s32 $0x40, s1  }
.Ltmp0:
0x16: {  	(pc) =	sbr.rel @p0 .LBB2_2-.Ltmp0, $2  }
0x17: {  	_ =	sdelay $0x2  }
0x18: {  	s31 =	sshra.s32 s31, $0x2  }
0x19: {  	[tilespmem:s31+$0x2880] =	vst v0;
	s1 =	simm.s32 $0x0  }
0x1a: {  	[tilespmem:s1], [sflag:$0x1] =	stream.linear.gather [hbm4b:s3+s1], $0x2880, $0x38;
	[tilespmem:$0x7D80] =	vst v63  }
0x1b: {  	_ =	swait.ge [sflag:s23], $0x2880  }
0x1c: {  	[sflag:s23] =	ssyncset.done $0x0  }
0x1d: {  	s31 =	simm.s32 $0x0;
	s1 =	simm.s32 $0x40;
	[sflag:s23] =	ssyncadd.s32 $0xFFFFD780  }
.LBB2_4:
0x1e: {  	p0 =	sne.s32 s1, $0xA1C0;
	v2 =	vld [tilespmem:s31+$0x0];
	_ =	sdelay $0x3  }
.Ltmp1:
0x1f: {  	(pc) =	sbr.rel @p0 .LBB2_4-.Ltmp1, $2  }
0x20: {  	_ =	sdelay $0x2  }
0x21: {  	s31 =	sshra.s32 s1, $0x2;
	s1 =	sadd.s32 $0x40, s1;
	[tilespmem:v2+s24+$0x0] =	vst.idx.add.f32.msk $0xffff, v1  }
0x22: {  	v2 =	vld [tilespmem:s31+$0x0];
	_ =	sdelay $0x7  }
0x23: {  	[tilespmem:v2+s24+$0x0] =	vst.idx.add.f32.msk $0xffff, v1  }
0x24: {  	[spmem:s4] =	stream.strided.scatter [tilespmem:s24], [sflag:$0x1], $0x2800, s26, s25, $0x38;
	[tilespmem:$0x7D80] =	vst v63  }
0x25: {  	_ =	swait.ge [sflag:s23], $0x2800  }
0x26: {  	[sflag:s23] =	ssyncset.done $0x0  }
0x27: {  	[sflag:s23] =	ssyncadd.s32 $0xFFFFD800  }
0x28: {  	[bflag:$0x0] =	sbarrier.arrive $0xFFFF  }
0x29: {  	[tilespmem:s28], [sflag:$0x1] =	stream.strided.gather [spmem:s5], $0x280, s26, s25, $0x38;
	[tilespmem:$0x7D80] =	vst v63  }
0x2a: {  	_ =	swait.ge [sflag:s23], $0x280  }
0x2b: {  	[sflag:s23] =	ssyncset.done $0x0  }
0x2c: {  	[sflag:s23] =	ssyncadd.s32 $0xFFFFFD80  }
0x2d: {  	[tilespmem:s29], [sflag:$0x1] =	stream.strided.gather [spmem:s6], $0x280, s26, s25, $0x38;
	[tilespmem:$0x7D80] =	vst v63  }
0x2e: {  	_ =	swait.ge [sflag:s23], $0x280  }
0x2f: {  	[sflag:s23] =	ssyncset.done $0x0  }
0x30: {  	s31 =	simm.s32 $0x0;
	[sflag:s23] =	ssyncadd.s32 $0xFFFFFD80  }
0x31: {  	s1 =	simm.s32 $0x40;
	v2 =	vld [tilespmem:s31+$0x5300]  }
.LBB2_6:
0x32: {  	p0 =	sne.s32 s1, $0x9C0;
	v3 =	vld [tilespmem:s31+$0x5080];
	_ =	sdelay $0x2  }
.Ltmp2:
0x33: {  	(pc) =	sbr.rel @p0 .LBB2_6-.Ltmp2, $4  }
0x34: {  	_ = 	snop  }
0x35: {  	v3 =	vadd.f32 v2, v3  }
0x36: {  	s0 =	sshra.s32 s1, $0x2  }
0x37: {  	s1 =	sadd.s32 $0x40, s1;
	v2 =	vld [tilespmem:s0+$0x5300];
	[tilespmem:s31+$0x5080] =	vst v3;
	s31 =	smov.u32 s0  }
0x38: {  	v3 =	vld [tilespmem:s31+$0x5080];
	_ =	sdelay $0x4  }
0x39: {  	v2 =	vadd.f32 v2, v3;
	_ =	sdelay $0x1  }
0x3a: {  	[tilespmem:s31+$0x5080] =	vst v2  }
0x3b: {  	[tilespmem:s29], [sflag:$0x1] =	stream.strided.gather [spmem:s7], $0x280, s26, s25, $0x38;
	[tilespmem:$0x7D80] =	vst v63  }
0x3c: {  	_ =	swait.ge [sflag:s23], $0x280  }
0x3d: {  	[sflag:s23] =	ssyncset.done $0x0  }
0x3e: {  	s31 =	simm.s32 $0x0;
	[sflag:s23] =	ssyncadd.s32 $0xFFFFFD80  }
0x3f: {  	s1 =	simm.s32 $0x40;
	v2 =	vld [tilespmem:s31+$0x5300]  }
.LBB2_8:
0x40: {  	p0 =	sne.s32 s1, $0x9C0;
	v3 =	vld [tilespmem:s31+$0x5080];
	_ =	sdelay $0x2  }
.Ltmp3:
0x41: {  	(pc) =	sbr.rel @p0 .LBB2_8-.Ltmp3, $4  }
0x42: {  	_ = 	snop  }
0x43: {  	v3 =	vadd.f32 v2, v3  }
0x44: {  	s0 =	sshra.s32 s1, $0x2  }
0x45: {  	s1 =	sadd.s32 $0x40, s1;
	v2 =	vld [tilespmem:s0+$0x5300];
	[tilespmem:s31+$0x5080] =	vst v3;
	s31 =	smov.u32 s0  }
0x46: {  	v3 =	vld [tilespmem:s31+$0x5080];
	_ =	sdelay $0x4  }
0x47: {  	v2 =	vadd.f32 v2, v3;
	_ =	sdelay $0x1  }
0x48: {  	[tilespmem:s31+$0x5080] =	vst v2  }
0x49: {  	[tilespmem:s29], [sflag:$0x1] =	stream.strided.gather [spmem:s8], $0x280, s26, s25, $0x38;
	[tilespmem:$0x7D80] =	vst v63  }
0x4a: {  	_ =	swait.ge [sflag:s23], $0x280  }
0x4b: {  	[sflag:s23] =	ssyncset.done $0x0  }
0x4c: {  	s31 =	simm.s32 $0x0;
	[sflag:s23] =	ssyncadd.s32 $0xFFFFFD80  }
0x4d: {  	s1 =	simm.s32 $0x40;
	v2 =	vld [tilespmem:s31+$0x5300]  }
.LBB2_10:
0x4e: {  	p0 =	sne.s32 s1, $0x9C0;
	v3 =	vld [tilespmem:s31+$0x5080];
	_ =	sdelay $0x2  }
.Ltmp4:
0x4f: {  	(pc) =	sbr.rel @p0 .LBB2_10-.Ltmp4, $4  }
0x50: {  	_ = 	snop  }
0x51: {  	v3 =	vadd.f32 v2, v3  }
0x52: {  	s0 =	sshra.s32 s1, $0x2  }
0x53: {  	s1 =	sadd.s32 $0x40, s1;
	v2 =	vld [tilespmem:s0+$0x5300];
	[tilespmem:s31+$0x5080] =	vst v3;
	s31 =	smov.u32 s0  }
0x54: {  	v3 =	vld [tilespmem:s31+$0x5080];
	_ =	sdelay $0x4  }
0x55: {  	v2 =	vadd.f32 v2, v3;
	_ =	sdelay $0x1  }
0x56: {  	[tilespmem:s31+$0x5080] =	vst v2  }
0x57: {  	[tilespmem:s29], [sflag:$0x1] =	stream.strided.gather [spmem:s9], $0x280, s26, s25, $0x38;
	[tilespmem:$0x7D80] =	vst v63  }
0x58: {  	_ =	swait.ge [sflag:s23], $0x280  }
0x59: {  	[sflag:s23] =	ssyncset.done $0x0  }
0x5a: {  	s31 =	simm.s32 $0x0;
	[sflag:s23] =	ssyncadd.s32 $0xFFFFFD80  }
0x5b: {  	s1 =	simm.s32 $0x40;
	v2 =	vld [tilespmem:s31+$0x5300]  }
.LBB2_12:
0x5c: {  	p0 =	sne.s32 s1, $0x9C0;
	v3 =	vld [tilespmem:s31+$0x5080];
	_ =	sdelay $0x2  }
.Ltmp5:
0x5d: {  	(pc) =	sbr.rel @p0 .LBB2_12-.Ltmp5, $4  }
0x5e: {  	_ = 	snop  }
0x5f: {  	v3 =	vadd.f32 v2, v3  }
0x60: {  	s0 =	sshra.s32 s1, $0x2  }
0x61: {  	s1 =	sadd.s32 $0x40, s1;
	v2 =	vld [tilespmem:s0+$0x5300];
	[tilespmem:s31+$0x5080] =	vst v3;
	s31 =	smov.u32 s0  }
0x62: {  	v3 =	vld [tilespmem:s31+$0x5080];
	_ =	sdelay $0x4  }
0x63: {  	v2 =	vadd.f32 v2, v3;
	_ =	sdelay $0x1  }
0x64: {  	[tilespmem:s31+$0x5080] =	vst v2  }
0x65: {  	[tilespmem:s29], [sflag:$0x1] =	stream.strided.gather [spmem:s10], $0x280, s26, s25, $0x38;
	[tilespmem:$0x7D80] =	vst v63  }
0x66: {  	_ =	swait.ge [sflag:s23], $0x280  }
0x67: {  	[sflag:s23] =	ssyncset.done $0x0  }
0x68: {  	s31 =	simm.s32 $0x0;
	[sflag:s23] =	ssyncadd.s32 $0xFFFFFD80  }
0x69: {  	s1 =	simm.s32 $0x40;
	v2 =	vld [tilespmem:s31+$0x5300]  }
.LBB2_14:
0x6a: {  	p0 =	sne.s32 s1, $0x9C0;
	v3 =	vld [tilespmem:s31+$0x5080];
	_ =	sdelay $0x2  }
.Ltmp6:
0x6b: {  	(pc) =	sbr.rel @p0 .LBB2_14-.Ltmp6, $4  }
0x6c: {  	_ = 	snop  }
0x6d: {  	v3 =	vadd.f32 v2, v3  }
0x6e: {  	s0 =	sshra.s32 s1, $0x2  }
0x6f: {  	s1 =	sadd.s32 $0x40, s1;
	v2 =	vld [tilespmem:s0+$0x5300];
	[tilespmem:s31+$0x5080] =	vst v3;
	s31 =	smov.u32 s0  }
0x70: {  	v3 =	vld [tilespmem:s31+$0x5080];
	_ =	sdelay $0x4  }
0x71: {  	v2 =	vadd.f32 v2, v3;
	_ =	sdelay $0x1  }
0x72: {  	[tilespmem:s31+$0x5080] =	vst v2  }
0x73: {  	[tilespmem:s29], [sflag:$0x1] =	stream.strided.gather [spmem:s11], $0x280, s26, s25, $0x38;
	[tilespmem:$0x7D80] =	vst v63  }
0x74: {  	_ =	swait.ge [sflag:s23], $0x280  }
0x75: {  	[sflag:s23] =	ssyncset.done $0x0  }
0x76: {  	s31 =	simm.s32 $0x0;
	[sflag:s23] =	ssyncadd.s32 $0xFFFFFD80  }
0x77: {  	s1 =	simm.s32 $0x40;
	v2 =	vld [tilespmem:s31+$0x5300]  }
.LBB2_16:
0x78: {  	p0 =	sne.s32 s1, $0x9C0;
	v3 =	vld [tilespmem:s31+$0x5080];
	_ =	sdelay $0x2  }
.Ltmp7:
0x79: {  	(pc) =	sbr.rel @p0 .LBB2_16-.Ltmp7, $4  }
0x7a: {  	_ = 	snop  }
0x7b: {  	v3 =	vadd.f32 v2, v3  }
0x7c: {  	s0 =	sshra.s32 s1, $0x2  }
0x7d: {  	s1 =	sadd.s32 $0x40, s1;
	v2 =	vld [tilespmem:s0+$0x5300];
	[tilespmem:s31+$0x5080] =	vst v3;
	s31 =	smov.u32 s0  }
0x7e: {  	v3 =	vld [tilespmem:s31+$0x5080];
	_ =	sdelay $0x4  }
0x7f: {  	v2 =	vadd.f32 v2, v3;
	_ =	sdelay $0x1  }
0x80: {  	[tilespmem:s31+$0x5080] =	vst v2  }
0x81: {  	[tilespmem:s29], [sflag:$0x1] =	stream.strided.gather [spmem:s12], $0x280, s26, s25, $0x38;
	[tilespmem:$0x7D80] =	vst v63  }
0x82: {  	_ =	swait.ge [sflag:s23], $0x280  }
0x83: {  	[sflag:s23] =	ssyncset.done $0x0  }
0x84: {  	s31 =	simm.s32 $0x0;
	[sflag:s23] =	ssyncadd.s32 $0xFFFFFD80  }
0x85: {  	s1 =	simm.s32 $0x40;
	v2 =	vld [tilespmem:s31+$0x5300]  }
.LBB2_18:
0x86: {  	p0 =	sne.s32 s1, $0x9C0;
	v3 =	vld [tilespmem:s31+$0x5080];
	_ =	sdelay $0x2  }
.Ltmp8:
0x87: {  	(pc) =	sbr.rel @p0 .LBB2_18-.Ltmp8, $4  }
0x88: {  	_ = 	snop  }
0x89: {  	v3 =	vadd.f32 v2, v3  }
0x8a: {  	s0 =	sshra.s32 s1, $0x2  }
0x8b: {  	s1 =	sadd.s32 $0x40, s1;
	v2 =	vld [tilespmem:s0+$0x5300];
	[tilespmem:s31+$0x5080] =	vst v3;
	s31 =	smov.u32 s0  }
0x8c: {  	v3 =	vld [tilespmem:s31+$0x5080];
	_ =	sdelay $0x4  }
0x8d: {  	v2 =	vadd.f32 v2, v3;
	_ =	sdelay $0x1  }
0x8e: {  	[tilespmem:s31+$0x5080] =	vst v2  }
0x8f: {  	[tilespmem:s29], [sflag:$0x1] =	stream.strided.gather [spmem:s13], $0x280, s26, s25, $0x38;
	[tilespmem:$0x7D80] =	vst v63  }
0x90: {  	_ =	swait.ge [sflag:s23], $0x280  }
0x91: {  	[sflag:s23] =	ssyncset.done $0x0  }
0x92: {  	s31 =	simm.s32 $0x0;
	[sflag:s23] =	ssyncadd.s32 $0xFFFFFD80  }
0x93: {  	s1 =	simm.s32 $0x40;
	v2 =	vld [tilespmem:s31+$0x5300]  }
.LBB2_20:
0x94: {  	p0 =	sne.s32 s1, $0x9C0;
	v3 =	vld [tilespmem:s31+$0x5080];
	_ =	sdelay $0x2  }
.Ltmp9:
0x95: {  	(pc) =	sbr.rel @p0 .LBB2_20-.Ltmp9, $4  }
0x96: {  	_ = 	snop  }
0x97: {  	v3 =	vadd.f32 v2, v3  }
0x98: {  	s0 =	sshra.s32 s1, $0x2  }
0x99: {  	s1 =	sadd.s32 $0x40, s1;
	v2 =	vld [tilespmem:s0+$0x5300];
	[tilespmem:s31+$0x5080] =	vst v3;
	s31 =	smov.u32 s0  }
0x9a: {  	v3 =	vld [tilespmem:s31+$0x5080];
	_ =	sdelay $0x4  }
0x9b: {  	v2 =	vadd.f32 v2, v3;
	_ =	sdelay $0x1  }
0x9c: {  	[tilespmem:s31+$0x5080] =	vst v2  }
0x9d: {  	[tilespmem:s29], [sflag:$0x1] =	stream.strided.gather [spmem:s14], $0x280, s26, s25, $0x38;
	[tilespmem:$0x7D80] =	vst v63  }
0x9e: {  	_ =	swait.ge [sflag:s23], $0x280  }
0x9f: {  	[sflag:s23] =	ssyncset.done $0x0  }
0xa0: {  	s31 =	simm.s32 $0x0;
	[sflag:s23] =	ssyncadd.s32 $0xFFFFFD80  }
0xa1: {  	s1 =	simm.s32 $0x40;
	v2 =	vld [tilespmem:s31+$0x5300]  }
.LBB2_22:
0xa2: {  	p0 =	sne.s32 s1, $0x9C0;
	v3 =	vld [tilespmem:s31+$0x5080];
	_ =	sdelay $0x2  }
.Ltmp10:
0xa3: {  	(pc) =	sbr.rel @p0 .LBB2_22-.Ltmp10, $4  }
0xa4: {  	_ = 	snop  }
0xa5: {  	v3 =	vadd.f32 v2, v3  }
0xa6: {  	s0 =	sshra.s32 s1, $0x2  }
0xa7: {  	s1 =	sadd.s32 $0x40, s1;
	v2 =	vld [tilespmem:s0+$0x5300];
	[tilespmem:s31+$0x5080] =	vst v3;
	s31 =	smov.u32 s0  }
0xa8: {  	v3 =	vld [tilespmem:s31+$0x5080];
	_ =	sdelay $0x4  }
0xa9: {  	v2 =	vadd.f32 v2, v3;
	_ =	sdelay $0x1  }
0xaa: {  	[tilespmem:s31+$0x5080] =	vst v2  }
0xab: {  	[tilespmem:s29], [sflag:$0x1] =	stream.strided.gather [spmem:s15], $0x280, s26, s25, $0x38;
	[tilespmem:$0x7D80] =	vst v63  }
0xac: {  	_ =	swait.ge [sflag:s23], $0x280  }
0xad: {  	[sflag:s23] =	ssyncset.done $0x0  }
0xae: {  	s31 =	simm.s32 $0x0;
	[sflag:s23] =	ssyncadd.s32 $0xFFFFFD80  }
0xaf: {  	s1 =	simm.s32 $0x40;
	v2 =	vld [tilespmem:s31+$0x5300]  }
.LBB2_24:
0xb0: {  	p0 =	sne.s32 s1, $0x9C0;
	v3 =	vld [tilespmem:s31+$0x5080];
	_ =	sdelay $0x2  }
.Ltmp11:
0xb1: {  	(pc) =	sbr.rel @p0 .LBB2_24-.Ltmp11, $4  }
0xb2: {  	_ = 	snop  }
0xb3: {  	v3 =	vadd.f32 v2, v3  }
0xb4: {  	s0 =	sshra.s32 s1, $0x2  }
0xb5: {  	s1 =	sadd.s32 $0x40, s1;
	v2 =	vld [tilespmem:s0+$0x5300];
	[tilespmem:s31+$0x5080] =	vst v3;
	s31 =	smov.u32 s0  }
0xb6: {  	v3 =	vld [tilespmem:s31+$0x5080];
	_ =	sdelay $0x4  }
0xb7: {  	v2 =	vadd.f32 v2, v3;
	_ =	sdelay $0x1  }
0xb8: {  	[tilespmem:s31+$0x5080] =	vst v2  }
0xb9: {  	[tilespmem:s29], [sflag:$0x1] =	stream.strided.gather [spmem:s16], $0x280, s26, s25, $0x38;
	[tilespmem:$0x7D80] =	vst v63  }
0xba: {  	_ =	swait.ge [sflag:s23], $0x280  }
0xbb: {  	[sflag:s23] =	ssyncset.done $0x0  }
0xbc: {  	s31 =	simm.s32 $0x0;
	[sflag:s23] =	ssyncadd.s32 $0xFFFFFD80  }
0xbd: {  	s1 =	simm.s32 $0x40;
	v2 =	vld [tilespmem:s31+$0x5300]  }
.LBB2_26:
0xbe: {  	p0 =	sne.s32 s1, $0x9C0;
	v3 =	vld [tilespmem:s31+$0x5080];
	_ =	sdelay $0x2  }
.Ltmp12:
0xbf: {  	(pc) =	sbr.rel @p0 .LBB2_26-.Ltmp12, $4  }
0xc0: {  	_ = 	snop  }
0xc1: {  	v3 =	vadd.f32 v2, v3  }
0xc2: {  	s0 =	sshra.s32 s1, $0x2  }
0xc3: {  	s1 =	sadd.s32 $0x40, s1;
	v2 =	vld [tilespmem:s0+$0x5300];
	[tilespmem:s31+$0x5080] =	vst v3;
	s31 =	smov.u32 s0  }
0xc4: {  	v3 =	vld [tilespmem:s31+$0x5080];
	_ =	sdelay $0x4  }
0xc5: {  	v2 =	vadd.f32 v2, v3;
	_ =	sdelay $0x1  }
0xc6: {  	[tilespmem:s31+$0x5080] =	vst v2  }
0xc7: {  	[tilespmem:s29], [sflag:$0x1] =	stream.strided.gather [spmem:s17], $0x280, s26, s25, $0x38;
	[tilespmem:$0x7D80] =	vst v63  }
0xc8: {  	_ =	swait.ge [sflag:s23], $0x280  }
0xc9: {  	[sflag:s23] =	ssyncset.done $0x0  }
0xca: {  	s31 =	simm.s32 $0x0;
	[sflag:s23] =	ssyncadd.s32 $0xFFFFFD80  }
0xcb: {  	s1 =	simm.s32 $0x40;
	v2 =	vld [tilespmem:s31+$0x5300]  }
.LBB2_28:
0xcc: {  	p0 =	sne.s32 s1, $0x9C0;
	v3 =	vld [tilespmem:s31+$0x5080];
	_ =	sdelay $0x2  }
.Ltmp13:
0xcd: {  	(pc) =	sbr.rel @p0 .LBB2_28-.Ltmp13, $4  }
0xce: {  	_ = 	snop  }
0xcf: {  	v3 =	vadd.f32 v2, v3  }
0xd0: {  	s0 =	sshra.s32 s1, $0x2  }
0xd1: {  	s1 =	sadd.s32 $0x40, s1;
	v2 =	vld [tilespmem:s0+$0x5300];
	[tilespmem:s31+$0x5080] =	vst v3;
	s31 =	smov.u32 s0  }
0xd2: {  	v3 =	vld [tilespmem:s31+$0x5080];
	_ =	sdelay $0x4  }
0xd3: {  	v2 =	vadd.f32 v2, v3;
	_ =	sdelay $0x1  }
0xd4: {  	[tilespmem:s31+$0x5080] =	vst v2  }
0xd5: {  	[tilespmem:s29], [sflag:$0x1] =	stream.strided.gather [spmem:s18], $0x280, s26, s25, $0x38;
	[tilespmem:$0x7D80] =	vst v63  }
0xd6: {  	_ =	swait.ge [sflag:s23], $0x280  }
0xd7: {  	[sflag:s23] =	ssyncset.done $0x0  }
0xd8: {  	s31 =	simm.s32 $0x0;
	[sflag:s23] =	ssyncadd.s32 $0xFFFFFD80  }
0xd9: {  	s1 =	simm.s32 $0x40;
	v2 =	vld [tilespmem:s31+$0x5300]  }
.LBB2_30:
0xda: {  	p0 =	sne.s32 s1, $0x9C0;
	v3 =	vld [tilespmem:s31+$0x5080];
	_ =	sdelay $0x2  }
.Ltmp14:
0xdb: {  	(pc) =	sbr.rel @p0 .LBB2_30-.Ltmp14, $4  }
0xdc: {  	_ = 	snop  }
0xdd: {  	v3 =	vadd.f32 v2, v3  }
0xde: {  	s0 =	sshra.s32 s1, $0x2  }
0xdf: {  	s1 =	sadd.s32 $0x40, s1;
	v2 =	vld [tilespmem:s0+$0x5300];
	[tilespmem:s31+$0x5080] =	vst v3;
	s31 =	smov.u32 s0  }
0xe0: {  	v3 =	vld [tilespmem:s31+$0x5080];
	_ =	sdelay $0x4  }
0xe1: {  	v2 =	vadd.f32 v2, v3;
	_ =	sdelay $0x1  }
0xe2: {  	[tilespmem:s31+$0x5080] =	vst v2  }
0xe3: {  	[tilespmem:s29], [sflag:$0x1] =	stream.strided.gather [spmem:s19], $0x280, s26, s25, $0x38;
	[tilespmem:$0x7D80] =	vst v63  }
0xe4: {  	_ =	swait.ge [sflag:s23], $0x280  }
0xe5: {  	[sflag:s23] =	ssyncset.done $0x0  }
0xe6: {  	s31 =	simm.s32 $0x0;
	[sflag:s23] =	ssyncadd.s32 $0xFFFFFD80  }
0xe7: {  	s1 =	simm.s32 $0x40;
	v2 =	vld [tilespmem:s31+$0x5300]  }
.LBB2_32:
0xe8: {  	p0 =	sne.s32 s1, $0x9C0;
	v3 =	vld [tilespmem:s31+$0x5080];
	_ =	sdelay $0x2  }
.Ltmp15:
0xe9: {  	(pc) =	sbr.rel @p0 .LBB2_32-.Ltmp15, $4  }
0xea: {  	_ = 	snop  }
0xeb: {  	v3 =	vadd.f32 v2, v3  }
0xec: {  	s0 =	sshra.s32 s1, $0x2  }
0xed: {  	s1 =	sadd.s32 $0x40, s1;
	v2 =	vld [tilespmem:s0+$0x5300];
	[tilespmem:s31+$0x5080] =	vst v3;
	s31 =	smov.u32 s0  }
0xee: {  	v3 =	vld [tilespmem:s31+$0x5080];
	_ =	sdelay $0x4  }
0xef: {  	v2 =	vadd.f32 v2, v3;
	_ =	sdelay $0x1  }
0xf0: {  	[tilespmem:s31+$0x5080] =	vst v2  }
0xf1: {  	[tilespmem:s29], [sflag:$0x1] =	stream.strided.gather [spmem:s20], $0x280, s26, s25, $0x38;
	[tilespmem:$0x7D80] =	vst v63  }
0xf2: {  	_ =	swait.ge [sflag:s23], $0x280  }
0xf3: {  	[sflag:s23] =	ssyncset.done $0x0  }
0xf4: {  	s31 =	simm.s32 $0x0;
	[sflag:s23] =	ssyncadd.s32 $0xFFFFFD80  }
0xf5: {  	s1 =	simm.s32 $0x40;
	v2 =	vld [tilespmem:s31+$0x5300]  }
.LBB2_34:
0xf6: {  	p0 =	sne.s32 s1, $0x9C0;
	v3 =	vld [tilespmem:s31+$0x5080];
	_ =	sdelay $0x2  }
.Ltmp16:
0xf7: {  	(pc) =	sbr.rel @p0 .LBB2_34-.Ltmp16, $4  }
0xf8: {  	_ = 	snop  }
0xf9: {  	v3 =	vadd.f32 v2, v3  }
0xfa: {  	s0 =	sshra.s32 s1, $0x2  }
0xfb: {  	s1 =	sadd.s32 $0x40, s1;
	v2 =	vld [tilespmem:s0+$0x5300];
	[tilespmem:s31+$0x5080] =	vst v3;
	s31 =	smov.u32 s0  }
0xfc: {  	v3 =	vld [tilespmem:s31+$0x5080];
	_ =	sdelay $0x4  }
0xfd: {  	s2 =	sadd.s32 $0x1, s2;
	v2 =	vadd.f32 v2, v3  }
0xfe: {  	p0 =	sne.s32 s2, s22  }
.Ltmp17:
0xff: {  	[tilespmem:s31+$0x5080] =	vst v2;
	(pc) =	sbr.rel @p0 .LBB2_1-.Ltmp17, $4  }
0x100: {  	[hbm4b:s21+s25] =	stream.strided.scatter [tilespmem:s28], [sflag:$0x1], $0x280, s30, s25, $0x38;
	[tilespmem:$0x7D80] =	vst v63  }
0x101: {  	_ =	swait.ge [sflag:s23], $0x280  }
0x102: {  	[sflag:s23] =	ssyncset.done $0x0  }
0x103: {  	[sflag:s23] =	ssyncadd.s32 $0xFFFFFD80  }
0x104: {  	_ =	sfence.sel $0x180000  }
0x105: {  	[bflag:$0x0] =	sbarrier.arrive $0xFFFF  }
0x106: {  	_ =	strace $0x90000047  }
0x107: {  	s0 =	stileid.u32;
	[bflag:$0x2] =	sbarrier.arrive $0xFFFF  }
0x108: {  	p0 =	sne.s32 s0, $0x0;
	s0 =	rddreg [dreg:$0x2]  }
0x109: {  	s0 =	sadd.s32 @!p0 $0x100000, s0  }
0x10a: {  	[sflag:s0] =	ssyncadd.tile.s32 @!p0 $0x1;
	_ =	shalt  }
.Lfunc_end2:
_tile_overlayer_lowered:
.L_overlay_start_2:
0x10b: {  	(tag) =	ssettag $0x2  }
0x10c: {  	s0 =	rddreg [dreg:$0x0];
	s2 =	stileid.u32  }
0x10d: {  	s1 =	rddreg [dreg:$0x1];
	p0 =	sne.s32 s2, $0x0  }
0x10e: {  	s3 =	rddreg [dreg:$0x2];
	[bflag:$0x3] =	sbarrier.arrive $0xFFFF;
	s2 =	simm.s32 @!p0 $0x1C01  }
0x10f: {  	[timem:s3], [sflag:s2] =	dma.local @!p0 [hbm:s0], s1  }
0x110: {  	s0 =	simm.s32 @!p0 $0x1  }
0x111: {  	_ =	swait.ge @!p0 [sflag:s0], s1  }
0x112: {  	s1 =	ssub.s32 @!p0 $0x0, s1;
	[sflag:s0] =	ssyncset.done @!p0 $0x0  }
0x113: {  	[sflag:s0] =	ssyncadd.s32 @!p0 s1  }
0x114: {  	[bflag:$0x3] =	sbarrier.arrive $0xFFFF  }
0x115: {  	_ =	shalt  }

// kernel: kernel.13.cloned.1.call-start
scs
__scs_entry_jumppad:
0x0: {  	(pc) =	sbr.rel $0x88, $3  }
0x1: {  	(tag) =	ssettag $0x0;
	lr =	simm.s32 $0x1  }
0x2: {  	[smem:$0x3F94] =	sst lr;
	_ =	strace $0xD0000000  }
0x3: {  	_ = 	snop  }
0x4: {  	_ = 	snop  }
0x5: {  	_ = 	snop  }
0x6: {  	_ = 	snop  }
0x7: {  	_ = 	snop  }
__scs_overlays_trampoline_lowered:
0x8: {  	[smem:$0x3FA3] =	sst s0  }
0x9: {  	[smem:$0x3FA4] =	sst s1  }
0xa: {  	[smem:$0x3FA5] =	sst s2  }
0xb: {  	[smem:$0x3FA6] =	sst s3  }
0xc: {  	[smem:$0x3FA7] =	sst s4  }
0xd: {  	[smem:$0x3FA8] =	sst s5  }
0xe: {  	[smem:$0x3FA9] =	sst s6  }
0xf: {  	[smem:$0x3FAA] =	sst s7  }
0x10: {  	[smem:$0x3FAB] =	sst s8  }
0x11: {  	[smem:$0x3FAC] =	sst s9;
	s0 =	simm.s32 @!p0 $0x0  }
0x12: {  	s1 =	sld [smem:$0x3F92];
	s0 =	simm.s32 @p0 $0x1  }
0x13: {  	[smem:$0x3FAD] =	sst s0;
	s0 =	simm.s32 @!p1 $0x0  }
0x14: {  	s2 =	sld [smem:$0x3F91];
	s0 =	simm.s32 @p1 $0x1  }
0x15: {  	[smem:$0x3FAE] =	sst s0;
	s0 =	simm.s32 @!p2 $0x0  }
0x16: {  	s3 =	sld [smem:$0x3FDB];
	s0 =	simm.s32 @p2 $0x1  }
0x17: {  	s4 =	simm.s32 $0x1BF5;
	[smem:$0x3FB0] =	sst s0  }
0x18: {  	s0 =	sld [smem:$0x3F93];
	_ =	swait.ge [sflag:s4], $0x0  }
0x19: {  	s7 =	sld [smem:$0x3F94]  }
0x1a: {  	s8 =	sadd.s32 $0xFFFFE003, lr  }
0x1b: {  	s9 =	sadd.s32 $0xFFFFFEF7, lr;
	s5 =	simm.s32 $0xFFFFFFFF;
	p2 =	slt.u32 s8, $0xFFFFF086  }
0x1c: {  	p1 =	slt.u32 s9, $0xF7A;
	s5 =	simm.s32 @!p2 $0x0  }
0x1d: {  	s5 =	simm.s32 @p1 $0x1;
	p0 =	seq.s32 s7, s2  }
0x1e: {  	s7 =	smul.u32 @!p0 $0xF7A, s2;
	p2 =	seq.s32 @!p0 s5, $0x0  }
0x1f: {  	s9 =	smul.u32 $0xF7A, s1;
	s8 =	simm.s32 @!p0 $0x1BF5;
	p2 =	por !p2, p0  }
0x20: {  	[sflag:s8] =	ssyncset.s32 @!p0 $0xFFFFF086;
	s6 =	sadd.s32 @!p0 s3, s7;
	s7 =	simm.s32 @!p0 $0x108  }
0x21: {  	s3 =	sadd.s32 s3, s9;
	s6 =	sadd.s32 @!p0 $0x88, s6;
	s7 =	simm.s32 @p2 $0x1082  }
0x22: {  	[simem:s7], [sflag:s8] =	dma.local @!p0 [hbm:s6], $0xF7A  }
0x23: {  	s9 =	sor.u32 $0xD0000000, s2;
	s6 =	simm.s32 $0x108;
	_ =	swait.ge @!p0 [sflag:s8], $0x0  }
0x24: {  	s3 =	sadd.s32 $0x88, s3;
	s6 =	simm.s32 @!p1 $0x1082;
	[sflag:s4] =	ssyncset.s32 $0xFFFFF086  }
0x25: {  	[simem:s6], [sflag:s4] =	dma.local [hbm:s3], $0xF7A  }
0x26: {  	[smem:$0x3F94] =	sst s1;
	(tag) =	ssettag s2;
	_ =	strace s9  }
0x27: {  	s1 =	sld [smem:$0x3FA4]  }
0x28: {  	s2 =	sld [smem:$0x3FA5]  }
0x29: {  	s4 =	sld [smem:$0x3FA7]  }
0x2a: {  	p0 =	seq.s32 s5, $0x0;
	s5 =	sld [smem:$0x3FA8]  }
0x2b: {  	s6 =	sld [smem:$0x3FA9]  }
0x2c: {  	s7 =	sld [smem:$0x3FAA]  }
0x2d: {  	s3 =	simm.s32 $0x108;
	s8 =	sld [smem:$0x3FAB]  }
0x2e: {  	s3 =	simm.s32 @!p0 $0x1082;
	s9 =	sld [smem:$0x3FAC]  }
0x2f: {  	lr =	sadd.s32 s0, s3;
	s0 =	sld [smem:$0x3FA3]  }
0x30: {  	s3 =	sld [smem:$0x3FA6]  }
0x31: {  	[smem:$0x3FAF] =	sst s10  }
0x32: {  	s10 =	sld [smem:$0x3FAD];
	_ =	sdelay $0x3  }
0x33: {  	p0 =	seq.s32 s10, $0x1;
	s10 =	sld [smem:$0x3FAF];
	_ =	sdelay $0x3  }
0x34: {  	[smem:$0x3FAF] =	sst s10  }
0x35: {  	s10 =	sld [smem:$0x3FAE];
	_ =	sdelay $0x3  }
0x36: {  	p1 =	seq.s32 s10, $0x1;
	s10 =	sld [smem:$0x3FAF];
	_ =	sdelay $0x3  }
0x37: {  	[smem:$0x3FAF] =	sst s10  }
0x38: {  	s10 =	sld [smem:$0x3FB0]  }
0x39: {  	_ = 	snop;
	(pc) =	sbr.ind lr, $3  }
0x3a: {  	_ = 	snop  }
0x3b: {  	_ = 	snop  }
0x3c: {  	p2 =	seq.s32 s10, $0x1;
	s10 =	sld [smem:$0x3FAF]  }
0x3d: {  	_ =	shalt  }
0x3e: {  	_ =	shalt  }
0x3f: {  	_ =	shalt  }
0x40: {  	_ =	shalt  }
0x41: {  	_ =	shalt  }
0x42: {  	_ =	shalt  }
0x43: {  	_ =	shalt  }
0x44: {  	_ =	shalt  }
0x45: {  	_ =	shalt  }
0x46: {  	_ =	shalt  }
0x47: {  	_ =	shalt  }
0x48: {  	_ =	shalt  }
0x49: {  	_ =	shalt  }
0x4a: {  	_ =	shalt  }
0x4b: {  	_ =	shalt  }
0x4c: {  	_ =	shalt  }
0x4d: {  	_ =	shalt  }
0x4e: {  	_ =	shalt  }
0x4f: {  	_ =	shalt  }
0x50: {  	_ =	shalt  }
0x51: {  	_ =	shalt  }
0x52: {  	_ =	shalt  }
0x53: {  	_ =	shalt  }
0x54: {  	_ =	shalt  }
0x55: {  	_ =	shalt  }
0x56: {  	_ =	shalt  }
0x57: {  	_ =	shalt  }
0x58: {  	_ =	shalt  }
0x59: {  	_ =	shalt  }
0x5a: {  	_ =	shalt  }
0x5b: {  	_ =	shalt  }
0x5c: {  	_ =	shalt  }
0x5d: {  	_ =	shalt  }
0x5e: {  	_ =	shalt  }
0x5f: {  	_ =	shalt  }
0x60: {  	_ =	shalt  }
0x61: {  	_ =	shalt  }
0x62: {  	_ =	shalt  }
0x63: {  	_ =	shalt  }
0x64: {  	_ =	shalt  }
0x65: {  	_ =	shalt  }
0x66: {  	_ =	shalt  }
0x67: {  	_ =	shalt  }
0x68: {  	_ =	shalt  }
0x69: {  	_ =	shalt  }
0x6a: {  	_ =	shalt  }
0x6b: {  	_ =	shalt  }
0x6c: {  	_ =	shalt  }
0x6d: {  	_ =	shalt  }
0x6e: {  	_ =	shalt  }
0x6f: {  	_ =	shalt  }
0x70: {  	_ =	shalt  }
0x71: {  	_ =	shalt  }
0x72: {  	_ =	shalt  }
0x73: {  	_ =	shalt  }
0x74: {  	_ =	shalt  }
0x75: {  	_ =	shalt  }
0x76: {  	_ =	shalt  }
0x77: {  	_ =	shalt  }
0x78: {  	_ =	shalt  }
0x79: {  	_ =	shalt  }
0x7a: {  	_ =	shalt  }
0x7b: {  	_ =	shalt  }
0x7c: {  	_ =	shalt  }
0x7d: {  	_ =	shalt  }
0x7e: {  	_ =	shalt  }
0x7f: {  	_ =	shalt  }
0x80: {  	_ =	shalt  }
0x81: {  	_ =	shalt  }
0x82: {  	_ =	shalt  }
0x83: {  	_ =	shalt  }
0x84: {  	_ =	shalt  }
0x85: {  	_ =	shalt  }
0x86: {  	_ =	shalt  }
0x87: {  	_ =	shalt  }
.Lfunc_end0:
.L_simem_size_0:
called_computation.1_lowered:
.L_overlay_start_0:
0x88: {  	s2 =	sld [smem:$0x3FD9]  }
0x89: {  	s3 =	sld [smem:$0x3FFE];
	_ =	sdelay $0x1  }
0x8a: {  	s1 =	srdreg.scid  }
0x8b: {  	s0 =	sand.u32 $0x1, s1  }
0x8c: {  	s16 =	sshll.u32 s0, $0xA;
	s2 =	sadd.s32 s3, s2  }
0x8d: {  	s2 =	sadd.s32 s2, s16  }
0x8e: {  	[smem:$0x3FBB] =	sst s2  }
0x8f: {  	_ = 	snop  }
0x90: {  	(tm) =	ssettm $0x1  }
0x91: {  	s17 =	sld [smem:$0x3FFB];
	_ =	sdelay $0x3  }
0x92: {  	_ =	strace s17  }
0x93: {  	s2 =	sld [smem:$0x3FFC];
	_ =	sdelay $0x3  }
0x94: {  	_ =	strace s2  }
0x95: {  	s2 =	sld [smem:$0x3FFD];
	_ =	sdelay $0x3  }
0x96: {  	_ =	strace s2  }
0x97: {  	_ =	strace $0x8FFFFFFF  }
0x98: {  	s18 =	sld [smem:$0x3FDB];
	_ =	sdelay $0x1  }
0x99: {  	s19 =	simm.s32 $_scs_section_size  }
0x9a: {  	s4 =	simm.s32 $_size__tile_overlayer_lowered;
	s5 =	simm.s32 $_tile_overlayer_lowered  }
0x9b: {  	s22 =	simm.s32 $0x1BFF;
	s21 =	sshll.u32 s5, $0x1;
	s2 =	sadd.s32 s19, s18  }
0x9c: {  	s6 =	simm.s32 $0x0;
	s20 =	sshll.u32 s4, $0x1;
	s4 =	sadd.s32 s21, s2  }
0x9d: {  	[timem:s6], [sflag:s22] =	dma.local [hbm:s4], s20  }
0x9e: {  	_ =	swait.ge [sflag:s22], s20  }
0x9f: {  	s3 =	ssub.s32 $0x0, s20;
	[sflag:s22] =	ssyncset.done $0x0  }
0xa0: {  	[sflag:s22] =	ssyncadd.s32 s3;
	_ =	sdelay $0x1  }
0xa1: {  	s23 =	simm.s32 $0x1B8B  }
0xa2: {  	_ =	swait.ge [sflag:s23], $0x1  }
0xa3: {  	[sflag:s23] =	ssyncset.done $0x0  }
0xa4: {  	s25 =	simm.s32 $0x1B8E;
	s24 =	sld [smem:$0x3FFE];
	[sflag:s23] =	ssyncadd.s32 $0xFFFFFFFF  }
0xa5: {  	s26 =	simm.s32 $execute0_lowered;
	[smem:$0x3FD2] =	sst s25  }
0xa6: {  	s4 =	sshll.u32 s26, $0x1;
	_ =	strace $0x80000049;
	[dreg:$0x1] =	wrdreg $0xFFFFFFFF  }
0xa7: {  	s28 =	simm.s32 $_size_execute0_lowered;
	s2 =	sadd.s32 s2, s4;
	[dreg:$0x0] =	wrdreg $0x0  }
0xa8: {  	s4 =	sshll.u32 s28, $0x1;
	[dreg:$0x2] =	wrdreg s2  }
0xa9: {  	[dreg:$0x3] =	wrdreg s4  }
0xaa: {  	[dreg:$0x4] =	wrdreg $0xC0  }
0xab: {  	_ =	task [dreg:s6], $0x5FFFF  }
0xac: {  	[dreg:$0x1] =	wrdreg $0xFFFFFFFF  }
0xad: {  	[dreg:$0x0] =	wrdreg $0x60  }
0xae: {  	[dreg:$0x2] =	wrdreg s24  }
0xaf: {  	[dreg:$0x3] =	wrdreg $0x5B000  }
0xb0: {  	[dreg:$0x4] =	wrdreg $0x9  }
0xb1: {  	_ =	task.clear_ibuf [dreg:s6], $0x5FFFF;
	_ =	strace $0x90000049  }
0xb2: {  	s29 =	simm.s32 $0x9;
	_ =	strace $0x8000004B  }
0xb3: {  	_ =	swait.ge [sflag:s29], $0x1  }
0xb4: {  	[sflag:s29] =	ssyncadd.s32 $0xFFFFFFFF  }
0xb5: {  	_ =	strace $0x9000004B  }
0xb6: {  	_ =	sfence  }
0xb7: {  	s30 =	sld [smem:$0x0];
	_ =	sdelay $0x2  }
0xb8: {  	s31 =	sshll.u32 s1, $0xD;
	s1 =	sshrl.u32 s1, $0x2  }
0xb9: {  	s3 =	sand.u32 $0x4000, s31;
	s1 =	sadd.s32 s1, s30  }
0xba: {  	s0 =	sor.u32 s3, s0;
	s1 =	sshll.u32 s1, $0x11  }
0xbb: {  	s0 =	sor.u32 s1, s0  }
0xbc: {  	s0 =	sadd.s32 $0x8F2B, s0  }
0xbd: {  	[sflag:s0] =	ssyncadd.remote.s32 $0x1  }
0xbe: {  	_ =	sfence.sel $0xFFFF  }
0xbf: {  	[dreg:$0x0] =	wrdreg $0xFFFFFFFF;
	(pc) =	sbr.abs _section_cstart, $3  }
0xc0: {  	[dreg:$0x1] =	wrdreg $0xFFFFFFFF  }
0xc1: {  	_ =	task.clear_ibuf [dreg:s6], $0x2FFFF;
	_ =	strace $0x9FFFFFFF  }
0xc2: {  	(tm) =	ssettm $0x7FFFFFFF  }
0xc3: {  	_ =	shalt  }
tec
execute0_lowered:
.L_overlay_start_1:
0x0: {  	(tag) =	ssettag $0x1  }
0x1: {  	s5 =	rddreg [dreg:$0x0];
	s1 =	srdreg.scid  }
0x2: {  	s0 =	stileid.u32;
	s2 =	rddreg [dreg:$0x1]  }
0x3: {  	s3 =	simm.s32 $0x0;
	s16 =	simm.s32 $0x2;
	s17 =	simm.s32 $0x1  }
0x4: {  	s18 =	simm.s32 $0x80;
	s6 =	sand.u32 $0x1, s1;
	s1 =	rddreg [dreg:$0x2]  }
0x5: {  	s19 =	simm.s32 $0x1A80;
	s7 =	smul.u32 $0xA000, s0;
	[smem:$0x7FF] =	sst s3  }
0x6: {  	s4 =	sadd.s32 $0x21A00, s5;
	s11 =	sadd.s32 $0xD600, s5;
	s8 =	smul.u32 $0xA0000, s6  }
0x7: {  	s9 =	smul.u32 $0x28000, s0;
	s28 =	sshll.u32 s0, $0x1;
	s26 =	ssub.s32 $0x2, s6  }
0x8: {  	_ =	strace $0x8000004A;
	s10 =	sshrl.u32 s26, $0x1;
	s8 =	sadd.s32 s7, s8  }
0x9: {  	s29 =	sshrl.u32 s9, $0x2;
	s14 =	ssub.s32 s26, s10;
	s8 =	sshrl.u32 s8, $0x3  }
0xa: {  	s9 =	sadd.s32 s29, s2;
	s13 =	sadd.s32 s8, s5;
	s8 =	sor.u32 s6, s28  }
0xb: {  	s14 =	smax.u32 s14, $0x1;
	s5 =	sadd.s32 s7, s2;
	s30 =	smul.u32 $0x5100, s8  }
0xc: {  	s6 =	sadd.s32 $0x2000, s9;
	s7 =	sadd.s32 $0x4000, s9;
	s12 =	smul.u32 $0xA20, s8  }
0xd: {  	s8 =	sadd.s32 $0x6000, s9;
	s9 =	sadd.s32 $0x8000, s9;
	s15 =	sshrl.u32 s30, $0x3  }
0xe: {  	s13 =	sadd.s32 $0x35400, s13;
	s10 =	sadd.s32 s11, s12;
	s31 =	sadd.s32 s11, s15  }
0xf: {  	v0 =	vimm.f32 $0.0e+00;
	s15 =	simm.s32 $0x1B00;
	s11 =	sadd.s32 $0x360, s31;
	s12 =	sadd.s32 $0x6C0, s31  }
.LBB2_1:
0x10: {  	s21 =	simm.s32 $0x100;
	s20 =	simm.s32 $0x0  }
.LBB2_2:
0x11: {  	p0 =	sne.s32 s21, $0x7F00;
	[tilespmem:s20+$0x1B30] =	vst v0;
	s22 =	smov.u32 s21;
	s21 =	sadd.s32 $0x100, s21  }
.Ltmp0:
0x12: {  	[tilespmem:s20+$0x1B20] =	vst v0;
	(pc) =	sbr.rel @p0 .LBB2_2-.Ltmp0, $3  }
0x13: {  	[tilespmem:s20+$0x1B00] =	vst v0  }
0x14: {  	[tilespmem:s20+$0x1B10] =	vst v0;
	_ =	sdelay $0x1  }
0x15: {  	s20 =	sshra.s32 s22, $0x2  }
0x16: {  	[tilespmem:s20+$0x1B30] =	vst v0  }
0x17: {  	[tilespmem:s20+$0x1B20] =	vst v0  }
0x18: {  	[tilespmem:s20+$0x1B00] =	vst v0  }
0x19: {  	[tilespmem:s20+$0x1B10] =	vst v0  }
0x1a: {  	[spmem:s5] =	stream.linear.scatter [tilespmem:s15], [sflag:$0x2], $0x2000, $0x38;
	[tilespmem:$0xFB00] =	vst v63  }
0x1b: {  	_ =	swait.ge [sflag:s16], $0x2000  }
0x1c: {  	[sflag:s16] =	ssyncset.done $0x0  }
0x1d: {  	[sflag:s16] =	ssyncadd.s32 $0xFFFFE000  }
0x1e: {  	[spmem:s6] =	stream.linear.scatter [tilespmem:s15], [sflag:$0x2], $0x2000, $0x38;
	[tilespmem:$0xFB00] =	vst v63  }
0x1f: {  	_ =	swait.ge [sflag:s16], $0x2000  }
0x20: {  	[sflag:s16] =	ssyncset.done $0x0  }
0x21: {  	[sflag:s16] =	ssyncadd.s32 $0xFFFFE000  }
0x22: {  	[spmem:s7] =	stream.linear.scatter [tilespmem:s15], [sflag:$0x2], $0x2000, $0x38;
	[tilespmem:$0xFB00] =	vst v63  }
0x23: {  	_ =	swait.ge [sflag:s16], $0x2000  }
0x24: {  	[sflag:s16] =	ssyncset.done $0x0  }
0x25: {  	[sflag:s16] =	ssyncadd.s32 $0xFFFFE000  }
0x26: {  	[spmem:s8] =	stream.linear.scatter [tilespmem:s15], [sflag:$0x2], $0x2000, $0x38;
	[tilespmem:$0xFB00] =	vst v63  }
0x27: {  	_ =	swait.ge [sflag:s16], $0x2000  }
0x28: {  	[sflag:s16] =	ssyncset.done $0x0  }
0x29: {  	[sflag:s16] =	ssyncadd.s32 $0xFFFFE000  }
0x2a: {  	[spmem:s9] =	stream.linear.scatter [tilespmem:s15], [sflag:$0x2], $0x2000, $0x38;
	[tilespmem:$0xFB00] =	vst v63  }
0x2b: {  	_ =	swait.ge [sflag:s16], $0x2000  }
0x2c: {  	[sflag:s16] =	ssyncset.done $0x0  }
0x2d: {  	[sflag:s16] =	ssyncadd.s32 $0xFFFFE000  }
0x2e: {  	s21 =	simm.s32 $0x0;
	[bflag:$0x0] =	sbarrier.arrive $0xFFFF  }
0x2f: {  	[tilespmem:s21], [sflag:$0x2] =	stream.linear.gather [hbm4b:s10+s21], $0x1B00, $0x38;
	[tilespmem:$0xFB00] =	vst v63  }
0x30: {  	_ =	swait.ge [sflag:s16], $0x1B00  }
0x31: {  	[sflag:s16] =	ssyncset.done $0x0  }
0x32: {  	s20 =	simm.s32 $0x80;
	[sflag:s16] =	ssyncadd.s32 $0xFFFFE500  }
0x33: {  	[tilespmem:s15], [sflag:$0x1] =	stream.indirect.gather [hbm4b:s4+s20], $0x40, s21, s20, $0xb8;
	[tilespmem:$0xFB00] =	vst v63  }
0x34: {  	s31 =	simm.s32 $0x0;
	_ =	swait.ge [sflag:s17], $0x2000  }
0x35: {  	s21 =	sand.u32 $0x2000, s31;
	[sflag:s17] =	ssyncset.done $0x0  }
0x36: {  	s23 =	simm.s32 $0x100;
	s22 =	sxor.u32 $0x3B00, s21;
	[sflag:s17] =	ssyncadd.s32 $0xFFFFE000  }
0x37: {  	[tilespmem:s22], [sflag:$0x1] =	stream.indirect.gather [hbm4b:s4+s18], $0x40, s23, s18, $0xb8;
	[tilespmem:$0xFB00] =	vst v63  }
0x38: {  	s21 =	sor.u32 $0x1B00, s21  }
0x39: {  	[spmem:s2] =	stream.indirect.scatter.add.f32 [tilespmem:s21], [sflag:$0x2], $0x40, s20, s18, $0xb8;
	[tilespmem:$0xFB00] =	vst v63  }
0x3a: {  	_ =	swait.ge [sflag:s16], $0x2000  }
0x3b: {  	s21 =	simm.s32 $0x1;
	[sflag:s16] =	ssyncset.done $0x0  }
.LBB2_4:
0x3c: {  	p0 =	sne.s32 s21, $0x19;
	[sflag:s16] =	ssyncadd.s32 $0xFFFFE000;
	s20 =	sadd.s32 $0x100, s20  }
0x3d: {  	s22 =	smov.u32 s21;
	s21 =	sadd.s32 $0x1, s21;
	_ =	swait.ge [sflag:s17], $0x2000  }
0x3e: {  	s22 =	sshll.u32 s22, $0xD  }
0x3f: {  	s22 =	sand.u32 $0x2000, s22;
	[sflag:s17] =	ssyncset.done $0x0  }
0x40: {  	s24 =	sadd.s32 $0x80, s20;
	s23 =	sxor.u32 $0x3B00, s22;
	[sflag:s17] =	ssyncadd.s32 $0xFFFFE000  }
0x41: {  	[tilespmem:s23], [sflag:$0x1] =	stream.indirect.gather [hbm4b:s4+s18], $0x40, s24, s18, $0xb8;
	[tilespmem:$0xFB00] =	vst v63  }
.Ltmp1:
0x42: {  	_ = 	snop;
	(pc) =	sbr.rel @p0 .LBB2_4-.Ltmp1, $4  }
0x43: {  	s22 =	sor.u32 $0x1B00, s22  }
0x44: {  	[spmem:s2] =	stream.indirect.scatter.add.f32 [tilespmem:s22], [sflag:$0x2], $0x40, s20, s18, $0xb8;
	[tilespmem:$0xFB00] =	vst v63  }
0x45: {  	_ =	swait.ge [sflag:s16], $0x2000  }
0x46: {  	[sflag:s16] =	ssyncset.done $0x0  }
0x47: {  	[sflag:s16] =	ssyncadd.s32 $0xFFFFE000  }
0x48: {  	_ =	swait.ge [sflag:s17], $0x2000  }
0x49: {  	[sflag:s17] =	ssyncset.done $0x0  }
0x4a: {  	s20 =	simm.s32 $0x80;
	[sflag:s17] =	ssyncadd.s32 $0xFFFFE000  }
0x4b: {  	[spmem:s2] =	stream.indirect.scatter.add.f32 [tilespmem:s15], [sflag:$0x2], $0x40, s19, s20, $0xb8;
	[tilespmem:$0xFB00] =	vst v63  }
0x4c: {  	_ =	swait.ge [sflag:s16], $0x2000  }
0x4d: {  	[sflag:s16] =	ssyncset.done $0x0  }
0x4e: {  	s21 =	simm.s32 $0x0;
	[sflag:s16] =	ssyncadd.s32 $0xFFFFE000  }
0x4f: {  	[tilespmem:s21], [sflag:$0x2] =	stream.linear.gather [hbm4b:s11+s21], $0x1B00, $0x38;
	[tilespmem:$0xFB00] =	vst v63  }
0x50: {  	_ =	swait.ge [sflag:s16], $0x1B00  }
0x51: {  	[sflag:s16] =	ssyncset.done $0x0  }
0x52: {  	[sflag:s16] =	ssyncadd.s32 $0xFFFFE500  }
0x53: {  	[tilespmem:s15], [sflag:$0x1] =	stream.indirect.gather [hbm4b:s4+s20], $0x40, s21, s20, $0xb8;
	[tilespmem:$0xFB00] =	vst v63  }
0x54: {  	s31 =	simm.s32 $0x0;
	_ =	swait.ge [sflag:s17], $0x2000  }
0x55: {  	s21 =	sand.u32 $0x2000, s31;
	[sflag:s17] =	ssyncset.done $0x0  }
0x56: {  	s23 =	simm.s32 $0x100;
	s22 =	sxor.u32 $0x3B00, s21;
	[sflag:s17] =	ssyncadd.s32 $0xFFFFE000  }
0x57: {  	[tilespmem:s22], [sflag:$0x1] =	stream.indirect.gather [hbm4b:s4+s18], $0x40, s23, s18, $0xb8;
	[tilespmem:$0xFB00] =	vst v63  }
0x58: {  	s21 =	sor.u32 $0x1B00, s21  }
0x59: {  	[spmem:s2] =	stream.indirect.scatter.add.f32 [tilespmem:s21], [sflag:$0x2], $0x40, s20, s18, $0xb8;
	[tilespmem:$0xFB00] =	vst v63  }
0x5a: {  	_ =	swait.ge [sflag:s16], $0x2000  }
0x5b: {  	s21 =	simm.s32 $0x1;
	[sflag:s16] =	ssyncset.done $0x0  }
.LBB2_6:
0x5c: {  	p0 =	sne.s32 s21, $0x19;
	[sflag:s16] =	ssyncadd.s32 $0xFFFFE000;
	s20 =	sadd.s32 $0x100, s20  }
0x5d: {  	s22 =	smov.u32 s21;
	s21 =	sadd.s32 $0x1, s21;
	_ =	swait.ge [sflag:s17], $0x2000  }
0x5e: {  	s22 =	sshll.u32 s22, $0xD  }
0x5f: {  	s22 =	sand.u32 $0x2000, s22;
	[sflag:s17] =	ssyncset.done $0x0  }
0x60: {  	s24 =	sadd.s32 $0x80, s20;
	s23 =	sxor.u32 $0x3B00, s22;
	[sflag:s17] =	ssyncadd.s32 $0xFFFFE000  }
0x61: {  	[tilespmem:s23], [sflag:$0x1] =	stream.indirect.gather [hbm4b:s4+s18], $0x40, s24, s18, $0xb8;
	[tilespmem:$0xFB00] =	vst v63  }
.Ltmp2:
0x62: {  	_ = 	snop;
	(pc) =	sbr.rel @p0 .LBB2_6-.Ltmp2, $4  }
0x63: {  	s22 =	sor.u32 $0x1B00, s22  }
0x64: {  	[spmem:s2] =	stream.indirect.scatter.add.f32 [tilespmem:s22], [sflag:$0x2], $0x40, s20, s18, $0xb8;
	[tilespmem:$0xFB00] =	vst v63  }
0x65: {  	_ =	swait.ge [sflag:s16], $0x2000  }
0x66: {  	[sflag:s16] =	ssyncset.done $0x0  }
0x67: {  	[sflag:s16] =	ssyncadd.s32 $0xFFFFE000  }
0x68: {  	_ =	swait.ge [sflag:s17], $0x2000  }
0x69: {  	[sflag:s17] =	ssyncset.done $0x0  }
0x6a: {  	s20 =	simm.s32 $0x80;
	[sflag:s17] =	ssyncadd.s32 $0xFFFFE000  }
0x6b: {  	[spmem:s2] =	stream.indirect.scatter.add.f32 [tilespmem:s15], [sflag:$0x2], $0x40, s19, s20, $0xb8;
	[tilespmem:$0xFB00] =	vst v63  }
0x6c: {  	_ =	swait.ge [sflag:s16], $0x2000  }
0x6d: {  	[sflag:s16] =	ssyncset.done $0x0  }
0x6e: {  	s21 =	simm.s32 $0x0;
	[sflag:s16] =	ssyncadd.s32 $0xFFFFE000  }
0x6f: {  	[tilespmem:s21], [sflag:$0x2] =	stream.linear.gather [hbm4b:s12+s21], $0x1B00, $0x38;
	[tilespmem:$0xFB00] =	vst v63  }
0x70: {  	_ =	swait.ge [sflag:s16], $0x1B00  }
0x71: {  	[sflag:s16] =	ssyncset.done $0x0  }
0x72: {  	[sflag:s16] =	ssyncadd.s32 $0xFFFFE500  }
0x73: {  	[tilespmem:s15], [sflag:$0x1] =	stream.indirect.gather [hbm4b:s4+s20], $0x40, s21, s20, $0xb8;
	[tilespmem:$0xFB00] =	vst v63  }
0x74: {  	s31 =	simm.s32 $0x0;
	_ =	swait.ge [sflag:s17], $0x2000  }
0x75: {  	s21 =	sand.u32 $0x2000, s31;
	[sflag:s17] =	ssyncset.done $0x0  }
0x76: {  	s23 =	simm.s32 $0x100;
	s22 =	sxor.u32 $0x3B00, s21;
	[sflag:s17] =	ssyncadd.s32 $0xFFFFE000  }
0x77: {  	[tilespmem:s22], [sflag:$0x1] =	stream.indirect.gather [hbm4b:s4+s18], $0x40, s23, s18, $0xb8;
	[tilespmem:$0xFB00] =	vst v63  }
0x78: {  	s21 =	sor.u32 $0x1B00, s21  }
0x79: {  	[spmem:s2] =	stream.indirect.scatter.add.f32 [tilespmem:s21], [sflag:$0x2], $0x40, s20, s18, $0xb8;
	[tilespmem:$0xFB00] =	vst v63  }
0x7a: {  	_ =	swait.ge [sflag:s16], $0x2000  }
0x7b: {  	s21 =	simm.s32 $0x1;
	[sflag:s16] =	ssyncset.done $0x0  }
.LBB2_8:
0x7c: {  	p0 =	sne.s32 s21, $0x19;
	[sflag:s16] =	ssyncadd.s32 $0xFFFFE000;
	s20 =	sadd.s32 $0x100, s20  }
0x7d: {  	s22 =	smov.u32 s21;
	s21 =	sadd.s32 $0x1, s21;
	_ =	swait.ge [sflag:s17], $0x2000  }
0x7e: {  	s22 =	sshll.u32 s22, $0xD  }
0x7f: {  	s22 =	sand.u32 $0x2000, s22;
	[sflag:s17] =	ssyncset.done $0x0  }
0x80: {  	s24 =	sadd.s32 $0x80, s20;
	s23 =	sxor.u32 $0x3B00, s22;
	[sflag:s17] =	ssyncadd.s32 $0xFFFFE000  }
0x81: {  	[tilespmem:s23], [sflag:$0x1] =	stream.indirect.gather [hbm4b:s4+s18], $0x40, s24, s18, $0xb8;
	[tilespmem:$0xFB00] =	vst v63  }
.Ltmp3:
0x82: {  	_ = 	snop;
	(pc) =	sbr.rel @p0 .LBB2_8-.Ltmp3, $4  }
0x83: {  	s22 =	sor.u32 $0x1B00, s22  }
0x84: {  	[spmem:s2] =	stream.indirect.scatter.add.f32 [tilespmem:s22], [sflag:$0x2], $0x40, s20, s18, $0xb8;
	[tilespmem:$0xFB00] =	vst v63  }
0x85: {  	_ =	swait.ge [sflag:s16], $0x2000  }
0x86: {  	[sflag:s16] =	ssyncset.done $0x0  }
0x87: {  	[sflag:s16] =	ssyncadd.s32 $0xFFFFE000  }
0x88: {  	_ =	swait.ge [sflag:s17], $0x2000  }
0x89: {  	[sflag:s17] =	ssyncset.done $0x0  }
0x8a: {  	[sflag:s17] =	ssyncadd.s32 $0xFFFFE000  }
0x8b: {  	[spmem:s2] =	stream.indirect.scatter.add.f32 [tilespmem:s15], [sflag:$0x2], $0x40, s19, s18, $0xb8;
	[tilespmem:$0xFB00] =	vst v63  }
0x8c: {  	_ =	swait.ge [sflag:s16], $0x2000  }
0x8d: {  	s20 =	sshll.u32 s0, $0x6;
	s3 =	sadd.s32 $0x1, s3;
	[sflag:s16] =	ssyncset.done $0x0  }
0x8e: {  	s21 =	sshrl.u32 s5, $0x3;
	p0 =	sne.s32 s3, s14;
	[sflag:s16] =	ssyncadd.s32 $0xFFFFE000  }
.Ltmp4:
0x8f: {  	s20 =	sor.u32 $0x1C02, s20;
	[bflag:$0x0] =	sbarrier.arrive $0xFFFF;
	(pc) =	sbr.rel @p0 .LBB2_1-.Ltmp4, $4  }
0x90: {  	[hbm:s13], [sflag:s20] =	dma.local [spmem:s21], $0x1400  }
0x91: {  	_ =	swait.ge [sflag:s16], $0x1400  }
0x92: {  	[sflag:s16] =	ssyncset.done $0x0  }
0x93: {  	[sflag:s16] =	ssyncadd.s32 $0xFFFFEC00  }
0x94: {  	_ =	sfence.sel $0x180000  }
0x95: {  	[bflag:$0x0] =	sbarrier.arrive $0xFFFF  }
0x96: {  	p0 =	sne.s32 s0, $0x0;
	_ =	strace $0x9000004A  }
0x97: {  	s0 =	sadd.s32 @!p0 $0x100000, s1;
	[bflag:$0x2] =	sbarrier.arrive $0xFFFF  }
0x98: {  	[sflag:s0] =	ssyncadd.tile.s32 @!p0 $0x1;
	_ =	shalt  }
.Lfunc_end2:
_tile_overlayer_lowered:
.L_overlay_start_2:
0x99: {  	(tag) =	ssettag $0x2  }
0x9a: {  	s0 =	rddreg [dreg:$0x0];
	s2 =	stileid.u32  }
0x9b: {  	s1 =	rddreg [dreg:$0x1];
	p0 =	sne.s32 s2, $0x0  }
0x9c: {  	s3 =	rddreg [dreg:$0x2];
	[bflag:$0x3] =	sbarrier.arrive $0xFFFF;
	s2 =	simm.s32 @!p0 $0x1C02  }
0x9d: {  	[timem:s3], [sflag:s2] =	dma.local @!p0 [hbm:s0], s1  }
0x9e: {  	s0 =	simm.s32 @!p0 $0x2  }
0x9f: {  	_ =	swait.ge @!p0 [sflag:s0], s1  }
0xa0: {  	s1 =	ssub.s32 @!p0 $0x0, s1;
	[sflag:s0] =	ssyncset.done @!p0 $0x0  }
0xa1: {  	[sflag:s0] =	ssyncadd.s32 @!p0 s1  }
0xa2: {  	[bflag:$0x3] =	sbarrier.arrive $0xFFFF  }
0xa3: {  	_ =	shalt  }

// kernel: kernel.16.cloned.1.call-start
scs
__scs_entry_jumppad:
0x0: {  	(pc) =	sbr.rel $0x88, $3  }
0x1: {  	(tag) =	ssettag $0x0;
	lr =	simm.s32 $0x1  }
0x2: {  	[smem:$0x3F94] =	sst lr;
	_ =	strace $0xD0000000  }
0x3: {  	_ = 	snop  }
0x4: {  	_ = 	snop  }
0x5: {  	_ = 	snop  }
0x6: {  	_ = 	snop  }
0x7: {  	_ = 	snop  }
__scs_overlays_trampoline_lowered:
0x8: {  	[smem:$0x3FA3] =	sst s0  }
0x9: {  	[smem:$0x3FA4] =	sst s1  }
0xa: {  	[smem:$0x3FA5] =	sst s2  }
0xb: {  	[smem:$0x3FA6] =	sst s3  }
0xc: {  	[smem:$0x3FA7] =	sst s4  }
0xd: {  	[smem:$0x3FA8] =	sst s5  }
0xe: {  	[smem:$0x3FA9] =	sst s6  }
0xf: {  	[smem:$0x3FAA] =	sst s7  }
0x10: {  	[smem:$0x3FAB] =	sst s8  }
0x11: {  	[smem:$0x3FAC] =	sst s9;
	s0 =	simm.s32 @!p0 $0x0  }
0x12: {  	s1 =	sld [smem:$0x3F92];
	s0 =	simm.s32 @p0 $0x1  }
0x13: {  	[smem:$0x3FAD] =	sst s0;
	s0 =	simm.s32 @!p1 $0x0  }
0x14: {  	s2 =	sld [smem:$0x3F91];
	s0 =	simm.s32 @p1 $0x1  }
0x15: {  	[smem:$0x3FAE] =	sst s0;
	s0 =	simm.s32 @!p2 $0x0  }
0x16: {  	s3 =	sld [smem:$0x3FDB];
	s0 =	simm.s32 @p2 $0x1  }
0x17: {  	s4 =	simm.s32 $0x1BF5;
	[smem:$0x3FB0] =	sst s0  }
0x18: {  	s0 =	sld [smem:$0x3F93];
	_ =	swait.ge [sflag:s4], $0x0  }
0x19: {  	s7 =	sld [smem:$0x3F94]  }
0x1a: {  	s8 =	sadd.s32 $0xFFFFE003, lr  }
0x1b: {  	s9 =	sadd.s32 $0xFFFFFEF7, lr;
	s5 =	simm.s32 $0xFFFFFFFF;
	p2 =	slt.u32 s8, $0xFFFFF086  }
0x1c: {  	p1 =	slt.u32 s9, $0xF7A;
	s5 =	simm.s32 @!p2 $0x0  }
0x1d: {  	s5 =	simm.s32 @p1 $0x1;
	p0 =	seq.s32 s7, s2  }
0x1e: {  	s7 =	smul.u32 @!p0 $0xF7A, s2;
	p2 =	seq.s32 @!p0 s5, $0x0  }
0x1f: {  	s9 =	smul.u32 $0xF7A, s1;
	s8 =	simm.s32 @!p0 $0x1BF5;
	p2 =	por !p2, p0  }
0x20: {  	[sflag:s8] =	ssyncset.s32 @!p0 $0xFFFFF086;
	s6 =	sadd.s32 @!p0 s3, s7;
	s7 =	simm.s32 @!p0 $0x108  }
0x21: {  	s3 =	sadd.s32 s3, s9;
	s6 =	sadd.s32 @!p0 $0x88, s6;
	s7 =	simm.s32 @p2 $0x1082  }
0x22: {  	[simem:s7], [sflag:s8] =	dma.local @!p0 [hbm:s6], $0xF7A  }
0x23: {  	s9 =	sor.u32 $0xD0000000, s2;
	s6 =	simm.s32 $0x108;
	_ =	swait.ge @!p0 [sflag:s8], $0x0  }
0x24: {  	s3 =	sadd.s32 $0x88, s3;
	s6 =	simm.s32 @!p1 $0x1082;
	[sflag:s4] =	ssyncset.s32 $0xFFFFF086  }
0x25: {  	[simem:s6], [sflag:s4] =	dma.local [hbm:s3], $0xF7A  }
0x26: {  	[smem:$0x3F94] =	sst s1;
	(tag) =	ssettag s2;
	_ =	strace s9  }
0x27: {  	s1 =	sld [smem:$0x3FA4]  }
0x28: {  	s2 =	sld [smem:$0x3FA5]  }
0x29: {  	s4 =	sld [smem:$0x3FA7]  }
0x2a: {  	p0 =	seq.s32 s5, $0x0;
	s5 =	sld [smem:$0x3FA8]  }
0x2b: {  	s6 =	sld [smem:$0x3FA9]  }
0x2c: {  	s7 =	sld [smem:$0x3FAA]  }
0x2d: {  	s3 =	simm.s32 $0x108;
	s8 =	sld [smem:$0x3FAB]  }
0x2e: {  	s3 =	simm.s32 @!p0 $0x1082;
	s9 =	sld [smem:$0x3FAC]  }
0x2f: {  	lr =	sadd.s32 s0, s3;
	s0 =	sld [smem:$0x3FA3]  }
0x30: {  	s3 =	sld [smem:$0x3FA6]  }
0x31: {  	[smem:$0x3FAF] =	sst s10  }
0x32: {  	s10 =	sld [smem:$0x3FAD];
	_ =	sdelay $0x3  }
0x33: {  	p0 =	seq.s32 s10, $0x1;
	s10 =	sld [smem:$0x3FAF];
	_ =	sdelay $0x3  }
0x34: {  	[smem:$0x3FAF] =	sst s10  }
0x35: {  	s10 =	sld [smem:$0x3FAE];
	_ =	sdelay $0x3  }
0x36: {  	p1 =	seq.s32 s10, $0x1;
	s10 =	sld [smem:$0x3FAF];
	_ =	sdelay $0x3  }
0x37: {  	[smem:$0x3FAF] =	sst s10  }
0x38: {  	s10 =	sld [smem:$0x3FB0]  }
0x39: {  	_ = 	snop;
	(pc) =	sbr.ind lr, $3  }
0x3a: {  	_ = 	snop  }
0x3b: {  	_ = 	snop  }
0x3c: {  	p2 =	seq.s32 s10, $0x1;
	s10 =	sld [smem:$0x3FAF]  }
0x3d: {  	_ =	shalt  }
0x3e: {  	_ =	shalt  }
0x3f: {  	_ =	shalt  }
0x40: {  	_ =	shalt  }
0x41: {  	_ =	shalt  }
0x42: {  	_ =	shalt  }
0x43: {  	_ =	shalt  }
0x44: {  	_ =	shalt  }
0x45: {  	_ =	shalt  }
0x46: {  	_ =	shalt  }
0x47: {  	_ =	shalt  }
0x48: {  	_ =	shalt  }
0x49: {  	_ =	shalt  }
0x4a: {  	_ =	shalt  }
0x4b: {  	_ =	shalt  }
0x4c: {  	_ =	shalt  }
0x4d: {  	_ =	shalt  }
0x4e: {  	_ =	shalt  }
0x4f: {  	_ =	shalt  }
0x50: {  	_ =	shalt  }
0x51: {  	_ =	shalt  }
0x52: {  	_ =	shalt  }
0x53: {  	_ =	shalt  }
0x54: {  	_ =	shalt  }
0x55: {  	_ =	shalt  }
0x56: {  	_ =	shalt  }
0x57: {  	_ =	shalt  }
0x58: {  	_ =	shalt  }
0x59: {  	_ =	shalt  }
0x5a: {  	_ =	shalt  }
0x5b: {  	_ =	shalt  }
0x5c: {  	_ =	shalt  }
0x5d: {  	_ =	shalt  }
0x5e: {  	_ =	shalt  }
0x5f: {  	_ =	shalt  }
0x60: {  	_ =	shalt  }
0x61: {  	_ =	shalt  }
0x62: {  	_ =	shalt  }
0x63: {  	_ =	shalt  }
0x64: {  	_ =	shalt  }
0x65: {  	_ =	shalt  }
0x66: {  	_ =	shalt  }
0x67: {  	_ =	shalt  }
0x68: {  	_ =	shalt  }
0x69: {  	_ =	shalt  }
0x6a: {  	_ =	shalt  }
0x6b: {  	_ =	shalt  }
0x6c: {  	_ =	shalt  }
0x6d: {  	_ =	shalt  }
0x6e: {  	_ =	shalt  }
0x6f: {  	_ =	shalt  }
0x70: {  	_ =	shalt  }
0x71: {  	_ =	shalt  }
0x72: {  	_ =	shalt  }
0x73: {  	_ =	shalt  }
0x74: {  	_ =	shalt  }
0x75: {  	_ =	shalt  }
0x76: {  	_ =	shalt  }
0x77: {  	_ =	shalt  }
0x78: {  	_ =	shalt  }
0x79: {  	_ =	shalt  }
0x7a: {  	_ =	shalt  }
0x7b: {  	_ =	shalt  }
0x7c: {  	_ =	shalt  }
0x7d: {  	_ =	shalt  }
0x7e: {  	_ =	shalt  }
0x7f: {  	_ =	shalt  }
0x80: {  	_ =	shalt  }
0x81: {  	_ =	shalt  }
0x82: {  	_ =	shalt  }
0x83: {  	_ =	shalt  }
0x84: {  	_ =	shalt  }
0x85: {  	_ =	shalt  }
0x86: {  	_ =	shalt  }
0x87: {  	_ =	shalt  }
.Lfunc_end0:
.L_simem_size_0:
called_computation.2_lowered:
.L_overlay_start_0:
0x88: {  	s2 =	sld [smem:$0x3FD9]  }
0x89: {  	s3 =	sld [smem:$0x3FFE];
	_ =	sdelay $0x1  }
0x8a: {  	s1 =	srdreg.scid  }
0x8b: {  	s0 =	sand.u32 $0x1, s1  }
0x8c: {  	s16 =	sshll.u32 s0, $0xA;
	s2 =	sadd.s32 s3, s2  }
0x8d: {  	s2 =	sadd.s32 s2, s16  }
0x8e: {  	[smem:$0x3FBB] =	sst s2  }
0x8f: {  	_ = 	snop  }
0x90: {  	(tm) =	ssettm $0x1  }
0x91: {  	s17 =	sld [smem:$0x3FFB];
	_ =	sdelay $0x3  }
0x92: {  	_ =	strace s17  }
0x93: {  	s2 =	sld [smem:$0x3FFC];
	_ =	sdelay $0x3  }
0x94: {  	_ =	strace s2  }
0x95: {  	s2 =	sld [smem:$0x3FFD];
	_ =	sdelay $0x3  }
0x96: {  	_ =	strace s2  }
0x97: {  	_ =	strace $0x8FFFFFFF  }
0x98: {  	s18 =	sld [smem:$0x3FDB];
	_ =	sdelay $0x1  }
0x99: {  	s19 =	simm.s32 $_scs_section_size  }
0x9a: {  	s4 =	simm.s32 $_size__tile_overlayer_lowered;
	s5 =	simm.s32 $_tile_overlayer_lowered  }
0x9b: {  	s22 =	simm.s32 $0x1BFF;
	s21 =	sshll.u32 s5, $0x1;
	s2 =	sadd.s32 s19, s18  }
0x9c: {  	s6 =	simm.s32 $0x0;
	s20 =	sshll.u32 s4, $0x1;
	s4 =	sadd.s32 s21, s2  }
0x9d: {  	[timem:s6], [sflag:s22] =	dma.local [hbm:s4], s20  }
0x9e: {  	_ =	swait.ge [sflag:s22], s20  }
0x9f: {  	s3 =	ssub.s32 $0x0, s20;
	[sflag:s22] =	ssyncset.done $0x0  }
0xa0: {  	[sflag:s22] =	ssyncadd.s32 s3;
	_ =	sdelay $0x1  }
0xa1: {  	s23 =	simm.s32 $0x1B8B  }
0xa2: {  	_ =	swait.ge [sflag:s23], $0x1  }
0xa3: {  	[sflag:s23] =	ssyncset.done $0x0  }
0xa4: {  	s25 =	simm.s32 $0x1B8E;
	s24 =	sld [smem:$0x3FFE];
	[sflag:s23] =	ssyncadd.s32 $0xFFFFFFFF  }
0xa5: {  	s26 =	simm.s32 $execute0_lowered;
	[smem:$0x3FD2] =	sst s25  }
0xa6: {  	s4 =	sshll.u32 s26, $0x1;
	_ =	strace $0x8000004C;
	[dreg:$0x1] =	wrdreg $0xFFFFFFFF  }
0xa7: {  	s28 =	simm.s32 $_size_execute0_lowered;
	s2 =	sadd.s32 s2, s4;
	[dreg:$0x0] =	wrdreg $0x0  }
0xa8: {  	s4 =	sshll.u32 s28, $0x1;
	[dreg:$0x2] =	wrdreg s2  }
0xa9: {  	[dreg:$0x3] =	wrdreg s4  }
0xaa: {  	[dreg:$0x4] =	wrdreg $0xC0  }
0xab: {  	_ =	task [dreg:s6], $0x5FFFF  }
0xac: {  	[dreg:$0x1] =	wrdreg $0xFFFFFFFF  }
0xad: {  	[dreg:$0x0] =	wrdreg $0x60  }
0xae: {  	[dreg:$0x2] =	wrdreg s24  }
0xaf: {  	[dreg:$0x3] =	wrdreg $0x9B000  }
0xb0: {  	[dreg:$0x4] =	wrdreg $0x9  }
0xb1: {  	_ =	task.clear_ibuf [dreg:s6], $0x5FFFF;
	_ =	strace $0x9000004C  }
0xb2: {  	s29 =	simm.s32 $0x9;
	_ =	strace $0x8000004E  }
0xb3: {  	_ =	swait.ge [sflag:s29], $0x1  }
0xb4: {  	[sflag:s29] =	ssyncadd.s32 $0xFFFFFFFF  }
0xb5: {  	_ =	strace $0x9000004E  }
0xb6: {  	_ =	sfence  }
0xb7: {  	s30 =	sld [smem:$0x0];
	_ =	sdelay $0x2  }
0xb8: {  	s31 =	sshll.u32 s1, $0xD;
	s1 =	sshrl.u32 s1, $0x2  }
0xb9: {  	s3 =	sand.u32 $0x4000, s31;
	s1 =	sadd.s32 s1, s30  }
0xba: {  	s0 =	sor.u32 s3, s0;
	s1 =	sshll.u32 s1, $0x11  }
0xbb: {  	s0 =	sor.u32 s1, s0  }
0xbc: {  	s0 =	sadd.s32 $0x8F2B, s0  }
0xbd: {  	[sflag:s0] =	ssyncadd.remote.s32 $0x1  }
0xbe: {  	_ =	sfence.sel $0xFFFF  }
0xbf: {  	[dreg:$0x0] =	wrdreg $0xFFFFFFFF;
	(pc) =	sbr.abs _section_cstart, $3  }
0xc0: {  	[dreg:$0x1] =	wrdreg $0xFFFFFFFF  }
0xc1: {  	_ =	task.clear_ibuf [dreg:s6], $0x2FFFF;
	_ =	strace $0x9FFFFFFF  }
0xc2: {  	(tm) =	ssettm $0x7FFFFFFF  }
0xc3: {  	_ =	shalt  }
tec
execute0_lowered:
.L_overlay_start_1:
0x0: {  	(tag) =	ssettag $0x1  }
0x1: {  	s5 =	rddreg [dreg:$0x0];
	s1 =	srdreg.scid  }
0x2: {  	s0 =	stileid.u32;
	s2 =	rddreg [dreg:$0x1]  }
0x3: {  	s3 =	simm.s32 $0x0;
	s16 =	simm.s32 $0x2;
	s17 =	simm.s32 $0x1  }
0x4: {  	s18 =	simm.s32 $0x80;
	s6 =	sand.u32 $0x1, s1;
	s1 =	rddreg [dreg:$0x2]  }
0x5: {  	s19 =	simm.s32 $0x1A80;
	s7 =	smul.u32 $0x14000, s0;
	[smem:$0x7FF] =	sst s3  }
0x6: {  	s4 =	sadd.s32 $0x21A00, s5;
	s11 =	sadd.s32 $0xD600, s5;
	s8 =	smul.u32 $0x140000, s6  }
0x7: {  	s9 =	smul.u32 $0x50000, s0;
	s28 =	sshll.u32 s0, $0x1;
	s26 =	ssub.s32 $0x2, s6  }
0x8: {  	_ =	strace $0x8000004D;
	s10 =	sshrl.u32 s26, $0x1;
	s8 =	sadd.s32 s7, s8  }
0x9: {  	s29 =	sshrl.u32 s9, $0x2;
	s14 =	ssub.s32 s26, s10;
	s8 =	sshrl.u32 s8, $0x3  }
0xa: {  	s9 =	sadd.s32 s29, s2;
	s13 =	sadd.s32 s8, s5;
	s8 =	sor.u32 s6, s28  }
0xb: {  	s14 =	smax.u32 s14, $0x1;
	s5 =	sadd.s32 s7, s2;
	s30 =	smul.u32 $0x5100, s8  }
0xc: {  	s6 =	sadd.s32 $0x4000, s9;
	s7 =	sadd.s32 $0x8000, s9;
	s12 =	smul.u32 $0xA20, s8  }
0xd: {  	s8 =	sadd.s32 $0xC000, s9;
	s9 =	sadd.s32 $0x10000, s9;
	s15 =	sshrl.u32 s30, $0x3  }
0xe: {  	s13 =	sadd.s32 $0x48C00, s13;
	s10 =	sadd.s32 s11, s12;
	s31 =	sadd.s32 s11, s15  }
0xf: {  	v0 =	vimm.f32 $0.0e+00;
	s15 =	simm.s32 $0x1B00;
	s11 =	sadd.s32 $0x360, s31;
	s12 =	sadd.s32 $0x6C0, s31  }
.LBB2_1:
0x10: {  	s20 =	simm.s32 $0x0;
	s21 =	simm.s32 $0x200  }
.LBB2_2:
0x11: {  	p0 =	sne.s32 s21, $0xFE00;
	[tilespmem:s20+$0x1B70] =	vst v0  }
0x12: {  	[tilespmem:s20+$0x1B00] =	vst v0  }
0x13: {  	[tilespmem:s20+$0x1B10] =	vst v0  }
.Ltmp0:
0x14: {  	[tilespmem:s20+$0x1B20] =	vst v0;
	(pc) =	sbr.rel @p0 .LBB2_2-.Ltmp0, $4  }
0x15: {  	[tilespmem:s20+$0x1B30] =	vst v0  }
0x16: {  	[tilespmem:s20+$0x1B40] =	vst v0  }
0x17: {  	[tilespmem:s20+$0x1B50] =	vst v0  }
0x18: {  	[tilespmem:s20+$0x1B60] =	vst v0;
	s20 =	sshra.s32 s21, $0x2;
	s21 =	sadd.s32 $0x200, s21  }
0x19: {  	[tilespmem:s20+$0x1B70] =	vst v0  }
0x1a: {  	[tilespmem:s20+$0x1B00] =	vst v0  }
0x1b: {  	[tilespmem:s20+$0x1B10] =	vst v0  }
0x1c: {  	[tilespmem:s20+$0x1B20] =	vst v0  }
0x1d: {  	[tilespmem:s20+$0x1B30] =	vst v0  }
0x1e: {  	[tilespmem:s20+$0x1B40] =	vst v0  }
0x1f: {  	[tilespmem:s20+$0x1B50] =	vst v0  }
0x20: {  	[tilespmem:s20+$0x1B60] =	vst v0  }
0x21: {  	[spmem:s5] =	stream.linear.scatter [tilespmem:s15], [sflag:$0x2], $0x4000, $0x38;
	[tilespmem:$0x1DB00] =	vst v63  }
0x22: {  	_ =	swait.ge [sflag:s16], $0x4000  }
0x23: {  	[sflag:s16] =	ssyncset.done $0x0  }
0x24: {  	[sflag:s16] =	ssyncadd.s32 $0xFFFFC000  }
0x25: {  	[spmem:s6] =	stream.linear.scatter [tilespmem:s15], [sflag:$0x2], $0x4000, $0x38;
	[tilespmem:$0x1DB00] =	vst v63  }
0x26: {  	_ =	swait.ge [sflag:s16], $0x4000  }
0x27: {  	[sflag:s16] =	ssyncset.done $0x0  }
0x28: {  	[sflag:s16] =	ssyncadd.s32 $0xFFFFC000  }
0x29: {  	[spmem:s7] =	stream.linear.scatter [tilespmem:s15], [sflag:$0x2], $0x4000, $0x38;
	[tilespmem:$0x1DB00] =	vst v63  }
0x2a: {  	_ =	swait.ge [sflag:s16], $0x4000  }
0x2b: {  	[sflag:s16] =	ssyncset.done $0x0  }
0x2c: {  	[sflag:s16] =	ssyncadd.s32 $0xFFFFC000  }
0x2d: {  	[spmem:s8] =	stream.linear.scatter [tilespmem:s15], [sflag:$0x2], $0x4000, $0x38;
	[tilespmem:$0x1DB00] =	vst v63  }
0x2e: {  	_ =	swait.ge [sflag:s16], $0x4000  }
0x2f: {  	[sflag:s16] =	ssyncset.done $0x0  }
0x30: {  	[sflag:s16] =	ssyncadd.s32 $0xFFFFC000  }
0x31: {  	[spmem:s9] =	stream.linear.scatter [tilespmem:s15], [sflag:$0x2], $0x4000, $0x38;
	[tilespmem:$0x1DB00] =	vst v63  }
0x32: {  	_ =	swait.ge [sflag:s16], $0x4000  }
0x33: {  	[sflag:s16] =	ssyncset.done $0x0  }
0x34: {  	[sflag:s16] =	ssyncadd.s32 $0xFFFFC000  }
0x35: {  	s21 =	simm.s32 $0x0;
	[bflag:$0x0] =	sbarrier.arrive $0xFFFF  }
0x36: {  	[tilespmem:s21], [sflag:$0x2] =	stream.linear.gather [hbm4b:s10+s21], $0x1B00, $0x38;
	[tilespmem:$0x1DB00] =	vst v63  }
0x37: {  	_ =	swait.ge [sflag:s16], $0x1B00  }
0x38: {  	[sflag:s16] =	ssyncset.done $0x0  }
0x39: {  	s20 =	simm.s32 $0x80;
	[sflag:s16] =	ssyncadd.s32 $0xFFFFE500  }
0x3a: {  	[tilespmem:s15], [sflag:$0x1] =	stream.indirect.gather [hbm4b:s4+s20], $0x80, s21, s20, $0xb8;
	[tilespmem:$0x1DB00] =	vst v63  }
0x3b: {  	s31 =	simm.s32 $0x0;
	_ =	swait.ge [sflag:s17], $0x4000  }
0x3c: {  	s21 =	sand.u32 $0x4000, s31;
	[sflag:s17] =	ssyncset.done $0x0  }
0x3d: {  	s23 =	simm.s32 $0x100;
	s22 =	sxor.u32 $0x5B00, s21;
	[sflag:s17] =	ssyncadd.s32 $0xFFFFC000  }
0x3e: {  	[tilespmem:s22], [sflag:$0x1] =	stream.indirect.gather [hbm4b:s4+s18], $0x80, s23, s18, $0xb8;
	[tilespmem:$0x1DB00] =	vst v63  }
0x3f: {  	s21 =	sor.u32 $0x1B00, s21  }
0x40: {  	[spmem:s2] =	stream.indirect.scatter.add.f32 [tilespmem:s21], [sflag:$0x2], $0x80, s20, s18, $0xb8;
	[tilespmem:$0x1DB00] =	vst v63  }
0x41: {  	_ =	swait.ge [sflag:s16], $0x4000  }
0x42: {  	s21 =	simm.s32 $0x1;
	[sflag:s16] =	ssyncset.done $0x0  }
.LBB2_4:
0x43: {  	p0 =	sne.s32 s21, $0x19;
	[sflag:s16] =	ssyncadd.s32 $0xFFFFC000;
	s20 =	sadd.s32 $0x100, s20  }
0x44: {  	s22 =	smov.u32 s21;
	s21 =	sadd.s32 $0x1, s21;
	_ =	swait.ge [sflag:s17], $0x4000  }
0x45: {  	s22 =	sshll.u32 s22, $0xE  }
0x46: {  	s22 =	sand.u32 $0x4000, s22;
	[sflag:s17] =	ssyncset.done $0x0  }
0x47: {  	s24 =	sadd.s32 $0x80, s20;
	s23 =	sxor.u32 $0x5B00, s22;
	[sflag:s17] =	ssyncadd.s32 $0xFFFFC000  }
0x48: {  	[tilespmem:s23], [sflag:$0x1] =	stream.indirect.gather [hbm4b:s4+s18], $0x80, s24, s18, $0xb8;
	[tilespmem:$0x1DB00] =	vst v63  }
.Ltmp1:
0x49: {  	_ = 	snop;
	(pc) =	sbr.rel @p0 .LBB2_4-.Ltmp1, $4  }
0x4a: {  	s22 =	sor.u32 $0x1B00, s22  }
0x4b: {  	[spmem:s2] =	stream.indirect.scatter.add.f32 [tilespmem:s22], [sflag:$0x2], $0x80, s20, s18, $0xb8;
	[tilespmem:$0x1DB00] =	vst v63  }
0x4c: {  	_ =	swait.ge [sflag:s16], $0x4000  }
0x4d: {  	[sflag:s16] =	ssyncset.done $0x0  }
0x4e: {  	[sflag:s16] =	ssyncadd.s32 $0xFFFFC000  }
0x4f: {  	_ =	swait.ge [sflag:s17], $0x4000  }
0x50: {  	[sflag:s17] =	ssyncset.done $0x0  }
0x51: {  	s20 =	simm.s32 $0x80;
	[sflag:s17] =	ssyncadd.s32 $0xFFFFC000  }
0x52: {  	[spmem:s2] =	stream.indirect.scatter.add.f32 [tilespmem:s15], [sflag:$0x2], $0x80, s19, s20, $0xb8;
	[tilespmem:$0x1DB00] =	vst v63  }
0x53: {  	_ =	swait.ge [sflag:s16], $0x4000  }
0x54: {  	[sflag:s16] =	ssyncset.done $0x0  }
0x55: {  	s21 =	simm.s32 $0x0;
	[sflag:s16] =	ssyncadd.s32 $0xFFFFC000  }
0x56: {  	[tilespmem:s21], [sflag:$0x2] =	stream.linear.gather [hbm4b:s11+s21], $0x1B00, $0x38;
	[tilespmem:$0x1DB00] =	vst v63  }
0x57: {  	_ =	swait.ge [sflag:s16], $0x1B00  }
0x58: {  	[sflag:s16] =	ssyncset.done $0x0  }
0x59: {  	[sflag:s16] =	ssyncadd.s32 $0xFFFFE500  }
0x5a: {  	[tilespmem:s15], [sflag:$0x1] =	stream.indirect.gather [hbm4b:s4+s20], $0x80, s21, s20, $0xb8;
	[tilespmem:$0x1DB00] =	vst v63  }
0x5b: {  	s31 =	simm.s32 $0x0;
	_ =	swait.ge [sflag:s17], $0x4000  }
0x5c: {  	s21 =	sand.u32 $0x4000, s31;
	[sflag:s17] =	ssyncset.done $0x0  }
0x5d: {  	s23 =	simm.s32 $0x100;
	s22 =	sxor.u32 $0x5B00, s21;
	[sflag:s17] =	ssyncadd.s32 $0xFFFFC000  }
0x5e: {  	[tilespmem:s22], [sflag:$0x1] =	stream.indirect.gather [hbm4b:s4+s18], $0x80, s23, s18, $0xb8;
	[tilespmem:$0x1DB00] =	vst v63  }
0x5f: {  	s21 =	sor.u32 $0x1B00, s21  }
0x60: {  	[spmem:s2] =	stream.indirect.scatter.add.f32 [tilespmem:s21], [sflag:$0x2], $0x80, s20, s18, $0xb8;
	[tilespmem:$0x1DB00] =	vst v63  }
0x61: {  	_ =	swait.ge [sflag:s16], $0x4000  }
0x62: {  	s21 =	simm.s32 $0x1;
	[sflag:s16] =	ssyncset.done $0x0  }
.LBB2_6:
0x63: {  	p0 =	sne.s32 s21, $0x19;
	[sflag:s16] =	ssyncadd.s32 $0xFFFFC000;
	s20 =	sadd.s32 $0x100, s20  }
0x64: {  	s22 =	smov.u32 s21;
	s21 =	sadd.s32 $0x1, s21;
	_ =	swait.ge [sflag:s17], $0x4000  }
0x65: {  	s22 =	sshll.u32 s22, $0xE  }
0x66: {  	s22 =	sand.u32 $0x4000, s22;
	[sflag:s17] =	ssyncset.done $0x0  }
0x67: {  	s24 =	sadd.s32 $0x80, s20;
	s23 =	sxor.u32 $0x5B00, s22;
	[sflag:s17] =	ssyncadd.s32 $0xFFFFC000  }
0x68: {  	[tilespmem:s23], [sflag:$0x1] =	stream.indirect.gather [hbm4b:s4+s18], $0x80, s24, s18, $0xb8;
	[tilespmem:$0x1DB00] =	vst v63  }
.Ltmp2:
0x69: {  	_ = 	snop;
	(pc) =	sbr.rel @p0 .LBB2_6-.Ltmp2, $4  }
0x6a: {  	s22 =	sor.u32 $0x1B00, s22  }
0x6b: {  	[spmem:s2] =	stream.indirect.scatter.add.f32 [tilespmem:s22], [sflag:$0x2], $0x80, s20, s18, $0xb8;
	[tilespmem:$0x1DB00] =	vst v63  }
0x6c: {  	_ =	swait.ge [sflag:s16], $0x4000  }
0x6d: {  	[sflag:s16] =	ssyncset.done $0x0  }
0x6e: {  	[sflag:s16] =	ssyncadd.s32 $0xFFFFC000  }
0x6f: {  	_ =	swait.ge [sflag:s17], $0x4000  }
0x70: {  	[sflag:s17] =	ssyncset.done $0x0  }
0x71: {  	s20 =	simm.s32 $0x80;
	[sflag:s17] =	ssyncadd.s32 $0xFFFFC000  }
0x72: {  	[spmem:s2] =	stream.indirect.scatter.add.f32 [tilespmem:s15], [sflag:$0x2], $0x80, s19, s20, $0xb8;
	[tilespmem:$0x1DB00] =	vst v63  }
0x73: {  	_ =	swait.ge [sflag:s16], $0x4000  }
0x74: {  	[sflag:s16] =	ssyncset.done $0x0  }
0x75: {  	s21 =	simm.s32 $0x0;
	[sflag:s16] =	ssyncadd.s32 $0xFFFFC000  }
0x76: {  	[tilespmem:s21], [sflag:$0x2] =	stream.linear.gather [hbm4b:s12+s21], $0x1B00, $0x38;
	[tilespmem:$0x1DB00] =	vst v63  }
0x77: {  	_ =	swait.ge [sflag:s16], $0x1B00  }
0x78: {  	[sflag:s16] =	ssyncset.done $0x0  }
0x79: {  	[sflag:s16] =	ssyncadd.s32 $0xFFFFE500  }
0x7a: {  	[tilespmem:s15], [sflag:$0x1] =	stream.indirect.gather [hbm4b:s4+s20], $0x80, s21, s20, $0xb8;
	[tilespmem:$0x1DB00] =	vst v63  }
0x7b: {  	s31 =	simm.s32 $0x0;
	_ =	swait.ge [sflag:s17], $0x4000  }
0x7c: {  	s21 =	sand.u32 $0x4000, s31;
	[sflag:s17] =	ssyncset.done $0x0  }
0x7d: {  	s23 =	simm.s32 $0x100;
	s22 =	sxor.u32 $0x5B00, s21;
	[sflag:s17] =	ssyncadd.s32 $0xFFFFC000  }
0x7e: {  	[tilespmem:s22], [sflag:$0x1] =	stream.indirect.gather [hbm4b:s4+s18], $0x80, s23, s18, $0xb8;
	[tilespmem:$0x1DB00] =	vst v63  }
0x7f: {  	s21 =	sor.u32 $0x1B00, s21  }
0x80: {  	[spmem:s2] =	stream.indirect.scatter.add.f32 [tilespmem:s21], [sflag:$0x2], $0x80, s20, s18, $0xb8;
	[tilespmem:$0x1DB00] =	vst v63  }
0x81: {  	_ =	swait.ge [sflag:s16], $0x4000  }
0x82: {  	s21 =	simm.s32 $0x1;
	[sflag:s16] =	ssyncset.done $0x0  }
.LBB2_8:
0x83: {  	p0 =	sne.s32 s21, $0x19;
	[sflag:s16] =	ssyncadd.s32 $0xFFFFC000;
	s20 =	sadd.s32 $0x100, s20  }
0x84: {  	s22 =	smov.u32 s21;
	s21 =	sadd.s32 $0x1, s21;
	_ =	swait.ge [sflag:s17], $0x4000  }
0x85: {  	s22 =	sshll.u32 s22, $0xE  }
0x86: {  	s22 =	sand.u32 $0x4000, s22;
	[sflag:s17] =	ssyncset.done $0x0  }
0x87: {  	s24 =	sadd.s32 $0x80, s20;
	s23 =	sxor.u32 $0x5B00, s22;
	[sflag:s17] =	ssyncadd.s32 $0xFFFFC000  }
0x88: {  	[tilespmem:s23], [sflag:$0x1] =	stream.indirect.gather [hbm4b:s4+s18], $0x80, s24, s18, $0xb8;
	[tilespmem:$0x1DB00] =	vst v63  }
.Ltmp3:
0x89: {  	_ = 	snop;
	(pc) =	sbr.rel @p0 .LBB2_8-.Ltmp3, $4  }
0x8a: {  	s22 =	sor.u32 $0x1B00, s22  }
0x8b: {  	[spmem:s2] =	stream.indirect.scatter.add.f32 [tilespmem:s22], [sflag:$0x2], $0x80, s20, s18, $0xb8;
	[tilespmem:$0x1DB00] =	vst v63  }
0x8c: {  	_ =	swait.ge [sflag:s16], $0x4000  }
0x8d: {  	[sflag:s16] =	ssyncset.done $0x0  }
0x8e: {  	[sflag:s16] =	ssyncadd.s32 $0xFFFFC000  }
0x8f: {  	_ =	swait.ge [sflag:s17], $0x4000  }
0x90: {  	[sflag:s17] =	ssyncset.done $0x0  }
0x91: {  	[sflag:s17] =	ssyncadd.s32 $0xFFFFC000  }
0x92: {  	[spmem:s2] =	stream.indirect.scatter.add.f32 [tilespmem:s15], [sflag:$0x2], $0x80, s19, s18, $0xb8;
	[tilespmem:$0x1DB00] =	vst v63  }
0x93: {  	_ =	swait.ge [sflag:s16], $0x4000  }
0x94: {  	s20 =	sshll.u32 s0, $0x6;
	s3 =	sadd.s32 $0x1, s3;
	[sflag:s16] =	ssyncset.done $0x0  }
0x95: {  	s21 =	sshrl.u32 s5, $0x3;
	p0 =	sne.s32 s3, s14;
	[sflag:s16] =	ssyncadd.s32 $0xFFFFC000  }
.Ltmp4:
0x96: {  	s20 =	sor.u32 $0x1C02, s20;
	[bflag:$0x0] =	sbarrier.arrive $0xFFFF;
	(pc) =	sbr.rel @p0 .LBB2_1-.Ltmp4, $4  }
0x97: {  	[hbm:s13], [sflag:s20] =	dma.local [spmem:s21], $0x2800  }
0x98: {  	_ =	swait.ge [sflag:s16], $0x2800  }
0x99: {  	[sflag:s16] =	ssyncset.done $0x0  }
0x9a: {  	[sflag:s16] =	ssyncadd.s32 $0xFFFFD800  }
0x9b: {  	_ =	sfence.sel $0x180000  }
0x9c: {  	[bflag:$0x0] =	sbarrier.arrive $0xFFFF  }
0x9d: {  	p0 =	sne.s32 s0, $0x0;
	_ =	strace $0x9000004D  }
0x9e: {  	s0 =	sadd.s32 @!p0 $0x100000, s1;
	[bflag:$0x2] =	sbarrier.arrive $0xFFFF  }
0x9f: {  	[sflag:s0] =	ssyncadd.tile.s32 @!p0 $0x1;
	_ =	shalt  }
.Lfunc_end2:
_tile_overlayer_lowered:
.L_overlay_start_2:
0xa0: {  	(tag) =	ssettag $0x2  }
0xa1: {  	s0 =	rddreg [dreg:$0x0];
	s2 =	stileid.u32  }
0xa2: {  	s1 =	rddreg [dreg:$0x1];
	p0 =	sne.s32 s2, $0x0  }
0xa3: {  	s3 =	rddreg [dreg:$0x2];
	[bflag:$0x3] =	sbarrier.arrive $0xFFFF;
	s2 =	simm.s32 @!p0 $0x1C02  }
0xa4: {  	[timem:s3], [sflag:s2] =	dma.local @!p0 [hbm:s0], s1  }
0xa5: {  	s0 =	simm.s32 @!p0 $0x2  }
0xa6: {  	_ =	swait.ge @!p0 [sflag:s0], s1  }
0xa7: {  	s1 =	ssub.s32 @!p0 $0x0, s1;
	[sflag:s0] =	ssyncset.done @!p0 $0x0  }
0xa8: {  	[sflag:s0] =	ssyncadd.s32 @!p0 s1  }
0xa9: {  	[bflag:$0x3] =	sbarrier.arrive $0xFFFF  }
0xaa: {  	_ =	shalt  }

// kernel: kernel.19.cloned.1.call-start
scs
__scs_entry_jumppad:
0x0: {  	(pc) =	sbr.rel $0x88, $3  }
0x1: {  	(tag) =	ssettag $0x0;
	lr =	simm.s32 $0x1  }
0x2: {  	[smem:$0x3F94] =	sst lr;
	_ =	strace $0xD0000000  }
0x3: {  	_ = 	snop  }
0x4: {  	_ = 	snop  }
0x5: {  	_ = 	snop  }
0x6: {  	_ = 	snop  }
0x7: {  	_ = 	snop  }
__scs_overlays_trampoline_lowered:
0x8: {  	[smem:$0x3FA3] =	sst s0  }
0x9: {  	[smem:$0x3FA4] =	sst s1  }
0xa: {  	[smem:$0x3FA5] =	sst s2  }
0xb: {  	[smem:$0x3FA6] =	sst s3  }
0xc: {  	[smem:$0x3FA7] =	sst s4  }
0xd: {  	[smem:$0x3FA8] =	sst s5  }
0xe: {  	[smem:$0x3FA9] =	sst s6  }
0xf: {  	[smem:$0x3FAA] =	sst s7  }
0x10: {  	[smem:$0x3FAB] =	sst s8  }
0x11: {  	[smem:$0x3FAC] =	sst s9;
	s0 =	simm.s32 @!p0 $0x0  }
0x12: {  	s1 =	sld [smem:$0x3F92];
	s0 =	simm.s32 @p0 $0x1  }
0x13: {  	[smem:$0x3FAD] =	sst s0;
	s0 =	simm.s32 @!p1 $0x0  }
0x14: {  	s2 =	sld [smem:$0x3F91];
	s0 =	simm.s32 @p1 $0x1  }
0x15: {  	[smem:$0x3FAE] =	sst s0;
	s0 =	simm.s32 @!p2 $0x0  }
0x16: {  	s3 =	sld [smem:$0x3FDB];
	s0 =	simm.s32 @p2 $0x1  }
0x17: {  	s4 =	simm.s32 $0x1BF5;
	[smem:$0x3FB0] =	sst s0  }
0x18: {  	s0 =	sld [smem:$0x3F93];
	_ =	swait.ge [sflag:s4], $0x0  }
0x19: {  	s7 =	sld [smem:$0x3F94]  }
0x1a: {  	s8 =	sadd.s32 $0xFFFFE003, lr  }
0x1b: {  	s9 =	sadd.s32 $0xFFFFFEF7, lr;
	s5 =	simm.s32 $0xFFFFFFFF;
	p2 =	slt.u32 s8, $0xFFFFF086  }
0x1c: {  	p1 =	slt.u32 s9, $0xF7A;
	s5 =	simm.s32 @!p2 $0x0  }
0x1d: {  	s5 =	simm.s32 @p1 $0x1;
	p0 =	seq.s32 s7, s2  }
0x1e: {  	s7 =	smul.u32 @!p0 $0xF7A, s2;
	p2 =	seq.s32 @!p0 s5, $0x0  }
0x1f: {  	s9 =	smul.u32 $0xF7A, s1;
	s8 =	simm.s32 @!p0 $0x1BF5;
	p2 =	por !p2, p0  }
0x20: {  	[sflag:s8] =	ssyncset.s32 @!p0 $0xFFFFF086;
	s6 =	sadd.s32 @!p0 s3, s7;
	s7 =	simm.s32 @!p0 $0x108  }
0x21: {  	s3 =	sadd.s32 s3, s9;
	s6 =	sadd.s32 @!p0 $0x88, s6;
	s7 =	simm.s32 @p2 $0x1082  }
0x22: {  	[simem:s7], [sflag:s8] =	dma.local @!p0 [hbm:s6], $0xF7A  }
0x23: {  	s9 =	sor.u32 $0xD0000000, s2;
	s6 =	simm.s32 $0x108;
	_ =	swait.ge @!p0 [sflag:s8], $0x0  }
0x24: {  	s3 =	sadd.s32 $0x88, s3;
	s6 =	simm.s32 @!p1 $0x1082;
	[sflag:s4] =	ssyncset.s32 $0xFFFFF086  }
0x25: {  	[simem:s6], [sflag:s4] =	dma.local [hbm:s3], $0xF7A  }
0x26: {  	[smem:$0x3F94] =	sst s1;
	(tag) =	ssettag s2;
	_ =	strace s9  }
0x27: {  	s1 =	sld [smem:$0x3FA4]  }
0x28: {  	s2 =	sld [smem:$0x3FA5]  }
0x29: {  	s4 =	sld [smem:$0x3FA7]  }
0x2a: {  	p0 =	seq.s32 s5, $0x0;
	s5 =	sld [smem:$0x3FA8]  }
0x2b: {  	s6 =	sld [smem:$0x3FA9]  }
0x2c: {  	s7 =	sld [smem:$0x3FAA]  }
0x2d: {  	s3 =	simm.s32 $0x108;
	s8 =	sld [smem:$0x3FAB]  }
0x2e: {  	s3 =	simm.s32 @!p0 $0x1082;
	s9 =	sld [smem:$0x3FAC]  }
0x2f: {  	lr =	sadd.s32 s0, s3;
	s0 =	sld [smem:$0x3FA3]  }
0x30: {  	s3 =	sld [smem:$0x3FA6]  }
0x31: {  	[smem:$0x3FAF] =	sst s10  }
0x32: {  	s10 =	sld [smem:$0x3FAD];
	_ =	sdelay $0x3  }
0x33: {  	p0 =	seq.s32 s10, $0x1;
	s10 =	sld [smem:$0x3FAF];
	_ =	sdelay $0x3  }
0x34: {  	[smem:$0x3FAF] =	sst s10  }
0x35: {  	s10 =	sld [smem:$0x3FAE];
	_ =	sdelay $0x3  }
0x36: {  	p1 =	seq.s32 s10, $0x1;
	s10 =	sld [smem:$0x3FAF];
	_ =	sdelay $0x3  }
0x37: {  	[smem:$0x3FAF] =	sst s10  }
0x38: {  	s10 =	sld [smem:$0x3FB0]  }
0x39: {  	_ = 	snop;
	(pc) =	sbr.ind lr, $3  }
0x3a: {  	_ = 	snop  }
0x3b: {  	_ = 	snop  }
0x3c: {  	p2 =	seq.s32 s10, $0x1;
	s10 =	sld [smem:$0x3FAF]  }
0x3d: {  	_ =	shalt  }
0x3e: {  	_ =	shalt  }
0x3f: {  	_ =	shalt  }
0x40: {  	_ =	shalt  }
0x41: {  	_ =	shalt  }
0x42: {  	_ =	shalt  }
0x43: {  	_ =	shalt  }
0x44: {  	_ =	shalt  }
0x45: {  	_ =	shalt  }
0x46: {  	_ =	shalt  }
0x47: {  	_ =	shalt  }
0x48: {  	_ =	shalt  }
0x49: {  	_ =	shalt  }
0x4a: {  	_ =	shalt  }
0x4b: {  	_ =	shalt  }
0x4c: {  	_ =	shalt  }
0x4d: {  	_ =	shalt  }
0x4e: {  	_ =	shalt  }
0x4f: {  	_ =	shalt  }
0x50: {  	_ =	shalt  }
0x51: {  	_ =	shalt  }
0x52: {  	_ =	shalt  }
0x53: {  	_ =	shalt  }
0x54: {  	_ =	shalt  }
0x55: {  	_ =	shalt  }
0x56: {  	_ =	shalt  }
0x57: {  	_ =	shalt  }
0x58: {  	_ =	shalt  }
0x59: {  	_ =	shalt  }
0x5a: {  	_ =	shalt  }
0x5b: {  	_ =	shalt  }
0x5c: {  	_ =	shalt  }
0x5d: {  	_ =	shalt  }
0x5e: {  	_ =	shalt  }
0x5f: {  	_ =	shalt  }
0x60: {  	_ =	shalt  }
0x61: {  	_ =	shalt  }
0x62: {  	_ =	shalt  }
0x63: {  	_ =	shalt  }
0x64: {  	_ =	shalt  }
0x65: {  	_ =	shalt  }
0x66: {  	_ =	shalt  }
0x67: {  	_ =	shalt  }
0x68: {  	_ =	shalt  }
0x69: {  	_ =	shalt  }
0x6a: {  	_ =	shalt  }
0x6b: {  	_ =	shalt  }
0x6c: {  	_ =	shalt  }
0x6d: {  	_ =	shalt  }
0x6e: {  	_ =	shalt  }
0x6f: {  	_ =	shalt  }
0x70: {  	_ =	shalt  }
0x71: {  	_ =	shalt  }
0x72: {  	_ =	shalt  }
0x73: {  	_ =	shalt  }
0x74: {  	_ =	shalt  }
0x75: {  	_ =	shalt  }
0x76: {  	_ =	shalt  }
0x77: {  	_ =	shalt  }
0x78: {  	_ =	shalt  }
0x79: {  	_ =	shalt  }
0x7a: {  	_ =	shalt  }
0x7b: {  	_ =	shalt  }
0x7c: {  	_ =	shalt  }
0x7d: {  	_ =	shalt  }
0x7e: {  	_ =	shalt  }
0x7f: {  	_ =	shalt  }
0x80: {  	_ =	shalt  }
0x81: {  	_ =	shalt  }
0x82: {  	_ =	shalt  }
0x83: {  	_ =	shalt  }
0x84: {  	_ =	shalt  }
0x85: {  	_ =	shalt  }
0x86: {  	_ =	shalt  }
0x87: {  	_ =	shalt  }
.Lfunc_end0:
.L_simem_size_0:
called_computation.3_lowered:
.L_overlay_start_0:
0x88: {  	s2 =	sld [smem:$0x3FD9]  }
0x89: {  	s3 =	sld [smem:$0x3FFE];
	_ =	sdelay $0x1  }
0x8a: {  	s1 =	srdreg.scid  }
0x8b: {  	s0 =	sand.u32 $0x1, s1  }
0x8c: {  	s16 =	sshll.u32 s0, $0xA;
	s2 =	sadd.s32 s3, s2  }
0x8d: {  	s2 =	sadd.s32 s2, s16  }
0x8e: {  	[smem:$0x3FBB] =	sst s2  }
0x8f: {  	_ = 	snop  }
0x90: {  	(tm) =	ssettm $0x1  }
0x91: {  	s17 =	sld [smem:$0x3FFB];
	_ =	sdelay $0x3  }
0x92: {  	_ =	strace s17  }
0x93: {  	s2 =	sld [smem:$0x3FFC];
	_ =	sdelay $0x3  }
0x94: {  	_ =	strace s2  }
0x95: {  	s2 =	sld [smem:$0x3FFD];
	_ =	sdelay $0x3  }
0x96: {  	_ =	strace s2  }
0x97: {  	_ =	strace $0x8FFFFFFF  }
0x98: {  	s18 =	sld [smem:$0x3FDB];
	_ =	sdelay $0x1  }
0x99: {  	s19 =	simm.s32 $_scs_section_size  }
0x9a: {  	s4 =	simm.s32 $_size__tile_overlayer_lowered;
	s5 =	simm.s32 $_tile_overlayer_lowered  }
0x9b: {  	s22 =	simm.s32 $0x1BFF;
	s21 =	sshll.u32 s5, $0x1;
	s2 =	sadd.s32 s19, s18  }
0x9c: {  	s6 =	simm.s32 $0x0;
	s20 =	sshll.u32 s4, $0x1;
	s4 =	sadd.s32 s21, s2  }
0x9d: {  	[timem:s6], [sflag:s22] =	dma.local [hbm:s4], s20  }
0x9e: {  	_ =	swait.ge [sflag:s22], s20  }
0x9f: {  	s3 =	ssub.s32 $0x0, s20;
	[sflag:s22] =	ssyncset.done $0x0  }
0xa0: {  	[sflag:s22] =	ssyncadd.s32 s3;
	_ =	sdelay $0x1  }
0xa1: {  	s23 =	simm.s32 $0x1B8B  }
0xa2: {  	_ =	swait.ge [sflag:s23], $0x1  }
0xa3: {  	[sflag:s23] =	ssyncset.done $0x0  }
0xa4: {  	s25 =	simm.s32 $0x1B8E;
	s24 =	sld [smem:$0x3FFE];
	[sflag:s23] =	ssyncadd.s32 $0xFFFFFFFF  }
0xa5: {  	s26 =	simm.s32 $execute0_lowered;
	[smem:$0x3FD2] =	sst s25  }
0xa6: {  	s4 =	sshll.u32 s26, $0x1;
	_ =	strace $0x8000004F;
	[dreg:$0x1] =	wrdreg $0xFFFFFFFF  }
0xa7: {  	s28 =	simm.s32 $_size_execute0_lowered;
	s2 =	sadd.s32 s2, s4;
	[dreg:$0x0] =	wrdreg $0x0  }
0xa8: {  	s4 =	sshll.u32 s28, $0x1;
	[dreg:$0x2] =	wrdreg s2  }
0xa9: {  	[dreg:$0x3] =	wrdreg s4  }
0xaa: {  	[dreg:$0x4] =	wrdreg $0xC0  }
0xab: {  	_ =	task [dreg:s6], $0x5FFFF  }
0xac: {  	[dreg:$0x1] =	wrdreg $0xFFFFFFFF  }
0xad: {  	[dreg:$0x0] =	wrdreg $0x60  }
0xae: {  	[dreg:$0x2] =	wrdreg s24  }
0xaf: {  	[dreg:$0x3] =	wrdreg $0x9B000  }
0xb0: {  	[dreg:$0x4] =	wrdreg $0x9  }
0xb1: {  	_ =	task.clear_ibuf [dreg:s6], $0x5FFFF;
	_ =	strace $0x9000004F  }
0xb2: {  	s29 =	simm.s32 $0x9;
	_ =	strace $0x80000051  }
0xb3: {  	_ =	swait.ge [sflag:s29], $0x1  }
0xb4: {  	[sflag:s29] =	ssyncadd.s32 $0xFFFFFFFF  }
0xb5: {  	_ =	strace $0x90000051  }
0xb6: {  	_ =	sfence  }
0xb7: {  	s30 =	sld [smem:$0x0];
	_ =	sdelay $0x2  }
0xb8: {  	s31 =	sshll.u32 s1, $0xD;
	s1 =	sshrl.u32 s1, $0x2  }
0xb9: {  	s3 =	sand.u32 $0x4000, s31;
	s1 =	sadd.s32 s1, s30  }
0xba: {  	s0 =	sor.u32 s3, s0;
	s1 =	sshll.u32 s1, $0x11  }
0xbb: {  	s0 =	sor.u32 s1, s0  }
0xbc: {  	s0 =	sadd.s32 $0x8F2B, s0  }
0xbd: {  	[sflag:s0] =	ssyncadd.remote.s32 $0x1  }
0xbe: {  	_ =	sfence.sel $0xFFFF  }
0xbf: {  	[dreg:$0x0] =	wrdreg $0xFFFFFFFF;
	(pc) =	sbr.abs _section_cstart, $3  }
0xc0: {  	[dreg:$0x1] =	wrdreg $0xFFFFFFFF  }
0xc1: {  	_ =	task.clear_ibuf [dreg:s6], $0x2FFFF;
	_ =	strace $0x9FFFFFFF  }
0xc2: {  	(tm) =	ssettm $0x7FFFFFFF  }
0xc3: {  	_ =	shalt  }
tec
execute0_lowered:
.L_overlay_start_1:
0x0: {  	(tag) =	ssettag $0x1  }
0x1: {  	s5 =	rddreg [dreg:$0x0];
	s1 =	srdreg.scid  }
0x2: {  	s0 =	stileid.u32;
	s2 =	rddreg [dreg:$0x1]  }
0x3: {  	s3 =	simm.s32 $0x0;
	s16 =	simm.s32 $0x2;
	s17 =	simm.s32 $0x1  }
0x4: {  	s18 =	simm.s32 $0x80;
	s6 =	sand.u32 $0x1, s1;
	s1 =	rddreg [dreg:$0x2]  }
0x5: {  	s19 =	simm.s32 $0x1A80;
	s7 =	smul.u32 $0x14000, s0;
	[smem:$0x7FF] =	sst s3  }
0x6: {  	s4 =	sadd.s32 $0x21A00, s5;
	s11 =	sadd.s32 $0xD600, s5;
	s8 =	smul.u32 $0x140000, s6  }
0x7: {  	s9 =	smul.u32 $0x50000, s0;
	s28 =	sshll.u32 s0, $0x1;
	s26 =	ssub.s32 $0x2, s6  }
0x8: {  	_ =	strace $0x80000050;
	s10 =	sshrl.u32 s26, $0x1;
	s8 =	sadd.s32 s7, s8  }
0x9: {  	s29 =	sshrl.u32 s9, $0x2;
	s14 =	ssub.s32 s26, s10;
	s8 =	sshrl.u32 s8, $0x3  }
0xa: {  	s9 =	sadd.s32 s29, s2;
	s13 =	sadd.s32 s8, s5;
	s8 =	sor.u32 s6, s28  }
0xb: {  	s14 =	smax.u32 s14, $0x1;
	s5 =	sadd.s32 s7, s2;
	s30 =	smul.u32 $0x5100, s8  }
0xc: {  	s6 =	sadd.s32 $0x4000, s9;
	s7 =	sadd.s32 $0x8000, s9;
	s12 =	smul.u32 $0xA20, s8  }
0xd: {  	s8 =	sadd.s32 $0xC000, s9;
	s9 =	sadd.s32 $0x10000, s9;
	s15 =	sshrl.u32 s30, $0x3  }
0xe: {  	s13 =	sadd.s32 $0x48C00, s13;
	s10 =	sadd.s32 s11, s12;
	s31 =	sadd.s32 s11, s15  }
0xf: {  	v0 =	vimm.f32 $0.0e+00;
	s15 =	simm.s32 $0x1B00;
	s11 =	sadd.s32 $0x360, s31;
	s12 =	sadd.s32 $0x6C0, s31  }
.LBB2_1:
0x10: {  	s20 =	simm.s32 $0x0;
	s21 =	simm.s32 $0x200  }
.LBB2_2:
0x11: {  	p0 =	sne.s32 s21, $0xFE00;
	[tilespmem:s20+$0x1B70] =	vst v0  }
0x12: {  	[tilespmem:s20+$0x1B00] =	vst v0  }
0x13: {  	[tilespmem:s20+$0x1B10] =	vst v0  }
.Ltmp0:
0x14: {  	[tilespmem:s20+$0x1B20] =	vst v0;
	(pc) =	sbr.rel @p0 .LBB2_2-.Ltmp0, $4  }
0x15: {  	[tilespmem:s20+$0x1B30] =	vst v0  }
0x16: {  	[tilespmem:s20+$0x1B40] =	vst v0  }
0x17: {  	[tilespmem:s20+$0x1B50] =	vst v0  }
0x18: {  	[tilespmem:s20+$0x1B60] =	vst v0;
	s20 =	sshra.s32 s21, $0x2;
	s21 =	sadd.s32 $0x200, s21  }
0x19: {  	[tilespmem:s20+$0x1B70] =	vst v0  }
0x1a: {  	[tilespmem:s20+$0x1B00] =	vst v0  }
0x1b: {  	[tilespmem:s20+$0x1B10] =	vst v0  }
0x1c: {  	[tilespmem:s20+$0x1B20] =	vst v0  }
0x1d: {  	[tilespmem:s20+$0x1B30] =	vst v0  }
0x1e: {  	[tilespmem:s20+$0x1B40] =	vst v0  }
0x1f: {  	[tilespmem:s20+$0x1B50] =	vst v0  }
0x20: {  	[tilespmem:s20+$0x1B60] =	vst v0  }
0x21: {  	[spmem:s5] =	stream.linear.scatter [tilespmem:s15], [sflag:$0x2], $0x4000, $0x38;
	[tilespmem:$0x1DB00] =	vst v63  }
0x22: {  	_ =	swait.ge [sflag:s16], $0x4000  }
0x23: {  	[sflag:s16] =	ssyncset.done $0x0  }
0x24: {  	[sflag:s16] =	ssyncadd.s32 $0xFFFFC000  }
0x25: {  	[spmem:s6] =	stream.linear.scatter [tilespmem:s15], [sflag:$0x2], $0x4000, $0x38;
	[tilespmem:$0x1DB00] =	vst v63  }
0x26: {  	_ =	swait.ge [sflag:s16], $0x4000  }
0x27: {  	[sflag:s16] =	ssyncset.done $0x0  }
0x28: {  	[sflag:s16] =	ssyncadd.s32 $0xFFFFC000  }
0x29: {  	[spmem:s7] =	stream.linear.scatter [tilespmem:s15], [sflag:$0x2], $0x4000, $0x38;
	[tilespmem:$0x1DB00] =	vst v63  }
0x2a: {  	_ =	swait.ge [sflag:s16], $0x4000  }
0x2b: {  	[sflag:s16] =	ssyncset.done $0x0  }
0x2c: {  	[sflag:s16] =	ssyncadd.s32 $0xFFFFC000  }
0x2d: {  	[spmem:s8] =	stream.linear.scatter [tilespmem:s15], [sflag:$0x2], $0x4000, $0x38;
	[tilespmem:$0x1DB00] =	vst v63  }
0x2e: {  	_ =	swait.ge [sflag:s16], $0x4000  }
0x2f: {  	[sflag:s16] =	ssyncset.done $0x0  }
0x30: {  	[sflag:s16] =	ssyncadd.s32 $0xFFFFC000  }
0x31: {  	[spmem:s9] =	stream.linear.scatter [tilespmem:s15], [sflag:$0x2], $0x4000, $0x38;
	[tilespmem:$0x1DB00] =	vst v63  }
0x32: {  	_ =	swait.ge [sflag:s16], $0x4000  }
0x33: {  	[sflag:s16] =	ssyncset.done $0x0  }
0x34: {  	[sflag:s16] =	ssyncadd.s32 $0xFFFFC000  }
0x35: {  	s21 =	simm.s32 $0x0;
	[bflag:$0x0] =	sbarrier.arrive $0xFFFF  }
0x36: {  	[tilespmem:s21], [sflag:$0x2] =	stream.linear.gather [hbm4b:s10+s21], $0x1B00, $0x38;
	[tilespmem:$0x1DB00] =	vst v63  }
0x37: {  	_ =	swait.ge [sflag:s16], $0x1B00  }
0x38: {  	[sflag:s16] =	ssyncset.done $0x0  }
0x39: {  	s20 =	simm.s32 $0x80;
	[sflag:s16] =	ssyncadd.s32 $0xFFFFE500  }
0x3a: {  	[tilespmem:s15], [sflag:$0x1] =	stream.indirect.gather [hbm4b:s4+s20], $0x80, s21, s20, $0xb8;
	[tilespmem:$0x1DB00] =	vst v63  }
0x3b: {  	s31 =	simm.s32 $0x0;
	_ =	swait.ge [sflag:s17], $0x4000  }
0x3c: {  	s21 =	sand.u32 $0x4000, s31;
	[sflag:s17] =	ssyncset.done $0x0  }
0x3d: {  	s23 =	simm.s32 $0x100;
	s22 =	sxor.u32 $0x5B00, s21;
	[sflag:s17] =	ssyncadd.s32 $0xFFFFC000  }
0x3e: {  	[tilespmem:s22], [sflag:$0x1] =	stream.indirect.gather [hbm4b:s4+s18], $0x80, s23, s18, $0xb8;
	[tilespmem:$0x1DB00] =	vst v63  }
0x3f: {  	s21 =	sor.u32 $0x1B00, s21  }
0x40: {  	[spmem:s2] =	stream.indirect.scatter.add.f32 [tilespmem:s21], [sflag:$0x2], $0x80, s20, s18, $0xb8;
	[tilespmem:$0x1DB00] =	vst v63  }
0x41: {  	_ =	swait.ge [sflag:s16], $0x4000  }
0x42: {  	s21 =	simm.s32 $0x1;
	[sflag:s16] =	ssyncset.done $0x0  }
.LBB2_4:
0x43: {  	p0 =	sne.s32 s21, $0x19;
	[sflag:s16] =	ssyncadd.s32 $0xFFFFC000;
	s20 =	sadd.s32 $0x100, s20  }
0x44: {  	s22 =	smov.u32 s21;
	s21 =	sadd.s32 $0x1, s21;
	_ =	swait.ge [sflag:s17], $0x4000  }
0x45: {  	s22 =	sshll.u32 s22, $0xE  }
0x46: {  	s22 =	sand.u32 $0x4000, s22;
	[sflag:s17] =	ssyncset.done $0x0  }
0x47: {  	s24 =	sadd.s32 $0x80, s20;
	s23 =	sxor.u32 $0x5B00, s22;
	[sflag:s17] =	ssyncadd.s32 $0xFFFFC000  }
0x48: {  	[tilespmem:s23], [sflag:$0x1] =	stream.indirect.gather [hbm4b:s4+s18], $0x80, s24, s18, $0xb8;
	[tilespmem:$0x1DB00] =	vst v63  }
.Ltmp1:
0x49: {  	_ = 	snop;
	(pc) =	sbr.rel @p0 .LBB2_4-.Ltmp1, $4  }
0x4a: {  	s22 =	sor.u32 $0x1B00, s22  }
0x4b: {  	[spmem:s2] =	stream.indirect.scatter.add.f32 [tilespmem:s22], [sflag:$0x2], $0x80, s20, s18, $0xb8;
	[tilespmem:$0x1DB00] =	vst v63  }
0x4c: {  	_ =	swait.ge [sflag:s16], $0x4000  }
0x4d: {  	[sflag:s16] =	ssyncset.done $0x0  }
0x4e: {  	[sflag:s16] =	ssyncadd.s32 $0xFFFFC000  }
0x4f: {  	_ =	swait.ge [sflag:s17], $0x4000  }
0x50: {  	[sflag:s17] =	ssyncset.done $0x0  }
0x51: {  	s20 =	simm.s32 $0x80;
	[sflag:s17] =	ssyncadd.s32 $0xFFFFC000  }
0x52: {  	[spmem:s2] =	stream.indirect.scatter.add.f32 [tilespmem:s15], [sflag:$0x2], $0x80, s19, s20, $0xb8;
	[tilespmem:$0x1DB00] =	vst v63  }
0x53: {  	_ =	swait.ge [sflag:s16], $0x4000  }
0x54: {  	[sflag:s16] =	ssyncset.done $0x0  }
0x55: {  	s21 =	simm.s32 $0x0;
	[sflag:s16] =	ssyncadd.s32 $0xFFFFC000  }
0x56: {  	[tilespmem:s21], [sflag:$0x2] =	stream.linear.gather [hbm4b:s11+s21], $0x1B00, $0x38;
	[tilespmem:$0x1DB00] =	vst v63  }
0x57: {  	_ =	swait.ge [sflag:s16], $0x1B00  }
0x58: {  	[sflag:s16] =	ssyncset.done $0x0  }
0x59: {  	[sflag:s16] =	ssyncadd.s32 $0xFFFFE500  }
0x5a: {  	[tilespmem:s15], [sflag:$0x1] =	stream.indirect.gather [hbm4b:s4+s20], $0x80, s21, s20, $0xb8;
	[tilespmem:$0x1DB00] =	vst v63  }
0x5b: {  	s31 =	simm.s32 $0x0;
	_ =	swait.ge [sflag:s17], $0x4000  }
0x5c: {  	s21 =	sand.u32 $0x4000, s31;
	[sflag:s17] =	ssyncset.done $0x0  }
0x5d: {  	s23 =	simm.s32 $0x100;
	s22 =	sxor.u32 $0x5B00, s21;
	[sflag:s17] =	ssyncadd.s32 $0xFFFFC000  }
0x5e: {  	[tilespmem:s22], [sflag:$0x1] =	stream.indirect.gather [hbm4b:s4+s18], $0x80, s23, s18, $0xb8;
	[tilespmem:$0x1DB00] =	vst v63  }
0x5f: {  	s21 =	sor.u32 $0x1B00, s21  }
0x60: {  	[spmem:s2] =	stream.indirect.scatter.add.f32 [tilespmem:s21], [sflag:$0x2], $0x80, s20, s18, $0xb8;
	[tilespmem:$0x1DB00] =	vst v63  }
0x61: {  	_ =	swait.ge [sflag:s16], $0x4000  }
0x62: {  	s21 =	simm.s32 $0x1;
	[sflag:s16] =	ssyncset.done $0x0  }
.LBB2_6:
0x63: {  	p0 =	sne.s32 s21, $0x19;
	[sflag:s16] =	ssyncadd.s32 $0xFFFFC000;
	s20 =	sadd.s32 $0x100, s20  }
0x64: {  	s22 =	smov.u32 s21;
	s21 =	sadd.s32 $0x1, s21;
	_ =	swait.ge [sflag:s17], $0x4000  }
0x65: {  	s22 =	sshll.u32 s22, $0xE  }
0x66: {  	s22 =	sand.u32 $0x4000, s22;
	[sflag:s17] =	ssyncset.done $0x0  }
0x67: {  	s24 =	sadd.s32 $0x80, s20;
	s23 =	sxor.u32 $0x5B00, s22;
	[sflag:s17] =	ssyncadd.s32 $0xFFFFC000  }
0x68: {  	[tilespmem:s23], [sflag:$0x1] =	stream.indirect.gather [hbm4b:s4+s18], $0x80, s24, s18, $0xb8;
	[tilespmem:$0x1DB00] =	vst v63  }
.Ltmp2:
0x69: {  	_ = 	snop;
	(pc) =	sbr.rel @p0 .LBB2_6-.Ltmp2, $4  }
0x6a: {  	s22 =	sor.u32 $0x1B00, s22  }
0x6b: {  	[spmem:s2] =	stream.indirect.scatter.add.f32 [tilespmem:s22], [sflag:$0x2], $0x80, s20, s18, $0xb8;
	[tilespmem:$0x1DB00] =	vst v63  }
0x6c: {  	_ =	swait.ge [sflag:s16], $0x4000  }
0x6d: {  	[sflag:s16] =	ssyncset.done $0x0  }
0x6e: {  	[sflag:s16] =	ssyncadd.s32 $0xFFFFC000  }
0x6f: {  	_ =	swait.ge [sflag:s17], $0x4000  }
0x70: {  	[sflag:s17] =	ssyncset.done $0x0  }
0x71: {  	s20 =	simm.s32 $0x80;
	[sflag:s17] =	ssyncadd.s32 $0xFFFFC000  }
0x72: {  	[spmem:s2] =	stream.indirect.scatter.add.f32 [tilespmem:s15], [sflag:$0x2], $0x80, s19, s20, $0xb8;
	[tilespmem:$0x1DB00] =	vst v63  }
0x73: {  	_ =	swait.ge [sflag:s16], $0x4000  }
0x74: {  	[sflag:s16] =	ssyncset.done $0x0  }
0x75: {  	s21 =	simm.s32 $0x0;
	[sflag:s16] =	ssyncadd.s32 $0xFFFFC000  }
0x76: {  	[tilespmem:s21], [sflag:$0x2] =	stream.linear.gather [hbm4b:s12+s21], $0x1B00, $0x38;
	[tilespmem:$0x1DB00] =	vst v63  }
0x77: {  	_ =	swait.ge [sflag:s16], $0x1B00  }
0x78: {  	[sflag:s16] =	ssyncset.done $0x0  }
0x79: {  	[sflag:s16] =	ssyncadd.s32 $0xFFFFE500  }
0x7a: {  	[tilespmem:s15], [sflag:$0x1] =	stream.indirect.gather [hbm4b:s4+s20], $0x80, s21, s20, $0xb8;
	[tilespmem:$0x1DB00] =	vst v63  }
0x7b: {  	s31 =	simm.s32 $0x0;
	_ =	swait.ge [sflag:s17], $0x4000  }
0x7c: {  	s21 =	sand.u32 $0x4000, s31;
	[sflag:s17] =	ssyncset.done $0x0  }
0x7d: {  	s23 =	simm.s32 $0x100;
	s22 =	sxor.u32 $0x5B00, s21;
	[sflag:s17] =	ssyncadd.s32 $0xFFFFC000  }
0x7e: {  	[tilespmem:s22], [sflag:$0x1] =	stream.indirect.gather [hbm4b:s4+s18], $0x80, s23, s18, $0xb8;
	[tilespmem:$0x1DB00] =	vst v63  }
0x7f: {  	s21 =	sor.u32 $0x1B00, s21  }
0x80: {  	[spmem:s2] =	stream.indirect.scatter.add.f32 [tilespmem:s21], [sflag:$0x2], $0x80, s20, s18, $0xb8;
	[tilespmem:$0x1DB00] =	vst v63  }
0x81: {  	_ =	swait.ge [sflag:s16], $0x4000  }
0x82: {  	s21 =	simm.s32 $0x1;
	[sflag:s16] =	ssyncset.done $0x0  }
.LBB2_8:
0x83: {  	p0 =	sne.s32 s21, $0x19;
	[sflag:s16] =	ssyncadd.s32 $0xFFFFC000;
	s20 =	sadd.s32 $0x100, s20  }
0x84: {  	s22 =	smov.u32 s21;
	s21 =	sadd.s32 $0x1, s21;
	_ =	swait.ge [sflag:s17], $0x4000  }
0x85: {  	s22 =	sshll.u32 s22, $0xE  }
0x86: {  	s22 =	sand.u32 $0x4000, s22;
	[sflag:s17] =	ssyncset.done $0x0  }
0x87: {  	s24 =	sadd.s32 $0x80, s20;
	s23 =	sxor.u32 $0x5B00, s22;
	[sflag:s17] =	ssyncadd.s32 $0xFFFFC000  }
0x88: {  	[tilespmem:s23], [sflag:$0x1] =	stream.indirect.gather [hbm4b:s4+s18], $0x80, s24, s18, $0xb8;
	[tilespmem:$0x1DB00] =	vst v63  }
.Ltmp3:
0x89: {  	_ = 	snop;
	(pc) =	sbr.rel @p0 .LBB2_8-.Ltmp3, $4  }
0x8a: {  	s22 =	sor.u32 $0x1B00, s22  }
0x8b: {  	[spmem:s2] =	stream.indirect.scatter.add.f32 [tilespmem:s22], [sflag:$0x2], $0x80, s20, s18, $0xb8;
	[tilespmem:$0x1DB00] =	vst v63  }
0x8c: {  	_ =	swait.ge [sflag:s16], $0x4000  }
0x8d: {  	[sflag:s16] =	ssyncset.done $0x0  }
0x8e: {  	[sflag:s16] =	ssyncadd.s32 $0xFFFFC000  }
0x8f: {  	_ =	swait.ge [sflag:s17], $0x4000  }
0x90: {  	[sflag:s17] =	ssyncset.done $0x0  }
0x91: {  	[sflag:s17] =	ssyncadd.s32 $0xFFFFC000  }
0x92: {  	[spmem:s2] =	stream.indirect.scatter.add.f32 [tilespmem:s15], [sflag:$0x2], $0x80, s19, s18, $0xb8;
	[tilespmem:$0x1DB00] =	vst v63  }
0x93: {  	_ =	swait.ge [sflag:s16], $0x4000  }
0x94: {  	s20 =	sshll.u32 s0, $0x6;
	s3 =	sadd.s32 $0x1, s3;
	[sflag:s16] =	ssyncset.done $0x0  }
0x95: {  	s21 =	sshrl.u32 s5, $0x3;
	p0 =	sne.s32 s3, s14;
	[sflag:s16] =	ssyncadd.s32 $0xFFFFC000  }
.Ltmp4:
0x96: {  	s20 =	sor.u32 $0x1C02, s20;
	[bflag:$0x0] =	sbarrier.arrive $0xFFFF;
	(pc) =	sbr.rel @p0 .LBB2_1-.Ltmp4, $4  }
0x97: {  	[hbm:s13], [sflag:s20] =	dma.local [spmem:s21], $0x2800  }
0x98: {  	_ =	swait.ge [sflag:s16], $0x2800  }
0x99: {  	[sflag:s16] =	ssyncset.done $0x0  }
0x9a: {  	[sflag:s16] =	ssyncadd.s32 $0xFFFFD800  }
0x9b: {  	_ =	sfence.sel $0x180000  }
0x9c: {  	[bflag:$0x0] =	sbarrier.arrive $0xFFFF  }
0x9d: {  	p0 =	sne.s32 s0, $0x0;
	_ =	strace $0x90000050  }
0x9e: {  	s0 =	sadd.s32 @!p0 $0x100000, s1;
	[bflag:$0x2] =	sbarrier.arrive $0xFFFF  }
0x9f: {  	[sflag:s0] =	ssyncadd.tile.s32 @!p0 $0x1;
	_ =	shalt  }
.Lfunc_end2:
_tile_overlayer_lowered:
.L_overlay_start_2:
0xa0: {  	(tag) =	ssettag $0x2  }
0xa1: {  	s0 =	rddreg [dreg:$0x0];
	s2 =	stileid.u32  }
0xa2: {  	s1 =	rddreg [dreg:$0x1];
	p0 =	sne.s32 s2, $0x0  }
0xa3: {  	s3 =	rddreg [dreg:$0x2];
	[bflag:$0x3] =	sbarrier.arrive $0xFFFF;
	s2 =	simm.s32 @!p0 $0x1C02  }
0xa4: {  	[timem:s3], [sflag:s2] =	dma.local @!p0 [hbm:s0], s1  }
0xa5: {  	s0 =	simm.s32 @!p0 $0x2  }
0xa6: {  	_ =	swait.ge @!p0 [sflag:s0], s1  }
0xa7: {  	s1 =	ssub.s32 @!p0 $0x0, s1;
	[sflag:s0] =	ssyncset.done @!p0 $0x0  }
0xa8: {  	[sflag:s0] =	ssyncadd.s32 @!p0 s1  }
0xa9: {  	[bflag:$0x3] =	sbarrier.arrive $0xFFFF  }
0xaa: {  	_ =	shalt  }

</sc_bundles>
